<compile_context>
chip_gen: v7x
topology: tpu7x:2x2x1
jax: 0.10.2.dev20260603
libtpu: 0.0.44.dev20260713+nightly
codegen_flags: <defaults>
</compile_context>

<pallas_src>
import functools

import jax
import jax.numpy as jnp
from jax import lax
from jax.experimental import pallas as pl
from jax.experimental.pallas import tpu as pltpu
from jax.experimental.pallas import tpu_sc as plsc

NUM_CORES = 2
NUM_SUBCORES = 16
LANES = 16
NUM_WORKERS = NUM_CORES * NUM_SUBCORES
CHUNK = 128
UNROLL = 8


def _dot_head_kernel(d, span, n, table_hbm, src_idx_hbm, tgt_idx_hbm, out_hbm,
                     table_sh, sidx_v, tidx_v, src_v, tgt_v, part_v, out_v,
                     tsidx_v, ttidx_v, tsrc_v, ttgt_v, tout_v,
                     isem0, isem1, glo0, glo1, ghi0, ghi1, osem0, osem1):
    wid = lax.axis_index("s") * NUM_CORES + lax.axis_index("c")
    sid = lax.axis_index("s")
    base = wid * span
    rows_per_sub = n // NUM_SUBCORES
    n_full = span // CHUNK
    tail = span - n_full * CHUNK
    inv_d = 1.0 / d
    words = d // 2
    lane = lax.iota(jnp.int32, LANES)
    isem = (isem0, isem1)
    glo = (glo0, glo1)
    ghi = (ghi0, ghi1)
    osem = (osem0, osem1)
    H = CHUNK // 2

    def issue_idx(jv, p):
        off = base + jv * CHUNK
        pltpu.async_copy(src_idx_hbm.at[pl.ds(off, CHUNK)], sidx_v.at[p],
                         isem[p])
        pltpu.async_copy(tgt_idx_hbm.at[pl.ds(off, CHUNK)], tidx_v.at[p],
                         isem[p])

    def wait_idx(p):
        pltpu.make_async_copy(src_idx_hbm.at[pl.ds(base, CHUNK)],
                              sidx_v.at[p], isem[p]).wait()
        pltpu.make_async_copy(tgt_idx_hbm.at[pl.ds(base, CHUNK)],
                              tidx_v.at[p], isem[p]).wait()

    def issue_gathers(p, tbl=None):
        t = table_sh if tbl is None else tbl
        pltpu.async_copy(t.at[sidx_v.at[p, pl.ds(0, H)]],
                         src_v.at[p, pl.ds(0, H)], glo[p])
        pltpu.async_copy(t.at[tidx_v.at[p, pl.ds(0, H)]],
                         tgt_v.at[p, pl.ds(0, H)], glo[p])
        pltpu.async_copy(t.at[sidx_v.at[p, pl.ds(H, H)]],
                         src_v.at[p, pl.ds(H, H)], ghi[p])
        pltpu.async_copy(t.at[tidx_v.at[p, pl.ds(H, H)]],
                         tgt_v.at[p, pl.ds(H, H)], ghi[p])

    def wait_ghalf(p, sems):
        pltpu.make_async_copy(table_sh.at[sidx_v.at[p, pl.ds(0, H)]],
                              src_v.at[p, pl.ds(0, H)], sems[p]).wait()
        pltpu.make_async_copy(table_sh.at[tidx_v.at[p, pl.ds(0, H)]],
                              tgt_v.at[p, pl.ds(0, H)], sems[p]).wait()

    def wait_out(p):
        pltpu.make_async_copy(out_v.at[p], out_hbm.at[pl.ds(base, CHUNK)],
                              osem[p]).wait()

    def dot_rows(size, src_b, tgt_b, out_b):
        @plsc.parallel_loop(0, size, unroll=UNROLL)
        def _edge(e):
            acc = None
            for k in range(words // LANES):
                s_bf = plsc.bitcast(src_b[e, pl.ds(k * LANES, LANES)],
                                    jnp.bfloat16)
                t_bf = plsc.bitcast(tgt_b[e, pl.ds(k * LANES, LANES)],
                                    jnp.bfloat16)
                lo, hi = plsc.unpack(s_bf * t_bf,
                                     format=plsc.PackFormat.INTERLEAVED)
                acc = lo + hi if acc is None else acc + lo + hi
            part_v[e, :] = acc

        for g in range(size // LANES):
            row = g * LANES + lane
            tot = plsc.load_gather(part_v, [row, jnp.zeros_like(lane)])
            for c in range(1, LANES):
                tot += plsc.load_gather(part_v, [row, jnp.full_like(lane, c)])
            out_b[pl.ds(g * LANES, LANES)] = tot * inv_d

    def compute(jv, p):
        dot_rows(H, src_v.at[p, pl.ds(0, H)], tgt_v.at[p, pl.ds(0, H)],
                 out_v.at[p, pl.ds(0, H)])
        wait_ghalf(p, ghi)
        dot_rows(H, src_v.at[p, pl.ds(H, H)], tgt_v.at[p, pl.ds(H, H)],
                 out_v.at[p, pl.ds(H, H)])
        off = base + jv * CHUNK
        pltpu.async_copy(out_v.at[p], out_hbm.at[pl.ds(off, CHUNK)], osem[p])

    def stage(jv, p):
        @pl.when(jv + 1 < n_full)
        def _():
            wait_idx(1 - p)
            issue_gathers(1 - p)

        wait_ghalf(p, glo)

        @pl.when(jv + 2 < n_full)
        def _():
            issue_idx(jv + 2, p)

        @pl.when(jv >= 2)
        def _():
            wait_out(p)

        compute(jv, p)

    issue_idx(0, 0)
    wait_idx(0)
    issue_gathers(0, tbl=table_hbm)
    issue_idx(1, 1)
    pltpu.sync_copy(table_hbm.at[pl.ds(sid * rows_per_sub, rows_per_sub)],
                    table_sh.at[pl.ds(sid * rows_per_sub, rows_per_sub)])
    plsc.subcore_barrier()

    @pl.loop(0, n_full, step=2)
    def _pair(j):
        stage(j, 0)
        stage(j + 1, 1)

    wait_out(0)
    wait_out(1)

    if tail:
        off = base + n_full * CHUNK
        pltpu.sync_copy(src_idx_hbm.at[pl.ds(off, tail)], tsidx_v)
        pltpu.sync_copy(tgt_idx_hbm.at[pl.ds(off, tail)], ttidx_v)
        c0 = pltpu.async_copy(table_sh.at[tsidx_v], tsrc_v, glo0)
        c1 = pltpu.async_copy(table_sh.at[ttidx_v], ttgt_v, glo1)
        c0.wait()
        c1.wait()
        dot_rows(tail, tsrc_v, ttgt_v, tout_v)
        pltpu.sync_copy(tout_v, out_hbm.at[pl.ds(off, tail)])


def kernel(node_embeddings, edge_index):
    n, d = node_embeddings.shape
    b = edge_index.shape[1]
    assert d % (2 * LANES) == 0
    assert b % NUM_WORKERS == 0
    assert n % NUM_SUBCORES == 0
    span = b // NUM_WORKERS
    n_full = span // CHUNK
    tail = span - n_full * CHUNK
    assert n_full % 2 == 0 and n_full >= 4
    assert tail % LANES == 0 and tail % 8 == 0

    table_bf = node_embeddings.astype(jnp.bfloat16)
    table_pk = lax.bitcast_convert_type(
        table_bf.reshape(n, d // 2, 2), jnp.int32)
    edge_index = edge_index.astype(jnp.int32)
    src_idx = edge_index[0]
    tgt_idx = edge_index[1]

    mesh = plsc.VectorSubcoreMesh(core_axis_name="c", subcore_axis_name="s")
    run = pl.kernel(
        functools.partial(_dot_head_kernel, d, span, n),
        out_type=jax.ShapeDtypeStruct((b,), jnp.float32),
        mesh=mesh,
        compiler_params=pltpu.CompilerParams(
            needs_layout_passes=False, use_tc_tiling_on_sc=False),
        scratch_types=[
            pltpu.VMEM_SHARED((n, d // 2), jnp.int32),
            pltpu.VMEM((2, CHUNK), jnp.int32),
            pltpu.VMEM((2, CHUNK), jnp.int32),
            pltpu.VMEM((2, CHUNK, d // 2), jnp.int32),
            pltpu.VMEM((2, CHUNK, d // 2), jnp.int32),
            pltpu.VMEM((CHUNK, LANES), jnp.float32),
            pltpu.VMEM((2, CHUNK), jnp.float32),
            pltpu.VMEM((max(tail, 8),), jnp.int32),
            pltpu.VMEM((max(tail, 8),), jnp.int32),
            pltpu.VMEM((max(tail, 8), d // 2), jnp.int32),
            pltpu.VMEM((max(tail, 8), d // 2), jnp.int32),
            pltpu.VMEM((max(tail, 8),), jnp.float32),
            pltpu.SemaphoreType.DMA,
            pltpu.SemaphoreType.DMA,
            pltpu.SemaphoreType.DMA,
            pltpu.SemaphoreType.DMA,
            pltpu.SemaphoreType.DMA,
            pltpu.SemaphoreType.DMA,
            pltpu.SemaphoreType.DMA,
            pltpu.SemaphoreType.DMA,
        ],
    )
    return run(table_pk, src_idx, tgt_idx)

# --- scband reference (transcript-rebuilt; emitter-appended) ---
"""Pipeline reference for scband-dot-product-head-10539849744621 (READ-ONLY COPY).

The authoritative reference and input builder live on the scoring server;
editing this copy changes nothing except your own understanding.
"""

import jax, jax.numpy as jnp
import numpy as np


def setup_inputs(seed: int = 0) -> dict:
    key = jax.random.key(seed)
    k1, k2 = jax.random.split(key)
    node_embeddings = jax.random.normal(k1, (10000, 128), dtype=jnp.float32)
    edge_index = jax.random.randint(k2, (2, 320000), 0, 10000, dtype=jnp.int64)
    return {"node_embeddings": node_embeddings, "edge_index": edge_index}


def reference(node_embeddings, edge_index):
    # Gather source and target node embeddings (SparseCore-friendly gathers)
    src_embeddings = jnp.take(node_embeddings, edge_index[0], axis=0)
    tgt_embeddings = jnp.take(node_embeddings, edge_index[1], axis=0)
    # Dot-product score normalized by embedding dim (mean over feature axis)
    edge_scores = (src_embeddings * tgt_embeddings).mean(axis=1)
    return edge_scores

if __name__ == "__main__":
    import jax
    _d = setup_inputs()
    print(jax.jit(kernel)(*tuple(_d.values())))

</pallas_src>

<mosaic_0001>
#map = affine_map<(d0, d1) -> (0, 0)>
#map1 = affine_map<(d0, d1) -> (0)>
module attributes {stable_mosaic.version = 14 : i64} {
  func.func @_dot_head_kernel(%arg0: i32, %arg1: i32, %arg2: memref<10000x64xi32, #tpu.memory_space<hbm>>, %arg3: memref<320000xi32, #tpu.memory_space<hbm>>, %arg4: memref<320000xi32, #tpu.memory_space<hbm>>, %arg5: memref<320000xf32, #tpu.memory_space<hbm>>, %arg6: memref<10000x64xi32, #tpu.memory_space<vmem_shared>>, %arg7: memref<2x128xi32, #tpu.memory_space<vmem>>, %arg8: memref<2x128xi32, #tpu.memory_space<vmem>>, %arg9: memref<2x128x64xi32, #tpu.memory_space<vmem>>, %arg10: memref<2x128x64xi32, #tpu.memory_space<vmem>>, %arg11: memref<128x16xf32, #tpu.memory_space<vmem>>, %arg12: memref<2x128xf32, #tpu.memory_space<vmem>>, %arg13: memref<16xi32, #tpu.memory_space<vmem>>, %arg14: memref<16xi32, #tpu.memory_space<vmem>>, %arg15: memref<16x64xi32, #tpu.memory_space<vmem>>, %arg16: memref<16x64xi32, #tpu.memory_space<vmem>>, %arg17: memref<16xf32, #tpu.memory_space<vmem>>, %arg18: memref<!tpu.dma_semaphore, #tpu.memory_space<semaphore_mem>>, %arg19: memref<!tpu.dma_semaphore, #tpu.memory_space<semaphore_mem>>, %arg20: memref<!tpu.dma_semaphore, #tpu.memory_space<semaphore_mem>>, %arg21: memref<!tpu.dma_semaphore, #tpu.memory_space<semaphore_mem>>, %arg22: memref<!tpu.dma_semaphore, #tpu.memory_space<semaphore_mem>>, %arg23: memref<!tpu.dma_semaphore, #tpu.memory_space<semaphore_mem>>, %arg24: memref<!tpu.dma_semaphore, #tpu.memory_space<semaphore_mem>>, %arg25: memref<!tpu.dma_semaphore, #tpu.memory_space<semaphore_mem>>) attributes {dimension_semantics = [#tpu.dimension_semantics<core_parallel>, #tpu.dimension_semantics<subcore_parallel>], iteration_bounds = array<i64: 2, 16>, scalar_prefetch = 0 : i64, scratch_operands = 20 : i64, tpu.core_type = #tpu.core_type<sc_vector_subcore>, window_params = [{transform_indices = #map}, {transform_indices = #map1}, {transform_indices = #map1}, {transform_indices = #map1}]} {
    %mul3A = arith.constant 2 : i32
    %mul3A_0 = arith.muli %arg1, %mul3A : i32
    %add3A = arith.addi %mul3A_0, %arg0 : i32
    %mul3A_1 = arith.constant 10000 : i32
    %mul3A_2 = arith.muli %add3A, %mul3A_1 : i32
    %iota3A = tpu.iota {dimensions = array<i32: 0>} : vector<16xi32>
    %add3A_3 = arith.constant 0 : i32
    %add3A_4 = arith.addi %mul3A_2, %add3A_3 : i32
    %dma_start3A = arith.constant 0 : i32
    %dma_start3A_5 = arith.constant 0 : i32
    %dma_start3A_6 = tpu.memref_slice %arg7[%dma_start3A, %dma_start3A_5] : memref<2x128xi32, #tpu.memory_space<vmem>> -> memref<1x128xi32, #tpu.memory_space<vmem>>
    %dma_start3A_7 = tpu.memref_squeeze %dma_start3A_6 : memref<1x128xi32, #tpu.memory_space<vmem>> -> memref<128xi32, #tpu.memory_space<vmem>>
    %dma_start3A_8 = tpu.memref_slice %arg3[%add3A_4] : memref<320000xi32, #tpu.memory_space<hbm>> -> memref<128xi32, #tpu.memory_space<hbm>>
    %dma_start3A_9 = arith.constant 0 : i32
    %dma_start3A_10 = tpu.memref_slice %arg7[%dma_start3A, %dma_start3A_9] : memref<2x128xi32, #tpu.memory_space<vmem>> -> memref<1x128xi32, #tpu.memory_space<vmem>>
    %dma_start3A_11 = tpu.memref_squeeze %dma_start3A_10 : memref<1x128xi32, #tpu.memory_space<vmem>> -> memref<128xi32, #tpu.memory_space<vmem>>
    %dma_start3A_12 = tpu.memref_slice %arg3[%add3A_4] : memref<320000xi32, #tpu.memory_space<hbm>> -> memref<128xi32, #tpu.memory_space<hbm>>
    tpu.enqueue_dma source(%dma_start3A_12 : memref<128xi32, #tpu.memory_space<hbm>>) target(%dma_start3A_11 : memref<128xi32, #tpu.memory_space<vmem>>) target_semaphore(%arg18 : memref<!tpu.dma_semaphore, #tpu.memory_space<semaphore_mem>>)
    %dma_start3A_13 = arith.constant 0 : i32
    %dma_start3A_14 = arith.constant 0 : i32
    %dma_start3A_15 = tpu.memref_slice %arg8[%dma_start3A_13, %dma_start3A_14] : memref<2x128xi32, #tpu.memory_space<vmem>> -> memref<1x128xi32, #tpu.memory_space<vmem>>
    %dma_start3A_16 = tpu.memref_squeeze %dma_start3A_15 : memref<1x128xi32, #tpu.memory_space<vmem>> -> memref<128xi32, #tpu.memory_space<vmem>>
    %dma_start3A_17 = tpu.memref_slice %arg4[%add3A_4] : memref<320000xi32, #tpu.memory_space<hbm>> -> memref<128xi32, #tpu.memory_space<hbm>>
    %dma_start3A_18 = arith.constant 0 : i32
    %dma_start3A_19 = tpu.memref_slice %arg8[%dma_start3A_13, %dma_start3A_18] : memref<2x128xi32, #tpu.memory_space<vmem>> -> memref<1x128xi32, #tpu.memory_space<vmem>>
    %dma_start3A_20 = tpu.memref_squeeze %dma_start3A_19 : memref<1x128xi32, #tpu.memory_space<vmem>> -> memref<128xi32, #tpu.memory_space<vmem>>
    %dma_start3A_21 = tpu.memref_slice %arg4[%add3A_4] : memref<320000xi32, #tpu.memory_space<hbm>> -> memref<128xi32, #tpu.memory_space<hbm>>
    tpu.enqueue_dma source(%dma_start3A_21 : memref<128xi32, #tpu.memory_space<hbm>>) target(%dma_start3A_20 : memref<128xi32, #tpu.memory_space<vmem>>) target_semaphore(%arg18 : memref<!tpu.dma_semaphore, #tpu.memory_space<semaphore_mem>>)
    %dma_wait3A = arith.constant 0 : i32
    %dma_wait3A_22 = arith.constant 0 : i32
    %dma_wait3A_23 = tpu.memref_slice %arg7[%dma_wait3A, %dma_wait3A_22] : memref<2x128xi32, #tpu.memory_space<vmem>> -> memref<1x128xi32, #tpu.memory_space<vmem>>
    %dma_wait3A_24 = tpu.memref_squeeze %dma_wait3A_23 : memref<1x128xi32, #tpu.memory_space<vmem>> -> memref<128xi32, #tpu.memory_space<vmem>>
    %dma_wait3A_25 = tpu.memref_slice %arg3[%mul3A_2] : memref<320000xi32, #tpu.memory_space<hbm>> -> memref<128xi32, #tpu.memory_space<hbm>>
    %dma_wait3A_26 = arith.constant 0 : i32
    %dma_wait3A_27 = tpu.memref_slice %arg7[%dma_wait3A, %dma_wait3A_26] : memref<2x128xi32, #tpu.memory_space<vmem>> -> memref<1x128xi32, #tpu.memory_space<vmem>>
    %dma_wait3A_28 = tpu.memref_squeeze %dma_wait3A_27 : memref<1x128xi32, #tpu.memory_space<vmem>> -> memref<128xi32, #tpu.memory_space<vmem>>
    %dma_wait3A_29 = tpu.memref_slice %arg3[%mul3A_2] : memref<320000xi32, #tpu.memory_space<hbm>> -> memref<128xi32, #tpu.memory_space<hbm>>
    tpu.wait_dma2 semaphore(%arg18 : memref<!tpu.dma_semaphore, #tpu.memory_space<semaphore_mem>>) src(%dma_wait3A_29 : memref<128xi32, #tpu.memory_space<hbm>>) dst(%dma_wait3A_28 : memref<128xi32, #tpu.memory_space<vmem>>)
    %dma_wait3A_30 = arith.constant 0 : i32
    %dma_wait3A_31 = arith.constant 0 : i32
    %dma_wait3A_32 = tpu.memref_slice %arg8[%dma_wait3A_30, %dma_wait3A_31] : memref<2x128xi32, #tpu.memory_space<vmem>> -> memref<1x128xi32, #tpu.memory_space<vmem>>
    %dma_wait3A_33 = tpu.memref_squeeze %dma_wait3A_32 : memref<1x128xi32, #tpu.memory_space<vmem>> -> memref<128xi32, #tpu.memory_space<vmem>>
    %dma_wait3A_34 = tpu.memref_slice %arg4[%mul3A_2] : memref<320000xi32, #tpu.memory_space<hbm>> -> memref<128xi32, #tpu.memory_space<hbm>>
    %dma_wait3A_35 = arith.constant 0 : i32
    %dma_wait3A_36 = tpu.memref_slice %arg8[%dma_wait3A_30, %dma_wait3A_35] : memref<2x128xi32, #tpu.memory_space<vmem>> -> memref<1x128xi32, #tpu.memory_space<vmem>>
    %dma_wait3A_37 = tpu.memref_squeeze %dma_wait3A_36 : memref<1x128xi32, #tpu.memory_space<vmem>> -> memref<128xi32, #tpu.memory_space<vmem>>
    %dma_wait3A_38 = tpu.memref_slice %arg4[%mul3A_2] : memref<320000xi32, #tpu.memory_space<hbm>> -> memref<128xi32, #tpu.memory_space<hbm>>
    tpu.wait_dma2 semaphore(%arg18 : memref<!tpu.dma_semaphore, #tpu.memory_space<semaphore_mem>>) src(%dma_wait3A_38 : memref<128xi32, #tpu.memory_space<hbm>>) dst(%dma_wait3A_37 : memref<128xi32, #tpu.memory_space<vmem>>)
    %dma_start3A_39 = arith.constant 0 : i32
    %dma_start3A_40 = arith.constant 0 : i32
    %dma_start3A_41 = arith.constant 0 : i32
    %dma_start3A_42 = arith.constant 0 : i32
    %dma_start3A_43 = tpu.memref_slice %arg9[%dma_start3A_40, %dma_start3A_41, %dma_start3A_42] : memref<2x128x64xi32, #tpu.memory_space<vmem>> -> memref<1x64x64xi32, #tpu.memory_space<vmem>>
    %dma_start3A_44 = tpu.memref_squeeze %dma_start3A_43 : memref<1x64x64xi32, #tpu.memory_space<vmem>> -> memref<64x64xi32, #tpu.memory_space<vmem>>
    %dma_start3A_45 = arith.constant 0 : i32
    %dma_start3A_46 = tpu.memref_slice %arg7[%dma_start3A_39, %dma_start3A_45] : memref<2x128xi32, #tpu.memory_space<vmem>> -> memref<1x64xi32, #tpu.memory_space<vmem>>
    %dma_start3A_47 = tpu.memref_squeeze %dma_start3A_46 : memref<1x64xi32, #tpu.memory_space<vmem>> -> memref<64xi32, #tpu.memory_space<vmem>>
    %dma_start3A_48 = arith.constant 0 : i32
    %dma_start3A_49 = arith.constant 0 : i32
    %dma_start3A_50 = tpu.memref_slice %arg2[%dma_start3A_48, %dma_start3A_49] : memref<10000x64xi32, #tpu.memory_space<hbm>> -> memref<10000x64xi32, #tpu.memory_space<hbm>>
    tpu.enqueue_indirect_dma source(%dma_start3A_50 : memref<10000x64xi32, #tpu.memory_space<hbm>>) target(%dma_start3A_44 : memref<64x64xi32, #tpu.memory_space<vmem>>) offsets(%dma_start3A_47 : memref<64xi32, #tpu.memory_space<vmem>>) semaphore(%arg20 : memref<!tpu.dma_semaphore, #tpu.memory_space<semaphore_mem>>)
    %dma_start3A_51 = arith.constant 0 : i32
    %dma_start3A_52 = arith.constant 0 : i32
    %dma_start3A_53 = arith.constant 0 : i32
    %dma_start3A_54 = arith.constant 0 : i32
    %dma_start3A_55 = tpu.memref_slice %arg10[%dma_start3A_52, %dma_start3A_53, %dma_start3A_54] : memref<2x128x64xi32, #tpu.memory_space<vmem>> -> memref<1x64x64xi32, #tpu.memory_space<vmem>>
    %dma_start3A_56 = tpu.memref_squeeze %dma_start3A_55 : memref<1x64x64xi32, #tpu.memory_space<vmem>> -> memref<64x64xi32, #tpu.memory_space<vmem>>
    %dma_start3A_57 = arith.constant 0 : i32
    %dma_start3A_58 = tpu.memref_slice %arg8[%dma_start3A_51, %dma_start3A_57] : memref<2x128xi32, #tpu.memory_space<vmem>> -> memref<1x64xi32, #tpu.memory_space<vmem>>
    %dma_start3A_59 = tpu.memref_squeeze %dma_start3A_58 : memref<1x64xi32, #tpu.memory_space<vmem>> -> memref<64xi32, #tpu.memory_space<vmem>>
    %dma_start3A_60 = arith.constant 0 : i32
    %dma_start3A_61 = arith.constant 0 : i32
    %dma_start3A_62 = tpu.memref_slice %arg2[%dma_start3A_60, %dma_start3A_61] : memref<10000x64xi32, #tpu.memory_space<hbm>> -> memref<10000x64xi32, #tpu.memory_space<hbm>>
    tpu.enqueue_indirect_dma source(%dma_start3A_62 : memref<10000x64xi32, #tpu.memory_space<hbm>>) target(%dma_start3A_56 : memref<64x64xi32, #tpu.memory_space<vmem>>) offsets(%dma_start3A_59 : memref<64xi32, #tpu.memory_space<vmem>>) semaphore(%arg20 : memref<!tpu.dma_semaphore, #tpu.memory_space<semaphore_mem>>)
    %dma_start3A_63 = arith.constant 0 : i32
    %dma_start3A_64 = arith.constant 0 : i32
    %dma_start3A_65 = arith.constant 64 : i32
    %dma_start3A_66 = arith.constant 0 : i32
    %dma_start3A_67 = tpu.memref_slice %arg9[%dma_start3A_64, %dma_start3A_65, %dma_start3A_66] : memref<2x128x64xi32, #tpu.memory_space<vmem>> -> memref<1x64x64xi32, #tpu.memory_space<vmem>>
    %dma_start3A_68 = tpu.memref_squeeze %dma_start3A_67 : memref<1x64x64xi32, #tpu.memory_space<vmem>> -> memref<64x64xi32, #tpu.memory_space<vmem>>
    %dma_start3A_69 = arith.constant 64 : i32
    %dma_start3A_70 = tpu.memref_slice %arg7[%dma_start3A_63, %dma_start3A_69] : memref<2x128xi32, #tpu.memory_space<vmem>> -> memref<1x64xi32, #tpu.memory_space<vmem>>
    %dma_start3A_71 = tpu.memref_squeeze %dma_start3A_70 : memref<1x64xi32, #tpu.memory_space<vmem>> -> memref<64xi32, #tpu.memory_space<vmem>>
    %dma_start3A_72 = arith.constant 0 : i32
    %dma_start3A_73 = arith.constant 0 : i32
    %dma_start3A_74 = tpu.memref_slice %arg2[%dma_start3A_72, %dma_start3A_73] : memref<10000x64xi32, #tpu.memory_space<hbm>> -> memref<10000x64xi32, #tpu.memory_space<hbm>>
    tpu.enqueue_indirect_dma source(%dma_start3A_74 : memref<10000x64xi32, #tpu.memory_space<hbm>>) target(%dma_start3A_68 : memref<64x64xi32, #tpu.memory_space<vmem>>) offsets(%dma_start3A_71 : memref<64xi32, #tpu.memory_space<vmem>>) semaphore(%arg22 : memref<!tpu.dma_semaphore, #tpu.memory_space<semaphore_mem>>)
    %dma_start3A_75 = arith.constant 0 : i32
    %dma_start3A_76 = arith.constant 0 : i32
    %dma_start3A_77 = arith.constant 64 : i32
    %dma_start3A_78 = arith.constant 0 : i32
    %dma_start3A_79 = tpu.memref_slice %arg10[%dma_start3A_76, %dma_start3A_77, %dma_start3A_78] : memref<2x128x64xi32, #tpu.memory_space<vmem>> -> memref<1x64x64xi32, #tpu.memory_space<vmem>>
    %dma_start3A_80 = tpu.memref_squeeze %dma_start3A_79 : memref<1x64x64xi32, #tpu.memory_space<vmem>> -> memref<64x64xi32, #tpu.memory_space<vmem>>
    %dma_start3A_81 = arith.constant 64 : i32
    %dma_start3A_82 = tpu.memref_slice %arg8[%dma_start3A_75, %dma_start3A_81] : memref<2x128xi32, #tpu.memory_space<vmem>> -> memref<1x64xi32, #tpu.memory_space<vmem>>
    %dma_start3A_83 = tpu.memref_squeeze %dma_start3A_82 : memref<1x64xi32, #tpu.memory_space<vmem>> -> memref<64xi32, #tpu.memory_space<vmem>>
    %dma_start3A_84 = arith.constant 0 : i32
    %dma_start3A_85 = arith.constant 0 : i32
    %dma_start3A_86 = tpu.memref_slice %arg2[%dma_start3A_84, %dma_start3A_85] : memref<10000x64xi32, #tpu.memory_space<hbm>> -> memref<10000x64xi32, #tpu.memory_space<hbm>>
    tpu.enqueue_indirect_dma source(%dma_start3A_86 : memref<10000x64xi32, #tpu.memory_space<hbm>>) target(%dma_start3A_80 : memref<64x64xi32, #tpu.memory_space<vmem>>) offsets(%dma_start3A_83 : memref<64xi32, #tpu.memory_space<vmem>>) semaphore(%arg22 : memref<!tpu.dma_semaphore, #tpu.memory_space<semaphore_mem>>)
    %add3A_87 = arith.constant 128 : i32
    %add3A_88 = arith.addi %mul3A_2, %add3A_87 : i32
    %dma_start3A_89 = arith.constant 1 : i32
    %dma_start3A_90 = arith.constant 0 : i32
    %dma_start3A_91 = tpu.memref_slice %arg7[%dma_start3A_89, %dma_start3A_90] : memref<2x128xi32, #tpu.memory_space<vmem>> -> memref<1x128xi32, #tpu.memory_space<vmem>>
    %dma_start3A_92 = tpu.memref_squeeze %dma_start3A_91 : memref<1x128xi32, #tpu.memory_space<vmem>> -> memref<128xi32, #tpu.memory_space<vmem>>
    %dma_start3A_93 = tpu.memref_slice %arg3[%add3A_88] : memref<320000xi32, #tpu.memory_space<hbm>> -> memref<128xi32, #tpu.memory_space<hbm>>
    %dma_start3A_94 = arith.constant 0 : i32
    %dma_start3A_95 = tpu.memref_slice %arg7[%dma_start3A_89, %dma_start3A_94] : memref<2x128xi32, #tpu.memory_space<vmem>> -> memref<1x128xi32, #tpu.memory_space<vmem>>
    %dma_start3A_96 = tpu.memref_squeeze %dma_start3A_95 : memref<1x128xi32, #tpu.memory_space<vmem>> -> memref<128xi32, #tpu.memory_space<vmem>>
    %dma_start3A_97 = tpu.memref_slice %arg3[%add3A_88] : memref<320000xi32, #tpu.memory_space<hbm>> -> memref<128xi32, #tpu.memory_space<hbm>>
    tpu.enqueue_dma source(%dma_start3A_97 : memref<128xi32, #tpu.memory_space<hbm>>) target(%dma_start3A_96 : memref<128xi32, #tpu.memory_space<vmem>>) target_semaphore(%arg19 : memref<!tpu.dma_semaphore, #tpu.memory_space<semaphore_mem>>)
    %dma_start3A_98 = arith.constant 1 : i32
    %dma_start3A_99 = arith.constant 0 : i32
    %dma_start3A_100 = tpu.memref_slice %arg8[%dma_start3A_98, %dma_start3A_99] : memref<2x128xi32, #tpu.memory_space<vmem>> -> memref<1x128xi32, #tpu.memory_space<vmem>>
    %dma_start3A_101 = tpu.memref_squeeze %dma_start3A_100 : memref<1x128xi32, #tpu.memory_space<vmem>> -> memref<128xi32, #tpu.memory_space<vmem>>
    %dma_start3A_102 = tpu.memref_slice %arg4[%add3A_88] : memref<320000xi32, #tpu.memory_space<hbm>> -> memref<128xi32, #tpu.memory_space<hbm>>
    %dma_start3A_103 = arith.constant 0 : i32
    %dma_start3A_104 = tpu.memref_slice %arg8[%dma_start3A_98, %dma_start3A_103] : memref<2x128xi32, #tpu.memory_space<vmem>> -> memref<1x128xi32, #tpu.memory_space<vmem>>
    %dma_start3A_105 = tpu.memref_squeeze %dma_start3A_104 : memref<1x128xi32, #tpu.memory_space<vmem>> -> memref<128xi32, #tpu.memory_space<vmem>>
    %dma_start3A_106 = tpu.memref_slice %arg4[%add3A_88] : memref<320000xi32, #tpu.memory_space<hbm>> -> memref<128xi32, #tpu.memory_space<hbm>>
    tpu.enqueue_dma source(%dma_start3A_106 : memref<128xi32, #tpu.memory_space<hbm>>) target(%dma_start3A_105 : memref<128xi32, #tpu.memory_space<vmem>>) target_semaphore(%arg19 : memref<!tpu.dma_semaphore, #tpu.memory_space<semaphore_mem>>)
    %mul3A_107 = arith.constant 625 : i32
    %mul3A_108 = arith.muli %arg1, %mul3A_107 : i32
    %mul3A_109 = arith.constant 625 : i32
    %mul3A_110 = arith.muli %arg1, %mul3A_109 : i32
    "tpu.region"() ({
      %run_scoped3A = tpu.sem_alloc : memref<!tpu.dma_semaphore, #tpu.memory_space<semaphore_mem>>
      %dma_start3A_217 = arith.constant 0 : i32
      %dma_start3A_218 = tpu.memref_slice %arg6[%mul3A_110, %dma_start3A_217] : memref<10000x64xi32, #tpu.memory_space<vmem_shared>> -> memref<625x64xi32, #tpu.memory_space<vmem_shared>>
      %dma_start3A_219 = arith.constant 0 : i32
      %dma_start3A_220 = tpu.memref_slice %arg2[%mul3A_108, %dma_start3A_219] : memref<10000x64xi32, #tpu.memory_space<hbm>> -> memref<625x64xi32, #tpu.memory_space<hbm>>
      tpu.enqueue_dma source(%dma_start3A_220 : memref<625x64xi32, #tpu.memory_space<hbm>>) target(%dma_start3A_218 : memref<625x64xi32, #tpu.memory_space<vmem_shared>>) target_semaphore(%run_scoped3A : memref<!tpu.dma_semaphore, #tpu.memory_space<semaphore_mem>>)
      %dma_wait3A_221 = arith.constant 0 : i32
      %dma_wait3A_222 = tpu.memref_slice %arg6[%mul3A_110, %dma_wait3A_221] : memref<10000x64xi32, #tpu.memory_space<vmem_shared>> -> memref<625x64xi32, #tpu.memory_space<vmem_shared>>
      %dma_wait3A_223 = arith.constant 0 : i32
      %dma_wait3A_224 = tpu.memref_slice %arg2[%mul3A_108, %dma_wait3A_223] : memref<10000x64xi32, #tpu.memory_space<hbm>> -> memref<625x64xi32, #tpu.memory_space<hbm>>
      tpu.wait_dma2 semaphore(%run_scoped3A : memref<!tpu.dma_semaphore, #tpu.memory_space<semaphore_mem>>) src(%dma_wait3A_224 : memref<625x64xi32, #tpu.memory_space<hbm>>) dst(%dma_wait3A_222 : memref<625x64xi32, #tpu.memory_space<vmem_shared>>)
      tpu.yield
    }) : () -> ()
    %barrier3A = arith.constant 0 : index
    tpu.barrier barrier_id(%barrier3A)
    %scan3A = arith.constant 0 : i32
    %scan3A_111 = arith.constant 39 : i32
    %scan3A_112 = arith.addi %scan3A, %scan3A_111 : i32
    %scan3A_113 = arith.constant 1 : i32
    scf.for %scan3A_217 = %scan3A to %scan3A_112 step %scan3A_113  : i32 {
      %mul3A_218 = arith.constant 2 : i32
      %mul3A_219 = arith.muli %scan3A_217, %mul3A_218 : i32
      %add3A_220 = arith.constant 0 : i32
      %add3A_221 = arith.addi %add3A_220, %mul3A_219 : i32
      %add3A_222 = arith.constant 1 : i32
      %add3A_223 = arith.addi %add3A_221, %add3A_222 : i32
      %lt3A = arith.constant 78 : i32
      %lt3A_224 = arith.cmpi slt, %add3A_223, %lt3A : i32
      %convert_element_type3A = arith.extui %lt3A_224 : i1 to i32
      %cond3A = arith.constant 0 : i32
      %cond3A_225 = arith.cmpi ne, %convert_element_type3A, %cond3A : i32
      scf.if %cond3A_225 {
        %dma_wait3A_1598 = arith.constant 1 : i32
        %dma_wait3A_1599 = arith.constant 0 : i32
        %dma_wait3A_1600 = tpu.memref_slice %arg7[%dma_wait3A_1598, %dma_wait3A_1599] : memref<2x128xi32, #tpu.memory_space<vmem>> -> memref<1x128xi32, #tpu.memory_space<vmem>>
        %dma_wait3A_1601 = tpu.memref_squeeze %dma_wait3A_1600 : memref<1x128xi32, #tpu.memory_space<vmem>> -> memref<128xi32, #tpu.memory_space<vmem>>
        %dma_wait3A_1602 = tpu.memref_slice %arg3[%mul3A_2] : memref<320000xi32, #tpu.memory_space<hbm>> -> memref<128xi32, #tpu.memory_space<hbm>>
        %dma_wait3A_1603 = arith.constant 0 : i32
        %dma_wait3A_1604 = tpu.memref_slice %arg7[%dma_wait3A_1598, %dma_wait3A_1603] : memref<2x128xi32, #tpu.memory_space<vmem>> -> memref<1x128xi32, #tpu.memory_space<vmem>>
        %dma_wait3A_1605 = tpu.memref_squeeze %dma_wait3A_1604 : memref<1x128xi32, #tpu.memory_space<vmem>> -> memref<128xi32, #tpu.memory_space<vmem>>
        %dma_wait3A_1606 = tpu.memref_slice %arg3[%mul3A_2] : memref<320000xi32, #tpu.memory_space<hbm>> -> memref<128xi32, #tpu.memory_space<hbm>>
        tpu.wait_dma2 semaphore(%arg19 : memref<!tpu.dma_semaphore, #tpu.memory_space<semaphore_mem>>) src(%dma_wait3A_1606 : memref<128xi32, #tpu.memory_space<hbm>>) dst(%dma_wait3A_1605 : memref<128xi32, #tpu.memory_space<vmem>>)
        %dma_wait3A_1607 = arith.constant 1 : i32
        %dma_wait3A_1608 = arith.constant 0 : i32
        %dma_wait3A_1609 = tpu.memref_slice %arg8[%dma_wait3A_1607, %dma_wait3A_1608] : memref<2x128xi32, #tpu.memory_space<vmem>> -> memref<1x128xi32, #tpu.memory_space<vmem>>
        %dma_wait3A_1610 = tpu.memref_squeeze %dma_wait3A_1609 : memref<1x128xi32, #tpu.memory_space<vmem>> -> memref<128xi32, #tpu.memory_space<vmem>>
        %dma_wait3A_1611 = tpu.memref_slice %arg4[%mul3A_2] : memref<320000xi32, #tpu.memory_space<hbm>> -> memref<128xi32, #tpu.memory_space<hbm>>
        %dma_wait3A_1612 = arith.constant 0 : i32
        %dma_wait3A_1613 = tpu.memref_slice %arg8[%dma_wait3A_1607, %dma_wait3A_1612] : memref<2x128xi32, #tpu.memory_space<vmem>> -> memref<1x128xi32, #tpu.memory_space<vmem>>
        %dma_wait3A_1614 = tpu.memref_squeeze %dma_wait3A_1613 : memref<1x128xi32, #tpu.memory_space<vmem>> -> memref<128xi32, #tpu.memory_space<vmem>>
        %dma_wait3A_1615 = tpu.memref_slice %arg4[%mul3A_2] : memref<320000xi32, #tpu.memory_space<hbm>> -> memref<128xi32, #tpu.memory_space<hbm>>
        tpu.wait_dma2 semaphore(%arg19 : memref<!tpu.dma_semaphore, #tpu.memory_space<semaphore_mem>>) src(%dma_wait3A_1615 : memref<128xi32, #tpu.memory_space<hbm>>) dst(%dma_wait3A_1614 : memref<128xi32, #tpu.memory_space<vmem>>)
        %dma_start3A_1616 = arith.constant 1 : i32
        %dma_start3A_1617 = arith.constant 1 : i32
        %dma_start3A_1618 = arith.constant 0 : i32
        %dma_start3A_1619 = arith.constant 0 : i32
        %dma_start3A_1620 = tpu.memref_slice %arg9[%dma_start3A_1617, %dma_start3A_1618, %dma_start3A_1619] : memref<2x128x64xi32, #tpu.memory_space<vmem>> -> memref<1x64x64xi32, #tpu.memory_space<vmem>>
        %dma_start3A_1621 = tpu.memref_squeeze %dma_start3A_1620 : memref<1x64x64xi32, #tpu.memory_space<vmem>> -> memref<64x64xi32, #tpu.memory_space<vmem>>
        %dma_start3A_1622 = arith.constant 0 : i32
        %dma_start3A_1623 = tpu.memref_slice %arg7[%dma_start3A_1616, %dma_start3A_1622] : memref<2x128xi32, #tpu.memory_space<vmem>> -> memref<1x64xi32, #tpu.memory_space<vmem>>
        %dma_start3A_1624 = tpu.memref_squeeze %dma_start3A_1623 : memref<1x64xi32, #tpu.memory_space<vmem>> -> memref<64xi32, #tpu.memory_space<vmem>>
        %dma_start3A_1625 = arith.constant 0 : i32
        %dma_start3A_1626 = arith.constant 0 : i32
        %dma_start3A_1627 = tpu.memref_slice %arg6[%dma_start3A_1625, %dma_start3A_1626] : memref<10000x64xi32, #tpu.memory_space<vmem_shared>> -> memref<10000x64xi32, #tpu.memory_space<vmem_shared>>
        tpu.enqueue_indirect_dma source(%dma_start3A_1627 : memref<10000x64xi32, #tpu.memory_space<vmem_shared>>) target(%dma_start3A_1621 : memref<64x64xi32, #tpu.memory_space<vmem>>) offsets(%dma_start3A_1624 : memref<64xi32, #tpu.memory_space<vmem>>) semaphore(%arg21 : memref<!tpu.dma_semaphore, #tpu.memory_space<semaphore_mem>>)
        %dma_start3A_1628 = arith.constant 1 : i32
        %dma_start3A_1629 = arith.constant 1 : i32
        %dma_start3A_1630 = arith.constant 0 : i32
        %dma_start3A_1631 = arith.constant 0 : i32
        %dma_start3A_1632 = tpu.memref_slice %arg10[%dma_start3A_1629, %dma_start3A_1630, %dma_start3A_1631] : memref<2x128x64xi32, #tpu.memory_space<vmem>> -> memref<1x64x64xi32, #tpu.memory_space<vmem>>
        %dma_start3A_1633 = tpu.memref_squeeze %dma_start3A_1632 : memref<1x64x64xi32, #tpu.memory_space<vmem>> -> memref<64x64xi32, #tpu.memory_space<vmem>>
        %dma_start3A_1634 = arith.constant 0 : i32
        %dma_start3A_1635 = tpu.memref_slice %arg8[%dma_start3A_1628, %dma_start3A_1634] : memref<2x128xi32, #tpu.memory_space<vmem>> -> memref<1x64xi32, #tpu.memory_space<vmem>>
        %dma_start3A_1636 = tpu.memref_squeeze %dma_start3A_1635 : memref<1x64xi32, #tpu.memory_space<vmem>> -> memref<64xi32, #tpu.memory_space<vmem>>
        %dma_start3A_1637 = arith.constant 0 : i32
        %dma_start3A_1638 = arith.constant 0 : i32
        %dma_start3A_1639 = tpu.memref_slice %arg6[%dma_start3A_1637, %dma_start3A_1638] : memref<10000x64xi32, #tpu.memory_space<vmem_shared>> -> memref<10000x64xi32, #tpu.memory_space<vmem_shared>>
        tpu.enqueue_indirect_dma source(%dma_start3A_1639 : memref<10000x64xi32, #tpu.memory_space<vmem_shared>>) target(%dma_start3A_1633 : memref<64x64xi32, #tpu.memory_space<vmem>>) offsets(%dma_start3A_1636 : memref<64xi32, #tpu.memory_space<vmem>>) semaphore(%arg21 : memref<!tpu.dma_semaphore, #tpu.memory_space<semaphore_mem>>)
        %dma_start3A_1640 = arith.constant 1 : i32
        %dma_start3A_1641 = arith.constant 1 : i32
        %dma_start3A_1642 = arith.constant 64 : i32
        %dma_start3A_1643 = arith.constant 0 : i32
        %dma_start3A_1644 = tpu.memref_slice %arg9[%dma_start3A_1641, %dma_start3A_1642, %dma_start3A_1643] : memref<2x128x64xi32, #tpu.memory_space<vmem>> -> memref<1x64x64xi32, #tpu.memory_space<vmem>>
        %dma_start3A_1645 = tpu.memref_squeeze %dma_start3A_1644 : memref<1x64x64xi32, #tpu.memory_space<vmem>> -> memref<64x64xi32, #tpu.memory_space<vmem>>
        %dma_start3A_1646 = arith.constant 64 : i32
        %dma_start3A_1647 = tpu.memref_slice %arg7[%dma_start3A_1640, %dma_start3A_1646] : memref<2x128xi32, #tpu.memory_space<vmem>> -> memref<1x64xi32, #tpu.memory_space<vmem>>
        %dma_start3A_1648 = tpu.memref_squeeze %dma_start3A_1647 : memref<1x64xi32, #tpu.memory_space<vmem>> -> memref<64xi32, #tpu.memory_space<vmem>>
        %dma_start3A_1649 = arith.constant 0 : i32
        %dma_start3A_1650 = arith.constant 0 : i32
        %dma_start3A_1651 = tpu.memref_slice %arg6[%dma_start3A_1649, %dma_start3A_1650] : memref<10000x64xi32, #tpu.memory_space<vmem_shared>> -> memref<10000x64xi32, #tpu.memory_space<vmem_shared>>
        tpu.enqueue_indirect_dma source(%dma_start3A_1651 : memref<10000x64xi32, #tpu.memory_space<vmem_shared>>) target(%dma_start3A_1645 : memref<64x64xi32, #tpu.memory_space<vmem>>) offsets(%dma_start3A_1648 : memref<64xi32, #tpu.memory_space<vmem>>) semaphore(%arg23 : memref<!tpu.dma_semaphore, #tpu.memory_space<semaphore_mem>>)
        %dma_start3A_1652 = arith.constant 1 : i32
        %dma_start3A_1653 = arith.constant 1 : i32
        %dma_start3A_1654 = arith.constant 64 : i32
        %dma_start3A_1655 = arith.constant 0 : i32
        %dma_start3A_1656 = tpu.memref_slice %arg10[%dma_start3A_1653, %dma_start3A_1654, %dma_start3A_1655] : memref<2x128x64xi32, #tpu.memory_space<vmem>> -> memref<1x64x64xi32, #tpu.memory_space<vmem>>
        %dma_start3A_1657 = tpu.memref_squeeze %dma_start3A_1656 : memref<1x64x64xi32, #tpu.memory_space<vmem>> -> memref<64x64xi32, #tpu.memory_space<vmem>>
        %dma_start3A_1658 = arith.constant 64 : i32
        %dma_start3A_1659 = tpu.memref_slice %arg8[%dma_start3A_1652, %dma_start3A_1658] : memref<2x128xi32, #tpu.memory_space<vmem>> -> memref<1x64xi32, #tpu.memory_space<vmem>>
        %dma_start3A_1660 = tpu.memref_squeeze %dma_start3A_1659 : memref<1x64xi32, #tpu.memory_space<vmem>> -> memref<64xi32, #tpu.memory_space<vmem>>
        %dma_start3A_1661 = arith.constant 0 : i32
        %dma_start3A_1662 = arith.constant 0 : i32
        %dma_start3A_1663 = tpu.memref_slice %arg6[%dma_start3A_1661, %dma_start3A_1662] : memref<10000x64xi32, #tpu.memory_space<vmem_shared>> -> memref<10000x64xi32, #tpu.memory_space<vmem_shared>>
        tpu.enqueue_indirect_dma source(%dma_start3A_1663 : memref<10000x64xi32, #tpu.memory_space<vmem_shared>>) target(%dma_start3A_1657 : memref<64x64xi32, #tpu.memory_space<vmem>>) offsets(%dma_start3A_1660 : memref<64xi32, #tpu.memory_space<vmem>>) semaphore(%arg23 : memref<!tpu.dma_semaphore, #tpu.memory_space<semaphore_mem>>)
      } else {
      }
      %dma_wait3A_226 = arith.constant 0 : i32
      %dma_wait3A_227 = arith.constant 0 : i32
      %dma_wait3A_228 = arith.constant 0 : i32
      %dma_wait3A_229 = arith.constant 0 : i32
      %dma_wait3A_230 = tpu.memref_slice %arg9[%dma_wait3A_227, %dma_wait3A_228, %dma_wait3A_229] : memref<2x128x64xi32, #tpu.memory_space<vmem>> -> memref<1x64x64xi32, #tpu.memory_space<vmem>>
      %dma_wait3A_231 = tpu.memref_squeeze %dma_wait3A_230 : memref<1x64x64xi32, #tpu.memory_space<vmem>> -> memref<64x64xi32, #tpu.memory_space<vmem>>
      %dma_wait3A_232 = arith.constant 0 : i32
      %dma_wait3A_233 = tpu.memref_slice %arg7[%dma_wait3A_226, %dma_wait3A_232] : memref<2x128xi32, #tpu.memory_space<vmem>> -> memref<1x64xi32, #tpu.memory_space<vmem>>
      %dma_wait3A_234 = tpu.memref_squeeze %dma_wait3A_233 : memref<1x64xi32, #tpu.memory_space<vmem>> -> memref<64xi32, #tpu.memory_space<vmem>>
      %dma_wait3A_235 = arith.constant 0 : i32
      %dma_wait3A_236 = arith.constant 0 : i32
      %dma_wait3A_237 = tpu.memref_slice %arg6[%dma_wait3A_235, %dma_wait3A_236] : memref<10000x64xi32, #tpu.memory_space<vmem_shared>> -> memref<10000x64xi32, #tpu.memory_space<vmem_shared>>
      tpu.wait_indirect_dma semaphore(%arg20 : memref<!tpu.dma_semaphore, #tpu.memory_space<semaphore_mem>>) src(%dma_wait3A_237 : memref<10000x64xi32, #tpu.memory_space<vmem_shared>>) dst(%dma_wait3A_231 : memref<64x64xi32, #tpu.memory_space<vmem>>)
      %dma_wait3A_238 = arith.constant 0 : i32
      %dma_wait3A_239 = arith.constant 0 : i32
      %dma_wait3A_240 = arith.constant 0 : i32
      %dma_wait3A_241 = arith.constant 0 : i32
      %dma_wait3A_242 = tpu.memref_slice %arg10[%dma_wait3A_239, %dma_wait3A_240, %dma_wait3A_241] : memref<2x128x64xi32, #tpu.memory_space<vmem>> -> memref<1x64x64xi32, #tpu.memory_space<vmem>>
      %dma_wait3A_243 = tpu.memref_squeeze %dma_wait3A_242 : memref<1x64x64xi32, #tpu.memory_space<vmem>> -> memref<64x64xi32, #tpu.memory_space<vmem>>
      %dma_wait3A_244 = arith.constant 0 : i32
      %dma_wait3A_245 = tpu.memref_slice %arg8[%dma_wait3A_238, %dma_wait3A_244] : memref<2x128xi32, #tpu.memory_space<vmem>> -> memref<1x64xi32, #tpu.memory_space<vmem>>
      %dma_wait3A_246 = tpu.memref_squeeze %dma_wait3A_245 : memref<1x64xi32, #tpu.memory_space<vmem>> -> memref<64xi32, #tpu.memory_space<vmem>>
      %dma_wait3A_247 = arith.constant 0 : i32
      %dma_wait3A_248 = arith.constant 0 : i32
      %dma_wait3A_249 = tpu.memref_slice %arg6[%dma_wait3A_247, %dma_wait3A_248] : memref<10000x64xi32, #tpu.memory_space<vmem_shared>> -> memref<10000x64xi32, #tpu.memory_space<vmem_shared>>
      tpu.wait_indirect_dma semaphore(%arg20 : memref<!tpu.dma_semaphore, #tpu.memory_space<semaphore_mem>>) src(%dma_wait3A_249 : memref<10000x64xi32, #tpu.memory_space<vmem_shared>>) dst(%dma_wait3A_243 : memref<64x64xi32, #tpu.memory_space<vmem>>)
      %add3A_250 = arith.constant 2 : i32
      %add3A_251 = arith.addi %add3A_221, %add3A_250 : i32
      %lt3A_252 = arith.constant 78 : i32
      %lt3A_253 = arith.cmpi slt, %add3A_251, %lt3A_252 : i32
      %convert_element_type3A_254 = arith.extui %lt3A_253 : i1 to i32
      %cond3A_255 = arith.constant 0 : i32
      %cond3A_256 = arith.cmpi ne, %convert_element_type3A_254, %cond3A_255 : i32
      scf.if %cond3A_256 {
        %add3A_1598 = arith.constant 2 : i32
        %add3A_1599 = arith.addi %add3A_221, %add3A_1598 : i32
        %mul3A_1600 = arith.constant 128 : i32
        %mul3A_1601 = arith.muli %add3A_1599, %mul3A_1600 : i32
        %add3A_1602 = arith.addi %mul3A_2, %mul3A_1601 : i32
        %dma_start3A_1603 = arith.constant 0 : i32
        %dma_start3A_1604 = arith.constant 0 : i32
        %dma_start3A_1605 = tpu.memref_slice %arg7[%dma_start3A_1603, %dma_start3A_1604] : memref<2x128xi32, #tpu.memory_space<vmem>> -> memref<1x128xi32, #tpu.memory_space<vmem>>
        %dma_start3A_1606 = tpu.memref_squeeze %dma_start3A_1605 : memref<1x128xi32, #tpu.memory_space<vmem>> -> memref<128xi32, #tpu.memory_space<vmem>>
        %dma_start3A_1607 = tpu.memref_slice %arg3[%add3A_1602] : memref<320000xi32, #tpu.memory_space<hbm>> -> memref<128xi32, #tpu.memory_space<hbm>>
        %dma_start3A_1608 = arith.constant 0 : i32
        %dma_start3A_1609 = tpu.memref_slice %arg7[%dma_start3A_1603, %dma_start3A_1608] : memref<2x128xi32, #tpu.memory_space<vmem>> -> memref<1x128xi32, #tpu.memory_space<vmem>>
        %dma_start3A_1610 = tpu.memref_squeeze %dma_start3A_1609 : memref<1x128xi32, #tpu.memory_space<vmem>> -> memref<128xi32, #tpu.memory_space<vmem>>
        %dma_start3A_1611 = tpu.memref_slice %arg3[%add3A_1602] : memref<320000xi32, #tpu.memory_space<hbm>> -> memref<128xi32, #tpu.memory_space<hbm>>
        tpu.enqueue_dma source(%dma_start3A_1611 : memref<128xi32, #tpu.memory_space<hbm>>) target(%dma_start3A_1610 : memref<128xi32, #tpu.memory_space<vmem>>) target_semaphore(%arg18 : memref<!tpu.dma_semaphore, #tpu.memory_space<semaphore_mem>>)
        %dma_start3A_1612 = arith.constant 0 : i32
        %dma_start3A_1613 = arith.constant 0 : i32
        %dma_start3A_1614 = tpu.memref_slice %arg8[%dma_start3A_1612, %dma_start3A_1613] : memref<2x128xi32, #tpu.memory_space<vmem>> -> memref<1x128xi32, #tpu.memory_space<vmem>>
        %dma_start3A_1615 = tpu.memref_squeeze %dma_start3A_1614 : memref<1x128xi32, #tpu.memory_space<vmem>> -> memref<128xi32, #tpu.memory_space<vmem>>
        %dma_start3A_1616 = tpu.memref_slice %arg4[%add3A_1602] : memref<320000xi32, #tpu.memory_space<hbm>> -> memref<128xi32, #tpu.memory_space<hbm>>
        %dma_start3A_1617 = arith.constant 0 : i32
        %dma_start3A_1618 = tpu.memref_slice %arg8[%dma_start3A_1612, %dma_start3A_1617] : memref<2x128xi32, #tpu.memory_space<vmem>> -> memref<1x128xi32, #tpu.memory_space<vmem>>
        %dma_start3A_1619 = tpu.memref_squeeze %dma_start3A_1618 : memref<1x128xi32, #tpu.memory_space<vmem>> -> memref<128xi32, #tpu.memory_space<vmem>>
        %dma_start3A_1620 = tpu.memref_slice %arg4[%add3A_1602] : memref<320000xi32, #tpu.memory_space<hbm>> -> memref<128xi32, #tpu.memory_space<hbm>>
        tpu.enqueue_dma source(%dma_start3A_1620 : memref<128xi32, #tpu.memory_space<hbm>>) target(%dma_start3A_1619 : memref<128xi32, #tpu.memory_space<vmem>>) target_semaphore(%arg18 : memref<!tpu.dma_semaphore, #tpu.memory_space<semaphore_mem>>)
      } else {
      }
      %ge3A = arith.constant 2 : i32
      %ge3A_257 = arith.cmpi sge, %add3A_221, %ge3A : i32
      %convert_element_type3A_258 = arith.extui %ge3A_257 : i1 to i32
      %cond3A_259 = arith.constant 0 : i32
      %cond3A_260 = arith.cmpi ne, %convert_element_type3A_258, %cond3A_259 : i32
      scf.if %cond3A_260 {
        %dma_wait3A_1598 = arith.constant 0 : i32
        %dma_wait3A_1599 = arith.constant 0 : i32
        %dma_wait3A_1600 = tpu.memref_slice %arg12[%dma_wait3A_1598, %dma_wait3A_1599] : memref<2x128xf32, #tpu.memory_space<vmem>> -> memref<1x128xf32, #tpu.memory_space<vmem>>
        %dma_wait3A_1601 = tpu.memref_squeeze %dma_wait3A_1600 : memref<1x128xf32, #tpu.memory_space<vmem>> -> memref<128xf32, #tpu.memory_space<vmem>>
        %dma_wait3A_1602 = tpu.memref_slice %arg5[%mul3A_2] : memref<320000xf32, #tpu.memory_space<hbm>> -> memref<128xf32, #tpu.memory_space<hbm>>
        %dma_wait3A_1603 = tpu.memref_slice %arg5[%mul3A_2] : memref<320000xf32, #tpu.memory_space<hbm>> -> memref<128xf32, #tpu.memory_space<hbm>>
        %dma_wait3A_1604 = arith.constant 0 : i32
        %dma_wait3A_1605 = tpu.memref_slice %arg12[%dma_wait3A_1598, %dma_wait3A_1604] : memref<2x128xf32, #tpu.memory_space<vmem>> -> memref<1x128xf32, #tpu.memory_space<vmem>>
        %dma_wait3A_1606 = tpu.memref_squeeze %dma_wait3A_1605 : memref<1x128xf32, #tpu.memory_space<vmem>> -> memref<128xf32, #tpu.memory_space<vmem>>
        tpu.wait_dma2 semaphore(%arg24 : memref<!tpu.dma_semaphore, #tpu.memory_space<semaphore_mem>>) src(%dma_wait3A_1606 : memref<128xf32, #tpu.memory_space<vmem>>) dst(%dma_wait3A_1603 : memref<128xf32, #tpu.memory_space<hbm>>)
      } else {
      }
      %parallel_loop3A_261 = arith.constant 0 : i32
      %parallel_loop3A_262 = arith.constant 64 : i32
      %parallel_loop3A_263 = arith.constant 1 : i32
      %parallel_loop3A_264 = arith.constant 0 : i32
      %parallel_loop3A_265 = arith.constant 0 : i32
      scf.for %parallel_loop3A_1598 = %parallel_loop3A_261 to %parallel_loop3A_262 step %parallel_loop3A_263  : i32 {
        %parallel_loop3A_1599 = arith.constant 0 : i32
        %parallel_loop3A_1600 = arith.constant 0 : i32
        %parallel_loop3A_1601 = tpu.memref_slice %arg9[%parallel_loop3A_264, %parallel_loop3A_1599, %parallel_loop3A_1600] : memref<2x128x64xi32, #tpu.memory_space<vmem>> -> memref<1x64x64xi32, #tpu.memory_space<vmem>>
        %parallel_loop3A_1602 = tpu.memref_squeeze %parallel_loop3A_1601 : memref<1x64x64xi32, #tpu.memory_space<vmem>> -> memref<64x64xi32, #tpu.memory_space<vmem>>
        %parallel_loop3A_1603 = arith.index_cast %parallel_loop3A_1598 : i32 to index
        %parallel_loop3A_1604 = arith.constant 0 : index
        %parallel_loop3A_1605 = tpu.vector_load %parallel_loop3A_1602[%parallel_loop3A_1603, %parallel_loop3A_1604] {strides = array<i32>} : memref<64x64xi32, #tpu.memory_space<vmem>>, vector<16xi32>,
        %parallel_loop3A_1606 = vector.bitcast %parallel_loop3A_1605 : vector<16xi32> to vector<32xbf16>
        %parallel_loop3A_1607 = arith.constant 0 : i32
        %parallel_loop3A_1608 = arith.constant 0 : i32
        %parallel_loop3A_1609 = tpu.memref_slice %arg10[%parallel_loop3A_265, %parallel_loop3A_1607, %parallel_loop3A_1608] : memref<2x128x64xi32, #tpu.memory_space<vmem>> -> memref<1x64x64xi32, #tpu.memory_space<vmem>>
        %parallel_loop3A_1610 = tpu.memref_squeeze %parallel_loop3A_1609 : memref<1x64x64xi32, #tpu.memory_space<vmem>> -> memref<64x64xi32, #tpu.memory_space<vmem>>
        %parallel_loop3A_1611 = arith.index_cast %parallel_loop3A_1598 : i32 to index
        %parallel_loop3A_1612 = arith.constant 0 : index
        %parallel_loop3A_1613 = tpu.vector_load %parallel_loop3A_1610[%parallel_loop3A_1611, %parallel_loop3A_1612] {strides = array<i32>} : memref<64x64xi32, #tpu.memory_space<vmem>>, vector<16xi32>,
        %parallel_loop3A_1614 = vector.bitcast %parallel_loop3A_1613 : vector<16xi32> to vector<32xbf16>
        %parallel_loop3A_1615 = arith.mulf %parallel_loop3A_1606, %parallel_loop3A_1614 : vector<32xbf16>
        %parallel_loop3A_1616 = tpu.unpack_subelements %parallel_loop3A_1615, 0 {pack_format = #tpu.pack_format<interleaved>} : vector<32xbf16> -> vector<16xf32>
        %parallel_loop3A_1617 = tpu.unpack_subelements %parallel_loop3A_1615, 1 {pack_format = #tpu.pack_format<interleaved>} : vector<32xbf16> -> vector<16xf32>
        %parallel_loop3A_1618 = arith.addf %parallel_loop3A_1616, %parallel_loop3A_1617 : vector<16xf32>
        %parallel_loop3A_1619 = arith.constant 0 : i32
        %parallel_loop3A_1620 = arith.constant 0 : i32
        %parallel_loop3A_1621 = tpu.memref_slice %arg9[%parallel_loop3A_264, %parallel_loop3A_1619, %parallel_loop3A_1620] : memref<2x128x64xi32, #tpu.memory_space<vmem>> -> memref<1x64x64xi32, #tpu.memory_space<vmem>>
        %parallel_loop3A_1622 = tpu.memref_squeeze %parallel_loop3A_1621 : memref<1x64x64xi32, #tpu.memory_space<vmem>> -> memref<64x64xi32, #tpu.memory_space<vmem>>
        %parallel_loop3A_1623 = arith.index_cast %parallel_loop3A_1598 : i32 to index
        %parallel_loop3A_1624 = arith.constant 16 : index
        %parallel_loop3A_1625 = tpu.vector_load %parallel_loop3A_1622[%parallel_loop3A_1623, %parallel_loop3A_1624] {strides = array<i32>} : memref<64x64xi32, #tpu.memory_space<vmem>>, vector<16xi32>,
        %parallel_loop3A_1626 = vector.bitcast %parallel_loop3A_1625 : vector<16xi32> to vector<32xbf16>
        %parallel_loop3A_1627 = arith.constant 0 : i32
        %parallel_loop3A_1628 = arith.constant 0 : i32
        %parallel_loop3A_1629 = tpu.memref_slice %arg10[%parallel_loop3A_265, %parallel_loop3A_1627, %parallel_loop3A_1628] : memref<2x128x64xi32, #tpu.memory_space<vmem>> -> memref<1x64x64xi32, #tpu.memory_space<vmem>>
        %parallel_loop3A_1630 = tpu.memref_squeeze %parallel_loop3A_1629 : memref<1x64x64xi32, #tpu.memory_space<vmem>> -> memref<64x64xi32, #tpu.memory_space<vmem>>
        %parallel_loop3A_1631 = arith.index_cast %parallel_loop3A_1598 : i32 to index
        %parallel_loop3A_1632 = arith.constant 16 : index
        %parallel_loop3A_1633 = tpu.vector_load %parallel_loop3A_1630[%parallel_loop3A_1631, %parallel_loop3A_1632] {strides = array<i32>} : memref<64x64xi32, #tpu.memory_space<vmem>>, vector<16xi32>,
        %parallel_loop3A_1634 = vector.bitcast %parallel_loop3A_1633 : vector<16xi32> to vector<32xbf16>
        %parallel_loop3A_1635 = arith.mulf %parallel_loop3A_1626, %parallel_loop3A_1634 : vector<32xbf16>
        %parallel_loop3A_1636 = tpu.unpack_subelements %parallel_loop3A_1635, 0 {pack_format = #tpu.pack_format<interleaved>} : vector<32xbf16> -> vector<16xf32>
        %parallel_loop3A_1637 = tpu.unpack_subelements %parallel_loop3A_1635, 1 {pack_format = #tpu.pack_format<interleaved>} : vector<32xbf16> -> vector<16xf32>
        %parallel_loop3A_1638 = arith.addf %parallel_loop3A_1618, %parallel_loop3A_1636 : vector<16xf32>
        %parallel_loop3A_1639 = arith.addf %parallel_loop3A_1638, %parallel_loop3A_1637 : vector<16xf32>
        %parallel_loop3A_1640 = arith.constant 0 : i32
        %parallel_loop3A_1641 = arith.constant 0 : i32
        %parallel_loop3A_1642 = tpu.memref_slice %arg9[%parallel_loop3A_264, %parallel_loop3A_1640, %parallel_loop3A_1641] : memref<2x128x64xi32, #tpu.memory_space<vmem>> -> memref<1x64x64xi32, #tpu.memory_space<vmem>>
        %parallel_loop3A_1643 = tpu.memref_squeeze %parallel_loop3A_1642 : memref<1x64x64xi32, #tpu.memory_space<vmem>> -> memref<64x64xi32, #tpu.memory_space<vmem>>
        %parallel_loop3A_1644 = arith.index_cast %parallel_loop3A_1598 : i32 to index
        %parallel_loop3A_1645 = arith.constant 32 : index
        %parallel_loop3A_1646 = tpu.vector_load %parallel_loop3A_1643[%parallel_loop3A_1644, %parallel_loop3A_1645] {strides = array<i32>} : memref<64x64xi32, #tpu.memory_space<vmem>>, vector<16xi32>,
        %parallel_loop3A_1647 = vector.bitcast %parallel_loop3A_1646 : vector<16xi32> to vector<32xbf16>
        %parallel_loop3A_1648 = arith.constant 0 : i32
        %parallel_loop3A_1649 = arith.constant 0 : i32
        %parallel_loop3A_1650 = tpu.memref_slice %arg10[%parallel_loop3A_265, %parallel_loop3A_1648, %parallel_loop3A_1649] : memref<2x128x64xi32, #tpu.memory_space<vmem>> -> memref<1x64x64xi32, #tpu.memory_space<vmem>>
        %parallel_loop3A_1651 = tpu.memref_squeeze %parallel_loop3A_1650 : memref<1x64x64xi32, #tpu.memory_space<vmem>> -> memref<64x64xi32, #tpu.memory_space<vmem>>
        %parallel_loop3A_1652 = arith.index_cast %parallel_loop3A_1598 : i32 to index
        %parallel_loop3A_1653 = arith.constant 32 : index
        %parallel_loop3A_1654 = tpu.vector_load %parallel_loop3A_1651[%parallel_loop3A_1652, %parallel_loop3A_1653] {strides = array<i32>} : memref<64x64xi32, #tpu.memory_space<vmem>>, vector<16xi32>,
        %parallel_loop3A_1655 = vector.bitcast %parallel_loop3A_1654 : vector<16xi32> to vector<32xbf16>
        %parallel_loop3A_1656 = arith.mulf %parallel_loop3A_1647, %parallel_loop3A_1655 : vector<32xbf16>
        %parallel_loop3A_1657 = tpu.unpack_subelements %parallel_loop3A_1656, 0 {pack_format = #tpu.pack_format<interleaved>} : vector<32xbf16> -> vector<16xf32>
        %parallel_loop3A_1658 = tpu.unpack_subelements %parallel_loop3A_1656, 1 {pack_format = #tpu.pack_format<interleaved>} : vector<32xbf16> -> vector<16xf32>
        %parallel_loop3A_1659 = arith.addf %parallel_loop3A_1639, %parallel_loop3A_1657 : vector<16xf32>
        %parallel_loop3A_1660 = arith.addf %parallel_loop3A_1659, %parallel_loop3A_1658 : vector<16xf32>
        %parallel_loop3A_1661 = arith.constant 0 : i32
        %parallel_loop3A_1662 = arith.constant 0 : i32
        %parallel_loop3A_1663 = tpu.memref_slice %arg9[%parallel_loop3A_264, %parallel_loop3A_1661, %parallel_loop3A_1662] : memref<2x128x64xi32, #tpu.memory_space<vmem>> -> memref<1x64x64xi32, #tpu.memory_space<vmem>>
        %parallel_loop3A_1664 = tpu.memref_squeeze %parallel_loop3A_1663 : memref<1x64x64xi32, #tpu.memory_space<vmem>> -> memref<64x64xi32, #tpu.memory_space<vmem>>
        %parallel_loop3A_1665 = arith.index_cast %parallel_loop3A_1598 : i32 to index
        %parallel_loop3A_1666 = arith.constant 48 : index
        %parallel_loop3A_1667 = tpu.vector_load %parallel_loop3A_1664[%parallel_loop3A_1665, %parallel_loop3A_1666] {strides = array<i32>} : memref<64x64xi32, #tpu.memory_space<vmem>>, vector<16xi32>,
        %parallel_loop3A_1668 = vector.bitcast %parallel_loop3A_1667 : vector<16xi32> to vector<32xbf16>
        %parallel_loop3A_1669 = arith.constant 0 : i32
        %parallel_loop3A_1670 = arith.constant 0 : i32
        %parallel_loop3A_1671 = tpu.memref_slice %arg10[%parallel_loop3A_265, %parallel_loop3A_1669, %parallel_loop3A_1670] : memref<2x128x64xi32, #tpu.memory_space<vmem>> -> memref<1x64x64xi32, #tpu.memory_space<vmem>>
        %parallel_loop3A_1672 = tpu.memref_squeeze %parallel_loop3A_1671 : memref<1x64x64xi32, #tpu.memory_space<vmem>> -> memref<64x64xi32, #tpu.memory_space<vmem>>
        %parallel_loop3A_1673 = arith.index_cast %parallel_loop3A_1598 : i32 to index
        %parallel_loop3A_1674 = arith.constant 48 : index
        %parallel_loop3A_1675 = tpu.vector_load %parallel_loop3A_1672[%parallel_loop3A_1673, %parallel_loop3A_1674] {strides = array<i32>} : memref<64x64xi32, #tpu.memory_space<vmem>>, vector<16xi32>,
        %parallel_loop3A_1676 = vector.bitcast %parallel_loop3A_1675 : vector<16xi32> to vector<32xbf16>
        %parallel_loop3A_1677 = arith.mulf %parallel_loop3A_1668, %parallel_loop3A_1676 : vector<32xbf16>
        %parallel_loop3A_1678 = tpu.unpack_subelements %parallel_loop3A_1677, 0 {pack_format = #tpu.pack_format<interleaved>} : vector<32xbf16> -> vector<16xf32>
        %parallel_loop3A_1679 = tpu.unpack_subelements %parallel_loop3A_1677, 1 {pack_format = #tpu.pack_format<interleaved>} : vector<32xbf16> -> vector<16xf32>
        %parallel_loop3A_1680 = arith.addf %parallel_loop3A_1660, %parallel_loop3A_1678 : vector<16xf32>
        %parallel_loop3A_1681 = arith.addf %parallel_loop3A_1680, %parallel_loop3A_1679 : vector<16xf32>
        %parallel_loop3A_1682 = arith.index_cast %parallel_loop3A_1598 : i32 to index
        %parallel_loop3A_1683 = arith.constant 0 : index
        %parallel_loop3A_1684 = tpu.vector_load %arg11[%parallel_loop3A_1682, %parallel_loop3A_1683] {strides = array<i32>} : memref<128x16xf32, #tpu.memory_space<vmem>>, vector<16xf32>,
        tpu.vector_store %arg11[%parallel_loop3A_1682, %parallel_loop3A_1683], %parallel_loop3A_1681 {strides = array<i32>} : memref<128x16xf32, #tpu.memory_space<vmem>>, vector<16xf32>,
      } {sc.loop_unroll_factor = 8 : i64, sc.parallel_access}
      %add3A_266 = arith.constant 0 : i32
      %add3A_267 = vector.broadcast %add3A_266 : i32 to vector<16xi32>
      %add3A_268 = arith.addi %add3A_267, %iota3A : vector<16xi32>
      %broadcast_in_dim3A_269 = arith.constant 0 : i32
      %broadcast_in_dim3A_270 = vector.broadcast %broadcast_in_dim3A_269 : i32 to vector<16xi32>
      %gather3A_271 = tpu.vector_load_idx %arg11[%add3A_268, %broadcast_in_dim3A_270] : memref<128x16xf32, #tpu.memory_space<vmem>>[vector<16xi32>, vector<16xi32>], vector<16xf32>,
      %broadcast_in_dim3A_272 = arith.constant 1 : i32
      %broadcast_in_dim3A_273 = vector.broadcast %broadcast_in_dim3A_272 : i32 to vector<16xi32>
      %gather3A_274 = tpu.vector_load_idx %arg11[%add3A_268, %broadcast_in_dim3A_273] : memref<128x16xf32, #tpu.memory_space<vmem>>[vector<16xi32>, vector<16xi32>], vector<16xf32>,
      %add3A_275 = arith.addf %gather3A_271, %gather3A_274 : vector<16xf32>
      %broadcast_in_dim3A_276 = arith.constant 2 : i32
      %broadcast_in_dim3A_277 = vector.broadcast %broadcast_in_dim3A_276 : i32 to vector<16xi32>
      %gather3A_278 = tpu.vector_load_idx %arg11[%add3A_268, %broadcast_in_dim3A_277] : memref<128x16xf32, #tpu.memory_space<vmem>>[vector<16xi32>, vector<16xi32>], vector<16xf32>,
      %add3A_279 = arith.addf %add3A_275, %gather3A_278 : vector<16xf32>
      %broadcast_in_dim3A_280 = arith.constant 3 : i32
      %broadcast_in_dim3A_281 = vector.broadcast %broadcast_in_dim3A_280 : i32 to vector<16xi32>
      %gather3A_282 = tpu.vector_load_idx %arg11[%add3A_268, %broadcast_in_dim3A_281] : memref<128x16xf32, #tpu.memory_space<vmem>>[vector<16xi32>, vector<16xi32>], vector<16xf32>,
      %add3A_283 = arith.addf %add3A_279, %gather3A_282 : vector<16xf32>
      %broadcast_in_dim3A_284 = arith.constant 4 : i32
      %broadcast_in_dim3A_285 = vector.broadcast %broadcast_in_dim3A_284 : i32 to vector<16xi32>
      %gather3A_286 = tpu.vector_load_idx %arg11[%add3A_268, %broadcast_in_dim3A_285] : memref<128x16xf32, #tpu.memory_space<vmem>>[vector<16xi32>, vector<16xi32>], vector<16xf32>,
      %add3A_287 = arith.addf %add3A_283, %gather3A_286 : vector<16xf32>
      %broadcast_in_dim3A_288 = arith.constant 5 : i32
      %broadcast_in_dim3A_289 = vector.broadcast %broadcast_in_dim3A_288 : i32 to vector<16xi32>
      %gather3A_290 = tpu.vector_load_idx %arg11[%add3A_268, %broadcast_in_dim3A_289] : memref<128x16xf32, #tpu.memory_space<vmem>>[vector<16xi32>, vector<16xi32>], vector<16xf32>,
      %add3A_291 = arith.addf %add3A_287, %gather3A_290 : vector<16xf32>
      %broadcast_in_dim3A_292 = arith.constant 6 : i32
      %broadcast_in_dim3A_293 = vector.broadcast %broadcast_in_dim3A_292 : i32 to vector<16xi32>
      %gather3A_294 = tpu.vector_load_idx %arg11[%add3A_268, %broadcast_in_dim3A_293] : memref<128x16xf32, #tpu.memory_space<vmem>>[vector<16xi32>, vector<16xi32>], vector<16xf32>,
      %add3A_295 = arith.addf %add3A_291, %gather3A_294 : vector<16xf32>
      %broadcast_in_dim3A_296 = arith.constant 7 : i32
      %broadcast_in_dim3A_297 = vector.broadcast %broadcast_in_dim3A_296 : i32 to vector<16xi32>
      %gather3A_298 = tpu.vector_load_idx %arg11[%add3A_268, %broadcast_in_dim3A_297] : memref<128x16xf32, #tpu.memory_space<vmem>>[vector<16xi32>, vector<16xi32>], vector<16xf32>,
      %add3A_299 = arith.addf %add3A_295, %gather3A_298 : vector<16xf32>
      %broadcast_in_dim3A_300 = arith.constant 8 : i32
      %broadcast_in_dim3A_301 = vector.broadcast %broadcast_in_dim3A_300 : i32 to vector<16xi32>
      %gather3A_302 = tpu.vector_load_idx %arg11[%add3A_268, %broadcast_in_dim3A_301] : memref<128x16xf32, #tpu.memory_space<vmem>>[vector<16xi32>, vector<16xi32>], vector<16xf32>,
      %add3A_303 = arith.addf %add3A_299, %gather3A_302 : vector<16xf32>
      %broadcast_in_dim3A_304 = arith.constant 9 : i32
      %broadcast_in_dim3A_305 = vector.broadcast %broadcast_in_dim3A_304 : i32 to vector<16xi32>
      %gather3A_306 = tpu.vector_load_idx %arg11[%add3A_268, %broadcast_in_dim3A_305] : memref<128x16xf32, #tpu.memory_space<vmem>>[vector<16xi32>, vector<16xi32>], vector<16xf32>,
      %add3A_307 = arith.addf %add3A_303, %gather3A_306 : vector<16xf32>
      %broadcast_in_dim3A_308 = arith.constant 10 : i32
      %broadcast_in_dim3A_309 = vector.broadcast %broadcast_in_dim3A_308 : i32 to vector<16xi32>
      %gather3A_310 = tpu.vector_load_idx %arg11[%add3A_268, %broadcast_in_dim3A_309] : memref<128x16xf32, #tpu.memory_space<vmem>>[vector<16xi32>, vector<16xi32>], vector<16xf32>,
      %add3A_311 = arith.addf %add3A_307, %gather3A_310 : vector<16xf32>
      %broadcast_in_dim3A_312 = arith.constant 11 : i32
      %broadcast_in_dim3A_313 = vector.broadcast %broadcast_in_dim3A_312 : i32 to vector<16xi32>
      %gather3A_314 = tpu.vector_load_idx %arg11[%add3A_268, %broadcast_in_dim3A_313] : memref<128x16xf32, #tpu.memory_space<vmem>>[vector<16xi32>, vector<16xi32>], vector<16xf32>,
      %add3A_315 = arith.addf %add3A_311, %gather3A_314 : vector<16xf32>
      %broadcast_in_dim3A_316 = arith.constant 12 : i32
      %broadcast_in_dim3A_317 = vector.broadcast %broadcast_in_dim3A_316 : i32 to vector<16xi32>
      %gather3A_318 = tpu.vector_load_idx %arg11[%add3A_268, %broadcast_in_dim3A_317] : memref<128x16xf32, #tpu.memory_space<vmem>>[vector<16xi32>, vector<16xi32>], vector<16xf32>,
      %add3A_319 = arith.addf %add3A_315, %gather3A_318 : vector<16xf32>
      %broadcast_in_dim3A_320 = arith.constant 13 : i32
      %broadcast_in_dim3A_321 = vector.broadcast %broadcast_in_dim3A_320 : i32 to vector<16xi32>
      %gather3A_322 = tpu.vector_load_idx %arg11[%add3A_268, %broadcast_in_dim3A_321] : memref<128x16xf32, #tpu.memory_space<vmem>>[vector<16xi32>, vector<16xi32>], vector<16xf32>,
      %add3A_323 = arith.addf %add3A_319, %gather3A_322 : vector<16xf32>
      %broadcast_in_dim3A_324 = arith.constant 14 : i32
      %broadcast_in_dim3A_325 = vector.broadcast %broadcast_in_dim3A_324 : i32 to vector<16xi32>
      %gather3A_326 = tpu.vector_load_idx %arg11[%add3A_268, %broadcast_in_dim3A_325] : memref<128x16xf32, #tpu.memory_space<vmem>>[vector<16xi32>, vector<16xi32>], vector<16xf32>,
      %add3A_327 = arith.addf %add3A_323, %gather3A_326 : vector<16xf32>
      %broadcast_in_dim3A_328 = arith.constant 15 : i32
      %broadcast_in_dim3A_329 = vector.broadcast %broadcast_in_dim3A_328 : i32 to vector<16xi32>
      %gather3A_330 = tpu.vector_load_idx %arg11[%add3A_268, %broadcast_in_dim3A_329] : memref<128x16xf32, #tpu.memory_space<vmem>>[vector<16xi32>, vector<16xi32>], vector<16xf32>,
      %add3A_331 = arith.addf %add3A_327, %gather3A_330 : vector<16xf32>
      %mul3A_332 = arith.constant 7.812500e-03 : f32
      %mul3A_333 = vector.broadcast %mul3A_332 : f32 to vector<16xf32>
      %mul3A_334 = arith.mulf %add3A_331, %mul3A_333 : vector<16xf32>
      %swap3A_335 = arith.constant 0 : i32
      %swap3A_336 = arith.constant 0 : i32
      %swap3A_337 = tpu.memref_slice %arg12[%swap3A_335, %swap3A_336] : memref<2x128xf32, #tpu.memory_space<vmem>> -> memref<1x64xf32, #tpu.memory_space<vmem>>
      %swap3A_338 = tpu.memref_squeeze %swap3A_337 : memref<1x64xf32, #tpu.memory_space<vmem>> -> memref<64xf32, #tpu.memory_space<vmem>>
      %swap3A_339 = arith.constant 0 : index
      %swap3A_340 = tpu.vector_load %swap3A_338[%swap3A_339] {strides = array<i32>} : memref<64xf32, #tpu.memory_space<vmem>>, vector<16xf32>,
      tpu.vector_store %swap3A_338[%swap3A_339], %mul3A_334 {strides = array<i32>} : memref<64xf32, #tpu.memory_space<vmem>>, vector<16xf32>,
      %add3A_341 = arith.constant 16 : i32
      %add3A_342 = vector.broadcast %add3A_341 : i32 to vector<16xi32>
      %add3A_343 = arith.addi %add3A_342, %iota3A : vector<16xi32>
      %broadcast_in_dim3A_344 = arith.constant 0 : i32
      %broadcast_in_dim3A_345 = vector.broadcast %broadcast_in_dim3A_344 : i32 to vector<16xi32>
      %gather3A_346 = tpu.vector_load_idx %arg11[%add3A_343, %broadcast_in_dim3A_345] : memref<128x16xf32, #tpu.memory_space<vmem>>[vector<16xi32>, vector<16xi32>], vector<16xf32>,
      %broadcast_in_dim3A_347 = arith.constant 1 : i32
      %broadcast_in_dim3A_348 = vector.broadcast %broadcast_in_dim3A_347 : i32 to vector<16xi32>
      %gather3A_349 = tpu.vector_load_idx %arg11[%add3A_343, %broadcast_in_dim3A_348] : memref<128x16xf32, #tpu.memory_space<vmem>>[vector<16xi32>, vector<16xi32>], vector<16xf32>,
      %add3A_350 = arith.addf %gather3A_346, %gather3A_349 : vector<16xf32>
      %broadcast_in_dim3A_351 = arith.constant 2 : i32
      %broadcast_in_dim3A_352 = vector.broadcast %broadcast_in_dim3A_351 : i32 to vector<16xi32>
      %gather3A_353 = tpu.vector_load_idx %arg11[%add3A_343, %broadcast_in_dim3A_352] : memref<128x16xf32, #tpu.memory_space<vmem>>[vector<16xi32>, vector<16xi32>], vector<16xf32>,
      %add3A_354 = arith.addf %add3A_350, %gather3A_353 : vector<16xf32>
      %broadcast_in_dim3A_355 = arith.constant 3 : i32
      %broadcast_in_dim3A_356 = vector.broadcast %broadcast_in_dim3A_355 : i32 to vector<16xi32>
      %gather3A_357 = tpu.vector_load_idx %arg11[%add3A_343, %broadcast_in_dim3A_356] : memref<128x16xf32, #tpu.memory_space<vmem>>[vector<16xi32>, vector<16xi32>], vector<16xf32>,
      %add3A_358 = arith.addf %add3A_354, %gather3A_357 : vector<16xf32>
      %broadcast_in_dim3A_359 = arith.constant 4 : i32
      %broadcast_in_dim3A_360 = vector.broadcast %broadcast_in_dim3A_359 : i32 to vector<16xi32>
      %gather3A_361 = tpu.vector_load_idx %arg11[%add3A_343, %broadcast_in_dim3A_360] : memref<128x16xf32, #tpu.memory_space<vmem>>[vector<16xi32>, vector<16xi32>], vector<16xf32>,
      %add3A_362 = arith.addf %add3A_358, %gather3A_361 : vector<16xf32>
      %broadcast_in_dim3A_363 = arith.constant 5 : i32
      %broadcast_in_dim3A_364 = vector.broadcast %broadcast_in_dim3A_363 : i32 to vector<16xi32>
      %gather3A_365 = tpu.vector_load_idx %arg11[%add3A_343, %broadcast_in_dim3A_364] : memref<128x16xf32, #tpu.memory_space<vmem>>[vector<16xi32>, vector<16xi32>], vector<16xf32>,
      %add3A_366 = arith.addf %add3A_362, %gather3A_365 : vector<16xf32>
      %broadcast_in_dim3A_367 = arith.constant 6 : i32
      %broadcast_in_dim3A_368 = vector.broadcast %broadcast_in_dim3A_367 : i32 to vector<16xi32>
      %gather3A_369 = tpu.vector_load_idx %arg11[%add3A_343, %broadcast_in_dim3A_368] : memref<128x16xf32, #tpu.memory_space<vmem>>[vector<16xi32>, vector<16xi32>], vector<16xf32>,
      %add3A_370 = arith.addf %add3A_366, %gather3A_369 : vector<16xf32>
      %broadcast_in_dim3A_371 = arith.constant 7 : i32
      %broadcast_in_dim3A_372 = vector.broadcast %broadcast_in_dim3A_371 : i32 to vector<16xi32>
      %gather3A_373 = tpu.vector_load_idx %arg11[%add3A_343, %broadcast_in_dim3A_372] : memref<128x16xf32, #tpu.memory_space<vmem>>[vector<16xi32>, vector<16xi32>], vector<16xf32>,
      %add3A_374 = arith.addf %add3A_370, %gather3A_373 : vector<16xf32>
      %broadcast_in_dim3A_375 = arith.constant 8 : i32
      %broadcast_in_dim3A_376 = vector.broadcast %broadcast_in_dim3A_375 : i32 to vector<16xi32>
      %gather3A_377 = tpu.vector_load_idx %arg11[%add3A_343, %broadcast_in_dim3A_376] : memref<128x16xf32, #tpu.memory_space<vmem>>[vector<16xi32>, vector<16xi32>], vector<16xf32>,
      %add3A_378 = arith.addf %add3A_374, %gather3A_377 : vector<16xf32>
      %broadcast_in_dim3A_379 = arith.constant 9 : i32
      %broadcast_in_dim3A_380 = vector.broadcast %broadcast_in_dim3A_379 : i32 to vector<16xi32>
      %gather3A_381 = tpu.vector_load_idx %arg11[%add3A_343, %broadcast_in_dim3A_380] : memref<128x16xf32, #tpu.memory_space<vmem>>[vector<16xi32>, vector<16xi32>], vector<16xf32>,
      %add3A_382 = arith.addf %add3A_378, %gather3A_381 : vector<16xf32>
      %broadcast_in_dim3A_383 = arith.constant 10 : i32
      %broadcast_in_dim3A_384 = vector.broadcast %broadcast_in_dim3A_383 : i32 to vector<16xi32>
      %gather3A_385 = tpu.vector_load_idx %arg11[%add3A_343, %broadcast_in_dim3A_384] : memref<128x16xf32, #tpu.memory_space<vmem>>[vector<16xi32>, vector<16xi32>], vector<16xf32>,
      %add3A_386 = arith.addf %add3A_382, %gather3A_385 : vector<16xf32>
      %broadcast_in_dim3A_387 = arith.constant 11 : i32
      %broadcast_in_dim3A_388 = vector.broadcast %broadcast_in_dim3A_387 : i32 to vector<16xi32>
      %gather3A_389 = tpu.vector_load_idx %arg11[%add3A_343, %broadcast_in_dim3A_388] : memref<128x16xf32, #tpu.memory_space<vmem>>[vector<16xi32>, vector<16xi32>], vector<16xf32>,
      %add3A_390 = arith.addf %add3A_386, %gather3A_389 : vector<16xf32>
      %broadcast_in_dim3A_391 = arith.constant 12 : i32
      %broadcast_in_dim3A_392 = vector.broadcast %broadcast_in_dim3A_391 : i32 to vector<16xi32>
      %gather3A_393 = tpu.vector_load_idx %arg11[%add3A_343, %broadcast_in_dim3A_392] : memref<128x16xf32, #tpu.memory_space<vmem>>[vector<16xi32>, vector<16xi32>], vector<16xf32>,
      %add3A_394 = arith.addf %add3A_390, %gather3A_393 : vector<16xf32>
      %broadcast_in_dim3A_395 = arith.constant 13 : i32
      %broadcast_in_dim3A_396 = vector.broadcast %broadcast_in_dim3A_395 : i32 to vector<16xi32>
      %gather3A_397 = tpu.vector_load_idx %arg11[%add3A_343, %broadcast_in_dim3A_396] : memref<128x16xf32, #tpu.memory_space<vmem>>[vector<16xi32>, vector<16xi32>], vector<16xf32>,
      %add3A_398 = arith.addf %add3A_394, %gather3A_397 : vector<16xf32>
      %broadcast_in_dim3A_399 = arith.constant 14 : i32
      %broadcast_in_dim3A_400 = vector.broadcast %broadcast_in_dim3A_399 : i32 to vector<16xi32>
      %gather3A_401 = tpu.vector_load_idx %arg11[%add3A_343, %broadcast_in_dim3A_400] : memref<128x16xf32, #tpu.memory_space<vmem>>[vector<16xi32>, vector<16xi32>], vector<16xf32>,
      %add3A_402 = arith.addf %add3A_398, %gather3A_401 : vector<16xf32>
      %broadcast_in_dim3A_403 = arith.constant 15 : i32
      %broadcast_in_dim3A_404 = vector.broadcast %broadcast_in_dim3A_403 : i32 to vector<16xi32>
      %gather3A_405 = tpu.vector_load_idx %arg11[%add3A_343, %broadcast_in_dim3A_404] : memref<128x16xf32, #tpu.memory_space<vmem>>[vector<16xi32>, vector<16xi32>], vector<16xf32>,
      %add3A_406 = arith.addf %add3A_402, %gather3A_405 : vector<16xf32>
      %mul3A_407 = arith.constant 7.812500e-03 : f32
      %mul3A_408 = vector.broadcast %mul3A_407 : f32 to vector<16xf32>
      %mul3A_409 = arith.mulf %add3A_406, %mul3A_408 : vector<16xf32>
      %swap3A_410 = arith.constant 0 : i32
      %swap3A_411 = arith.constant 0 : i32
      %swap3A_412 = tpu.memref_slice %arg12[%swap3A_410, %swap3A_411] : memref<2x128xf32, #tpu.memory_space<vmem>> -> memref<1x64xf32, #tpu.memory_space<vmem>>
      %swap3A_413 = tpu.memref_squeeze %swap3A_412 : memref<1x64xf32, #tpu.memory_space<vmem>> -> memref<64xf32, #tpu.memory_space<vmem>>
      %swap3A_414 = arith.constant 16 : index
      %swap3A_415 = tpu.vector_load %swap3A_413[%swap3A_414] {strides = array<i32>} : memref<64xf32, #tpu.memory_space<vmem>>, vector<16xf32>,
      tpu.vector_store %swap3A_413[%swap3A_414], %mul3A_409 {strides = array<i32>} : memref<64xf32, #tpu.memory_space<vmem>>, vector<16xf32>,
      %add3A_416 = arith.constant 32 : i32
      %add3A_417 = vector.broadcast %add3A_416 : i32 to vector<16xi32>
      %add3A_418 = arith.addi %add3A_417, %iota3A : vector<16xi32>
      %broadcast_in_dim3A_419 = arith.constant 0 : i32
      %broadcast_in_dim3A_420 = vector.broadcast %broadcast_in_dim3A_419 : i32 to vector<16xi32>
      %gather3A_421 = tpu.vector_load_idx %arg11[%add3A_418, %broadcast_in_dim3A_420] : memref<128x16xf32, #tpu.memory_space<vmem>>[vector<16xi32>, vector<16xi32>], vector<16xf32>,
      %broadcast_in_dim3A_422 = arith.constant 1 : i32
      %broadcast_in_dim3A_423 = vector.broadcast %broadcast_in_dim3A_422 : i32 to vector<16xi32>
      %gather3A_424 = tpu.vector_load_idx %arg11[%add3A_418, %broadcast_in_dim3A_423] : memref<128x16xf32, #tpu.memory_space<vmem>>[vector<16xi32>, vector<16xi32>], vector<16xf32>,
      %add3A_425 = arith.addf %gather3A_421, %gather3A_424 : vector<16xf32>
      %broadcast_in_dim3A_426 = arith.constant 2 : i32
      %broadcast_in_dim3A_427 = vector.broadcast %broadcast_in_dim3A_426 : i32 to vector<16xi32>
      %gather3A_428 = tpu.vector_load_idx %arg11[%add3A_418, %broadcast_in_dim3A_427] : memref<128x16xf32, #tpu.memory_space<vmem>>[vector<16xi32>, vector<16xi32>], vector<16xf32>,
      %add3A_429 = arith.addf %add3A_425, %gather3A_428 : vector<16xf32>
      %broadcast_in_dim3A_430 = arith.constant 3 : i32
      %broadcast_in_dim3A_431 = vector.broadcast %broadcast_in_dim3A_430 : i32 to vector<16xi32>
      %gather3A_432 = tpu.vector_load_idx %arg11[%add3A_418, %broadcast_in_dim3A_431] : memref<128x16xf32, #tpu.memory_space<vmem>>[vector<16xi32>, vector<16xi32>], vector<16xf32>,
      %add3A_433 = arith.addf %add3A_429, %gather3A_432 : vector<16xf32>
      %broadcast_in_dim3A_434 = arith.constant 4 : i32
      %broadcast_in_dim3A_435 = vector.broadcast %broadcast_in_dim3A_434 : i32 to vector<16xi32>
      %gather3A_436 = tpu.vector_load_idx %arg11[%add3A_418, %broadcast_in_dim3A_435] : memref<128x16xf32, #tpu.memory_space<vmem>>[vector<16xi32>, vector<16xi32>], vector<16xf32>,
      %add3A_437 = arith.addf %add3A_433, %gather3A_436 : vector<16xf32>
      %broadcast_in_dim3A_438 = arith.constant 5 : i32
      %broadcast_in_dim3A_439 = vector.broadcast %broadcast_in_dim3A_438 : i32 to vector<16xi32>
      %gather3A_440 = tpu.vector_load_idx %arg11[%add3A_418, %broadcast_in_dim3A_439] : memref<128x16xf32, #tpu.memory_space<vmem>>[vector<16xi32>, vector<16xi32>], vector<16xf32>,
      %add3A_441 = arith.addf %add3A_437, %gather3A_440 : vector<16xf32>
      %broadcast_in_dim3A_442 = arith.constant 6 : i32
      %broadcast_in_dim3A_443 = vector.broadcast %broadcast_in_dim3A_442 : i32 to vector<16xi32>
      %gather3A_444 = tpu.vector_load_idx %arg11[%add3A_418, %broadcast_in_dim3A_443] : memref<128x16xf32, #tpu.memory_space<vmem>>[vector<16xi32>, vector<16xi32>], vector<16xf32>,
      %add3A_445 = arith.addf %add3A_441, %gather3A_444 : vector<16xf32>
      %broadcast_in_dim3A_446 = arith.constant 7 : i32
      %broadcast_in_dim3A_447 = vector.broadcast %broadcast_in_dim3A_446 : i32 to vector<16xi32>
      %gather3A_448 = tpu.vector_load_idx %arg11[%add3A_418, %broadcast_in_dim3A_447] : memref<128x16xf32, #tpu.memory_space<vmem>>[vector<16xi32>, vector<16xi32>], vector<16xf32>,
      %add3A_449 = arith.addf %add3A_445, %gather3A_448 : vector<16xf32>
      %broadcast_in_dim3A_450 = arith.constant 8 : i32
      %broadcast_in_dim3A_451 = vector.broadcast %broadcast_in_dim3A_450 : i32 to vector<16xi32>
      %gather3A_452 = tpu.vector_load_idx %arg11[%add3A_418, %broadcast_in_dim3A_451] : memref<128x16xf32, #tpu.memory_space<vmem>>[vector<16xi32>, vector<16xi32>], vector<16xf32>,
      %add3A_453 = arith.addf %add3A_449, %gather3A_452 : vector<16xf32>
      %broadcast_in_dim3A_454 = arith.constant 9 : i32
      %broadcast_in_dim3A_455 = vector.broadcast %broadcast_in_dim3A_454 : i32 to vector<16xi32>
      %gather3A_456 = tpu.vector_load_idx %arg11[%add3A_418, %broadcast_in_dim3A_455] : memref<128x16xf32, #tpu.memory_space<vmem>>[vector<16xi32>, vector<16xi32>], vector<16xf32>,
      %add3A_457 = arith.addf %add3A_453, %gather3A_456 : vector<16xf32>
      %broadcast_in_dim3A_458 = arith.constant 10 : i32
      %broadcast_in_dim3A_459 = vector.broadcast %broadcast_in_dim3A_458 : i32 to vector<16xi32>
      %gather3A_460 = tpu.vector_load_idx %arg11[%add3A_418, %broadcast_in_dim3A_459] : memref<128x16xf32, #tpu.memory_space<vmem>>[vector<16xi32>, vector<16xi32>], vector<16xf32>,
      %add3A_461 = arith.addf %add3A_457, %gather3A_460 : vector<16xf32>
      %broadcast_in_dim3A_462 = arith.constant 11 : i32
      %broadcast_in_dim3A_463 = vector.broadcast %broadcast_in_dim3A_462 : i32 to vector<16xi32>
      %gather3A_464 = tpu.vector_load_idx %arg11[%add3A_418, %broadcast_in_dim3A_463] : memref<128x16xf32, #tpu.memory_space<vmem>>[vector<16xi32>, vector<16xi32>], vector<16xf32>,
      %add3A_465 = arith.addf %add3A_461, %gather3A_464 : vector<16xf32>
      %broadcast_in_dim3A_466 = arith.constant 12 : i32
      %broadcast_in_dim3A_467 = vector.broadcast %broadcast_in_dim3A_466 : i32 to vector<16xi32>
      %gather3A_468 = tpu.vector_load_idx %arg11[%add3A_418, %broadcast_in_dim3A_467] : memref<128x16xf32, #tpu.memory_space<vmem>>[vector<16xi32>, vector<16xi32>], vector<16xf32>,
      %add3A_469 = arith.addf %add3A_465, %gather3A_468 : vector<16xf32>
      %broadcast_in_dim3A_470 = arith.constant 13 : i32
      %broadcast_in_dim3A_471 = vector.broadcast %broadcast_in_dim3A_470 : i32 to vector<16xi32>
      %gather3A_472 = tpu.vector_load_idx %arg11[%add3A_418, %broadcast_in_dim3A_471] : memref<128x16xf32, #tpu.memory_space<vmem>>[vector<16xi32>, vector<16xi32>], vector<16xf32>,
      %add3A_473 = arith.addf %add3A_469, %gather3A_472 : vector<16xf32>
      %broadcast_in_dim3A_474 = arith.constant 14 : i32
      %broadcast_in_dim3A_475 = vector.broadcast %broadcast_in_dim3A_474 : i32 to vector<16xi32>
      %gather3A_476 = tpu.vector_load_idx %arg11[%add3A_418, %broadcast_in_dim3A_475] : memref<128x16xf32, #tpu.memory_space<vmem>>[vector<16xi32>, vector<16xi32>], vector<16xf32>,
      %add3A_477 = arith.addf %add3A_473, %gather3A_476 : vector<16xf32>
      %broadcast_in_dim3A_478 = arith.constant 15 : i32
      %broadcast_in_dim3A_479 = vector.broadcast %broadcast_in_dim3A_478 : i32 to vector<16xi32>
      %gather3A_480 = tpu.vector_load_idx %arg11[%add3A_418, %broadcast_in_dim3A_479] : memref<128x16xf32, #tpu.memory_space<vmem>>[vector<16xi32>, vector<16xi32>], vector<16xf32>,
      %add3A_481 = arith.addf %add3A_477, %gather3A_480 : vector<16xf32>
      %mul3A_482 = arith.constant 7.812500e-03 : f32
      %mul3A_483 = vector.broadcast %mul3A_482 : f32 to vector<16xf32>
      %mul3A_484 = arith.mulf %add3A_481, %mul3A_483 : vector<16xf32>
      %swap3A_485 = arith.constant 0 : i32
      %swap3A_486 = arith.constant 0 : i32
      %swap3A_487 = tpu.memref_slice %arg12[%swap3A_485, %swap3A_486] : memref<2x128xf32, #tpu.memory_space<vmem>> -> memref<1x64xf32, #tpu.memory_space<vmem>>
      %swap3A_488 = tpu.memref_squeeze %swap3A_487 : memref<1x64xf32, #tpu.memory_space<vmem>> -> memref<64xf32, #tpu.memory_space<vmem>>
      %swap3A_489 = arith.constant 32 : index
      %swap3A_490 = tpu.vector_load %swap3A_488[%swap3A_489] {strides = array<i32>} : memref<64xf32, #tpu.memory_space<vmem>>, vector<16xf32>,
      tpu.vector_store %swap3A_488[%swap3A_489], %mul3A_484 {strides = array<i32>} : memref<64xf32, #tpu.memory_space<vmem>>, vector<16xf32>,
      %add3A_491 = arith.constant 48 : i32
      %add3A_492 = vector.broadcast %add3A_491 : i32 to vector<16xi32>
      %add3A_493 = arith.addi %add3A_492, %iota3A : vector<16xi32>
      %broadcast_in_dim3A_494 = arith.constant 0 : i32
      %broadcast_in_dim3A_495 = vector.broadcast %broadcast_in_dim3A_494 : i32 to vector<16xi32>
      %gather3A_496 = tpu.vector_load_idx %arg11[%add3A_493, %broadcast_in_dim3A_495] : memref<128x16xf32, #tpu.memory_space<vmem>>[vector<16xi32>, vector<16xi32>], vector<16xf32>,
      %broadcast_in_dim3A_497 = arith.constant 1 : i32
      %broadcast_in_dim3A_498 = vector.broadcast %broadcast_in_dim3A_497 : i32 to vector<16xi32>
      %gather3A_499 = tpu.vector_load_idx %arg11[%add3A_493, %broadcast_in_dim3A_498] : memref<128x16xf32, #tpu.memory_space<vmem>>[vector<16xi32>, vector<16xi32>], vector<16xf32>,
      %add3A_500 = arith.addf %gather3A_496, %gather3A_499 : vector<16xf32>
      %broadcast_in_dim3A_501 = arith.constant 2 : i32
      %broadcast_in_dim3A_502 = vector.broadcast %broadcast_in_dim3A_501 : i32 to vector<16xi32>
      %gather3A_503 = tpu.vector_load_idx %arg11[%add3A_493, %broadcast_in_dim3A_502] : memref<128x16xf32, #tpu.memory_space<vmem>>[vector<16xi32>, vector<16xi32>], vector<16xf32>,
      %add3A_504 = arith.addf %add3A_500, %gather3A_503 : vector<16xf32>
      %broadcast_in_dim3A_505 = arith.constant 3 : i32
      %broadcast_in_dim3A_506 = vector.broadcast %broadcast_in_dim3A_505 : i32 to vector<16xi32>
      %gather3A_507 = tpu.vector_load_idx %arg11[%add3A_493, %broadcast_in_dim3A_506] : memref<128x16xf32, #tpu.memory_space<vmem>>[vector<16xi32>, vector<16xi32>], vector<16xf32>,
      %add3A_508 = arith.addf %add3A_504, %gather3A_507 : vector<16xf32>
      %broadcast_in_dim3A_509 = arith.constant 4 : i32
      %broadcast_in_dim3A_510 = vector.broadcast %broadcast_in_dim3A_509 : i32 to vector<16xi32>
      %gather3A_511 = tpu.vector_load_idx %arg11[%add3A_493, %broadcast_in_dim3A_510] : memref<128x16xf32, #tpu.memory_space<vmem>>[vector<16xi32>, vector<16xi32>], vector<16xf32>,
      %add3A_512 = arith.addf %add3A_508, %gather3A_511 : vector<16xf32>
      %broadcast_in_dim3A_513 = arith.constant 5 : i32
      %broadcast_in_dim3A_514 = vector.broadcast %broadcast_in_dim3A_513 : i32 to vector<16xi32>
      %gather3A_515 = tpu.vector_load_idx %arg11[%add3A_493, %broadcast_in_dim3A_514] : memref<128x16xf32, #tpu.memory_space<vmem>>[vector<16xi32>, vector<16xi32>], vector<16xf32>,
      %add3A_516 = arith.addf %add3A_512, %gather3A_515 : vector<16xf32>
      %broadcast_in_dim3A_517 = arith.constant 6 : i32
      %broadcast_in_dim3A_518 = vector.broadcast %broadcast_in_dim3A_517 : i32 to vector<16xi32>
      %gather3A_519 = tpu.vector_load_idx %arg11[%add3A_493, %broadcast_in_dim3A_518] : memref<128x16xf32, #tpu.memory_space<vmem>>[vector<16xi32>, vector<16xi32>], vector<16xf32>,
      %add3A_520 = arith.addf %add3A_516, %gather3A_519 : vector<16xf32>
      %broadcast_in_dim3A_521 = arith.constant 7 : i32
      %broadcast_in_dim3A_522 = vector.broadcast %broadcast_in_dim3A_521 : i32 to vector<16xi32>
      %gather3A_523 = tpu.vector_load_idx %arg11[%add3A_493, %broadcast_in_dim3A_522] : memref<128x16xf32, #tpu.memory_space<vmem>>[vector<16xi32>, vector<16xi32>], vector<16xf32>,
      %add3A_524 = arith.addf %add3A_520, %gather3A_523 : vector<16xf32>
      %broadcast_in_dim3A_525 = arith.constant 8 : i32
      %broadcast_in_dim3A_526 = vector.broadcast %broadcast_in_dim3A_525 : i32 to vector<16xi32>
      %gather3A_527 = tpu.vector_load_idx %arg11[%add3A_493, %broadcast_in_dim3A_526] : memref<128x16xf32, #tpu.memory_space<vmem>>[vector<16xi32>, vector<16xi32>], vector<16xf32>,
      %add3A_528 = arith.addf %add3A_524, %gather3A_527 : vector<16xf32>
      %broadcast_in_dim3A_529 = arith.constant 9 : i32
      %broadcast_in_dim3A_530 = vector.broadcast %broadcast_in_dim3A_529 : i32 to vector<16xi32>
      %gather3A_531 = tpu.vector_load_idx %arg11[%add3A_493, %broadcast_in_dim3A_530] : memref<128x16xf32, #tpu.memory_space<vmem>>[vector<16xi32>, vector<16xi32>], vector<16xf32>,
      %add3A_532 = arith.addf %add3A_528, %gather3A_531 : vector<16xf32>
      %broadcast_in_dim3A_533 = arith.constant 10 : i32
      %broadcast_in_dim3A_534 = vector.broadcast %broadcast_in_dim3A_533 : i32 to vector<16xi32>
      %gather3A_535 = tpu.vector_load_idx %arg11[%add3A_493, %broadcast_in_dim3A_534] : memref<128x16xf32, #tpu.memory_space<vmem>>[vector<16xi32>, vector<16xi32>], vector<16xf32>,
      %add3A_536 = arith.addf %add3A_532, %gather3A_535 : vector<16xf32>
      %broadcast_in_dim3A_537 = arith.constant 11 : i32
      %broadcast_in_dim3A_538 = vector.broadcast %broadcast_in_dim3A_537 : i32 to vector<16xi32>
      %gather3A_539 = tpu.vector_load_idx %arg11[%add3A_493, %broadcast_in_dim3A_538] : memref<128x16xf32, #tpu.memory_space<vmem>>[vector<16xi32>, vector<16xi32>], vector<16xf32>,
      %add3A_540 = arith.addf %add3A_536, %gather3A_539 : vector<16xf32>
      %broadcast_in_dim3A_541 = arith.constant 12 : i32
      %broadcast_in_dim3A_542 = vector.broadcast %broadcast_in_dim3A_541 : i32 to vector<16xi32>
      %gather3A_543 = tpu.vector_load_idx %arg11[%add3A_493, %broadcast_in_dim3A_542] : memref<128x16xf32, #tpu.memory_space<vmem>>[vector<16xi32>, vector<16xi32>], vector<16xf32>,
      %add3A_544 = arith.addf %add3A_540, %gather3A_543 : vector<16xf32>
      %broadcast_in_dim3A_545 = arith.constant 13 : i32
      %broadcast_in_dim3A_546 = vector.broadcast %broadcast_in_dim3A_545 : i32 to vector<16xi32>
      %gather3A_547 = tpu.vector_load_idx %arg11[%add3A_493, %broadcast_in_dim3A_546] : memref<128x16xf32, #tpu.memory_space<vmem>>[vector<16xi32>, vector<16xi32>], vector<16xf32>,
      %add3A_548 = arith.addf %add3A_544, %gather3A_547 : vector<16xf32>
      %broadcast_in_dim3A_549 = arith.constant 14 : i32
      %broadcast_in_dim3A_550 = vector.broadcast %broadcast_in_dim3A_549 : i32 to vector<16xi32>
      %gather3A_551 = tpu.vector_load_idx %arg11[%add3A_493, %broadcast_in_dim3A_550] : memref<128x16xf32, #tpu.memory_space<vmem>>[vector<16xi32>, vector<16xi32>], vector<16xf32>,
      %add3A_552 = arith.addf %add3A_548, %gather3A_551 : vector<16xf32>
      %broadcast_in_dim3A_553 = arith.constant 15 : i32
      %broadcast_in_dim3A_554 = vector.broadcast %broadcast_in_dim3A_553 : i32 to vector<16xi32>
      %gather3A_555 = tpu.vector_load_idx %arg11[%add3A_493, %broadcast_in_dim3A_554] : memref<128x16xf32, #tpu.memory_space<vmem>>[vector<16xi32>, vector<16xi32>], vector<16xf32>,
      %add3A_556 = arith.addf %add3A_552, %gather3A_555 : vector<16xf32>
      %mul3A_557 = arith.constant 7.812500e-03 : f32
      %mul3A_558 = vector.broadcast %mul3A_557 : f32 to vector<16xf32>
      %mul3A_559 = arith.mulf %add3A_556, %mul3A_558 : vector<16xf32>
      %swap3A_560 = arith.constant 0 : i32
      %swap3A_561 = arith.constant 0 : i32
      %swap3A_562 = tpu.memref_slice %arg12[%swap3A_560, %swap3A_561] : memref<2x128xf32, #tpu.memory_space<vmem>> -> memref<1x64xf32, #tpu.memory_space<vmem>>
      %swap3A_563 = tpu.memref_squeeze %swap3A_562 : memref<1x64xf32, #tpu.memory_space<vmem>> -> memref<64xf32, #tpu.memory_space<vmem>>
      %swap3A_564 = arith.constant 48 : index
      %swap3A_565 = tpu.vector_load %swap3A_563[%swap3A_564] {strides = array<i32>} : memref<64xf32, #tpu.memory_space<vmem>>, vector<16xf32>,
      tpu.vector_store %swap3A_563[%swap3A_564], %mul3A_559 {strides = array<i32>} : memref<64xf32, #tpu.memory_space<vmem>>, vector<16xf32>,
      %dma_wait3A_566 = arith.constant 0 : i32
      %dma_wait3A_567 = arith.constant 0 : i32
      %dma_wait3A_568 = arith.constant 0 : i32
      %dma_wait3A_569 = arith.constant 0 : i32
      %dma_wait3A_570 = tpu.memref_slice %arg9[%dma_wait3A_567, %dma_wait3A_568, %dma_wait3A_569] : memref<2x128x64xi32, #tpu.memory_space<vmem>> -> memref<1x64x64xi32, #tpu.memory_space<vmem>>
      %dma_wait3A_571 = tpu.memref_squeeze %dma_wait3A_570 : memref<1x64x64xi32, #tpu.memory_space<vmem>> -> memref<64x64xi32, #tpu.memory_space<vmem>>
      %dma_wait3A_572 = arith.constant 0 : i32
      %dma_wait3A_573 = tpu.memref_slice %arg7[%dma_wait3A_566, %dma_wait3A_572] : memref<2x128xi32, #tpu.memory_space<vmem>> -> memref<1x64xi32, #tpu.memory_space<vmem>>
      %dma_wait3A_574 = tpu.memref_squeeze %dma_wait3A_573 : memref<1x64xi32, #tpu.memory_space<vmem>> -> memref<64xi32, #tpu.memory_space<vmem>>
      %dma_wait3A_575 = arith.constant 0 : i32
      %dma_wait3A_576 = arith.constant 0 : i32
      %dma_wait3A_577 = tpu.memref_slice %arg6[%dma_wait3A_575, %dma_wait3A_576] : memref<10000x64xi32, #tpu.memory_space<vmem_shared>> -> memref<10000x64xi32, #tpu.memory_space<vmem_shared>>
      tpu.wait_indirect_dma semaphore(%arg22 : memref<!tpu.dma_semaphore, #tpu.memory_space<semaphore_mem>>) src(%dma_wait3A_577 : memref<10000x64xi32, #tpu.memory_space<vmem_shared>>) dst(%dma_wait3A_571 : memref<64x64xi32, #tpu.memory_space<vmem>>)
      %dma_wait3A_578 = arith.constant 0 : i32
      %dma_wait3A_579 = arith.constant 0 : i32
      %dma_wait3A_580 = arith.constant 0 : i32
      %dma_wait3A_581 = arith.constant 0 : i32
      %dma_wait3A_582 = tpu.memref_slice %arg10[%dma_wait3A_579, %dma_wait3A_580, %dma_wait3A_581] : memref<2x128x64xi32, #tpu.memory_space<vmem>> -> memref<1x64x64xi32, #tpu.memory_space<vmem>>
      %dma_wait3A_583 = tpu.memref_squeeze %dma_wait3A_582 : memref<1x64x64xi32, #tpu.memory_space<vmem>> -> memref<64x64xi32, #tpu.memory_space<vmem>>
      %dma_wait3A_584 = arith.constant 0 : i32
      %dma_wait3A_585 = tpu.memref_slice %arg8[%dma_wait3A_578, %dma_wait3A_584] : memref<2x128xi32, #tpu.memory_space<vmem>> -> memref<1x64xi32, #tpu.memory_space<vmem>>
      %dma_wait3A_586 = tpu.memref_squeeze %dma_wait3A_585 : memref<1x64xi32, #tpu.memory_space<vmem>> -> memref<64xi32, #tpu.memory_space<vmem>>
      %dma_wait3A_587 = arith.constant 0 : i32
      %dma_wait3A_588 = arith.constant 0 : i32
      %dma_wait3A_589 = tpu.memref_slice %arg6[%dma_wait3A_587, %dma_wait3A_588] : memref<10000x64xi32, #tpu.memory_space<vmem_shared>> -> memref<10000x64xi32, #tpu.memory_space<vmem_shared>>
      tpu.wait_indirect_dma semaphore(%arg22 : memref<!tpu.dma_semaphore, #tpu.memory_space<semaphore_mem>>) src(%dma_wait3A_589 : memref<10000x64xi32, #tpu.memory_space<vmem_shared>>) dst(%dma_wait3A_583 : memref<64x64xi32, #tpu.memory_space<vmem>>)
      %parallel_loop3A_590 = arith.constant 0 : i32
      %parallel_loop3A_591 = arith.constant 64 : i32
      %parallel_loop3A_592 = arith.constant 1 : i32
      %parallel_loop3A_593 = arith.constant 0 : i32
      %parallel_loop3A_594 = arith.constant 0 : i32
      scf.for %parallel_loop3A_1598 = %parallel_loop3A_590 to %parallel_loop3A_591 step %parallel_loop3A_592  : i32 {
        %parallel_loop3A_1599 = arith.constant 64 : i32
        %parallel_loop3A_1600 = arith.constant 0 : i32
        %parallel_loop3A_1601 = tpu.memref_slice %arg9[%parallel_loop3A_593, %parallel_loop3A_1599, %parallel_loop3A_1600] : memref<2x128x64xi32, #tpu.memory_space<vmem>> -> memref<1x64x64xi32, #tpu.memory_space<vmem>>
        %parallel_loop3A_1602 = tpu.memref_squeeze %parallel_loop3A_1601 : memref<1x64x64xi32, #tpu.memory_space<vmem>> -> memref<64x64xi32, #tpu.memory_space<vmem>>
        %parallel_loop3A_1603 = arith.index_cast %parallel_loop3A_1598 : i32 to index
        %parallel_loop3A_1604 = arith.constant 0 : index
        %parallel_loop3A_1605 = tpu.vector_load %parallel_loop3A_1602[%parallel_loop3A_1603, %parallel_loop3A_1604] {strides = array<i32>} : memref<64x64xi32, #tpu.memory_space<vmem>>, vector<16xi32>,
        %parallel_loop3A_1606 = vector.bitcast %parallel_loop3A_1605 : vector<16xi32> to vector<32xbf16>
        %parallel_loop3A_1607 = arith.constant 64 : i32
        %parallel_loop3A_1608 = arith.constant 0 : i32
        %parallel_loop3A_1609 = tpu.memref_slice %arg10[%parallel_loop3A_594, %parallel_loop3A_1607, %parallel_loop3A_1608] : memref<2x128x64xi32, #tpu.memory_space<vmem>> -> memref<1x64x64xi32, #tpu.memory_space<vmem>>
        %parallel_loop3A_1610 = tpu.memref_squeeze %parallel_loop3A_1609 : memref<1x64x64xi32, #tpu.memory_space<vmem>> -> memref<64x64xi32, #tpu.memory_space<vmem>>
        %parallel_loop3A_1611 = arith.index_cast %parallel_loop3A_1598 : i32 to index
        %parallel_loop3A_1612 = arith.constant 0 : index
        %parallel_loop3A_1613 = tpu.vector_load %parallel_loop3A_1610[%parallel_loop3A_1611, %parallel_loop3A_1612] {strides = array<i32>} : memref<64x64xi32, #tpu.memory_space<vmem>>, vector<16xi32>,
        %parallel_loop3A_1614 = vector.bitcast %parallel_loop3A_1613 : vector<16xi32> to vector<32xbf16>
        %parallel_loop3A_1615 = arith.mulf %parallel_loop3A_1606, %parallel_loop3A_1614 : vector<32xbf16>
        %parallel_loop3A_1616 = tpu.unpack_subelements %parallel_loop3A_1615, 0 {pack_format = #tpu.pack_format<interleaved>} : vector<32xbf16> -> vector<16xf32>
        %parallel_loop3A_1617 = tpu.unpack_subelements %parallel_loop3A_1615, 1 {pack_format = #tpu.pack_format<interleaved>} : vector<32xbf16> -> vector<16xf32>
        %parallel_loop3A_1618 = arith.addf %parallel_loop3A_1616, %parallel_loop3A_1617 : vector<16xf32>
        %parallel_loop3A_1619 = arith.constant 64 : i32
        %parallel_loop3A_1620 = arith.constant 0 : i32
        %parallel_loop3A_1621 = tpu.memref_slice %arg9[%parallel_loop3A_593, %parallel_loop3A_1619, %parallel_loop3A_1620] : memref<2x128x64xi32, #tpu.memory_space<vmem>> -> memref<1x64x64xi32, #tpu.memory_space<vmem>>
        %parallel_loop3A_1622 = tpu.memref_squeeze %parallel_loop3A_1621 : memref<1x64x64xi32, #tpu.memory_space<vmem>> -> memref<64x64xi32, #tpu.memory_space<vmem>>
        %parallel_loop3A_1623 = arith.index_cast %parallel_loop3A_1598 : i32 to index
        %parallel_loop3A_1624 = arith.constant 16 : index
        %parallel_loop3A_1625 = tpu.vector_load %parallel_loop3A_1622[%parallel_loop3A_1623, %parallel_loop3A_1624] {strides = array<i32>} : memref<64x64xi32, #tpu.memory_space<vmem>>, vector<16xi32>,
        %parallel_loop3A_1626 = vector.bitcast %parallel_loop3A_1625 : vector<16xi32> to vector<32xbf16>
        %parallel_loop3A_1627 = arith.constant 64 : i32
        %parallel_loop3A_1628 = arith.constant 0 : i32
        %parallel_loop3A_1629 = tpu.memref_slice %arg10[%parallel_loop3A_594, %parallel_loop3A_1627, %parallel_loop3A_1628] : memref<2x128x64xi32, #tpu.memory_space<vmem>> -> memref<1x64x64xi32, #tpu.memory_space<vmem>>
        %parallel_loop3A_1630 = tpu.memref_squeeze %parallel_loop3A_1629 : memref<1x64x64xi32, #tpu.memory_space<vmem>> -> memref<64x64xi32, #tpu.memory_space<vmem>>
        %parallel_loop3A_1631 = arith.index_cast %parallel_loop3A_1598 : i32 to index
        %parallel_loop3A_1632 = arith.constant 16 : index
        %parallel_loop3A_1633 = tpu.vector_load %parallel_loop3A_1630[%parallel_loop3A_1631, %parallel_loop3A_1632] {strides = array<i32>} : memref<64x64xi32, #tpu.memory_space<vmem>>, vector<16xi32>,
        %parallel_loop3A_1634 = vector.bitcast %parallel_loop3A_1633 : vector<16xi32> to vector<32xbf16>
        %parallel_loop3A_1635 = arith.mulf %parallel_loop3A_1626, %parallel_loop3A_1634 : vector<32xbf16>
        %parallel_loop3A_1636 = tpu.unpack_subelements %parallel_loop3A_1635, 0 {pack_format = #tpu.pack_format<interleaved>} : vector<32xbf16> -> vector<16xf32>
        %parallel_loop3A_1637 = tpu.unpack_subelements %parallel_loop3A_1635, 1 {pack_format = #tpu.pack_format<interleaved>} : vector<32xbf16> -> vector<16xf32>
        %parallel_loop3A_1638 = arith.addf %parallel_loop3A_1618, %parallel_loop3A_1636 : vector<16xf32>
        %parallel_loop3A_1639 = arith.addf %parallel_loop3A_1638, %parallel_loop3A_1637 : vector<16xf32>
        %parallel_loop3A_1640 = arith.constant 64 : i32
        %parallel_loop3A_1641 = arith.constant 0 : i32
        %parallel_loop3A_1642 = tpu.memref_slice %arg9[%parallel_loop3A_593, %parallel_loop3A_1640, %parallel_loop3A_1641] : memref<2x128x64xi32, #tpu.memory_space<vmem>> -> memref<1x64x64xi32, #tpu.memory_space<vmem>>
        %parallel_loop3A_1643 = tpu.memref_squeeze %parallel_loop3A_1642 : memref<1x64x64xi32, #tpu.memory_space<vmem>> -> memref<64x64xi32, #tpu.memory_space<vmem>>
        %parallel_loop3A_1644 = arith.index_cast %parallel_loop3A_1598 : i32 to index
        %parallel_loop3A_1645 = arith.constant 32 : index
        %parallel_loop3A_1646 = tpu.vector_load %parallel_loop3A_1643[%parallel_loop3A_1644, %parallel_loop3A_1645] {strides = array<i32>} : memref<64x64xi32, #tpu.memory_space<vmem>>, vector<16xi32>,
        %parallel_loop3A_1647 = vector.bitcast %parallel_loop3A_1646 : vector<16xi32> to vector<32xbf16>
        %parallel_loop3A_1648 = arith.constant 64 : i32
        %parallel_loop3A_1649 = arith.constant 0 : i32
        %parallel_loop3A_1650 = tpu.memref_slice %arg10[%parallel_loop3A_594, %parallel_loop3A_1648, %parallel_loop3A_1649] : memref<2x128x64xi32, #tpu.memory_space<vmem>> -> memref<1x64x64xi32, #tpu.memory_space<vmem>>
        %parallel_loop3A_1651 = tpu.memref_squeeze %parallel_loop3A_1650 : memref<1x64x64xi32, #tpu.memory_space<vmem>> -> memref<64x64xi32, #tpu.memory_space<vmem>>
        %parallel_loop3A_1652 = arith.index_cast %parallel_loop3A_1598 : i32 to index
        %parallel_loop3A_1653 = arith.constant 32 : index
        %parallel_loop3A_1654 = tpu.vector_load %parallel_loop3A_1651[%parallel_loop3A_1652, %parallel_loop3A_1653] {strides = array<i32>} : memref<64x64xi32, #tpu.memory_space<vmem>>, vector<16xi32>,
        %parallel_loop3A_1655 = vector.bitcast %parallel_loop3A_1654 : vector<16xi32> to vector<32xbf16>
        %parallel_loop3A_1656 = arith.mulf %parallel_loop3A_1647, %parallel_loop3A_1655 : vector<32xbf16>
        %parallel_loop3A_1657 = tpu.unpack_subelements %parallel_loop3A_1656, 0 {pack_format = #tpu.pack_format<interleaved>} : vector<32xbf16> -> vector<16xf32>
        %parallel_loop3A_1658 = tpu.unpack_subelements %parallel_loop3A_1656, 1 {pack_format = #tpu.pack_format<interleaved>} : vector<32xbf16> -> vector<16xf32>
        %parallel_loop3A_1659 = arith.addf %parallel_loop3A_1639, %parallel_loop3A_1657 : vector<16xf32>
        %parallel_loop3A_1660 = arith.addf %parallel_loop3A_1659, %parallel_loop3A_1658 : vector<16xf32>
        %parallel_loop3A_1661 = arith.constant 64 : i32
        %parallel_loop3A_1662 = arith.constant 0 : i32
        %parallel_loop3A_1663 = tpu.memref_slice %arg9[%parallel_loop3A_593, %parallel_loop3A_1661, %parallel_loop3A_1662] : memref<2x128x64xi32, #tpu.memory_space<vmem>> -> memref<1x64x64xi32, #tpu.memory_space<vmem>>
        %parallel_loop3A_1664 = tpu.memref_squeeze %parallel_loop3A_1663 : memref<1x64x64xi32, #tpu.memory_space<vmem>> -> memref<64x64xi32, #tpu.memory_space<vmem>>
        %parallel_loop3A_1665 = arith.index_cast %parallel_loop3A_1598 : i32 to index
        %parallel_loop3A_1666 = arith.constant 48 : index
        %parallel_loop3A_1667 = tpu.vector_load %parallel_loop3A_1664[%parallel_loop3A_1665, %parallel_loop3A_1666] {strides = array<i32>} : memref<64x64xi32, #tpu.memory_space<vmem>>, vector<16xi32>,
        %parallel_loop3A_1668 = vector.bitcast %parallel_loop3A_1667 : vector<16xi32> to vector<32xbf16>
        %parallel_loop3A_1669 = arith.constant 64 : i32
        %parallel_loop3A_1670 = arith.constant 0 : i32
        %parallel_loop3A_1671 = tpu.memref_slice %arg10[%parallel_loop3A_594, %parallel_loop3A_1669, %parallel_loop3A_1670] : memref<2x128x64xi32, #tpu.memory_space<vmem>> -> memref<1x64x64xi32, #tpu.memory_space<vmem>>
        %parallel_loop3A_1672 = tpu.memref_squeeze %parallel_loop3A_1671 : memref<1x64x64xi32, #tpu.memory_space<vmem>> -> memref<64x64xi32, #tpu.memory_space<vmem>>
        %parallel_loop3A_1673 = arith.index_cast %parallel_loop3A_1598 : i32 to index
        %parallel_loop3A_1674 = arith.constant 48 : index
        %parallel_loop3A_1675 = tpu.vector_load %parallel_loop3A_1672[%parallel_loop3A_1673, %parallel_loop3A_1674] {strides = array<i32>} : memref<64x64xi32, #tpu.memory_space<vmem>>, vector<16xi32>,
        %parallel_loop3A_1676 = vector.bitcast %parallel_loop3A_1675 : vector<16xi32> to vector<32xbf16>
        %parallel_loop3A_1677 = arith.mulf %parallel_loop3A_1668, %parallel_loop3A_1676 : vector<32xbf16>
        %parallel_loop3A_1678 = tpu.unpack_subelements %parallel_loop3A_1677, 0 {pack_format = #tpu.pack_format<interleaved>} : vector<32xbf16> -> vector<16xf32>
        %parallel_loop3A_1679 = tpu.unpack_subelements %parallel_loop3A_1677, 1 {pack_format = #tpu.pack_format<interleaved>} : vector<32xbf16> -> vector<16xf32>
        %parallel_loop3A_1680 = arith.addf %parallel_loop3A_1660, %parallel_loop3A_1678 : vector<16xf32>
        %parallel_loop3A_1681 = arith.addf %parallel_loop3A_1680, %parallel_loop3A_1679 : vector<16xf32>
        %parallel_loop3A_1682 = arith.index_cast %parallel_loop3A_1598 : i32 to index
        %parallel_loop3A_1683 = arith.constant 0 : index
        %parallel_loop3A_1684 = tpu.vector_load %arg11[%parallel_loop3A_1682, %parallel_loop3A_1683] {strides = array<i32>} : memref<128x16xf32, #tpu.memory_space<vmem>>, vector<16xf32>,
        tpu.vector_store %arg11[%parallel_loop3A_1682, %parallel_loop3A_1683], %parallel_loop3A_1681 {strides = array<i32>} : memref<128x16xf32, #tpu.memory_space<vmem>>, vector<16xf32>,
      } {sc.loop_unroll_factor = 8 : i64, sc.parallel_access}
      %add3A_595 = arith.constant 0 : i32
      %add3A_596 = vector.broadcast %add3A_595 : i32 to vector<16xi32>
      %add3A_597 = arith.addi %add3A_596, %iota3A : vector<16xi32>
      %broadcast_in_dim3A_598 = arith.constant 0 : i32
      %broadcast_in_dim3A_599 = vector.broadcast %broadcast_in_dim3A_598 : i32 to vector<16xi32>
      %gather3A_600 = tpu.vector_load_idx %arg11[%add3A_597, %broadcast_in_dim3A_599] : memref<128x16xf32, #tpu.memory_space<vmem>>[vector<16xi32>, vector<16xi32>], vector<16xf32>,
      %broadcast_in_dim3A_601 = arith.constant 1 : i32
      %broadcast_in_dim3A_602 = vector.broadcast %broadcast_in_dim3A_601 : i32 to vector<16xi32>
      %gather3A_603 = tpu.vector_load_idx %arg11[%add3A_597, %broadcast_in_dim3A_602] : memref<128x16xf32, #tpu.memory_space<vmem>>[vector<16xi32>, vector<16xi32>], vector<16xf32>,
      %add3A_604 = arith.addf %gather3A_600, %gather3A_603 : vector<16xf32>
      %broadcast_in_dim3A_605 = arith.constant 2 : i32
      %broadcast_in_dim3A_606 = vector.broadcast %broadcast_in_dim3A_605 : i32 to vector<16xi32>
      %gather3A_607 = tpu.vector_load_idx %arg11[%add3A_597, %broadcast_in_dim3A_606] : memref<128x16xf32, #tpu.memory_space<vmem>>[vector<16xi32>, vector<16xi32>], vector<16xf32>,
      %add3A_608 = arith.addf %add3A_604, %gather3A_607 : vector<16xf32>
      %broadcast_in_dim3A_609 = arith.constant 3 : i32
      %broadcast_in_dim3A_610 = vector.broadcast %broadcast_in_dim3A_609 : i32 to vector<16xi32>
      %gather3A_611 = tpu.vector_load_idx %arg11[%add3A_597, %broadcast_in_dim3A_610] : memref<128x16xf32, #tpu.memory_space<vmem>>[vector<16xi32>, vector<16xi32>], vector<16xf32>,
      %add3A_612 = arith.addf %add3A_608, %gather3A_611 : vector<16xf32>
      %broadcast_in_dim3A_613 = arith.constant 4 : i32
      %broadcast_in_dim3A_614 = vector.broadcast %broadcast_in_dim3A_613 : i32 to vector<16xi32>
      %gather3A_615 = tpu.vector_load_idx %arg11[%add3A_597, %broadcast_in_dim3A_614] : memref<128x16xf32, #tpu.memory_space<vmem>>[vector<16xi32>, vector<16xi32>], vector<16xf32>,
      %add3A_616 = arith.addf %add3A_612, %gather3A_615 : vector<16xf32>
      %broadcast_in_dim3A_617 = arith.constant 5 : i32
      %broadcast_in_dim3A_618 = vector.broadcast %broadcast_in_dim3A_617 : i32 to vector<16xi32>
      %gather3A_619 = tpu.vector_load_idx %arg11[%add3A_597, %broadcast_in_dim3A_618] : memref<128x16xf32, #tpu.memory_space<vmem>>[vector<16xi32>, vector<16xi32>], vector<16xf32>,
      %add3A_620 = arith.addf %add3A_616, %gather3A_619 : vector<16xf32>
      %broadcast_in_dim3A_621 = arith.constant 6 : i32
      %broadcast_in_dim3A_622 = vector.broadcast %broadcast_in_dim3A_621 : i32 to vector<16xi32>
      %gather3A_623 = tpu.vector_load_idx %arg11[%add3A_597, %broadcast_in_dim3A_622] : memref<128x16xf32, #tpu.memory_space<vmem>>[vector<16xi32>, vector<16xi32>], vector<16xf32>,
      %add3A_624 = arith.addf %add3A_620, %gather3A_623 : vector<16xf32>
      %broadcast_in_dim3A_625 = arith.constant 7 : i32
      %broadcast_in_dim3A_626 = vector.broadcast %broadcast_in_dim3A_625 : i32 to vector<16xi32>
      %gather3A_627 = tpu.vector_load_idx %arg11[%add3A_597, %broadcast_in_dim3A_626] : memref<128x16xf32, #tpu.memory_space<vmem>>[vector<16xi32>, vector<16xi32>], vector<16xf32>,
      %add3A_628 = arith.addf %add3A_624, %gather3A_627 : vector<16xf32>
      %broadcast_in_dim3A_629 = arith.constant 8 : i32
      %broadcast_in_dim3A_630 = vector.broadcast %broadcast_in_dim3A_629 : i32 to vector<16xi32>
      %gather3A_631 = tpu.vector_load_idx %arg11[%add3A_597, %broadcast_in_dim3A_630] : memref<128x16xf32, #tpu.memory_space<vmem>>[vector<16xi32>, vector<16xi32>], vector<16xf32>,
      %add3A_632 = arith.addf %add3A_628, %gather3A_631 : vector<16xf32>
      %broadcast_in_dim3A_633 = arith.constant 9 : i32
      %broadcast_in_dim3A_634 = vector.broadcast %broadcast_in_dim3A_633 : i32 to vector<16xi32>
      %gather3A_635 = tpu.vector_load_idx %arg11[%add3A_597, %broadcast_in_dim3A_634] : memref<128x16xf32, #tpu.memory_space<vmem>>[vector<16xi32>, vector<16xi32>], vector<16xf32>,
      %add3A_636 = arith.addf %add3A_632, %gather3A_635 : vector<16xf32>
      %broadcast_in_dim3A_637 = arith.constant 10 : i32
      %broadcast_in_dim3A_638 = vector.broadcast %broadcast_in_dim3A_637 : i32 to vector<16xi32>
      %gather3A_639 = tpu.vector_load_idx %arg11[%add3A_597, %broadcast_in_dim3A_638] : memref<128x16xf32, #tpu.memory_space<vmem>>[vector<16xi32>, vector<16xi32>], vector<16xf32>,
      %add3A_640 = arith.addf %add3A_636, %gather3A_639 : vector<16xf32>
      %broadcast_in_dim3A_641 = arith.constant 11 : i32
      %broadcast_in_dim3A_642 = vector.broadcast %broadcast_in_dim3A_641 : i32 to vector<16xi32>
      %gather3A_643 = tpu.vector_load_idx %arg11[%add3A_597, %broadcast_in_dim3A_642] : memref<128x16xf32, #tpu.memory_space<vmem>>[vector<16xi32>, vector<16xi32>], vector<16xf32>,
      %add3A_644 = arith.addf %add3A_640, %gather3A_643 : vector<16xf32>
      %broadcast_in_dim3A_645 = arith.constant 12 : i32
      %broadcast_in_dim3A_646 = vector.broadcast %broadcast_in_dim3A_645 : i32 to vector<16xi32>
      %gather3A_647 = tpu.vector_load_idx %arg11[%add3A_597, %broadcast_in_dim3A_646] : memref<128x16xf32, #tpu.memory_space<vmem>>[vector<16xi32>, vector<16xi32>], vector<16xf32>,
      %add3A_648 = arith.addf %add3A_644, %gather3A_647 : vector<16xf32>
      %broadcast_in_dim3A_649 = arith.constant 13 : i32
      %broadcast_in_dim3A_650 = vector.broadcast %broadcast_in_dim3A_649 : i32 to vector<16xi32>
      %gather3A_651 = tpu.vector_load_idx %arg11[%add3A_597, %broadcast_in_dim3A_650] : memref<128x16xf32, #tpu.memory_space<vmem>>[vector<16xi32>, vector<16xi32>], vector<16xf32>,
      %add3A_652 = arith.addf %add3A_648, %gather3A_651 : vector<16xf32>
      %broadcast_in_dim3A_653 = arith.constant 14 : i32
      %broadcast_in_dim3A_654 = vector.broadcast %broadcast_in_dim3A_653 : i32 to vector<16xi32>
      %gather3A_655 = tpu.vector_load_idx %arg11[%add3A_597, %broadcast_in_dim3A_654] : memref<128x16xf32, #tpu.memory_space<vmem>>[vector<16xi32>, vector<16xi32>], vector<16xf32>,
      %add3A_656 = arith.addf %add3A_652, %gather3A_655 : vector<16xf32>
      %broadcast_in_dim3A_657 = arith.constant 15 : i32
      %broadcast_in_dim3A_658 = vector.broadcast %broadcast_in_dim3A_657 : i32 to vector<16xi32>
      %gather3A_659 = tpu.vector_load_idx %arg11[%add3A_597, %broadcast_in_dim3A_658] : memref<128x16xf32, #tpu.memory_space<vmem>>[vector<16xi32>, vector<16xi32>], vector<16xf32>,
      %add3A_660 = arith.addf %add3A_656, %gather3A_659 : vector<16xf32>
      %mul3A_661 = arith.constant 7.812500e-03 : f32
      %mul3A_662 = vector.broadcast %mul3A_661 : f32 to vector<16xf32>
      %mul3A_663 = arith.mulf %add3A_660, %mul3A_662 : vector<16xf32>
      %swap3A_664 = arith.constant 0 : i32
      %swap3A_665 = arith.constant 64 : i32
      %swap3A_666 = tpu.memref_slice %arg12[%swap3A_664, %swap3A_665] : memref<2x128xf32, #tpu.memory_space<vmem>> -> memref<1x64xf32, #tpu.memory_space<vmem>>
      %swap3A_667 = tpu.memref_squeeze %swap3A_666 : memref<1x64xf32, #tpu.memory_space<vmem>> -> memref<64xf32, #tpu.memory_space<vmem>>
      %swap3A_668 = arith.constant 0 : index
      %swap3A_669 = tpu.vector_load %swap3A_667[%swap3A_668] {strides = array<i32>} : memref<64xf32, #tpu.memory_space<vmem>>, vector<16xf32>,
      tpu.vector_store %swap3A_667[%swap3A_668], %mul3A_663 {strides = array<i32>} : memref<64xf32, #tpu.memory_space<vmem>>, vector<16xf32>,
      %add3A_670 = arith.constant 16 : i32
      %add3A_671 = vector.broadcast %add3A_670 : i32 to vector<16xi32>
      %add3A_672 = arith.addi %add3A_671, %iota3A : vector<16xi32>
      %broadcast_in_dim3A_673 = arith.constant 0 : i32
      %broadcast_in_dim3A_674 = vector.broadcast %broadcast_in_dim3A_673 : i32 to vector<16xi32>
      %gather3A_675 = tpu.vector_load_idx %arg11[%add3A_672, %broadcast_in_dim3A_674] : memref<128x16xf32, #tpu.memory_space<vmem>>[vector<16xi32>, vector<16xi32>], vector<16xf32>,
      %broadcast_in_dim3A_676 = arith.constant 1 : i32
      %broadcast_in_dim3A_677 = vector.broadcast %broadcast_in_dim3A_676 : i32 to vector<16xi32>
      %gather3A_678 = tpu.vector_load_idx %arg11[%add3A_672, %broadcast_in_dim3A_677] : memref<128x16xf32, #tpu.memory_space<vmem>>[vector<16xi32>, vector<16xi32>], vector<16xf32>,
      %add3A_679 = arith.addf %gather3A_675, %gather3A_678 : vector<16xf32>
      %broadcast_in_dim3A_680 = arith.constant 2 : i32
      %broadcast_in_dim3A_681 = vector.broadcast %broadcast_in_dim3A_680 : i32 to vector<16xi32>
      %gather3A_682 = tpu.vector_load_idx %arg11[%add3A_672, %broadcast_in_dim3A_681] : memref<128x16xf32, #tpu.memory_space<vmem>>[vector<16xi32>, vector<16xi32>], vector<16xf32>,
      %add3A_683 = arith.addf %add3A_679, %gather3A_682 : vector<16xf32>
      %broadcast_in_dim3A_684 = arith.constant 3 : i32
      %broadcast_in_dim3A_685 = vector.broadcast %broadcast_in_dim3A_684 : i32 to vector<16xi32>
      %gather3A_686 = tpu.vector_load_idx %arg11[%add3A_672, %broadcast_in_dim3A_685] : memref<128x16xf32, #tpu.memory_space<vmem>>[vector<16xi32>, vector<16xi32>], vector<16xf32>,
      %add3A_687 = arith.addf %add3A_683, %gather3A_686 : vector<16xf32>
      %broadcast_in_dim3A_688 = arith.constant 4 : i32
      %broadcast_in_dim3A_689 = vector.broadcast %broadcast_in_dim3A_688 : i32 to vector<16xi32>
      %gather3A_690 = tpu.vector_load_idx %arg11[%add3A_672, %broadcast_in_dim3A_689] : memref<128x16xf32, #tpu.memory_space<vmem>>[vector<16xi32>, vector<16xi32>], vector<16xf32>,
      %add3A_691 = arith.addf %add3A_687, %gather3A_690 : vector<16xf32>
      %broadcast_in_dim3A_692 = arith.constant 5 : i32
      %broadcast_in_dim3A_693 = vector.broadcast %broadcast_in_dim3A_692 : i32 to vector<16xi32>
      %gather3A_694 = tpu.vector_load_idx %arg11[%add3A_672, %broadcast_in_dim3A_693] : memref<128x16xf32, #tpu.memory_space<vmem>>[vector<16xi32>, vector<16xi32>], vector<16xf32>,
      %add3A_695 = arith.addf %add3A_691, %gather3A_694 : vector<16xf32>
      %broadcast_in_dim3A_696 = arith.constant 6 : i32
      %broadcast_in_dim3A_697 = vector.broadcast %broadcast_in_dim3A_696 : i32 to vector<16xi32>
      %gather3A_698 = tpu.vector_load_idx %arg11[%add3A_672, %broadcast_in_dim3A_697] : memref<128x16xf32, #tpu.memory_space<vmem>>[vector<16xi32>, vector<16xi32>], vector<16xf32>,
      %add3A_699 = arith.addf %add3A_695, %gather3A_698 : vector<16xf32>
      %broadcast_in_dim3A_700 = arith.constant 7 : i32
      %broadcast_in_dim3A_701 = vector.broadcast %broadcast_in_dim3A_700 : i32 to vector<16xi32>
      %gather3A_702 = tpu.vector_load_idx %arg11[%add3A_672, %broadcast_in_dim3A_701] : memref<128x16xf32, #tpu.memory_space<vmem>>[vector<16xi32>, vector<16xi32>], vector<16xf32>,
      %add3A_703 = arith.addf %add3A_699, %gather3A_702 : vector<16xf32>
      %broadcast_in_dim3A_704 = arith.constant 8 : i32
      %broadcast_in_dim3A_705 = vector.broadcast %broadcast_in_dim3A_704 : i32 to vector<16xi32>
      %gather3A_706 = tpu.vector_load_idx %arg11[%add3A_672, %broadcast_in_dim3A_705] : memref<128x16xf32, #tpu.memory_space<vmem>>[vector<16xi32>, vector<16xi32>], vector<16xf32>,
      %add3A_707 = arith.addf %add3A_703, %gather3A_706 : vector<16xf32>
      %broadcast_in_dim3A_708 = arith.constant 9 : i32
      %broadcast_in_dim3A_709 = vector.broadcast %broadcast_in_dim3A_708 : i32 to vector<16xi32>
      %gather3A_710 = tpu.vector_load_idx %arg11[%add3A_672, %broadcast_in_dim3A_709] : memref<128x16xf32, #tpu.memory_space<vmem>>[vector<16xi32>, vector<16xi32>], vector<16xf32>,
      %add3A_711 = arith.addf %add3A_707, %gather3A_710 : vector<16xf32>
      %broadcast_in_dim3A_712 = arith.constant 10 : i32
      %broadcast_in_dim3A_713 = vector.broadcast %broadcast_in_dim3A_712 : i32 to vector<16xi32>
      %gather3A_714 = tpu.vector_load_idx %arg11[%add3A_672, %broadcast_in_dim3A_713] : memref<128x16xf32, #tpu.memory_space<vmem>>[vector<16xi32>, vector<16xi32>], vector<16xf32>,
      %add3A_715 = arith.addf %add3A_711, %gather3A_714 : vector<16xf32>
      %broadcast_in_dim3A_716 = arith.constant 11 : i32
      %broadcast_in_dim3A_717 = vector.broadcast %broadcast_in_dim3A_716 : i32 to vector<16xi32>
      %gather3A_718 = tpu.vector_load_idx %arg11[%add3A_672, %broadcast_in_dim3A_717] : memref<128x16xf32, #tpu.memory_space<vmem>>[vector<16xi32>, vector<16xi32>], vector<16xf32>,
      %add3A_719 = arith.addf %add3A_715, %gather3A_718 : vector<16xf32>
      %broadcast_in_dim3A_720 = arith.constant 12 : i32
      %broadcast_in_dim3A_721 = vector.broadcast %broadcast_in_dim3A_720 : i32 to vector<16xi32>
      %gather3A_722 = tpu.vector_load_idx %arg11[%add3A_672, %broadcast_in_dim3A_721] : memref<128x16xf32, #tpu.memory_space<vmem>>[vector<16xi32>, vector<16xi32>], vector<16xf32>,
      %add3A_723 = arith.addf %add3A_719, %gather3A_722 : vector<16xf32>
      %broadcast_in_dim3A_724 = arith.constant 13 : i32
      %broadcast_in_dim3A_725 = vector.broadcast %broadcast_in_dim3A_724 : i32 to vector<16xi32>
      %gather3A_726 = tpu.vector_load_idx %arg11[%add3A_672, %broadcast_in_dim3A_725] : memref<128x16xf32, #tpu.memory_space<vmem>>[vector<16xi32>, vector<16xi32>], vector<16xf32>,
      %add3A_727 = arith.addf %add3A_723, %gather3A_726 : vector<16xf32>
      %broadcast_in_dim3A_728 = arith.constant 14 : i32
      %broadcast_in_dim3A_729 = vector.broadcast %broadcast_in_dim3A_728 : i32 to vector<16xi32>
      %gather3A_730 = tpu.vector_load_idx %arg11[%add3A_672, %broadcast_in_dim3A_729] : memref<128x16xf32, #tpu.memory_space<vmem>>[vector<16xi32>, vector<16xi32>], vector<16xf32>,
      %add3A_731 = arith.addf %add3A_727, %gather3A_730 : vector<16xf32>
      %broadcast_in_dim3A_732 = arith.constant 15 : i32
      %broadcast_in_dim3A_733 = vector.broadcast %broadcast_in_dim3A_732 : i32 to vector<16xi32>
      %gather3A_734 = tpu.vector_load_idx %arg11[%add3A_672, %broadcast_in_dim3A_733] : memref<128x16xf32, #tpu.memory_space<vmem>>[vector<16xi32>, vector<16xi32>], vector<16xf32>,
      %add3A_735 = arith.addf %add3A_731, %gather3A_734 : vector<16xf32>
      %mul3A_736 = arith.constant 7.812500e-03 : f32
      %mul3A_737 = vector.broadcast %mul3A_736 : f32 to vector<16xf32>
      %mul3A_738 = arith.mulf %add3A_735, %mul3A_737 : vector<16xf32>
      %swap3A_739 = arith.constant 0 : i32
      %swap3A_740 = arith.constant 64 : i32
      %swap3A_741 = tpu.memref_slice %arg12[%swap3A_739, %swap3A_740] : memref<2x128xf32, #tpu.memory_space<vmem>> -> memref<1x64xf32, #tpu.memory_space<vmem>>
      %swap3A_742 = tpu.memref_squeeze %swap3A_741 : memref<1x64xf32, #tpu.memory_space<vmem>> -> memref<64xf32, #tpu.memory_space<vmem>>
      %swap3A_743 = arith.constant 16 : index
      %swap3A_744 = tpu.vector_load %swap3A_742[%swap3A_743] {strides = array<i32>} : memref<64xf32, #tpu.memory_space<vmem>>, vector<16xf32>,
      tpu.vector_store %swap3A_742[%swap3A_743], %mul3A_738 {strides = array<i32>} : memref<64xf32, #tpu.memory_space<vmem>>, vector<16xf32>,
      %add3A_745 = arith.constant 32 : i32
      %add3A_746 = vector.broadcast %add3A_745 : i32 to vector<16xi32>
      %add3A_747 = arith.addi %add3A_746, %iota3A : vector<16xi32>
      %broadcast_in_dim3A_748 = arith.constant 0 : i32
      %broadcast_in_dim3A_749 = vector.broadcast %broadcast_in_dim3A_748 : i32 to vector<16xi32>
      %gather3A_750 = tpu.vector_load_idx %arg11[%add3A_747, %broadcast_in_dim3A_749] : memref<128x16xf32, #tpu.memory_space<vmem>>[vector<16xi32>, vector<16xi32>], vector<16xf32>,
      %broadcast_in_dim3A_751 = arith.constant 1 : i32
      %broadcast_in_dim3A_752 = vector.broadcast %broadcast_in_dim3A_751 : i32 to vector<16xi32>
      %gather3A_753 = tpu.vector_load_idx %arg11[%add3A_747, %broadcast_in_dim3A_752] : memref<128x16xf32, #tpu.memory_space<vmem>>[vector<16xi32>, vector<16xi32>], vector<16xf32>,
      %add3A_754 = arith.addf %gather3A_750, %gather3A_753 : vector<16xf32>
      %broadcast_in_dim3A_755 = arith.constant 2 : i32
      %broadcast_in_dim3A_756 = vector.broadcast %broadcast_in_dim3A_755 : i32 to vector<16xi32>
      %gather3A_757 = tpu.vector_load_idx %arg11[%add3A_747, %broadcast_in_dim3A_756] : memref<128x16xf32, #tpu.memory_space<vmem>>[vector<16xi32>, vector<16xi32>], vector<16xf32>,
      %add3A_758 = arith.addf %add3A_754, %gather3A_757 : vector<16xf32>
      %broadcast_in_dim3A_759 = arith.constant 3 : i32
      %broadcast_in_dim3A_760 = vector.broadcast %broadcast_in_dim3A_759 : i32 to vector<16xi32>
      %gather3A_761 = tpu.vector_load_idx %arg11[%add3A_747, %broadcast_in_dim3A_760] : memref<128x16xf32, #tpu.memory_space<vmem>>[vector<16xi32>, vector<16xi32>], vector<16xf32>,
      %add3A_762 = arith.addf %add3A_758, %gather3A_761 : vector<16xf32>
      %broadcast_in_dim3A_763 = arith.constant 4 : i32
      %broadcast_in_dim3A_764 = vector.broadcast %broadcast_in_dim3A_763 : i32 to vector<16xi32>
      %gather3A_765 = tpu.vector_load_idx %arg11[%add3A_747, %broadcast_in_dim3A_764] : memref<128x16xf32, #tpu.memory_space<vmem>>[vector<16xi32>, vector<16xi32>], vector<16xf32>,
      %add3A_766 = arith.addf %add3A_762, %gather3A_765 : vector<16xf32>
      %broadcast_in_dim3A_767 = arith.constant 5 : i32
      %broadcast_in_dim3A_768 = vector.broadcast %broadcast_in_dim3A_767 : i32 to vector<16xi32>
      %gather3A_769 = tpu.vector_load_idx %arg11[%add3A_747, %broadcast_in_dim3A_768] : memref<128x16xf32, #tpu.memory_space<vmem>>[vector<16xi32>, vector<16xi32>], vector<16xf32>,
      %add3A_770 = arith.addf %add3A_766, %gather3A_769 : vector<16xf32>
      %broadcast_in_dim3A_771 = arith.constant 6 : i32
      %broadcast_in_dim3A_772 = vector.broadcast %broadcast_in_dim3A_771 : i32 to vector<16xi32>
      %gather3A_773 = tpu.vector_load_idx %arg11[%add3A_747, %broadcast_in_dim3A_772] : memref<128x16xf32, #tpu.memory_space<vmem>>[vector<16xi32>, vector<16xi32>], vector<16xf32>,
      %add3A_774 = arith.addf %add3A_770, %gather3A_773 : vector<16xf32>
      %broadcast_in_dim3A_775 = arith.constant 7 : i32
      %broadcast_in_dim3A_776 = vector.broadcast %broadcast_in_dim3A_775 : i32 to vector<16xi32>
      %gather3A_777 = tpu.vector_load_idx %arg11[%add3A_747, %broadcast_in_dim3A_776] : memref<128x16xf32, #tpu.memory_space<vmem>>[vector<16xi32>, vector<16xi32>], vector<16xf32>,
      %add3A_778 = arith.addf %add3A_774, %gather3A_777 : vector<16xf32>
      %broadcast_in_dim3A_779 = arith.constant 8 : i32
      %broadcast_in_dim3A_780 = vector.broadcast %broadcast_in_dim3A_779 : i32 to vector<16xi32>
      %gather3A_781 = tpu.vector_load_idx %arg11[%add3A_747, %broadcast_in_dim3A_780] : memref<128x16xf32, #tpu.memory_space<vmem>>[vector<16xi32>, vector<16xi32>], vector<16xf32>,
      %add3A_782 = arith.addf %add3A_778, %gather3A_781 : vector<16xf32>
      %broadcast_in_dim3A_783 = arith.constant 9 : i32
      %broadcast_in_dim3A_784 = vector.broadcast %broadcast_in_dim3A_783 : i32 to vector<16xi32>
      %gather3A_785 = tpu.vector_load_idx %arg11[%add3A_747, %broadcast_in_dim3A_784] : memref<128x16xf32, #tpu.memory_space<vmem>>[vector<16xi32>, vector<16xi32>], vector<16xf32>,
      %add3A_786 = arith.addf %add3A_782, %gather3A_785 : vector<16xf32>
      %broadcast_in_dim3A_787 = arith.constant 10 : i32
      %broadcast_in_dim3A_788 = vector.broadcast %broadcast_in_dim3A_787 : i32 to vector<16xi32>
      %gather3A_789 = tpu.vector_load_idx %arg11[%add3A_747, %broadcast_in_dim3A_788] : memref<128x16xf32, #tpu.memory_space<vmem>>[vector<16xi32>, vector<16xi32>], vector<16xf32>,
      %add3A_790 = arith.addf %add3A_786, %gather3A_789 : vector<16xf32>
      %broadcast_in_dim3A_791 = arith.constant 11 : i32
      %broadcast_in_dim3A_792 = vector.broadcast %broadcast_in_dim3A_791 : i32 to vector<16xi32>
      %gather3A_793 = tpu.vector_load_idx %arg11[%add3A_747, %broadcast_in_dim3A_792] : memref<128x16xf32, #tpu.memory_space<vmem>>[vector<16xi32>, vector<16xi32>], vector<16xf32>,
      %add3A_794 = arith.addf %add3A_790, %gather3A_793 : vector<16xf32>
      %broadcast_in_dim3A_795 = arith.constant 12 : i32
      %broadcast_in_dim3A_796 = vector.broadcast %broadcast_in_dim3A_795 : i32 to vector<16xi32>
      %gather3A_797 = tpu.vector_load_idx %arg11[%add3A_747, %broadcast_in_dim3A_796] : memref<128x16xf32, #tpu.memory_space<vmem>>[vector<16xi32>, vector<16xi32>], vector<16xf32>,
      %add3A_798 = arith.addf %add3A_794, %gather3A_797 : vector<16xf32>
      %broadcast_in_dim3A_799 = arith.constant 13 : i32
      %broadcast_in_dim3A_800 = vector.broadcast %broadcast_in_dim3A_799 : i32 to vector<16xi32>
      %gather3A_801 = tpu.vector_load_idx %arg11[%add3A_747, %broadcast_in_dim3A_800] : memref<128x16xf32, #tpu.memory_space<vmem>>[vector<16xi32>, vector<16xi32>], vector<16xf32>,
      %add3A_802 = arith.addf %add3A_798, %gather3A_801 : vector<16xf32>
      %broadcast_in_dim3A_803 = arith.constant 14 : i32
      %broadcast_in_dim3A_804 = vector.broadcast %broadcast_in_dim3A_803 : i32 to vector<16xi32>
      %gather3A_805 = tpu.vector_load_idx %arg11[%add3A_747, %broadcast_in_dim3A_804] : memref<128x16xf32, #tpu.memory_space<vmem>>[vector<16xi32>, vector<16xi32>], vector<16xf32>,
      %add3A_806 = arith.addf %add3A_802, %gather3A_805 : vector<16xf32>
      %broadcast_in_dim3A_807 = arith.constant 15 : i32
      %broadcast_in_dim3A_808 = vector.broadcast %broadcast_in_dim3A_807 : i32 to vector<16xi32>
      %gather3A_809 = tpu.vector_load_idx %arg11[%add3A_747, %broadcast_in_dim3A_808] : memref<128x16xf32, #tpu.memory_space<vmem>>[vector<16xi32>, vector<16xi32>], vector<16xf32>,
      %add3A_810 = arith.addf %add3A_806, %gather3A_809 : vector<16xf32>
      %mul3A_811 = arith.constant 7.812500e-03 : f32
      %mul3A_812 = vector.broadcast %mul3A_811 : f32 to vector<16xf32>
      %mul3A_813 = arith.mulf %add3A_810, %mul3A_812 : vector<16xf32>
      %swap3A_814 = arith.constant 0 : i32
      %swap3A_815 = arith.constant 64 : i32
      %swap3A_816 = tpu.memref_slice %arg12[%swap3A_814, %swap3A_815] : memref<2x128xf32, #tpu.memory_space<vmem>> -> memref<1x64xf32, #tpu.memory_space<vmem>>
      %swap3A_817 = tpu.memref_squeeze %swap3A_816 : memref<1x64xf32, #tpu.memory_space<vmem>> -> memref<64xf32, #tpu.memory_space<vmem>>
      %swap3A_818 = arith.constant 32 : index
      %swap3A_819 = tpu.vector_load %swap3A_817[%swap3A_818] {strides = array<i32>} : memref<64xf32, #tpu.memory_space<vmem>>, vector<16xf32>,
      tpu.vector_store %swap3A_817[%swap3A_818], %mul3A_813 {strides = array<i32>} : memref<64xf32, #tpu.memory_space<vmem>>, vector<16xf32>,
      %add3A_820 = arith.constant 48 : i32
      %add3A_821 = vector.broadcast %add3A_820 : i32 to vector<16xi32>
      %add3A_822 = arith.addi %add3A_821, %iota3A : vector<16xi32>
      %broadcast_in_dim3A_823 = arith.constant 0 : i32
      %broadcast_in_dim3A_824 = vector.broadcast %broadcast_in_dim3A_823 : i32 to vector<16xi32>
      %gather3A_825 = tpu.vector_load_idx %arg11[%add3A_822, %broadcast_in_dim3A_824] : memref<128x16xf32, #tpu.memory_space<vmem>>[vector<16xi32>, vector<16xi32>], vector<16xf32>,
      %broadcast_in_dim3A_826 = arith.constant 1 : i32
      %broadcast_in_dim3A_827 = vector.broadcast %broadcast_in_dim3A_826 : i32 to vector<16xi32>
      %gather3A_828 = tpu.vector_load_idx %arg11[%add3A_822, %broadcast_in_dim3A_827] : memref<128x16xf32, #tpu.memory_space<vmem>>[vector<16xi32>, vector<16xi32>], vector<16xf32>,
      %add3A_829 = arith.addf %gather3A_825, %gather3A_828 : vector<16xf32>
      %broadcast_in_dim3A_830 = arith.constant 2 : i32
      %broadcast_in_dim3A_831 = vector.broadcast %broadcast_in_dim3A_830 : i32 to vector<16xi32>
      %gather3A_832 = tpu.vector_load_idx %arg11[%add3A_822, %broadcast_in_dim3A_831] : memref<128x16xf32, #tpu.memory_space<vmem>>[vector<16xi32>, vector<16xi32>], vector<16xf32>,
      %add3A_833 = arith.addf %add3A_829, %gather3A_832 : vector<16xf32>
      %broadcast_in_dim3A_834 = arith.constant 3 : i32
      %broadcast_in_dim3A_835 = vector.broadcast %broadcast_in_dim3A_834 : i32 to vector<16xi32>
      %gather3A_836 = tpu.vector_load_idx %arg11[%add3A_822, %broadcast_in_dim3A_835] : memref<128x16xf32, #tpu.memory_space<vmem>>[vector<16xi32>, vector<16xi32>], vector<16xf32>,
      %add3A_837 = arith.addf %add3A_833, %gather3A_836 : vector<16xf32>
      %broadcast_in_dim3A_838 = arith.constant 4 : i32
      %broadcast_in_dim3A_839 = vector.broadcast %broadcast_in_dim3A_838 : i32 to vector<16xi32>
      %gather3A_840 = tpu.vector_load_idx %arg11[%add3A_822, %broadcast_in_dim3A_839] : memref<128x16xf32, #tpu.memory_space<vmem>>[vector<16xi32>, vector<16xi32>], vector<16xf32>,
      %add3A_841 = arith.addf %add3A_837, %gather3A_840 : vector<16xf32>
      %broadcast_in_dim3A_842 = arith.constant 5 : i32
      %broadcast_in_dim3A_843 = vector.broadcast %broadcast_in_dim3A_842 : i32 to vector<16xi32>
      %gather3A_844 = tpu.vector_load_idx %arg11[%add3A_822, %broadcast_in_dim3A_843] : memref<128x16xf32, #tpu.memory_space<vmem>>[vector<16xi32>, vector<16xi32>], vector<16xf32>,
      %add3A_845 = arith.addf %add3A_841, %gather3A_844 : vector<16xf32>
      %broadcast_in_dim3A_846 = arith.constant 6 : i32
      %broadcast_in_dim3A_847 = vector.broadcast %broadcast_in_dim3A_846 : i32 to vector<16xi32>
      %gather3A_848 = tpu.vector_load_idx %arg11[%add3A_822, %broadcast_in_dim3A_847] : memref<128x16xf32, #tpu.memory_space<vmem>>[vector<16xi32>, vector<16xi32>], vector<16xf32>,
      %add3A_849 = arith.addf %add3A_845, %gather3A_848 : vector<16xf32>
      %broadcast_in_dim3A_850 = arith.constant 7 : i32
      %broadcast_in_dim3A_851 = vector.broadcast %broadcast_in_dim3A_850 : i32 to vector<16xi32>
      %gather3A_852 = tpu.vector_load_idx %arg11[%add3A_822, %broadcast_in_dim3A_851] : memref<128x16xf32, #tpu.memory_space<vmem>>[vector<16xi32>, vector<16xi32>], vector<16xf32>,
      %add3A_853 = arith.addf %add3A_849, %gather3A_852 : vector<16xf32>
      %broadcast_in_dim3A_854 = arith.constant 8 : i32
      %broadcast_in_dim3A_855 = vector.broadcast %broadcast_in_dim3A_854 : i32 to vector<16xi32>
      %gather3A_856 = tpu.vector_load_idx %arg11[%add3A_822, %broadcast_in_dim3A_855] : memref<128x16xf32, #tpu.memory_space<vmem>>[vector<16xi32>, vector<16xi32>], vector<16xf32>,
      %add3A_857 = arith.addf %add3A_853, %gather3A_856 : vector<16xf32>
      %broadcast_in_dim3A_858 = arith.constant 9 : i32
      %broadcast_in_dim3A_859 = vector.broadcast %broadcast_in_dim3A_858 : i32 to vector<16xi32>
      %gather3A_860 = tpu.vector_load_idx %arg11[%add3A_822, %broadcast_in_dim3A_859] : memref<128x16xf32, #tpu.memory_space<vmem>>[vector<16xi32>, vector<16xi32>], vector<16xf32>,
      %add3A_861 = arith.addf %add3A_857, %gather3A_860 : vector<16xf32>
      %broadcast_in_dim3A_862 = arith.constant 10 : i32
      %broadcast_in_dim3A_863 = vector.broadcast %broadcast_in_dim3A_862 : i32 to vector<16xi32>
      %gather3A_864 = tpu.vector_load_idx %arg11[%add3A_822, %broadcast_in_dim3A_863] : memref<128x16xf32, #tpu.memory_space<vmem>>[vector<16xi32>, vector<16xi32>], vector<16xf32>,
      %add3A_865 = arith.addf %add3A_861, %gather3A_864 : vector<16xf32>
      %broadcast_in_dim3A_866 = arith.constant 11 : i32
      %broadcast_in_dim3A_867 = vector.broadcast %broadcast_in_dim3A_866 : i32 to vector<16xi32>
      %gather3A_868 = tpu.vector_load_idx %arg11[%add3A_822, %broadcast_in_dim3A_867] : memref<128x16xf32, #tpu.memory_space<vmem>>[vector<16xi32>, vector<16xi32>], vector<16xf32>,
      %add3A_869 = arith.addf %add3A_865, %gather3A_868 : vector<16xf32>
      %broadcast_in_dim3A_870 = arith.constant 12 : i32
      %broadcast_in_dim3A_871 = vector.broadcast %broadcast_in_dim3A_870 : i32 to vector<16xi32>
      %gather3A_872 = tpu.vector_load_idx %arg11[%add3A_822, %broadcast_in_dim3A_871] : memref<128x16xf32, #tpu.memory_space<vmem>>[vector<16xi32>, vector<16xi32>], vector<16xf32>,
      %add3A_873 = arith.addf %add3A_869, %gather3A_872 : vector<16xf32>
      %broadcast_in_dim3A_874 = arith.constant 13 : i32
      %broadcast_in_dim3A_875 = vector.broadcast %broadcast_in_dim3A_874 : i32 to vector<16xi32>
      %gather3A_876 = tpu.vector_load_idx %arg11[%add3A_822, %broadcast_in_dim3A_875] : memref<128x16xf32, #tpu.memory_space<vmem>>[vector<16xi32>, vector<16xi32>], vector<16xf32>,
      %add3A_877 = arith.addf %add3A_873, %gather3A_876 : vector<16xf32>
      %broadcast_in_dim3A_878 = arith.constant 14 : i32
      %broadcast_in_dim3A_879 = vector.broadcast %broadcast_in_dim3A_878 : i32 to vector<16xi32>
      %gather3A_880 = tpu.vector_load_idx %arg11[%add3A_822, %broadcast_in_dim3A_879] : memref<128x16xf32, #tpu.memory_space<vmem>>[vector<16xi32>, vector<16xi32>], vector<16xf32>,
      %add3A_881 = arith.addf %add3A_877, %gather3A_880 : vector<16xf32>
      %broadcast_in_dim3A_882 = arith.constant 15 : i32
      %broadcast_in_dim3A_883 = vector.broadcast %broadcast_in_dim3A_882 : i32 to vector<16xi32>
      %gather3A_884 = tpu.vector_load_idx %arg11[%add3A_822, %broadcast_in_dim3A_883] : memref<128x16xf32, #tpu.memory_space<vmem>>[vector<16xi32>, vector<16xi32>], vector<16xf32>,
      %add3A_885 = arith.addf %add3A_881, %gather3A_884 : vector<16xf32>
      %mul3A_886 = arith.constant 7.812500e-03 : f32
      %mul3A_887 = vector.broadcast %mul3A_886 : f32 to vector<16xf32>
      %mul3A_888 = arith.mulf %add3A_885, %mul3A_887 : vector<16xf32>
      %swap3A_889 = arith.constant 0 : i32
      %swap3A_890 = arith.constant 64 : i32
      %swap3A_891 = tpu.memref_slice %arg12[%swap3A_889, %swap3A_890] : memref<2x128xf32, #tpu.memory_space<vmem>> -> memref<1x64xf32, #tpu.memory_space<vmem>>
      %swap3A_892 = tpu.memref_squeeze %swap3A_891 : memref<1x64xf32, #tpu.memory_space<vmem>> -> memref<64xf32, #tpu.memory_space<vmem>>
      %swap3A_893 = arith.constant 48 : index
      %swap3A_894 = tpu.vector_load %swap3A_892[%swap3A_893] {strides = array<i32>} : memref<64xf32, #tpu.memory_space<vmem>>, vector<16xf32>,
      tpu.vector_store %swap3A_892[%swap3A_893], %mul3A_888 {strides = array<i32>} : memref<64xf32, #tpu.memory_space<vmem>>, vector<16xf32>,
      %mul3A_895 = arith.constant 128 : i32
      %mul3A_896 = arith.muli %add3A_221, %mul3A_895 : i32
      %add3A_897 = arith.addi %mul3A_2, %mul3A_896 : i32
      %dma_start3A_898 = arith.constant 0 : i32
      %dma_start3A_899 = arith.constant 0 : i32
      %dma_start3A_900 = tpu.memref_slice %arg12[%dma_start3A_898, %dma_start3A_899] : memref<2x128xf32, #tpu.memory_space<vmem>> -> memref<1x128xf32, #tpu.memory_space<vmem>>
      %dma_start3A_901 = tpu.memref_squeeze %dma_start3A_900 : memref<1x128xf32, #tpu.memory_space<vmem>> -> memref<128xf32, #tpu.memory_space<vmem>>
      %dma_start3A_902 = tpu.memref_slice %arg5[%add3A_897] : memref<320000xf32, #tpu.memory_space<hbm>> -> memref<128xf32, #tpu.memory_space<hbm>>
      %dma_start3A_903 = tpu.memref_slice %arg5[%add3A_897] : memref<320000xf32, #tpu.memory_space<hbm>> -> memref<128xf32, #tpu.memory_space<hbm>>
      %dma_start3A_904 = arith.constant 0 : i32
      %dma_start3A_905 = tpu.memref_slice %arg12[%dma_start3A_898, %dma_start3A_904] : memref<2x128xf32, #tpu.memory_space<vmem>> -> memref<1x128xf32, #tpu.memory_space<vmem>>
      %dma_start3A_906 = tpu.memref_squeeze %dma_start3A_905 : memref<1x128xf32, #tpu.memory_space<vmem>> -> memref<128xf32, #tpu.memory_space<vmem>>
      tpu.enqueue_dma source(%dma_start3A_906 : memref<128xf32, #tpu.memory_space<vmem>>) target(%dma_start3A_903 : memref<128xf32, #tpu.memory_space<hbm>>) target_semaphore(%arg24 : memref<!tpu.dma_semaphore, #tpu.memory_space<semaphore_mem>>)
      %add3A_907 = arith.constant 1 : i32
      %add3A_908 = arith.addi %add3A_221, %add3A_907 : i32
      %add3A_909 = arith.constant 1 : i32
      %add3A_910 = arith.addi %add3A_908, %add3A_909 : i32
      %lt3A_911 = arith.constant 78 : i32
      %lt3A_912 = arith.cmpi slt, %add3A_910, %lt3A_911 : i32
      %convert_element_type3A_913 = arith.extui %lt3A_912 : i1 to i32
      %cond3A_914 = arith.constant 0 : i32
      %cond3A_915 = arith.cmpi ne, %convert_element_type3A_913, %cond3A_914 : i32
      scf.if %cond3A_915 {
        %dma_wait3A_1598 = arith.constant 0 : i32
        %dma_wait3A_1599 = arith.constant 0 : i32
        %dma_wait3A_1600 = tpu.memref_slice %arg7[%dma_wait3A_1598, %dma_wait3A_1599] : memref<2x128xi32, #tpu.memory_space<vmem>> -> memref<1x128xi32, #tpu.memory_space<vmem>>
        %dma_wait3A_1601 = tpu.memref_squeeze %dma_wait3A_1600 : memref<1x128xi32, #tpu.memory_space<vmem>> -> memref<128xi32, #tpu.memory_space<vmem>>
        %dma_wait3A_1602 = tpu.memref_slice %arg3[%mul3A_2] : memref<320000xi32, #tpu.memory_space<hbm>> -> memref<128xi32, #tpu.memory_space<hbm>>
        %dma_wait3A_1603 = arith.constant 0 : i32
        %dma_wait3A_1604 = tpu.memref_slice %arg7[%dma_wait3A_1598, %dma_wait3A_1603] : memref<2x128xi32, #tpu.memory_space<vmem>> -> memref<1x128xi32, #tpu.memory_space<vmem>>
        %dma_wait3A_1605 = tpu.memref_squeeze %dma_wait3A_1604 : memref<1x128xi32, #tpu.memory_space<vmem>> -> memref<128xi32, #tpu.memory_space<vmem>>
        %dma_wait3A_1606 = tpu.memref_slice %arg3[%mul3A_2] : memref<320000xi32, #tpu.memory_space<hbm>> -> memref<128xi32, #tpu.memory_space<hbm>>
        tpu.wait_dma2 semaphore(%arg18 : memref<!tpu.dma_semaphore, #tpu.memory_space<semaphore_mem>>) src(%dma_wait3A_1606 : memref<128xi32, #tpu.memory_space<hbm>>) dst(%dma_wait3A_1605 : memref<128xi32, #tpu.memory_space<vmem>>)
        %dma_wait3A_1607 = arith.constant 0 : i32
        %dma_wait3A_1608 = arith.constant 0 : i32
        %dma_wait3A_1609 = tpu.memref_slice %arg8[%dma_wait3A_1607, %dma_wait3A_1608] : memref<2x128xi32, #tpu.memory_space<vmem>> -> memref<1x128xi32, #tpu.memory_space<vmem>>
        %dma_wait3A_1610 = tpu.memref_squeeze %dma_wait3A_1609 : memref<1x128xi32, #tpu.memory_space<vmem>> -> memref<128xi32, #tpu.memory_space<vmem>>
        %dma_wait3A_1611 = tpu.memref_slice %arg4[%mul3A_2] : memref<320000xi32, #tpu.memory_space<hbm>> -> memref<128xi32, #tpu.memory_space<hbm>>
        %dma_wait3A_1612 = arith.constant 0 : i32
        %dma_wait3A_1613 = tpu.memref_slice %arg8[%dma_wait3A_1607, %dma_wait3A_1612] : memref<2x128xi32, #tpu.memory_space<vmem>> -> memref<1x128xi32, #tpu.memory_space<vmem>>
        %dma_wait3A_1614 = tpu.memref_squeeze %dma_wait3A_1613 : memref<1x128xi32, #tpu.memory_space<vmem>> -> memref<128xi32, #tpu.memory_space<vmem>>
        %dma_wait3A_1615 = tpu.memref_slice %arg4[%mul3A_2] : memref<320000xi32, #tpu.memory_space<hbm>> -> memref<128xi32, #tpu.memory_space<hbm>>
        tpu.wait_dma2 semaphore(%arg18 : memref<!tpu.dma_semaphore, #tpu.memory_space<semaphore_mem>>) src(%dma_wait3A_1615 : memref<128xi32, #tpu.memory_space<hbm>>) dst(%dma_wait3A_1614 : memref<128xi32, #tpu.memory_space<vmem>>)
        %dma_start3A_1616 = arith.constant 0 : i32
        %dma_start3A_1617 = arith.constant 0 : i32
        %dma_start3A_1618 = arith.constant 0 : i32
        %dma_start3A_1619 = arith.constant 0 : i32
        %dma_start3A_1620 = tpu.memref_slice %arg9[%dma_start3A_1617, %dma_start3A_1618, %dma_start3A_1619] : memref<2x128x64xi32, #tpu.memory_space<vmem>> -> memref<1x64x64xi32, #tpu.memory_space<vmem>>
        %dma_start3A_1621 = tpu.memref_squeeze %dma_start3A_1620 : memref<1x64x64xi32, #tpu.memory_space<vmem>> -> memref<64x64xi32, #tpu.memory_space<vmem>>
        %dma_start3A_1622 = arith.constant 0 : i32
        %dma_start3A_1623 = tpu.memref_slice %arg7[%dma_start3A_1616, %dma_start3A_1622] : memref<2x128xi32, #tpu.memory_space<vmem>> -> memref<1x64xi32, #tpu.memory_space<vmem>>
        %dma_start3A_1624 = tpu.memref_squeeze %dma_start3A_1623 : memref<1x64xi32, #tpu.memory_space<vmem>> -> memref<64xi32, #tpu.memory_space<vmem>>
        %dma_start3A_1625 = arith.constant 0 : i32
        %dma_start3A_1626 = arith.constant 0 : i32
        %dma_start3A_1627 = tpu.memref_slice %arg6[%dma_start3A_1625, %dma_start3A_1626] : memref<10000x64xi32, #tpu.memory_space<vmem_shared>> -> memref<10000x64xi32, #tpu.memory_space<vmem_shared>>
        tpu.enqueue_indirect_dma source(%dma_start3A_1627 : memref<10000x64xi32, #tpu.memory_space<vmem_shared>>) target(%dma_start3A_1621 : memref<64x64xi32, #tpu.memory_space<vmem>>) offsets(%dma_start3A_1624 : memref<64xi32, #tpu.memory_space<vmem>>) semaphore(%arg20 : memref<!tpu.dma_semaphore, #tpu.memory_space<semaphore_mem>>)
        %dma_start3A_1628 = arith.constant 0 : i32
        %dma_start3A_1629 = arith.constant 0 : i32
        %dma_start3A_1630 = arith.constant 0 : i32
        %dma_start3A_1631 = arith.constant 0 : i32
        %dma_start3A_1632 = tpu.memref_slice %arg10[%dma_start3A_1629, %dma_start3A_1630, %dma_start3A_1631] : memref<2x128x64xi32, #tpu.memory_space<vmem>> -> memref<1x64x64xi32, #tpu.memory_space<vmem>>
        %dma_start3A_1633 = tpu.memref_squeeze %dma_start3A_1632 : memref<1x64x64xi32, #tpu.memory_space<vmem>> -> memref<64x64xi32, #tpu.memory_space<vmem>>
        %dma_start3A_1634 = arith.constant 0 : i32
        %dma_start3A_1635 = tpu.memref_slice %arg8[%dma_start3A_1628, %dma_start3A_1634] : memref<2x128xi32, #tpu.memory_space<vmem>> -> memref<1x64xi32, #tpu.memory_space<vmem>>
        %dma_start3A_1636 = tpu.memref_squeeze %dma_start3A_1635 : memref<1x64xi32, #tpu.memory_space<vmem>> -> memref<64xi32, #tpu.memory_space<vmem>>
        %dma_start3A_1637 = arith.constant 0 : i32
        %dma_start3A_1638 = arith.constant 0 : i32
        %dma_start3A_1639 = tpu.memref_slice %arg6[%dma_start3A_1637, %dma_start3A_1638] : memref<10000x64xi32, #tpu.memory_space<vmem_shared>> -> memref<10000x64xi32, #tpu.memory_space<vmem_shared>>
        tpu.enqueue_indirect_dma source(%dma_start3A_1639 : memref<10000x64xi32, #tpu.memory_space<vmem_shared>>) target(%dma_start3A_1633 : memref<64x64xi32, #tpu.memory_space<vmem>>) offsets(%dma_start3A_1636 : memref<64xi32, #tpu.memory_space<vmem>>) semaphore(%arg20 : memref<!tpu.dma_semaphore, #tpu.memory_space<semaphore_mem>>)
        %dma_start3A_1640 = arith.constant 0 : i32
        %dma_start3A_1641 = arith.constant 0 : i32
        %dma_start3A_1642 = arith.constant 64 : i32
        %dma_start3A_1643 = arith.constant 0 : i32
        %dma_start3A_1644 = tpu.memref_slice %arg9[%dma_start3A_1641, %dma_start3A_1642, %dma_start3A_1643] : memref<2x128x64xi32, #tpu.memory_space<vmem>> -> memref<1x64x64xi32, #tpu.memory_space<vmem>>
        %dma_start3A_1645 = tpu.memref_squeeze %dma_start3A_1644 : memref<1x64x64xi32, #tpu.memory_space<vmem>> -> memref<64x64xi32, #tpu.memory_space<vmem>>
        %dma_start3A_1646 = arith.constant 64 : i32
        %dma_start3A_1647 = tpu.memref_slice %arg7[%dma_start3A_1640, %dma_start3A_1646] : memref<2x128xi32, #tpu.memory_space<vmem>> -> memref<1x64xi32, #tpu.memory_space<vmem>>
        %dma_start3A_1648 = tpu.memref_squeeze %dma_start3A_1647 : memref<1x64xi32, #tpu.memory_space<vmem>> -> memref<64xi32, #tpu.memory_space<vmem>>
        %dma_start3A_1649 = arith.constant 0 : i32
        %dma_start3A_1650 = arith.constant 0 : i32
        %dma_start3A_1651 = tpu.memref_slice %arg6[%dma_start3A_1649, %dma_start3A_1650] : memref<10000x64xi32, #tpu.memory_space<vmem_shared>> -> memref<10000x64xi32, #tpu.memory_space<vmem_shared>>
        tpu.enqueue_indirect_dma source(%dma_start3A_1651 : memref<10000x64xi32, #tpu.memory_space<vmem_shared>>) target(%dma_start3A_1645 : memref<64x64xi32, #tpu.memory_space<vmem>>) offsets(%dma_start3A_1648 : memref<64xi32, #tpu.memory_space<vmem>>) semaphore(%arg22 : memref<!tpu.dma_semaphore, #tpu.memory_space<semaphore_mem>>)
        %dma_start3A_1652 = arith.constant 0 : i32
        %dma_start3A_1653 = arith.constant 0 : i32
        %dma_start3A_1654 = arith.constant 64 : i32
        %dma_start3A_1655 = arith.constant 0 : i32
        %dma_start3A_1656 = tpu.memref_slice %arg10[%dma_start3A_1653, %dma_start3A_1654, %dma_start3A_1655] : memref<2x128x64xi32, #tpu.memory_space<vmem>> -> memref<1x64x64xi32, #tpu.memory_space<vmem>>
        %dma_start3A_1657 = tpu.memref_squeeze %dma_start3A_1656 : memref<1x64x64xi32, #tpu.memory_space<vmem>> -> memref<64x64xi32, #tpu.memory_space<vmem>>
        %dma_start3A_1658 = arith.constant 64 : i32
        %dma_start3A_1659 = tpu.memref_slice %arg8[%dma_start3A_1652, %dma_start3A_1658] : memref<2x128xi32, #tpu.memory_space<vmem>> -> memref<1x64xi32, #tpu.memory_space<vmem>>
        %dma_start3A_1660 = tpu.memref_squeeze %dma_start3A_1659 : memref<1x64xi32, #tpu.memory_space<vmem>> -> memref<64xi32, #tpu.memory_space<vmem>>
        %dma_start3A_1661 = arith.constant 0 : i32
        %dma_start3A_1662 = arith.constant 0 : i32
        %dma_start3A_1663 = tpu.memref_slice %arg6[%dma_start3A_1661, %dma_start3A_1662] : memref<10000x64xi32, #tpu.memory_space<vmem_shared>> -> memref<10000x64xi32, #tpu.memory_space<vmem_shared>>
        tpu.enqueue_indirect_dma source(%dma_start3A_1663 : memref<10000x64xi32, #tpu.memory_space<vmem_shared>>) target(%dma_start3A_1657 : memref<64x64xi32, #tpu.memory_space<vmem>>) offsets(%dma_start3A_1660 : memref<64xi32, #tpu.memory_space<vmem>>) semaphore(%arg22 : memref<!tpu.dma_semaphore, #tpu.memory_space<semaphore_mem>>)
      } else {
      }
      %dma_wait3A_916 = arith.constant 1 : i32
      %dma_wait3A_917 = arith.constant 1 : i32
      %dma_wait3A_918 = arith.constant 0 : i32
      %dma_wait3A_919 = arith.constant 0 : i32
      %dma_wait3A_920 = tpu.memref_slice %arg9[%dma_wait3A_917, %dma_wait3A_918, %dma_wait3A_919] : memref<2x128x64xi32, #tpu.memory_space<vmem>> -> memref<1x64x64xi32, #tpu.memory_space<vmem>>
      %dma_wait3A_921 = tpu.memref_squeeze %dma_wait3A_920 : memref<1x64x64xi32, #tpu.memory_space<vmem>> -> memref<64x64xi32, #tpu.memory_space<vmem>>
      %dma_wait3A_922 = arith.constant 0 : i32
      %dma_wait3A_923 = tpu.memref_slice %arg7[%dma_wait3A_916, %dma_wait3A_922] : memref<2x128xi32, #tpu.memory_space<vmem>> -> memref<1x64xi32, #tpu.memory_space<vmem>>
      %dma_wait3A_924 = tpu.memref_squeeze %dma_wait3A_923 : memref<1x64xi32, #tpu.memory_space<vmem>> -> memref<64xi32, #tpu.memory_space<vmem>>
      %dma_wait3A_925 = arith.constant 0 : i32
      %dma_wait3A_926 = arith.constant 0 : i32
      %dma_wait3A_927 = tpu.memref_slice %arg6[%dma_wait3A_925, %dma_wait3A_926] : memref<10000x64xi32, #tpu.memory_space<vmem_shared>> -> memref<10000x64xi32, #tpu.memory_space<vmem_shared>>
      tpu.wait_indirect_dma semaphore(%arg21 : memref<!tpu.dma_semaphore, #tpu.memory_space<semaphore_mem>>) src(%dma_wait3A_927 : memref<10000x64xi32, #tpu.memory_space<vmem_shared>>) dst(%dma_wait3A_921 : memref<64x64xi32, #tpu.memory_space<vmem>>)
      %dma_wait3A_928 = arith.constant 1 : i32
      %dma_wait3A_929 = arith.constant 1 : i32
      %dma_wait3A_930 = arith.constant 0 : i32
      %dma_wait3A_931 = arith.constant 0 : i32
      %dma_wait3A_932 = tpu.memref_slice %arg10[%dma_wait3A_929, %dma_wait3A_930, %dma_wait3A_931] : memref<2x128x64xi32, #tpu.memory_space<vmem>> -> memref<1x64x64xi32, #tpu.memory_space<vmem>>
      %dma_wait3A_933 = tpu.memref_squeeze %dma_wait3A_932 : memref<1x64x64xi32, #tpu.memory_space<vmem>> -> memref<64x64xi32, #tpu.memory_space<vmem>>
      %dma_wait3A_934 = arith.constant 0 : i32
      %dma_wait3A_935 = tpu.memref_slice %arg8[%dma_wait3A_928, %dma_wait3A_934] : memref<2x128xi32, #tpu.memory_space<vmem>> -> memref<1x64xi32, #tpu.memory_space<vmem>>
      %dma_wait3A_936 = tpu.memref_squeeze %dma_wait3A_935 : memref<1x64xi32, #tpu.memory_space<vmem>> -> memref<64xi32, #tpu.memory_space<vmem>>
      %dma_wait3A_937 = arith.constant 0 : i32
      %dma_wait3A_938 = arith.constant 0 : i32
      %dma_wait3A_939 = tpu.memref_slice %arg6[%dma_wait3A_937, %dma_wait3A_938] : memref<10000x64xi32, #tpu.memory_space<vmem_shared>> -> memref<10000x64xi32, #tpu.memory_space<vmem_shared>>
      tpu.wait_indirect_dma semaphore(%arg21 : memref<!tpu.dma_semaphore, #tpu.memory_space<semaphore_mem>>) src(%dma_wait3A_939 : memref<10000x64xi32, #tpu.memory_space<vmem_shared>>) dst(%dma_wait3A_933 : memref<64x64xi32, #tpu.memory_space<vmem>>)
      %add3A_940 = arith.constant 2 : i32
      %add3A_941 = arith.addi %add3A_908, %add3A_940 : i32
      %lt3A_942 = arith.constant 78 : i32
      %lt3A_943 = arith.cmpi slt, %add3A_941, %lt3A_942 : i32
      %convert_element_type3A_944 = arith.extui %lt3A_943 : i1 to i32
      %cond3A_945 = arith.constant 0 : i32
      %cond3A_946 = arith.cmpi ne, %convert_element_type3A_944, %cond3A_945 : i32
      scf.if %cond3A_946 {
        %add3A_1598 = arith.constant 2 : i32
        %add3A_1599 = arith.addi %add3A_908, %add3A_1598 : i32
        %mul3A_1600 = arith.constant 128 : i32
        %mul3A_1601 = arith.muli %add3A_1599, %mul3A_1600 : i32
        %add3A_1602 = arith.addi %mul3A_2, %mul3A_1601 : i32
        %dma_start3A_1603 = arith.constant 1 : i32
        %dma_start3A_1604 = arith.constant 0 : i32
        %dma_start3A_1605 = tpu.memref_slice %arg7[%dma_start3A_1603, %dma_start3A_1604] : memref<2x128xi32, #tpu.memory_space<vmem>> -> memref<1x128xi32, #tpu.memory_space<vmem>>
        %dma_start3A_1606 = tpu.memref_squeeze %dma_start3A_1605 : memref<1x128xi32, #tpu.memory_space<vmem>> -> memref<128xi32, #tpu.memory_space<vmem>>
        %dma_start3A_1607 = tpu.memref_slice %arg3[%add3A_1602] : memref<320000xi32, #tpu.memory_space<hbm>> -> memref<128xi32, #tpu.memory_space<hbm>>
        %dma_start3A_1608 = arith.constant 0 : i32
        %dma_start3A_1609 = tpu.memref_slice %arg7[%dma_start3A_1603, %dma_start3A_1608] : memref<2x128xi32, #tpu.memory_space<vmem>> -> memref<1x128xi32, #tpu.memory_space<vmem>>
        %dma_start3A_1610 = tpu.memref_squeeze %dma_start3A_1609 : memref<1x128xi32, #tpu.memory_space<vmem>> -> memref<128xi32, #tpu.memory_space<vmem>>
        %dma_start3A_1611 = tpu.memref_slice %arg3[%add3A_1602] : memref<320000xi32, #tpu.memory_space<hbm>> -> memref<128xi32, #tpu.memory_space<hbm>>
        tpu.enqueue_dma source(%dma_start3A_1611 : memref<128xi32, #tpu.memory_space<hbm>>) target(%dma_start3A_1610 : memref<128xi32, #tpu.memory_space<vmem>>) target_semaphore(%arg19 : memref<!tpu.dma_semaphore, #tpu.memory_space<semaphore_mem>>)
        %dma_start3A_1612 = arith.constant 1 : i32
        %dma_start3A_1613 = arith.constant 0 : i32
        %dma_start3A_1614 = tpu.memref_slice %arg8[%dma_start3A_1612, %dma_start3A_1613] : memref<2x128xi32, #tpu.memory_space<vmem>> -> memref<1x128xi32, #tpu.memory_space<vmem>>
        %dma_start3A_1615 = tpu.memref_squeeze %dma_start3A_1614 : memref<1x128xi32, #tpu.memory_space<vmem>> -> memref<128xi32, #tpu.memory_space<vmem>>
        %dma_start3A_1616 = tpu.memref_slice %arg4[%add3A_1602] : memref<320000xi32, #tpu.memory_space<hbm>> -> memref<128xi32, #tpu.memory_space<hbm>>
        %dma_start3A_1617 = arith.constant 0 : i32
        %dma_start3A_1618 = tpu.memref_slice %arg8[%dma_start3A_1612, %dma_start3A_1617] : memref<2x128xi32, #tpu.memory_space<vmem>> -> memref<1x128xi32, #tpu.memory_space<vmem>>
        %dma_start3A_1619 = tpu.memref_squeeze %dma_start3A_1618 : memref<1x128xi32, #tpu.memory_space<vmem>> -> memref<128xi32, #tpu.memory_space<vmem>>
        %dma_start3A_1620 = tpu.memref_slice %arg4[%add3A_1602] : memref<320000xi32, #tpu.memory_space<hbm>> -> memref<128xi32, #tpu.memory_space<hbm>>
        tpu.enqueue_dma source(%dma_start3A_1620 : memref<128xi32, #tpu.memory_space<hbm>>) target(%dma_start3A_1619 : memref<128xi32, #tpu.memory_space<vmem>>) target_semaphore(%arg19 : memref<!tpu.dma_semaphore, #tpu.memory_space<semaphore_mem>>)
      } else {
      }
      %ge3A_947 = arith.constant 2 : i32
      %ge3A_948 = arith.cmpi sge, %add3A_908, %ge3A_947 : i32
      %convert_element_type3A_949 = arith.extui %ge3A_948 : i1 to i32
      %cond3A_950 = arith.constant 0 : i32
      %cond3A_951 = arith.cmpi ne, %convert_element_type3A_949, %cond3A_950 : i32
      scf.if %cond3A_951 {
        %dma_wait3A_1598 = arith.constant 1 : i32
        %dma_wait3A_1599 = arith.constant 0 : i32
        %dma_wait3A_1600 = tpu.memref_slice %arg12[%dma_wait3A_1598, %dma_wait3A_1599] : memref<2x128xf32, #tpu.memory_space<vmem>> -> memref<1x128xf32, #tpu.memory_space<vmem>>
        %dma_wait3A_1601 = tpu.memref_squeeze %dma_wait3A_1600 : memref<1x128xf32, #tpu.memory_space<vmem>> -> memref<128xf32, #tpu.memory_space<vmem>>
        %dma_wait3A_1602 = tpu.memref_slice %arg5[%mul3A_2] : memref<320000xf32, #tpu.memory_space<hbm>> -> memref<128xf32, #tpu.memory_space<hbm>>
        %dma_wait3A_1603 = tpu.memref_slice %arg5[%mul3A_2] : memref<320000xf32, #tpu.memory_space<hbm>> -> memref<128xf32, #tpu.memory_space<hbm>>
        %dma_wait3A_1604 = arith.constant 0 : i32
        %dma_wait3A_1605 = tpu.memref_slice %arg12[%dma_wait3A_1598, %dma_wait3A_1604] : memref<2x128xf32, #tpu.memory_space<vmem>> -> memref<1x128xf32, #tpu.memory_space<vmem>>
        %dma_wait3A_1606 = tpu.memref_squeeze %dma_wait3A_1605 : memref<1x128xf32, #tpu.memory_space<vmem>> -> memref<128xf32, #tpu.memory_space<vmem>>
        tpu.wait_dma2 semaphore(%arg25 : memref<!tpu.dma_semaphore, #tpu.memory_space<semaphore_mem>>) src(%dma_wait3A_1606 : memref<128xf32, #tpu.memory_space<vmem>>) dst(%dma_wait3A_1603 : memref<128xf32, #tpu.memory_space<hbm>>)
      } else {
      }
      %parallel_loop3A_952 = arith.constant 0 : i32
      %parallel_loop3A_953 = arith.constant 64 : i32
      %parallel_loop3A_954 = arith.constant 1 : i32
      %parallel_loop3A_955 = arith.constant 1 : i32
      %parallel_loop3A_956 = arith.constant 1 : i32
      scf.for %parallel_loop3A_1598 = %parallel_loop3A_952 to %parallel_loop3A_953 step %parallel_loop3A_954  : i32 {
        %parallel_loop3A_1599 = arith.constant 0 : i32
        %parallel_loop3A_1600 = arith.constant 0 : i32
        %parallel_loop3A_1601 = tpu.memref_slice %arg9[%parallel_loop3A_955, %parallel_loop3A_1599, %parallel_loop3A_1600] : memref<2x128x64xi32, #tpu.memory_space<vmem>> -> memref<1x64x64xi32, #tpu.memory_space<vmem>>
        %parallel_loop3A_1602 = tpu.memref_squeeze %parallel_loop3A_1601 : memref<1x64x64xi32, #tpu.memory_space<vmem>> -> memref<64x64xi32, #tpu.memory_space<vmem>>
        %parallel_loop3A_1603 = arith.index_cast %parallel_loop3A_1598 : i32 to index
        %parallel_loop3A_1604 = arith.constant 0 : index
        %parallel_loop3A_1605 = tpu.vector_load %parallel_loop3A_1602[%parallel_loop3A_1603, %parallel_loop3A_1604] {strides = array<i32>} : memref<64x64xi32, #tpu.memory_space<vmem>>, vector<16xi32>,
        %parallel_loop3A_1606 = vector.bitcast %parallel_loop3A_1605 : vector<16xi32> to vector<32xbf16>
        %parallel_loop3A_1607 = arith.constant 0 : i32
        %parallel_loop3A_1608 = arith.constant 0 : i32
        %parallel_loop3A_1609 = tpu.memref_slice %arg10[%parallel_loop3A_956, %parallel_loop3A_1607, %parallel_loop3A_1608] : memref<2x128x64xi32, #tpu.memory_space<vmem>> -> memref<1x64x64xi32, #tpu.memory_space<vmem>>
        %parallel_loop3A_1610 = tpu.memref_squeeze %parallel_loop3A_1609 : memref<1x64x64xi32, #tpu.memory_space<vmem>> -> memref<64x64xi32, #tpu.memory_space<vmem>>
        %parallel_loop3A_1611 = arith.index_cast %parallel_loop3A_1598 : i32 to index
        %parallel_loop3A_1612 = arith.constant 0 : index
        %parallel_loop3A_1613 = tpu.vector_load %parallel_loop3A_1610[%parallel_loop3A_1611, %parallel_loop3A_1612] {strides = array<i32>} : memref<64x64xi32, #tpu.memory_space<vmem>>, vector<16xi32>,
        %parallel_loop3A_1614 = vector.bitcast %parallel_loop3A_1613 : vector<16xi32> to vector<32xbf16>
        %parallel_loop3A_1615 = arith.mulf %parallel_loop3A_1606, %parallel_loop3A_1614 : vector<32xbf16>
        %parallel_loop3A_1616 = tpu.unpack_subelements %parallel_loop3A_1615, 0 {pack_format = #tpu.pack_format<interleaved>} : vector<32xbf16> -> vector<16xf32>
        %parallel_loop3A_1617 = tpu.unpack_subelements %parallel_loop3A_1615, 1 {pack_format = #tpu.pack_format<interleaved>} : vector<32xbf16> -> vector<16xf32>
        %parallel_loop3A_1618 = arith.addf %parallel_loop3A_1616, %parallel_loop3A_1617 : vector<16xf32>
        %parallel_loop3A_1619 = arith.constant 0 : i32
        %parallel_loop3A_1620 = arith.constant 0 : i32
        %parallel_loop3A_1621 = tpu.memref_slice %arg9[%parallel_loop3A_955, %parallel_loop3A_1619, %parallel_loop3A_1620] : memref<2x128x64xi32, #tpu.memory_space<vmem>> -> memref<1x64x64xi32, #tpu.memory_space<vmem>>
        %parallel_loop3A_1622 = tpu.memref_squeeze %parallel_loop3A_1621 : memref<1x64x64xi32, #tpu.memory_space<vmem>> -> memref<64x64xi32, #tpu.memory_space<vmem>>
        %parallel_loop3A_1623 = arith.index_cast %parallel_loop3A_1598 : i32 to index
        %parallel_loop3A_1624 = arith.constant 16 : index
        %parallel_loop3A_1625 = tpu.vector_load %parallel_loop3A_1622[%parallel_loop3A_1623, %parallel_loop3A_1624] {strides = array<i32>} : memref<64x64xi32, #tpu.memory_space<vmem>>, vector<16xi32>,
        %parallel_loop3A_1626 = vector.bitcast %parallel_loop3A_1625 : vector<16xi32> to vector<32xbf16>
        %parallel_loop3A_1627 = arith.constant 0 : i32
        %parallel_loop3A_1628 = arith.constant 0 : i32
        %parallel_loop3A_1629 = tpu.memref_slice %arg10[%parallel_loop3A_956, %parallel_loop3A_1627, %parallel_loop3A_1628] : memref<2x128x64xi32, #tpu.memory_space<vmem>> -> memref<1x64x64xi32, #tpu.memory_space<vmem>>
        %parallel_loop3A_1630 = tpu.memref_squeeze %parallel_loop3A_1629 : memref<1x64x64xi32, #tpu.memory_space<vmem>> -> memref<64x64xi32, #tpu.memory_space<vmem>>
        %parallel_loop3A_1631 = arith.index_cast %parallel_loop3A_1598 : i32 to index
        %parallel_loop3A_1632 = arith.constant 16 : index
        %parallel_loop3A_1633 = tpu.vector_load %parallel_loop3A_1630[%parallel_loop3A_1631, %parallel_loop3A_1632] {strides = array<i32>} : memref<64x64xi32, #tpu.memory_space<vmem>>, vector<16xi32>,
        %parallel_loop3A_1634 = vector.bitcast %parallel_loop3A_1633 : vector<16xi32> to vector<32xbf16>
        %parallel_loop3A_1635 = arith.mulf %parallel_loop3A_1626, %parallel_loop3A_1634 : vector<32xbf16>
        %parallel_loop3A_1636 = tpu.unpack_subelements %parallel_loop3A_1635, 0 {pack_format = #tpu.pack_format<interleaved>} : vector<32xbf16> -> vector<16xf32>
        %parallel_loop3A_1637 = tpu.unpack_subelements %parallel_loop3A_1635, 1 {pack_format = #tpu.pack_format<interleaved>} : vector<32xbf16> -> vector<16xf32>
        %parallel_loop3A_1638 = arith.addf %parallel_loop3A_1618, %parallel_loop3A_1636 : vector<16xf32>
        %parallel_loop3A_1639 = arith.addf %parallel_loop3A_1638, %parallel_loop3A_1637 : vector<16xf32>
        %parallel_loop3A_1640 = arith.constant 0 : i32
        %parallel_loop3A_1641 = arith.constant 0 : i32
        %parallel_loop3A_1642 = tpu.memref_slice %arg9[%parallel_loop3A_955, %parallel_loop3A_1640, %parallel_loop3A_1641] : memref<2x128x64xi32, #tpu.memory_space<vmem>> -> memref<1x64x64xi32, #tpu.memory_space<vmem>>
        %parallel_loop3A_1643 = tpu.memref_squeeze %parallel_loop3A_1642 : memref<1x64x64xi32, #tpu.memory_space<vmem>> -> memref<64x64xi32, #tpu.memory_space<vmem>>
        %parallel_loop3A_1644 = arith.index_cast %parallel_loop3A_1598 : i32 to index
        %parallel_loop3A_1645 = arith.constant 32 : index
        %parallel_loop3A_1646 = tpu.vector_load %parallel_loop3A_1643[%parallel_loop3A_1644, %parallel_loop3A_1645] {strides = array<i32>} : memref<64x64xi32, #tpu.memory_space<vmem>>, vector<16xi32>,
        %parallel_loop3A_1647 = vector.bitcast %parallel_loop3A_1646 : vector<16xi32> to vector<32xbf16>
        %parallel_loop3A_1648 = arith.constant 0 : i32
        %parallel_loop3A_1649 = arith.constant 0 : i32
        %parallel_loop3A_1650 = tpu.memref_slice %arg10[%parallel_loop3A_956, %parallel_loop3A_1648, %parallel_loop3A_1649] : memref<2x128x64xi32, #tpu.memory_space<vmem>> -> memref<1x64x64xi32, #tpu.memory_space<vmem>>
        %parallel_loop3A_1651 = tpu.memref_squeeze %parallel_loop3A_1650 : memref<1x64x64xi32, #tpu.memory_space<vmem>> -> memref<64x64xi32, #tpu.memory_space<vmem>>
        %parallel_loop3A_1652 = arith.index_cast %parallel_loop3A_1598 : i32 to index
        %parallel_loop3A_1653 = arith.constant 32 : index
        %parallel_loop3A_1654 = tpu.vector_load %parallel_loop3A_1651[%parallel_loop3A_1652, %parallel_loop3A_1653] {strides = array<i32>} : memref<64x64xi32, #tpu.memory_space<vmem>>, vector<16xi32>,
        %parallel_loop3A_1655 = vector.bitcast %parallel_loop3A_1654 : vector<16xi32> to vector<32xbf16>
        %parallel_loop3A_1656 = arith.mulf %parallel_loop3A_1647, %parallel_loop3A_1655 : vector<32xbf16>
        %parallel_loop3A_1657 = tpu.unpack_subelements %parallel_loop3A_1656, 0 {pack_format = #tpu.pack_format<interleaved>} : vector<32xbf16> -> vector<16xf32>
        %parallel_loop3A_1658 = tpu.unpack_subelements %parallel_loop3A_1656, 1 {pack_format = #tpu.pack_format<interleaved>} : vector<32xbf16> -> vector<16xf32>
        %parallel_loop3A_1659 = arith.addf %parallel_loop3A_1639, %parallel_loop3A_1657 : vector<16xf32>
        %parallel_loop3A_1660 = arith.addf %parallel_loop3A_1659, %parallel_loop3A_1658 : vector<16xf32>
        %parallel_loop3A_1661 = arith.constant 0 : i32
        %parallel_loop3A_1662 = arith.constant 0 : i32
        %parallel_loop3A_1663 = tpu.memref_slice %arg9[%parallel_loop3A_955, %parallel_loop3A_1661, %parallel_loop3A_1662] : memref<2x128x64xi32, #tpu.memory_space<vmem>> -> memref<1x64x64xi32, #tpu.memory_space<vmem>>
        %parallel_loop3A_1664 = tpu.memref_squeeze %parallel_loop3A_1663 : memref<1x64x64xi32, #tpu.memory_space<vmem>> -> memref<64x64xi32, #tpu.memory_space<vmem>>
        %parallel_loop3A_1665 = arith.index_cast %parallel_loop3A_1598 : i32 to index
        %parallel_loop3A_1666 = arith.constant 48 : index
        %parallel_loop3A_1667 = tpu.vector_load %parallel_loop3A_1664[%parallel_loop3A_1665, %parallel_loop3A_1666] {strides = array<i32>} : memref<64x64xi32, #tpu.memory_space<vmem>>, vector<16xi32>,
        %parallel_loop3A_1668 = vector.bitcast %parallel_loop3A_1667 : vector<16xi32> to vector<32xbf16>
        %parallel_loop3A_1669 = arith.constant 0 : i32
        %parallel_loop3A_1670 = arith.constant 0 : i32
        %parallel_loop3A_1671 = tpu.memref_slice %arg10[%parallel_loop3A_956, %parallel_loop3A_1669, %parallel_loop3A_1670] : memref<2x128x64xi32, #tpu.memory_space<vmem>> -> memref<1x64x64xi32, #tpu.memory_space<vmem>>
        %parallel_loop3A_1672 = tpu.memref_squeeze %parallel_loop3A_1671 : memref<1x64x64xi32, #tpu.memory_space<vmem>> -> memref<64x64xi32, #tpu.memory_space<vmem>>
        %parallel_loop3A_1673 = arith.index_cast %parallel_loop3A_1598 : i32 to index
        %parallel_loop3A_1674 = arith.constant 48 : index
        %parallel_loop3A_1675 = tpu.vector_load %parallel_loop3A_1672[%parallel_loop3A_1673, %parallel_loop3A_1674] {strides = array<i32>} : memref<64x64xi32, #tpu.memory_space<vmem>>, vector<16xi32>,
        %parallel_loop3A_1676 = vector.bitcast %parallel_loop3A_1675 : vector<16xi32> to vector<32xbf16>
        %parallel_loop3A_1677 = arith.mulf %parallel_loop3A_1668, %parallel_loop3A_1676 : vector<32xbf16>
        %parallel_loop3A_1678 = tpu.unpack_subelements %parallel_loop3A_1677, 0 {pack_format = #tpu.pack_format<interleaved>} : vector<32xbf16> -> vector<16xf32>
        %parallel_loop3A_1679 = tpu.unpack_subelements %parallel_loop3A_1677, 1 {pack_format = #tpu.pack_format<interleaved>} : vector<32xbf16> -> vector<16xf32>
        %parallel_loop3A_1680 = arith.addf %parallel_loop3A_1660, %parallel_loop3A_1678 : vector<16xf32>
        %parallel_loop3A_1681 = arith.addf %parallel_loop3A_1680, %parallel_loop3A_1679 : vector<16xf32>
        %parallel_loop3A_1682 = arith.index_cast %parallel_loop3A_1598 : i32 to index
        %parallel_loop3A_1683 = arith.constant 0 : index
        %parallel_loop3A_1684 = tpu.vector_load %arg11[%parallel_loop3A_1682, %parallel_loop3A_1683] {strides = array<i32>} : memref<128x16xf32, #tpu.memory_space<vmem>>, vector<16xf32>,
        tpu.vector_store %arg11[%parallel_loop3A_1682, %parallel_loop3A_1683], %parallel_loop3A_1681 {strides = array<i32>} : memref<128x16xf32, #tpu.memory_space<vmem>>, vector<16xf32>,
      } {sc.loop_unroll_factor = 8 : i64, sc.parallel_access}
      %add3A_957 = arith.constant 0 : i32
      %add3A_958 = vector.broadcast %add3A_957 : i32 to vector<16xi32>
      %add3A_959 = arith.addi %add3A_958, %iota3A : vector<16xi32>
      %broadcast_in_dim3A_960 = arith.constant 0 : i32
      %broadcast_in_dim3A_961 = vector.broadcast %broadcast_in_dim3A_960 : i32 to vector<16xi32>
      %gather3A_962 = tpu.vector_load_idx %arg11[%add3A_959, %broadcast_in_dim3A_961] : memref<128x16xf32, #tpu.memory_space<vmem>>[vector<16xi32>, vector<16xi32>], vector<16xf32>,
      %broadcast_in_dim3A_963 = arith.constant 1 : i32
      %broadcast_in_dim3A_964 = vector.broadcast %broadcast_in_dim3A_963 : i32 to vector<16xi32>
      %gather3A_965 = tpu.vector_load_idx %arg11[%add3A_959, %broadcast_in_dim3A_964] : memref<128x16xf32, #tpu.memory_space<vmem>>[vector<16xi32>, vector<16xi32>], vector<16xf32>,
      %add3A_966 = arith.addf %gather3A_962, %gather3A_965 : vector<16xf32>
      %broadcast_in_dim3A_967 = arith.constant 2 : i32
      %broadcast_in_dim3A_968 = vector.broadcast %broadcast_in_dim3A_967 : i32 to vector<16xi32>
      %gather3A_969 = tpu.vector_load_idx %arg11[%add3A_959, %broadcast_in_dim3A_968] : memref<128x16xf32, #tpu.memory_space<vmem>>[vector<16xi32>, vector<16xi32>], vector<16xf32>,
      %add3A_970 = arith.addf %add3A_966, %gather3A_969 : vector<16xf32>
      %broadcast_in_dim3A_971 = arith.constant 3 : i32
      %broadcast_in_dim3A_972 = vector.broadcast %broadcast_in_dim3A_971 : i32 to vector<16xi32>
      %gather3A_973 = tpu.vector_load_idx %arg11[%add3A_959, %broadcast_in_dim3A_972] : memref<128x16xf32, #tpu.memory_space<vmem>>[vector<16xi32>, vector<16xi32>], vector<16xf32>,
      %add3A_974 = arith.addf %add3A_970, %gather3A_973 : vector<16xf32>
      %broadcast_in_dim3A_975 = arith.constant 4 : i32
      %broadcast_in_dim3A_976 = vector.broadcast %broadcast_in_dim3A_975 : i32 to vector<16xi32>
      %gather3A_977 = tpu.vector_load_idx %arg11[%add3A_959, %broadcast_in_dim3A_976] : memref<128x16xf32, #tpu.memory_space<vmem>>[vector<16xi32>, vector<16xi32>], vector<16xf32>,
      %add3A_978 = arith.addf %add3A_974, %gather3A_977 : vector<16xf32>
      %broadcast_in_dim3A_979 = arith.constant 5 : i32
      %broadcast_in_dim3A_980 = vector.broadcast %broadcast_in_dim3A_979 : i32 to vector<16xi32>
      %gather3A_981 = tpu.vector_load_idx %arg11[%add3A_959, %broadcast_in_dim3A_980] : memref<128x16xf32, #tpu.memory_space<vmem>>[vector<16xi32>, vector<16xi32>], vector<16xf32>,
      %add3A_982 = arith.addf %add3A_978, %gather3A_981 : vector<16xf32>
      %broadcast_in_dim3A_983 = arith.constant 6 : i32
      %broadcast_in_dim3A_984 = vector.broadcast %broadcast_in_dim3A_983 : i32 to vector<16xi32>
      %gather3A_985 = tpu.vector_load_idx %arg11[%add3A_959, %broadcast_in_dim3A_984] : memref<128x16xf32, #tpu.memory_space<vmem>>[vector<16xi32>, vector<16xi32>], vector<16xf32>,
      %add3A_986 = arith.addf %add3A_982, %gather3A_985 : vector<16xf32>
      %broadcast_in_dim3A_987 = arith.constant 7 : i32
      %broadcast_in_dim3A_988 = vector.broadcast %broadcast_in_dim3A_987 : i32 to vector<16xi32>
      %gather3A_989 = tpu.vector_load_idx %arg11[%add3A_959, %broadcast_in_dim3A_988] : memref<128x16xf32, #tpu.memory_space<vmem>>[vector<16xi32>, vector<16xi32>], vector<16xf32>,
      %add3A_990 = arith.addf %add3A_986, %gather3A_989 : vector<16xf32>
      %broadcast_in_dim3A_991 = arith.constant 8 : i32
      %broadcast_in_dim3A_992 = vector.broadcast %broadcast_in_dim3A_991 : i32 to vector<16xi32>
      %gather3A_993 = tpu.vector_load_idx %arg11[%add3A_959, %broadcast_in_dim3A_992] : memref<128x16xf32, #tpu.memory_space<vmem>>[vector<16xi32>, vector<16xi32>], vector<16xf32>,
      %add3A_994 = arith.addf %add3A_990, %gather3A_993 : vector<16xf32>
      %broadcast_in_dim3A_995 = arith.constant 9 : i32
      %broadcast_in_dim3A_996 = vector.broadcast %broadcast_in_dim3A_995 : i32 to vector<16xi32>
      %gather3A_997 = tpu.vector_load_idx %arg11[%add3A_959, %broadcast_in_dim3A_996] : memref<128x16xf32, #tpu.memory_space<vmem>>[vector<16xi32>, vector<16xi32>], vector<16xf32>,
      %add3A_998 = arith.addf %add3A_994, %gather3A_997 : vector<16xf32>
      %broadcast_in_dim3A_999 = arith.constant 10 : i32
      %broadcast_in_dim3A_1000 = vector.broadcast %broadcast_in_dim3A_999 : i32 to vector<16xi32>
      %gather3A_1001 = tpu.vector_load_idx %arg11[%add3A_959, %broadcast_in_dim3A_1000] : memref<128x16xf32, #tpu.memory_space<vmem>>[vector<16xi32>, vector<16xi32>], vector<16xf32>,
      %add3A_1002 = arith.addf %add3A_998, %gather3A_1001 : vector<16xf32>
      %broadcast_in_dim3A_1003 = arith.constant 11 : i32
      %broadcast_in_dim3A_1004 = vector.broadcast %broadcast_in_dim3A_1003 : i32 to vector<16xi32>
      %gather3A_1005 = tpu.vector_load_idx %arg11[%add3A_959, %broadcast_in_dim3A_1004] : memref<128x16xf32, #tpu.memory_space<vmem>>[vector<16xi32>, vector<16xi32>], vector<16xf32>,
      %add3A_1006 = arith.addf %add3A_1002, %gather3A_1005 : vector<16xf32>
      %broadcast_in_dim3A_1007 = arith.constant 12 : i32
      %broadcast_in_dim3A_1008 = vector.broadcast %broadcast_in_dim3A_1007 : i32 to vector<16xi32>
      %gather3A_1009 = tpu.vector_load_idx %arg11[%add3A_959, %broadcast_in_dim3A_1008] : memref<128x16xf32, #tpu.memory_space<vmem>>[vector<16xi32>, vector<16xi32>], vector<16xf32>,
      %add3A_1010 = arith.addf %add3A_1006, %gather3A_1009 : vector<16xf32>
      %broadcast_in_dim3A_1011 = arith.constant 13 : i32
      %broadcast_in_dim3A_1012 = vector.broadcast %broadcast_in_dim3A_1011 : i32 to vector<16xi32>
      %gather3A_1013 = tpu.vector_load_idx %arg11[%add3A_959, %broadcast_in_dim3A_1012] : memref<128x16xf32, #tpu.memory_space<vmem>>[vector<16xi32>, vector<16xi32>], vector<16xf32>,
      %add3A_1014 = arith.addf %add3A_1010, %gather3A_1013 : vector<16xf32>
      %broadcast_in_dim3A_1015 = arith.constant 14 : i32
      %broadcast_in_dim3A_1016 = vector.broadcast %broadcast_in_dim3A_1015 : i32 to vector<16xi32>
      %gather3A_1017 = tpu.vector_load_idx %arg11[%add3A_959, %broadcast_in_dim3A_1016] : memref<128x16xf32, #tpu.memory_space<vmem>>[vector<16xi32>, vector<16xi32>], vector<16xf32>,
      %add3A_1018 = arith.addf %add3A_1014, %gather3A_1017 : vector<16xf32>
      %broadcast_in_dim3A_1019 = arith.constant 15 : i32
      %broadcast_in_dim3A_1020 = vector.broadcast %broadcast_in_dim3A_1019 : i32 to vector<16xi32>
      %gather3A_1021 = tpu.vector_load_idx %arg11[%add3A_959, %broadcast_in_dim3A_1020] : memref<128x16xf32, #tpu.memory_space<vmem>>[vector<16xi32>, vector<16xi32>], vector<16xf32>,
      %add3A_1022 = arith.addf %add3A_1018, %gather3A_1021 : vector<16xf32>
      %mul3A_1023 = arith.constant 7.812500e-03 : f32
      %mul3A_1024 = vector.broadcast %mul3A_1023 : f32 to vector<16xf32>
      %mul3A_1025 = arith.mulf %add3A_1022, %mul3A_1024 : vector<16xf32>
      %swap3A_1026 = arith.constant 1 : i32
      %swap3A_1027 = arith.constant 0 : i32
      %swap3A_1028 = tpu.memref_slice %arg12[%swap3A_1026, %swap3A_1027] : memref<2x128xf32, #tpu.memory_space<vmem>> -> memref<1x64xf32, #tpu.memory_space<vmem>>
      %swap3A_1029 = tpu.memref_squeeze %swap3A_1028 : memref<1x64xf32, #tpu.memory_space<vmem>> -> memref<64xf32, #tpu.memory_space<vmem>>
      %swap3A_1030 = arith.constant 0 : index
      %swap3A_1031 = tpu.vector_load %swap3A_1029[%swap3A_1030] {strides = array<i32>} : memref<64xf32, #tpu.memory_space<vmem>>, vector<16xf32>,
      tpu.vector_store %swap3A_1029[%swap3A_1030], %mul3A_1025 {strides = array<i32>} : memref<64xf32, #tpu.memory_space<vmem>>, vector<16xf32>,
      %add3A_1032 = arith.constant 16 : i32
      %add3A_1033 = vector.broadcast %add3A_1032 : i32 to vector<16xi32>
      %add3A_1034 = arith.addi %add3A_1033, %iota3A : vector<16xi32>
      %broadcast_in_dim3A_1035 = arith.constant 0 : i32
      %broadcast_in_dim3A_1036 = vector.broadcast %broadcast_in_dim3A_1035 : i32 to vector<16xi32>
      %gather3A_1037 = tpu.vector_load_idx %arg11[%add3A_1034, %broadcast_in_dim3A_1036] : memref<128x16xf32, #tpu.memory_space<vmem>>[vector<16xi32>, vector<16xi32>], vector<16xf32>,
      %broadcast_in_dim3A_1038 = arith.constant 1 : i32
      %broadcast_in_dim3A_1039 = vector.broadcast %broadcast_in_dim3A_1038 : i32 to vector<16xi32>
      %gather3A_1040 = tpu.vector_load_idx %arg11[%add3A_1034, %broadcast_in_dim3A_1039] : memref<128x16xf32, #tpu.memory_space<vmem>>[vector<16xi32>, vector<16xi32>], vector<16xf32>,
      %add3A_1041 = arith.addf %gather3A_1037, %gather3A_1040 : vector<16xf32>
      %broadcast_in_dim3A_1042 = arith.constant 2 : i32
      %broadcast_in_dim3A_1043 = vector.broadcast %broadcast_in_dim3A_1042 : i32 to vector<16xi32>
      %gather3A_1044 = tpu.vector_load_idx %arg11[%add3A_1034, %broadcast_in_dim3A_1043] : memref<128x16xf32, #tpu.memory_space<vmem>>[vector<16xi32>, vector<16xi32>], vector<16xf32>,
      %add3A_1045 = arith.addf %add3A_1041, %gather3A_1044 : vector<16xf32>
      %broadcast_in_dim3A_1046 = arith.constant 3 : i32
      %broadcast_in_dim3A_1047 = vector.broadcast %broadcast_in_dim3A_1046 : i32 to vector<16xi32>
      %gather3A_1048 = tpu.vector_load_idx %arg11[%add3A_1034, %broadcast_in_dim3A_1047] : memref<128x16xf32, #tpu.memory_space<vmem>>[vector<16xi32>, vector<16xi32>], vector<16xf32>,
      %add3A_1049 = arith.addf %add3A_1045, %gather3A_1048 : vector<16xf32>
      %broadcast_in_dim3A_1050 = arith.constant 4 : i32
      %broadcast_in_dim3A_1051 = vector.broadcast %broadcast_in_dim3A_1050 : i32 to vector<16xi32>
      %gather3A_1052 = tpu.vector_load_idx %arg11[%add3A_1034, %broadcast_in_dim3A_1051] : memref<128x16xf32, #tpu.memory_space<vmem>>[vector<16xi32>, vector<16xi32>], vector<16xf32>,
      %add3A_1053 = arith.addf %add3A_1049, %gather3A_1052 : vector<16xf32>
      %broadcast_in_dim3A_1054 = arith.constant 5 : i32
      %broadcast_in_dim3A_1055 = vector.broadcast %broadcast_in_dim3A_1054 : i32 to vector<16xi32>
      %gather3A_1056 = tpu.vector_load_idx %arg11[%add3A_1034, %broadcast_in_dim3A_1055] : memref<128x16xf32, #tpu.memory_space<vmem>>[vector<16xi32>, vector<16xi32>], vector<16xf32>,
      %add3A_1057 = arith.addf %add3A_1053, %gather3A_1056 : vector<16xf32>
      %broadcast_in_dim3A_1058 = arith.constant 6 : i32
      %broadcast_in_dim3A_1059 = vector.broadcast %broadcast_in_dim3A_1058 : i32 to vector<16xi32>
      %gather3A_1060 = tpu.vector_load_idx %arg11[%add3A_1034, %broadcast_in_dim3A_1059] : memref<128x16xf32, #tpu.memory_space<vmem>>[vector<16xi32>, vector<16xi32>], vector<16xf32>,
      %add3A_1061 = arith.addf %add3A_1057, %gather3A_1060 : vector<16xf32>
      %broadcast_in_dim3A_1062 = arith.constant 7 : i32
      %broadcast_in_dim3A_1063 = vector.broadcast %broadcast_in_dim3A_1062 : i32 to vector<16xi32>
      %gather3A_1064 = tpu.vector_load_idx %arg11[%add3A_1034, %broadcast_in_dim3A_1063] : memref<128x16xf32, #tpu.memory_space<vmem>>[vector<16xi32>, vector<16xi32>], vector<16xf32>,
      %add3A_1065 = arith.addf %add3A_1061, %gather3A_1064 : vector<16xf32>
      %broadcast_in_dim3A_1066 = arith.constant 8 : i32
      %broadcast_in_dim3A_1067 = vector.broadcast %broadcast_in_dim3A_1066 : i32 to vector<16xi32>
      %gather3A_1068 = tpu.vector_load_idx %arg11[%add3A_1034, %broadcast_in_dim3A_1067] : memref<128x16xf32, #tpu.memory_space<vmem>>[vector<16xi32>, vector<16xi32>], vector<16xf32>,
      %add3A_1069 = arith.addf %add3A_1065, %gather3A_1068 : vector<16xf32>
      %broadcast_in_dim3A_1070 = arith.constant 9 : i32
      %broadcast_in_dim3A_1071 = vector.broadcast %broadcast_in_dim3A_1070 : i32 to vector<16xi32>
      %gather3A_1072 = tpu.vector_load_idx %arg11[%add3A_1034, %broadcast_in_dim3A_1071] : memref<128x16xf32, #tpu.memory_space<vmem>>[vector<16xi32>, vector<16xi32>], vector<16xf32>,
      %add3A_1073 = arith.addf %add3A_1069, %gather3A_1072 : vector<16xf32>
      %broadcast_in_dim3A_1074 = arith.constant 10 : i32
      %broadcast_in_dim3A_1075 = vector.broadcast %broadcast_in_dim3A_1074 : i32 to vector<16xi32>
      %gather3A_1076 = tpu.vector_load_idx %arg11[%add3A_1034, %broadcast_in_dim3A_1075] : memref<128x16xf32, #tpu.memory_space<vmem>>[vector<16xi32>, vector<16xi32>], vector<16xf32>,
      %add3A_1077 = arith.addf %add3A_1073, %gather3A_1076 : vector<16xf32>
      %broadcast_in_dim3A_1078 = arith.constant 11 : i32
      %broadcast_in_dim3A_1079 = vector.broadcast %broadcast_in_dim3A_1078 : i32 to vector<16xi32>
      %gather3A_1080 = tpu.vector_load_idx %arg11[%add3A_1034, %broadcast_in_dim3A_1079] : memref<128x16xf32, #tpu.memory_space<vmem>>[vector<16xi32>, vector<16xi32>], vector<16xf32>,
      %add3A_1081 = arith.addf %add3A_1077, %gather3A_1080 : vector<16xf32>
      %broadcast_in_dim3A_1082 = arith.constant 12 : i32
      %broadcast_in_dim3A_1083 = vector.broadcast %broadcast_in_dim3A_1082 : i32 to vector<16xi32>
      %gather3A_1084 = tpu.vector_load_idx %arg11[%add3A_1034, %broadcast_in_dim3A_1083] : memref<128x16xf32, #tpu.memory_space<vmem>>[vector<16xi32>, vector<16xi32>], vector<16xf32>,
      %add3A_1085 = arith.addf %add3A_1081, %gather3A_1084 : vector<16xf32>
      %broadcast_in_dim3A_1086 = arith.constant 13 : i32
      %broadcast_in_dim3A_1087 = vector.broadcast %broadcast_in_dim3A_1086 : i32 to vector<16xi32>
      %gather3A_1088 = tpu.vector_load_idx %arg11[%add3A_1034, %broadcast_in_dim3A_1087] : memref<128x16xf32, #tpu.memory_space<vmem>>[vector<16xi32>, vector<16xi32>], vector<16xf32>,
      %add3A_1089 = arith.addf %add3A_1085, %gather3A_1088 : vector<16xf32>
      %broadcast_in_dim3A_1090 = arith.constant 14 : i32
      %broadcast_in_dim3A_1091 = vector.broadcast %broadcast_in_dim3A_1090 : i32 to vector<16xi32>
      %gather3A_1092 = tpu.vector_load_idx %arg11[%add3A_1034, %broadcast_in_dim3A_1091] : memref<128x16xf32, #tpu.memory_space<vmem>>[vector<16xi32>, vector<16xi32>], vector<16xf32>,
      %add3A_1093 = arith.addf %add3A_1089, %gather3A_1092 : vector<16xf32>
      %broadcast_in_dim3A_1094 = arith.constant 15 : i32
      %broadcast_in_dim3A_1095 = vector.broadcast %broadcast_in_dim3A_1094 : i32 to vector<16xi32>
      %gather3A_1096 = tpu.vector_load_idx %arg11[%add3A_1034, %broadcast_in_dim3A_1095] : memref<128x16xf32, #tpu.memory_space<vmem>>[vector<16xi32>, vector<16xi32>], vector<16xf32>,
      %add3A_1097 = arith.addf %add3A_1093, %gather3A_1096 : vector<16xf32>
      %mul3A_1098 = arith.constant 7.812500e-03 : f32
      %mul3A_1099 = vector.broadcast %mul3A_1098 : f32 to vector<16xf32>
      %mul3A_1100 = arith.mulf %add3A_1097, %mul3A_1099 : vector<16xf32>
      %swap3A_1101 = arith.constant 1 : i32
      %swap3A_1102 = arith.constant 0 : i32
      %swap3A_1103 = tpu.memref_slice %arg12[%swap3A_1101, %swap3A_1102] : memref<2x128xf32, #tpu.memory_space<vmem>> -> memref<1x64xf32, #tpu.memory_space<vmem>>
      %swap3A_1104 = tpu.memref_squeeze %swap3A_1103 : memref<1x64xf32, #tpu.memory_space<vmem>> -> memref<64xf32, #tpu.memory_space<vmem>>
      %swap3A_1105 = arith.constant 16 : index
      %swap3A_1106 = tpu.vector_load %swap3A_1104[%swap3A_1105] {strides = array<i32>} : memref<64xf32, #tpu.memory_space<vmem>>, vector<16xf32>,
      tpu.vector_store %swap3A_1104[%swap3A_1105], %mul3A_1100 {strides = array<i32>} : memref<64xf32, #tpu.memory_space<vmem>>, vector<16xf32>,
      %add3A_1107 = arith.constant 32 : i32
      %add3A_1108 = vector.broadcast %add3A_1107 : i32 to vector<16xi32>
      %add3A_1109 = arith.addi %add3A_1108, %iota3A : vector<16xi32>
      %broadcast_in_dim3A_1110 = arith.constant 0 : i32
      %broadcast_in_dim3A_1111 = vector.broadcast %broadcast_in_dim3A_1110 : i32 to vector<16xi32>
      %gather3A_1112 = tpu.vector_load_idx %arg11[%add3A_1109, %broadcast_in_dim3A_1111] : memref<128x16xf32, #tpu.memory_space<vmem>>[vector<16xi32>, vector<16xi32>], vector<16xf32>,
      %broadcast_in_dim3A_1113 = arith.constant 1 : i32
      %broadcast_in_dim3A_1114 = vector.broadcast %broadcast_in_dim3A_1113 : i32 to vector<16xi32>
      %gather3A_1115 = tpu.vector_load_idx %arg11[%add3A_1109, %broadcast_in_dim3A_1114] : memref<128x16xf32, #tpu.memory_space<vmem>>[vector<16xi32>, vector<16xi32>], vector<16xf32>,
      %add3A_1116 = arith.addf %gather3A_1112, %gather3A_1115 : vector<16xf32>
      %broadcast_in_dim3A_1117 = arith.constant 2 : i32
      %broadcast_in_dim3A_1118 = vector.broadcast %broadcast_in_dim3A_1117 : i32 to vector<16xi32>
      %gather3A_1119 = tpu.vector_load_idx %arg11[%add3A_1109, %broadcast_in_dim3A_1118] : memref<128x16xf32, #tpu.memory_space<vmem>>[vector<16xi32>, vector<16xi32>], vector<16xf32>,
      %add3A_1120 = arith.addf %add3A_1116, %gather3A_1119 : vector<16xf32>
      %broadcast_in_dim3A_1121 = arith.constant 3 : i32
      %broadcast_in_dim3A_1122 = vector.broadcast %broadcast_in_dim3A_1121 : i32 to vector<16xi32>
      %gather3A_1123 = tpu.vector_load_idx %arg11[%add3A_1109, %broadcast_in_dim3A_1122] : memref<128x16xf32, #tpu.memory_space<vmem>>[vector<16xi32>, vector<16xi32>], vector<16xf32>,
      %add3A_1124 = arith.addf %add3A_1120, %gather3A_1123 : vector<16xf32>
      %broadcast_in_dim3A_1125 = arith.constant 4 : i32
      %broadcast_in_dim3A_1126 = vector.broadcast %broadcast_in_dim3A_1125 : i32 to vector<16xi32>
      %gather3A_1127 = tpu.vector_load_idx %arg11[%add3A_1109, %broadcast_in_dim3A_1126] : memref<128x16xf32, #tpu.memory_space<vmem>>[vector<16xi32>, vector<16xi32>], vector<16xf32>,
      %add3A_1128 = arith.addf %add3A_1124, %gather3A_1127 : vector<16xf32>
      %broadcast_in_dim3A_1129 = arith.constant 5 : i32
      %broadcast_in_dim3A_1130 = vector.broadcast %broadcast_in_dim3A_1129 : i32 to vector<16xi32>
      %gather3A_1131 = tpu.vector_load_idx %arg11[%add3A_1109, %broadcast_in_dim3A_1130] : memref<128x16xf32, #tpu.memory_space<vmem>>[vector<16xi32>, vector<16xi32>], vector<16xf32>,
      %add3A_1132 = arith.addf %add3A_1128, %gather3A_1131 : vector<16xf32>
      %broadcast_in_dim3A_1133 = arith.constant 6 : i32
      %broadcast_in_dim3A_1134 = vector.broadcast %broadcast_in_dim3A_1133 : i32 to vector<16xi32>
      %gather3A_1135 = tpu.vector_load_idx %arg11[%add3A_1109, %broadcast_in_dim3A_1134] : memref<128x16xf32, #tpu.memory_space<vmem>>[vector<16xi32>, vector<16xi32>], vector<16xf32>,
      %add3A_1136 = arith.addf %add3A_1132, %gather3A_1135 : vector<16xf32>
      %broadcast_in_dim3A_1137 = arith.constant 7 : i32
      %broadcast_in_dim3A_1138 = vector.broadcast %broadcast_in_dim3A_1137 : i32 to vector<16xi32>
      %gather3A_1139 = tpu.vector_load_idx %arg11[%add3A_1109, %broadcast_in_dim3A_1138] : memref<128x16xf32, #tpu.memory_space<vmem>>[vector<16xi32>, vector<16xi32>], vector<16xf32>,
      %add3A_1140 = arith.addf %add3A_1136, %gather3A_1139 : vector<16xf32>
      %broadcast_in_dim3A_1141 = arith.constant 8 : i32
      %broadcast_in_dim3A_1142 = vector.broadcast %broadcast_in_dim3A_1141 : i32 to vector<16xi32>
      %gather3A_1143 = tpu.vector_load_idx %arg11[%add3A_1109, %broadcast_in_dim3A_1142] : memref<128x16xf32, #tpu.memory_space<vmem>>[vector<16xi32>, vector<16xi32>], vector<16xf32>,
      %add3A_1144 = arith.addf %add3A_1140, %gather3A_1143 : vector<16xf32>
      %broadcast_in_dim3A_1145 = arith.constant 9 : i32
      %broadcast_in_dim3A_1146 = vector.broadcast %broadcast_in_dim3A_1145 : i32 to vector<16xi32>
      %gather3A_1147 = tpu.vector_load_idx %arg11[%add3A_1109, %broadcast_in_dim3A_1146] : memref<128x16xf32, #tpu.memory_space<vmem>>[vector<16xi32>, vector<16xi32>], vector<16xf32>,
      %add3A_1148 = arith.addf %add3A_1144, %gather3A_1147 : vector<16xf32>
      %broadcast_in_dim3A_1149 = arith.constant 10 : i32
      %broadcast_in_dim3A_1150 = vector.broadcast %broadcast_in_dim3A_1149 : i32 to vector<16xi32>
      %gather3A_1151 = tpu.vector_load_idx %arg11[%add3A_1109, %broadcast_in_dim3A_1150] : memref<128x16xf32, #tpu.memory_space<vmem>>[vector<16xi32>, vector<16xi32>], vector<16xf32>,
      %add3A_1152 = arith.addf %add3A_1148, %gather3A_1151 : vector<16xf32>
      %broadcast_in_dim3A_1153 = arith.constant 11 : i32
      %broadcast_in_dim3A_1154 = vector.broadcast %broadcast_in_dim3A_1153 : i32 to vector<16xi32>
      %gather3A_1155 = tpu.vector_load_idx %arg11[%add3A_1109, %broadcast_in_dim3A_1154] : memref<128x16xf32, #tpu.memory_space<vmem>>[vector<16xi32>, vector<16xi32>], vector<16xf32>,
      %add3A_1156 = arith.addf %add3A_1152, %gather3A_1155 : vector<16xf32>
      %broadcast_in_dim3A_1157 = arith.constant 12 : i32
      %broadcast_in_dim3A_1158 = vector.broadcast %broadcast_in_dim3A_1157 : i32 to vector<16xi32>
      %gather3A_1159 = tpu.vector_load_idx %arg11[%add3A_1109, %broadcast_in_dim3A_1158] : memref<128x16xf32, #tpu.memory_space<vmem>>[vector<16xi32>, vector<16xi32>], vector<16xf32>,
      %add3A_1160 = arith.addf %add3A_1156, %gather3A_1159 : vector<16xf32>
      %broadcast_in_dim3A_1161 = arith.constant 13 : i32
      %broadcast_in_dim3A_1162 = vector.broadcast %broadcast_in_dim3A_1161 : i32 to vector<16xi32>
      %gather3A_1163 = tpu.vector_load_idx %arg11[%add3A_1109, %broadcast_in_dim3A_1162] : memref<128x16xf32, #tpu.memory_space<vmem>>[vector<16xi32>, vector<16xi32>], vector<16xf32>,
      %add3A_1164 = arith.addf %add3A_1160, %gather3A_1163 : vector<16xf32>
      %broadcast_in_dim3A_1165 = arith.constant 14 : i32
      %broadcast_in_dim3A_1166 = vector.broadcast %broadcast_in_dim3A_1165 : i32 to vector<16xi32>
      %gather3A_1167 = tpu.vector_load_idx %arg11[%add3A_1109, %broadcast_in_dim3A_1166] : memref<128x16xf32, #tpu.memory_space<vmem>>[vector<16xi32>, vector<16xi32>], vector<16xf32>,
      %add3A_1168 = arith.addf %add3A_1164, %gather3A_1167 : vector<16xf32>
      %broadcast_in_dim3A_1169 = arith.constant 15 : i32
      %broadcast_in_dim3A_1170 = vector.broadcast %broadcast_in_dim3A_1169 : i32 to vector<16xi32>
      %gather3A_1171 = tpu.vector_load_idx %arg11[%add3A_1109, %broadcast_in_dim3A_1170] : memref<128x16xf32, #tpu.memory_space<vmem>>[vector<16xi32>, vector<16xi32>], vector<16xf32>,
      %add3A_1172 = arith.addf %add3A_1168, %gather3A_1171 : vector<16xf32>
      %mul3A_1173 = arith.constant 7.812500e-03 : f32
      %mul3A_1174 = vector.broadcast %mul3A_1173 : f32 to vector<16xf32>
      %mul3A_1175 = arith.mulf %add3A_1172, %mul3A_1174 : vector<16xf32>
      %swap3A_1176 = arith.constant 1 : i32
      %swap3A_1177 = arith.constant 0 : i32
      %swap3A_1178 = tpu.memref_slice %arg12[%swap3A_1176, %swap3A_1177] : memref<2x128xf32, #tpu.memory_space<vmem>> -> memref<1x64xf32, #tpu.memory_space<vmem>>
      %swap3A_1179 = tpu.memref_squeeze %swap3A_1178 : memref<1x64xf32, #tpu.memory_space<vmem>> -> memref<64xf32, #tpu.memory_space<vmem>>
      %swap3A_1180 = arith.constant 32 : index
      %swap3A_1181 = tpu.vector_load %swap3A_1179[%swap3A_1180] {strides = array<i32>} : memref<64xf32, #tpu.memory_space<vmem>>, vector<16xf32>,
      tpu.vector_store %swap3A_1179[%swap3A_1180], %mul3A_1175 {strides = array<i32>} : memref<64xf32, #tpu.memory_space<vmem>>, vector<16xf32>,
      %add3A_1182 = arith.constant 48 : i32
      %add3A_1183 = vector.broadcast %add3A_1182 : i32 to vector<16xi32>
      %add3A_1184 = arith.addi %add3A_1183, %iota3A : vector<16xi32>
      %broadcast_in_dim3A_1185 = arith.constant 0 : i32
      %broadcast_in_dim3A_1186 = vector.broadcast %broadcast_in_dim3A_1185 : i32 to vector<16xi32>
      %gather3A_1187 = tpu.vector_load_idx %arg11[%add3A_1184, %broadcast_in_dim3A_1186] : memref<128x16xf32, #tpu.memory_space<vmem>>[vector<16xi32>, vector<16xi32>], vector<16xf32>,
      %broadcast_in_dim3A_1188 = arith.constant 1 : i32
      %broadcast_in_dim3A_1189 = vector.broadcast %broadcast_in_dim3A_1188 : i32 to vector<16xi32>
      %gather3A_1190 = tpu.vector_load_idx %arg11[%add3A_1184, %broadcast_in_dim3A_1189] : memref<128x16xf32, #tpu.memory_space<vmem>>[vector<16xi32>, vector<16xi32>], vector<16xf32>,
      %add3A_1191 = arith.addf %gather3A_1187, %gather3A_1190 : vector<16xf32>
      %broadcast_in_dim3A_1192 = arith.constant 2 : i32
      %broadcast_in_dim3A_1193 = vector.broadcast %broadcast_in_dim3A_1192 : i32 to vector<16xi32>
      %gather3A_1194 = tpu.vector_load_idx %arg11[%add3A_1184, %broadcast_in_dim3A_1193] : memref<128x16xf32, #tpu.memory_space<vmem>>[vector<16xi32>, vector<16xi32>], vector<16xf32>,
      %add3A_1195 = arith.addf %add3A_1191, %gather3A_1194 : vector<16xf32>
      %broadcast_in_dim3A_1196 = arith.constant 3 : i32
      %broadcast_in_dim3A_1197 = vector.broadcast %broadcast_in_dim3A_1196 : i32 to vector<16xi32>
      %gather3A_1198 = tpu.vector_load_idx %arg11[%add3A_1184, %broadcast_in_dim3A_1197] : memref<128x16xf32, #tpu.memory_space<vmem>>[vector<16xi32>, vector<16xi32>], vector<16xf32>,
      %add3A_1199 = arith.addf %add3A_1195, %gather3A_1198 : vector<16xf32>
      %broadcast_in_dim3A_1200 = arith.constant 4 : i32
      %broadcast_in_dim3A_1201 = vector.broadcast %broadcast_in_dim3A_1200 : i32 to vector<16xi32>
      %gather3A_1202 = tpu.vector_load_idx %arg11[%add3A_1184, %broadcast_in_dim3A_1201] : memref<128x16xf32, #tpu.memory_space<vmem>>[vector<16xi32>, vector<16xi32>], vector<16xf32>,
      %add3A_1203 = arith.addf %add3A_1199, %gather3A_1202 : vector<16xf32>
      %broadcast_in_dim3A_1204 = arith.constant 5 : i32
      %broadcast_in_dim3A_1205 = vector.broadcast %broadcast_in_dim3A_1204 : i32 to vector<16xi32>
      %gather3A_1206 = tpu.vector_load_idx %arg11[%add3A_1184, %broadcast_in_dim3A_1205] : memref<128x16xf32, #tpu.memory_space<vmem>>[vector<16xi32>, vector<16xi32>], vector<16xf32>,
      %add3A_1207 = arith.addf %add3A_1203, %gather3A_1206 : vector<16xf32>
      %broadcast_in_dim3A_1208 = arith.constant 6 : i32
      %broadcast_in_dim3A_1209 = vector.broadcast %broadcast_in_dim3A_1208 : i32 to vector<16xi32>
      %gather3A_1210 = tpu.vector_load_idx %arg11[%add3A_1184, %broadcast_in_dim3A_1209] : memref<128x16xf32, #tpu.memory_space<vmem>>[vector<16xi32>, vector<16xi32>], vector<16xf32>,
      %add3A_1211 = arith.addf %add3A_1207, %gather3A_1210 : vector<16xf32>
      %broadcast_in_dim3A_1212 = arith.constant 7 : i32
      %broadcast_in_dim3A_1213 = vector.broadcast %broadcast_in_dim3A_1212 : i32 to vector<16xi32>
      %gather3A_1214 = tpu.vector_load_idx %arg11[%add3A_1184, %broadcast_in_dim3A_1213] : memref<128x16xf32, #tpu.memory_space<vmem>>[vector<16xi32>, vector<16xi32>], vector<16xf32>,
      %add3A_1215 = arith.addf %add3A_1211, %gather3A_1214 : vector<16xf32>
      %broadcast_in_dim3A_1216 = arith.constant 8 : i32
      %broadcast_in_dim3A_1217 = vector.broadcast %broadcast_in_dim3A_1216 : i32 to vector<16xi32>
      %gather3A_1218 = tpu.vector_load_idx %arg11[%add3A_1184, %broadcast_in_dim3A_1217] : memref<128x16xf32, #tpu.memory_space<vmem>>[vector<16xi32>, vector<16xi32>], vector<16xf32>,
      %add3A_1219 = arith.addf %add3A_1215, %gather3A_1218 : vector<16xf32>
      %broadcast_in_dim3A_1220 = arith.constant 9 : i32
      %broadcast_in_dim3A_1221 = vector.broadcast %broadcast_in_dim3A_1220 : i32 to vector<16xi32>
      %gather3A_1222 = tpu.vector_load_idx %arg11[%add3A_1184, %broadcast_in_dim3A_1221] : memref<128x16xf32, #tpu.memory_space<vmem>>[vector<16xi32>, vector<16xi32>], vector<16xf32>,
      %add3A_1223 = arith.addf %add3A_1219, %gather3A_1222 : vector<16xf32>
      %broadcast_in_dim3A_1224 = arith.constant 10 : i32
      %broadcast_in_dim3A_1225 = vector.broadcast %broadcast_in_dim3A_1224 : i32 to vector<16xi32>
      %gather3A_1226 = tpu.vector_load_idx %arg11[%add3A_1184, %broadcast_in_dim3A_1225] : memref<128x16xf32, #tpu.memory_space<vmem>>[vector<16xi32>, vector<16xi32>], vector<16xf32>,
      %add3A_1227 = arith.addf %add3A_1223, %gather3A_1226 : vector<16xf32>
      %broadcast_in_dim3A_1228 = arith.constant 11 : i32
      %broadcast_in_dim3A_1229 = vector.broadcast %broadcast_in_dim3A_1228 : i32 to vector<16xi32>
      %gather3A_1230 = tpu.vector_load_idx %arg11[%add3A_1184, %broadcast_in_dim3A_1229] : memref<128x16xf32, #tpu.memory_space<vmem>>[vector<16xi32>, vector<16xi32>], vector<16xf32>,
      %add3A_1231 = arith.addf %add3A_1227, %gather3A_1230 : vector<16xf32>
      %broadcast_in_dim3A_1232 = arith.constant 12 : i32
      %broadcast_in_dim3A_1233 = vector.broadcast %broadcast_in_dim3A_1232 : i32 to vector<16xi32>
      %gather3A_1234 = tpu.vector_load_idx %arg11[%add3A_1184, %broadcast_in_dim3A_1233] : memref<128x16xf32, #tpu.memory_space<vmem>>[vector<16xi32>, vector<16xi32>], vector<16xf32>,
      %add3A_1235 = arith.addf %add3A_1231, %gather3A_1234 : vector<16xf32>
      %broadcast_in_dim3A_1236 = arith.constant 13 : i32
      %broadcast_in_dim3A_1237 = vector.broadcast %broadcast_in_dim3A_1236 : i32 to vector<16xi32>
      %gather3A_1238 = tpu.vector_load_idx %arg11[%add3A_1184, %broadcast_in_dim3A_1237] : memref<128x16xf32, #tpu.memory_space<vmem>>[vector<16xi32>, vector<16xi32>], vector<16xf32>,
      %add3A_1239 = arith.addf %add3A_1235, %gather3A_1238 : vector<16xf32>
      %broadcast_in_dim3A_1240 = arith.constant 14 : i32
      %broadcast_in_dim3A_1241 = vector.broadcast %broadcast_in_dim3A_1240 : i32 to vector<16xi32>
      %gather3A_1242 = tpu.vector_load_idx %arg11[%add3A_1184, %broadcast_in_dim3A_1241] : memref<128x16xf32, #tpu.memory_space<vmem>>[vector<16xi32>, vector<16xi32>], vector<16xf32>,
      %add3A_1243 = arith.addf %add3A_1239, %gather3A_1242 : vector<16xf32>
      %broadcast_in_dim3A_1244 = arith.constant 15 : i32
      %broadcast_in_dim3A_1245 = vector.broadcast %broadcast_in_dim3A_1244 : i32 to vector<16xi32>
      %gather3A_1246 = tpu.vector_load_idx %arg11[%add3A_1184, %broadcast_in_dim3A_1245] : memref<128x16xf32, #tpu.memory_space<vmem>>[vector<16xi32>, vector<16xi32>], vector<16xf32>,
      %add3A_1247 = arith.addf %add3A_1243, %gather3A_1246 : vector<16xf32>
      %mul3A_1248 = arith.constant 7.812500e-03 : f32
      %mul3A_1249 = vector.broadcast %mul3A_1248 : f32 to vector<16xf32>
      %mul3A_1250 = arith.mulf %add3A_1247, %mul3A_1249 : vector<16xf32>
      %swap3A_1251 = arith.constant 1 : i32
      %swap3A_1252 = arith.constant 0 : i32
      %swap3A_1253 = tpu.memref_slice %arg12[%swap3A_1251, %swap3A_1252] : memref<2x128xf32, #tpu.memory_space<vmem>> -> memref<1x64xf32, #tpu.memory_space<vmem>>
      %swap3A_1254 = tpu.memref_squeeze %swap3A_1253 : memref<1x64xf32, #tpu.memory_space<vmem>> -> memref<64xf32, #tpu.memory_space<vmem>>
      %swap3A_1255 = arith.constant 48 : index
      %swap3A_1256 = tpu.vector_load %swap3A_1254[%swap3A_1255] {strides = array<i32>} : memref<64xf32, #tpu.memory_space<vmem>>, vector<16xf32>,
      tpu.vector_store %swap3A_1254[%swap3A_1255], %mul3A_1250 {strides = array<i32>} : memref<64xf32, #tpu.memory_space<vmem>>, vector<16xf32>,
      %dma_wait3A_1257 = arith.constant 1 : i32
      %dma_wait3A_1258 = arith.constant 1 : i32
      %dma_wait3A_1259 = arith.constant 0 : i32
      %dma_wait3A_1260 = arith.constant 0 : i32
      %dma_wait3A_1261 = tpu.memref_slice %arg9[%dma_wait3A_1258, %dma_wait3A_1259, %dma_wait3A_1260] : memref<2x128x64xi32, #tpu.memory_space<vmem>> -> memref<1x64x64xi32, #tpu.memory_space<vmem>>
      %dma_wait3A_1262 = tpu.memref_squeeze %dma_wait3A_1261 : memref<1x64x64xi32, #tpu.memory_space<vmem>> -> memref<64x64xi32, #tpu.memory_space<vmem>>
      %dma_wait3A_1263 = arith.constant 0 : i32
      %dma_wait3A_1264 = tpu.memref_slice %arg7[%dma_wait3A_1257, %dma_wait3A_1263] : memref<2x128xi32, #tpu.memory_space<vmem>> -> memref<1x64xi32, #tpu.memory_space<vmem>>
      %dma_wait3A_1265 = tpu.memref_squeeze %dma_wait3A_1264 : memref<1x64xi32, #tpu.memory_space<vmem>> -> memref<64xi32, #tpu.memory_space<vmem>>
      %dma_wait3A_1266 = arith.constant 0 : i32
      %dma_wait3A_1267 = arith.constant 0 : i32
      %dma_wait3A_1268 = tpu.memref_slice %arg6[%dma_wait3A_1266, %dma_wait3A_1267] : memref<10000x64xi32, #tpu.memory_space<vmem_shared>> -> memref<10000x64xi32, #tpu.memory_space<vmem_shared>>
      tpu.wait_indirect_dma semaphore(%arg23 : memref<!tpu.dma_semaphore, #tpu.memory_space<semaphore_mem>>) src(%dma_wait3A_1268 : memref<10000x64xi32, #tpu.memory_space<vmem_shared>>) dst(%dma_wait3A_1262 : memref<64x64xi32, #tpu.memory_space<vmem>>)
      %dma_wait3A_1269 = arith.constant 1 : i32
      %dma_wait3A_1270 = arith.constant 1 : i32
      %dma_wait3A_1271 = arith.constant 0 : i32
      %dma_wait3A_1272 = arith.constant 0 : i32
      %dma_wait3A_1273 = tpu.memref_slice %arg10[%dma_wait3A_1270, %dma_wait3A_1271, %dma_wait3A_1272] : memref<2x128x64xi32, #tpu.memory_space<vmem>> -> memref<1x64x64xi32, #tpu.memory_space<vmem>>
      %dma_wait3A_1274 = tpu.memref_squeeze %dma_wait3A_1273 : memref<1x64x64xi32, #tpu.memory_space<vmem>> -> memref<64x64xi32, #tpu.memory_space<vmem>>
      %dma_wait3A_1275 = arith.constant 0 : i32
      %dma_wait3A_1276 = tpu.memref_slice %arg8[%dma_wait3A_1269, %dma_wait3A_1275] : memref<2x128xi32, #tpu.memory_space<vmem>> -> memref<1x64xi32, #tpu.memory_space<vmem>>
      %dma_wait3A_1277 = tpu.memref_squeeze %dma_wait3A_1276 : memref<1x64xi32, #tpu.memory_space<vmem>> -> memref<64xi32, #tpu.memory_space<vmem>>
      %dma_wait3A_1278 = arith.constant 0 : i32
      %dma_wait3A_1279 = arith.constant 0 : i32
      %dma_wait3A_1280 = tpu.memref_slice %arg6[%dma_wait3A_1278, %dma_wait3A_1279] : memref<10000x64xi32, #tpu.memory_space<vmem_shared>> -> memref<10000x64xi32, #tpu.memory_space<vmem_shared>>
      tpu.wait_indirect_dma semaphore(%arg23 : memref<!tpu.dma_semaphore, #tpu.memory_space<semaphore_mem>>) src(%dma_wait3A_1280 : memref<10000x64xi32, #tpu.memory_space<vmem_shared>>) dst(%dma_wait3A_1274 : memref<64x64xi32, #tpu.memory_space<vmem>>)
      %parallel_loop3A_1281 = arith.constant 0 : i32
      %parallel_loop3A_1282 = arith.constant 64 : i32
      %parallel_loop3A_1283 = arith.constant 1 : i32
      %parallel_loop3A_1284 = arith.constant 1 : i32
      %parallel_loop3A_1285 = arith.constant 1 : i32
      scf.for %parallel_loop3A_1598 = %parallel_loop3A_1281 to %parallel_loop3A_1282 step %parallel_loop3A_1283  : i32 {
        %parallel_loop3A_1599 = arith.constant 64 : i32
        %parallel_loop3A_1600 = arith.constant 0 : i32
        %parallel_loop3A_1601 = tpu.memref_slice %arg9[%parallel_loop3A_1284, %parallel_loop3A_1599, %parallel_loop3A_1600] : memref<2x128x64xi32, #tpu.memory_space<vmem>> -> memref<1x64x64xi32, #tpu.memory_space<vmem>>
        %parallel_loop3A_1602 = tpu.memref_squeeze %parallel_loop3A_1601 : memref<1x64x64xi32, #tpu.memory_space<vmem>> -> memref<64x64xi32, #tpu.memory_space<vmem>>
        %parallel_loop3A_1603 = arith.index_cast %parallel_loop3A_1598 : i32 to index
        %parallel_loop3A_1604 = arith.constant 0 : index
        %parallel_loop3A_1605 = tpu.vector_load %parallel_loop3A_1602[%parallel_loop3A_1603, %parallel_loop3A_1604] {strides = array<i32>} : memref<64x64xi32, #tpu.memory_space<vmem>>, vector<16xi32>,
        %parallel_loop3A_1606 = vector.bitcast %parallel_loop3A_1605 : vector<16xi32> to vector<32xbf16>
        %parallel_loop3A_1607 = arith.constant 64 : i32
        %parallel_loop3A_1608 = arith.constant 0 : i32
        %parallel_loop3A_1609 = tpu.memref_slice %arg10[%parallel_loop3A_1285, %parallel_loop3A_1607, %parallel_loop3A_1608] : memref<2x128x64xi32, #tpu.memory_space<vmem>> -> memref<1x64x64xi32, #tpu.memory_space<vmem>>
        %parallel_loop3A_1610 = tpu.memref_squeeze %parallel_loop3A_1609 : memref<1x64x64xi32, #tpu.memory_space<vmem>> -> memref<64x64xi32, #tpu.memory_space<vmem>>
        %parallel_loop3A_1611 = arith.index_cast %parallel_loop3A_1598 : i32 to index
        %parallel_loop3A_1612 = arith.constant 0 : index
        %parallel_loop3A_1613 = tpu.vector_load %parallel_loop3A_1610[%parallel_loop3A_1611, %parallel_loop3A_1612] {strides = array<i32>} : memref<64x64xi32, #tpu.memory_space<vmem>>, vector<16xi32>,
        %parallel_loop3A_1614 = vector.bitcast %parallel_loop3A_1613 : vector<16xi32> to vector<32xbf16>
        %parallel_loop3A_1615 = arith.mulf %parallel_loop3A_1606, %parallel_loop3A_1614 : vector<32xbf16>
        %parallel_loop3A_1616 = tpu.unpack_subelements %parallel_loop3A_1615, 0 {pack_format = #tpu.pack_format<interleaved>} : vector<32xbf16> -> vector<16xf32>
        %parallel_loop3A_1617 = tpu.unpack_subelements %parallel_loop3A_1615, 1 {pack_format = #tpu.pack_format<interleaved>} : vector<32xbf16> -> vector<16xf32>
        %parallel_loop3A_1618 = arith.addf %parallel_loop3A_1616, %parallel_loop3A_1617 : vector<16xf32>
        %parallel_loop3A_1619 = arith.constant 64 : i32
        %parallel_loop3A_1620 = arith.constant 0 : i32
        %parallel_loop3A_1621 = tpu.memref_slice %arg9[%parallel_loop3A_1284, %parallel_loop3A_1619, %parallel_loop3A_1620] : memref<2x128x64xi32, #tpu.memory_space<vmem>> -> memref<1x64x64xi32, #tpu.memory_space<vmem>>
        %parallel_loop3A_1622 = tpu.memref_squeeze %parallel_loop3A_1621 : memref<1x64x64xi32, #tpu.memory_space<vmem>> -> memref<64x64xi32, #tpu.memory_space<vmem>>
        %parallel_loop3A_1623 = arith.index_cast %parallel_loop3A_1598 : i32 to index
        %parallel_loop3A_1624 = arith.constant 16 : index
        %parallel_loop3A_1625 = tpu.vector_load %parallel_loop3A_1622[%parallel_loop3A_1623, %parallel_loop3A_1624] {strides = array<i32>} : memref<64x64xi32, #tpu.memory_space<vmem>>, vector<16xi32>,
        %parallel_loop3A_1626 = vector.bitcast %parallel_loop3A_1625 : vector<16xi32> to vector<32xbf16>
        %parallel_loop3A_1627 = arith.constant 64 : i32
        %parallel_loop3A_1628 = arith.constant 0 : i32
        %parallel_loop3A_1629 = tpu.memref_slice %arg10[%parallel_loop3A_1285, %parallel_loop3A_1627, %parallel_loop3A_1628] : memref<2x128x64xi32, #tpu.memory_space<vmem>> -> memref<1x64x64xi32, #tpu.memory_space<vmem>>
        %parallel_loop3A_1630 = tpu.memref_squeeze %parallel_loop3A_1629 : memref<1x64x64xi32, #tpu.memory_space<vmem>> -> memref<64x64xi32, #tpu.memory_space<vmem>>
        %parallel_loop3A_1631 = arith.index_cast %parallel_loop3A_1598 : i32 to index
        %parallel_loop3A_1632 = arith.constant 16 : index
        %parallel_loop3A_1633 = tpu.vector_load %parallel_loop3A_1630[%parallel_loop3A_1631, %parallel_loop3A_1632] {strides = array<i32>} : memref<64x64xi32, #tpu.memory_space<vmem>>, vector<16xi32>,
        %parallel_loop3A_1634 = vector.bitcast %parallel_loop3A_1633 : vector<16xi32> to vector<32xbf16>
        %parallel_loop3A_1635 = arith.mulf %parallel_loop3A_1626, %parallel_loop3A_1634 : vector<32xbf16>
        %parallel_loop3A_1636 = tpu.unpack_subelements %parallel_loop3A_1635, 0 {pack_format = #tpu.pack_format<interleaved>} : vector<32xbf16> -> vector<16xf32>
        %parallel_loop3A_1637 = tpu.unpack_subelements %parallel_loop3A_1635, 1 {pack_format = #tpu.pack_format<interleaved>} : vector<32xbf16> -> vector<16xf32>
        %parallel_loop3A_1638 = arith.addf %parallel_loop3A_1618, %parallel_loop3A_1636 : vector<16xf32>
        %parallel_loop3A_1639 = arith.addf %parallel_loop3A_1638, %parallel_loop3A_1637 : vector<16xf32>
        %parallel_loop3A_1640 = arith.constant 64 : i32
        %parallel_loop3A_1641 = arith.constant 0 : i32
        %parallel_loop3A_1642 = tpu.memref_slice %arg9[%parallel_loop3A_1284, %parallel_loop3A_1640, %parallel_loop3A_1641] : memref<2x128x64xi32, #tpu.memory_space<vmem>> -> memref<1x64x64xi32, #tpu.memory_space<vmem>>
        %parallel_loop3A_1643 = tpu.memref_squeeze %parallel_loop3A_1642 : memref<1x64x64xi32, #tpu.memory_space<vmem>> -> memref<64x64xi32, #tpu.memory_space<vmem>>
        %parallel_loop3A_1644 = arith.index_cast %parallel_loop3A_1598 : i32 to index
        %parallel_loop3A_1645 = arith.constant 32 : index
        %parallel_loop3A_1646 = tpu.vector_load %parallel_loop3A_1643[%parallel_loop3A_1644, %parallel_loop3A_1645] {strides = array<i32>} : memref<64x64xi32, #tpu.memory_space<vmem>>, vector<16xi32>,
        %parallel_loop3A_1647 = vector.bitcast %parallel_loop3A_1646 : vector<16xi32> to vector<32xbf16>
        %parallel_loop3A_1648 = arith.constant 64 : i32
        %parallel_loop3A_1649 = arith.constant 0 : i32
        %parallel_loop3A_1650 = tpu.memref_slice %arg10[%parallel_loop3A_1285, %parallel_loop3A_1648, %parallel_loop3A_1649] : memref<2x128x64xi32, #tpu.memory_space<vmem>> -> memref<1x64x64xi32, #tpu.memory_space<vmem>>
        %parallel_loop3A_1651 = tpu.memref_squeeze %parallel_loop3A_1650 : memref<1x64x64xi32, #tpu.memory_space<vmem>> -> memref<64x64xi32, #tpu.memory_space<vmem>>
        %parallel_loop3A_1652 = arith.index_cast %parallel_loop3A_1598 : i32 to index
        %parallel_loop3A_1653 = arith.constant 32 : index
        %parallel_loop3A_1654 = tpu.vector_load %parallel_loop3A_1651[%parallel_loop3A_1652, %parallel_loop3A_1653] {strides = array<i32>} : memref<64x64xi32, #tpu.memory_space<vmem>>, vector<16xi32>,
        %parallel_loop3A_1655 = vector.bitcast %parallel_loop3A_1654 : vector<16xi32> to vector<32xbf16>
        %parallel_loop3A_1656 = arith.mulf %parallel_loop3A_1647, %parallel_loop3A_1655 : vector<32xbf16>
        %parallel_loop3A_1657 = tpu.unpack_subelements %parallel_loop3A_1656, 0 {pack_format = #tpu.pack_format<interleaved>} : vector<32xbf16> -> vector<16xf32>
        %parallel_loop3A_1658 = tpu.unpack_subelements %parallel_loop3A_1656, 1 {pack_format = #tpu.pack_format<interleaved>} : vector<32xbf16> -> vector<16xf32>
        %parallel_loop3A_1659 = arith.addf %parallel_loop3A_1639, %parallel_loop3A_1657 : vector<16xf32>
        %parallel_loop3A_1660 = arith.addf %parallel_loop3A_1659, %parallel_loop3A_1658 : vector<16xf32>
        %parallel_loop3A_1661 = arith.constant 64 : i32
        %parallel_loop3A_1662 = arith.constant 0 : i32
        %parallel_loop3A_1663 = tpu.memref_slice %arg9[%parallel_loop3A_1284, %parallel_loop3A_1661, %parallel_loop3A_1662] : memref<2x128x64xi32, #tpu.memory_space<vmem>> -> memref<1x64x64xi32, #tpu.memory_space<vmem>>
        %parallel_loop3A_1664 = tpu.memref_squeeze %parallel_loop3A_1663 : memref<1x64x64xi32, #tpu.memory_space<vmem>> -> memref<64x64xi32, #tpu.memory_space<vmem>>
        %parallel_loop3A_1665 = arith.index_cast %parallel_loop3A_1598 : i32 to index
        %parallel_loop3A_1666 = arith.constant 48 : index
        %parallel_loop3A_1667 = tpu.vector_load %parallel_loop3A_1664[%parallel_loop3A_1665, %parallel_loop3A_1666] {strides = array<i32>} : memref<64x64xi32, #tpu.memory_space<vmem>>, vector<16xi32>,
        %parallel_loop3A_1668 = vector.bitcast %parallel_loop3A_1667 : vector<16xi32> to vector<32xbf16>
        %parallel_loop3A_1669 = arith.constant 64 : i32
        %parallel_loop3A_1670 = arith.constant 0 : i32
        %parallel_loop3A_1671 = tpu.memref_slice %arg10[%parallel_loop3A_1285, %parallel_loop3A_1669, %parallel_loop3A_1670] : memref<2x128x64xi32, #tpu.memory_space<vmem>> -> memref<1x64x64xi32, #tpu.memory_space<vmem>>
        %parallel_loop3A_1672 = tpu.memref_squeeze %parallel_loop3A_1671 : memref<1x64x64xi32, #tpu.memory_space<vmem>> -> memref<64x64xi32, #tpu.memory_space<vmem>>
        %parallel_loop3A_1673 = arith.index_cast %parallel_loop3A_1598 : i32 to index
        %parallel_loop3A_1674 = arith.constant 48 : index
        %parallel_loop3A_1675 = tpu.vector_load %parallel_loop3A_1672[%parallel_loop3A_1673, %parallel_loop3A_1674] {strides = array<i32>} : memref<64x64xi32, #tpu.memory_space<vmem>>, vector<16xi32>,
        %parallel_loop3A_1676 = vector.bitcast %parallel_loop3A_1675 : vector<16xi32> to vector<32xbf16>
        %parallel_loop3A_1677 = arith.mulf %parallel_loop3A_1668, %parallel_loop3A_1676 : vector<32xbf16>
        %parallel_loop3A_1678 = tpu.unpack_subelements %parallel_loop3A_1677, 0 {pack_format = #tpu.pack_format<interleaved>} : vector<32xbf16> -> vector<16xf32>
        %parallel_loop3A_1679 = tpu.unpack_subelements %parallel_loop3A_1677, 1 {pack_format = #tpu.pack_format<interleaved>} : vector<32xbf16> -> vector<16xf32>
        %parallel_loop3A_1680 = arith.addf %parallel_loop3A_1660, %parallel_loop3A_1678 : vector<16xf32>
        %parallel_loop3A_1681 = arith.addf %parallel_loop3A_1680, %parallel_loop3A_1679 : vector<16xf32>
        %parallel_loop3A_1682 = arith.index_cast %parallel_loop3A_1598 : i32 to index
        %parallel_loop3A_1683 = arith.constant 0 : index
        %parallel_loop3A_1684 = tpu.vector_load %arg11[%parallel_loop3A_1682, %parallel_loop3A_1683] {strides = array<i32>} : memref<128x16xf32, #tpu.memory_space<vmem>>, vector<16xf32>,
        tpu.vector_store %arg11[%parallel_loop3A_1682, %parallel_loop3A_1683], %parallel_loop3A_1681 {strides = array<i32>} : memref<128x16xf32, #tpu.memory_space<vmem>>, vector<16xf32>,
      } {sc.loop_unroll_factor = 8 : i64, sc.parallel_access}
      %add3A_1286 = arith.constant 0 : i32
      %add3A_1287 = vector.broadcast %add3A_1286 : i32 to vector<16xi32>
      %add3A_1288 = arith.addi %add3A_1287, %iota3A : vector<16xi32>
      %broadcast_in_dim3A_1289 = arith.constant 0 : i32
      %broadcast_in_dim3A_1290 = vector.broadcast %broadcast_in_dim3A_1289 : i32 to vector<16xi32>
      %gather3A_1291 = tpu.vector_load_idx %arg11[%add3A_1288, %broadcast_in_dim3A_1290] : memref<128x16xf32, #tpu.memory_space<vmem>>[vector<16xi32>, vector<16xi32>], vector<16xf32>,
      %broadcast_in_dim3A_1292 = arith.constant 1 : i32
      %broadcast_in_dim3A_1293 = vector.broadcast %broadcast_in_dim3A_1292 : i32 to vector<16xi32>
      %gather3A_1294 = tpu.vector_load_idx %arg11[%add3A_1288, %broadcast_in_dim3A_1293] : memref<128x16xf32, #tpu.memory_space<vmem>>[vector<16xi32>, vector<16xi32>], vector<16xf32>,
      %add3A_1295 = arith.addf %gather3A_1291, %gather3A_1294 : vector<16xf32>
      %broadcast_in_dim3A_1296 = arith.constant 2 : i32
      %broadcast_in_dim3A_1297 = vector.broadcast %broadcast_in_dim3A_1296 : i32 to vector<16xi32>
      %gather3A_1298 = tpu.vector_load_idx %arg11[%add3A_1288, %broadcast_in_dim3A_1297] : memref<128x16xf32, #tpu.memory_space<vmem>>[vector<16xi32>, vector<16xi32>], vector<16xf32>,
      %add3A_1299 = arith.addf %add3A_1295, %gather3A_1298 : vector<16xf32>
      %broadcast_in_dim3A_1300 = arith.constant 3 : i32
      %broadcast_in_dim3A_1301 = vector.broadcast %broadcast_in_dim3A_1300 : i32 to vector<16xi32>
      %gather3A_1302 = tpu.vector_load_idx %arg11[%add3A_1288, %broadcast_in_dim3A_1301] : memref<128x16xf32, #tpu.memory_space<vmem>>[vector<16xi32>, vector<16xi32>], vector<16xf32>,
      %add3A_1303 = arith.addf %add3A_1299, %gather3A_1302 : vector<16xf32>
      %broadcast_in_dim3A_1304 = arith.constant 4 : i32
      %broadcast_in_dim3A_1305 = vector.broadcast %broadcast_in_dim3A_1304 : i32 to vector<16xi32>
      %gather3A_1306 = tpu.vector_load_idx %arg11[%add3A_1288, %broadcast_in_dim3A_1305] : memref<128x16xf32, #tpu.memory_space<vmem>>[vector<16xi32>, vector<16xi32>], vector<16xf32>,
      %add3A_1307 = arith.addf %add3A_1303, %gather3A_1306 : vector<16xf32>
      %broadcast_in_dim3A_1308 = arith.constant 5 : i32
      %broadcast_in_dim3A_1309 = vector.broadcast %broadcast_in_dim3A_1308 : i32 to vector<16xi32>
      %gather3A_1310 = tpu.vector_load_idx %arg11[%add3A_1288, %broadcast_in_dim3A_1309] : memref<128x16xf32, #tpu.memory_space<vmem>>[vector<16xi32>, vector<16xi32>], vector<16xf32>,
      %add3A_1311 = arith.addf %add3A_1307, %gather3A_1310 : vector<16xf32>
      %broadcast_in_dim3A_1312 = arith.constant 6 : i32
      %broadcast_in_dim3A_1313 = vector.broadcast %broadcast_in_dim3A_1312 : i32 to vector<16xi32>
      %gather3A_1314 = tpu.vector_load_idx %arg11[%add3A_1288, %broadcast_in_dim3A_1313] : memref<128x16xf32, #tpu.memory_space<vmem>>[vector<16xi32>, vector<16xi32>], vector<16xf32>,
      %add3A_1315 = arith.addf %add3A_1311, %gather3A_1314 : vector<16xf32>
      %broadcast_in_dim3A_1316 = arith.constant 7 : i32
      %broadcast_in_dim3A_1317 = vector.broadcast %broadcast_in_dim3A_1316 : i32 to vector<16xi32>
      %gather3A_1318 = tpu.vector_load_idx %arg11[%add3A_1288, %broadcast_in_dim3A_1317] : memref<128x16xf32, #tpu.memory_space<vmem>>[vector<16xi32>, vector<16xi32>], vector<16xf32>,
      %add3A_1319 = arith.addf %add3A_1315, %gather3A_1318 : vector<16xf32>
      %broadcast_in_dim3A_1320 = arith.constant 8 : i32
      %broadcast_in_dim3A_1321 = vector.broadcast %broadcast_in_dim3A_1320 : i32 to vector<16xi32>
      %gather3A_1322 = tpu.vector_load_idx %arg11[%add3A_1288, %broadcast_in_dim3A_1321] : memref<128x16xf32, #tpu.memory_space<vmem>>[vector<16xi32>, vector<16xi32>], vector<16xf32>,
      %add3A_1323 = arith.addf %add3A_1319, %gather3A_1322 : vector<16xf32>
      %broadcast_in_dim3A_1324 = arith.constant 9 : i32
      %broadcast_in_dim3A_1325 = vector.broadcast %broadcast_in_dim3A_1324 : i32 to vector<16xi32>
      %gather3A_1326 = tpu.vector_load_idx %arg11[%add3A_1288, %broadcast_in_dim3A_1325] : memref<128x16xf32, #tpu.memory_space<vmem>>[vector<16xi32>, vector<16xi32>], vector<16xf32>,
      %add3A_1327 = arith.addf %add3A_1323, %gather3A_1326 : vector<16xf32>
      %broadcast_in_dim3A_1328 = arith.constant 10 : i32
      %broadcast_in_dim3A_1329 = vector.broadcast %broadcast_in_dim3A_1328 : i32 to vector<16xi32>
      %gather3A_1330 = tpu.vector_load_idx %arg11[%add3A_1288, %broadcast_in_dim3A_1329] : memref<128x16xf32, #tpu.memory_space<vmem>>[vector<16xi32>, vector<16xi32>], vector<16xf32>,
      %add3A_1331 = arith.addf %add3A_1327, %gather3A_1330 : vector<16xf32>
      %broadcast_in_dim3A_1332 = arith.constant 11 : i32
      %broadcast_in_dim3A_1333 = vector.broadcast %broadcast_in_dim3A_1332 : i32 to vector<16xi32>
      %gather3A_1334 = tpu.vector_load_idx %arg11[%add3A_1288, %broadcast_in_dim3A_1333] : memref<128x16xf32, #tpu.memory_space<vmem>>[vector<16xi32>, vector<16xi32>], vector<16xf32>,
      %add3A_1335 = arith.addf %add3A_1331, %gather3A_1334 : vector<16xf32>
      %broadcast_in_dim3A_1336 = arith.constant 12 : i32
      %broadcast_in_dim3A_1337 = vector.broadcast %broadcast_in_dim3A_1336 : i32 to vector<16xi32>
      %gather3A_1338 = tpu.vector_load_idx %arg11[%add3A_1288, %broadcast_in_dim3A_1337] : memref<128x16xf32, #tpu.memory_space<vmem>>[vector<16xi32>, vector<16xi32>], vector<16xf32>,
      %add3A_1339 = arith.addf %add3A_1335, %gather3A_1338 : vector<16xf32>
      %broadcast_in_dim3A_1340 = arith.constant 13 : i32
      %broadcast_in_dim3A_1341 = vector.broadcast %broadcast_in_dim3A_1340 : i32 to vector<16xi32>
      %gather3A_1342 = tpu.vector_load_idx %arg11[%add3A_1288, %broadcast_in_dim3A_1341] : memref<128x16xf32, #tpu.memory_space<vmem>>[vector<16xi32>, vector<16xi32>], vector<16xf32>,
      %add3A_1343 = arith.addf %add3A_1339, %gather3A_1342 : vector<16xf32>
      %broadcast_in_dim3A_1344 = arith.constant 14 : i32
      %broadcast_in_dim3A_1345 = vector.broadcast %broadcast_in_dim3A_1344 : i32 to vector<16xi32>
      %gather3A_1346 = tpu.vector_load_idx %arg11[%add3A_1288, %broadcast_in_dim3A_1345] : memref<128x16xf32, #tpu.memory_space<vmem>>[vector<16xi32>, vector<16xi32>], vector<16xf32>,
      %add3A_1347 = arith.addf %add3A_1343, %gather3A_1346 : vector<16xf32>
      %broadcast_in_dim3A_1348 = arith.constant 15 : i32
      %broadcast_in_dim3A_1349 = vector.broadcast %broadcast_in_dim3A_1348 : i32 to vector<16xi32>
      %gather3A_1350 = tpu.vector_load_idx %arg11[%add3A_1288, %broadcast_in_dim3A_1349] : memref<128x16xf32, #tpu.memory_space<vmem>>[vector<16xi32>, vector<16xi32>], vector<16xf32>,
      %add3A_1351 = arith.addf %add3A_1347, %gather3A_1350 : vector<16xf32>
      %mul3A_1352 = arith.constant 7.812500e-03 : f32
      %mul3A_1353 = vector.broadcast %mul3A_1352 : f32 to vector<16xf32>
      %mul3A_1354 = arith.mulf %add3A_1351, %mul3A_1353 : vector<16xf32>
      %swap3A_1355 = arith.constant 1 : i32
      %swap3A_1356 = arith.constant 64 : i32
      %swap3A_1357 = tpu.memref_slice %arg12[%swap3A_1355, %swap3A_1356] : memref<2x128xf32, #tpu.memory_space<vmem>> -> memref<1x64xf32, #tpu.memory_space<vmem>>
      %swap3A_1358 = tpu.memref_squeeze %swap3A_1357 : memref<1x64xf32, #tpu.memory_space<vmem>> -> memref<64xf32, #tpu.memory_space<vmem>>
      %swap3A_1359 = arith.constant 0 : index
      %swap3A_1360 = tpu.vector_load %swap3A_1358[%swap3A_1359] {strides = array<i32>} : memref<64xf32, #tpu.memory_space<vmem>>, vector<16xf32>,
      tpu.vector_store %swap3A_1358[%swap3A_1359], %mul3A_1354 {strides = array<i32>} : memref<64xf32, #tpu.memory_space<vmem>>, vector<16xf32>,
      %add3A_1361 = arith.constant 16 : i32
      %add3A_1362 = vector.broadcast %add3A_1361 : i32 to vector<16xi32>
      %add3A_1363 = arith.addi %add3A_1362, %iota3A : vector<16xi32>
      %broadcast_in_dim3A_1364 = arith.constant 0 : i32
      %broadcast_in_dim3A_1365 = vector.broadcast %broadcast_in_dim3A_1364 : i32 to vector<16xi32>
      %gather3A_1366 = tpu.vector_load_idx %arg11[%add3A_1363, %broadcast_in_dim3A_1365] : memref<128x16xf32, #tpu.memory_space<vmem>>[vector<16xi32>, vector<16xi32>], vector<16xf32>,
      %broadcast_in_dim3A_1367 = arith.constant 1 : i32
      %broadcast_in_dim3A_1368 = vector.broadcast %broadcast_in_dim3A_1367 : i32 to vector<16xi32>
      %gather3A_1369 = tpu.vector_load_idx %arg11[%add3A_1363, %broadcast_in_dim3A_1368] : memref<128x16xf32, #tpu.memory_space<vmem>>[vector<16xi32>, vector<16xi32>], vector<16xf32>,
      %add3A_1370 = arith.addf %gather3A_1366, %gather3A_1369 : vector<16xf32>
      %broadcast_in_dim3A_1371 = arith.constant 2 : i32
      %broadcast_in_dim3A_1372 = vector.broadcast %broadcast_in_dim3A_1371 : i32 to vector<16xi32>
      %gather3A_1373 = tpu.vector_load_idx %arg11[%add3A_1363, %broadcast_in_dim3A_1372] : memref<128x16xf32, #tpu.memory_space<vmem>>[vector<16xi32>, vector<16xi32>], vector<16xf32>,
      %add3A_1374 = arith.addf %add3A_1370, %gather3A_1373 : vector<16xf32>
      %broadcast_in_dim3A_1375 = arith.constant 3 : i32
      %broadcast_in_dim3A_1376 = vector.broadcast %broadcast_in_dim3A_1375 : i32 to vector<16xi32>
      %gather3A_1377 = tpu.vector_load_idx %arg11[%add3A_1363, %broadcast_in_dim3A_1376] : memref<128x16xf32, #tpu.memory_space<vmem>>[vector<16xi32>, vector<16xi32>], vector<16xf32>,
      %add3A_1378 = arith.addf %add3A_1374, %gather3A_1377 : vector<16xf32>
      %broadcast_in_dim3A_1379 = arith.constant 4 : i32
      %broadcast_in_dim3A_1380 = vector.broadcast %broadcast_in_dim3A_1379 : i32 to vector<16xi32>
      %gather3A_1381 = tpu.vector_load_idx %arg11[%add3A_1363, %broadcast_in_dim3A_1380] : memref<128x16xf32, #tpu.memory_space<vmem>>[vector<16xi32>, vector<16xi32>], vector<16xf32>,
      %add3A_1382 = arith.addf %add3A_1378, %gather3A_1381 : vector<16xf32>
      %broadcast_in_dim3A_1383 = arith.constant 5 : i32
      %broadcast_in_dim3A_1384 = vector.broadcast %broadcast_in_dim3A_1383 : i32 to vector<16xi32>
      %gather3A_1385 = tpu.vector_load_idx %arg11[%add3A_1363, %broadcast_in_dim3A_1384] : memref<128x16xf32, #tpu.memory_space<vmem>>[vector<16xi32>, vector<16xi32>], vector<16xf32>,
      %add3A_1386 = arith.addf %add3A_1382, %gather3A_1385 : vector<16xf32>
      %broadcast_in_dim3A_1387 = arith.constant 6 : i32
      %broadcast_in_dim3A_1388 = vector.broadcast %broadcast_in_dim3A_1387 : i32 to vector<16xi32>
      %gather3A_1389 = tpu.vector_load_idx %arg11[%add3A_1363, %broadcast_in_dim3A_1388] : memref<128x16xf32, #tpu.memory_space<vmem>>[vector<16xi32>, vector<16xi32>], vector<16xf32>,
      %add3A_1390 = arith.addf %add3A_1386, %gather3A_1389 : vector<16xf32>
      %broadcast_in_dim3A_1391 = arith.constant 7 : i32
      %broadcast_in_dim3A_1392 = vector.broadcast %broadcast_in_dim3A_1391 : i32 to vector<16xi32>
      %gather3A_1393 = tpu.vector_load_idx %arg11[%add3A_1363, %broadcast_in_dim3A_1392] : memref<128x16xf32, #tpu.memory_space<vmem>>[vector<16xi32>, vector<16xi32>], vector<16xf32>,
      %add3A_1394 = arith.addf %add3A_1390, %gather3A_1393 : vector<16xf32>
      %broadcast_in_dim3A_1395 = arith.constant 8 : i32
      %broadcast_in_dim3A_1396 = vector.broadcast %broadcast_in_dim3A_1395 : i32 to vector<16xi32>
      %gather3A_1397 = tpu.vector_load_idx %arg11[%add3A_1363, %broadcast_in_dim3A_1396] : memref<128x16xf32, #tpu.memory_space<vmem>>[vector<16xi32>, vector<16xi32>], vector<16xf32>,
      %add3A_1398 = arith.addf %add3A_1394, %gather3A_1397 : vector<16xf32>
      %broadcast_in_dim3A_1399 = arith.constant 9 : i32
      %broadcast_in_dim3A_1400 = vector.broadcast %broadcast_in_dim3A_1399 : i32 to vector<16xi32>
      %gather3A_1401 = tpu.vector_load_idx %arg11[%add3A_1363, %broadcast_in_dim3A_1400] : memref<128x16xf32, #tpu.memory_space<vmem>>[vector<16xi32>, vector<16xi32>], vector<16xf32>,
      %add3A_1402 = arith.addf %add3A_1398, %gather3A_1401 : vector<16xf32>
      %broadcast_in_dim3A_1403 = arith.constant 10 : i32
      %broadcast_in_dim3A_1404 = vector.broadcast %broadcast_in_dim3A_1403 : i32 to vector<16xi32>
      %gather3A_1405 = tpu.vector_load_idx %arg11[%add3A_1363, %broadcast_in_dim3A_1404] : memref<128x16xf32, #tpu.memory_space<vmem>>[vector<16xi32>, vector<16xi32>], vector<16xf32>,
      %add3A_1406 = arith.addf %add3A_1402, %gather3A_1405 : vector<16xf32>
      %broadcast_in_dim3A_1407 = arith.constant 11 : i32
      %broadcast_in_dim3A_1408 = vector.broadcast %broadcast_in_dim3A_1407 : i32 to vector<16xi32>
      %gather3A_1409 = tpu.vector_load_idx %arg11[%add3A_1363, %broadcast_in_dim3A_1408] : memref<128x16xf32, #tpu.memory_space<vmem>>[vector<16xi32>, vector<16xi32>], vector<16xf32>,
      %add3A_1410 = arith.addf %add3A_1406, %gather3A_1409 : vector<16xf32>
      %broadcast_in_dim3A_1411 = arith.constant 12 : i32
      %broadcast_in_dim3A_1412 = vector.broadcast %broadcast_in_dim3A_1411 : i32 to vector<16xi32>
      %gather3A_1413 = tpu.vector_load_idx %arg11[%add3A_1363, %broadcast_in_dim3A_1412] : memref<128x16xf32, #tpu.memory_space<vmem>>[vector<16xi32>, vector<16xi32>], vector<16xf32>,
      %add3A_1414 = arith.addf %add3A_1410, %gather3A_1413 : vector<16xf32>
      %broadcast_in_dim3A_1415 = arith.constant 13 : i32
      %broadcast_in_dim3A_1416 = vector.broadcast %broadcast_in_dim3A_1415 : i32 to vector<16xi32>
      %gather3A_1417 = tpu.vector_load_idx %arg11[%add3A_1363, %broadcast_in_dim3A_1416] : memref<128x16xf32, #tpu.memory_space<vmem>>[vector<16xi32>, vector<16xi32>], vector<16xf32>,
      %add3A_1418 = arith.addf %add3A_1414, %gather3A_1417 : vector<16xf32>
      %broadcast_in_dim3A_1419 = arith.constant 14 : i32
      %broadcast_in_dim3A_1420 = vector.broadcast %broadcast_in_dim3A_1419 : i32 to vector<16xi32>
      %gather3A_1421 = tpu.vector_load_idx %arg11[%add3A_1363, %broadcast_in_dim3A_1420] : memref<128x16xf32, #tpu.memory_space<vmem>>[vector<16xi32>, vector<16xi32>], vector<16xf32>,
      %add3A_1422 = arith.addf %add3A_1418, %gather3A_1421 : vector<16xf32>
      %broadcast_in_dim3A_1423 = arith.constant 15 : i32
      %broadcast_in_dim3A_1424 = vector.broadcast %broadcast_in_dim3A_1423 : i32 to vector<16xi32>
      %gather3A_1425 = tpu.vector_load_idx %arg11[%add3A_1363, %broadcast_in_dim3A_1424] : memref<128x16xf32, #tpu.memory_space<vmem>>[vector<16xi32>, vector<16xi32>], vector<16xf32>,
      %add3A_1426 = arith.addf %add3A_1422, %gather3A_1425 : vector<16xf32>
      %mul3A_1427 = arith.constant 7.812500e-03 : f32
      %mul3A_1428 = vector.broadcast %mul3A_1427 : f32 to vector<16xf32>
      %mul3A_1429 = arith.mulf %add3A_1426, %mul3A_1428 : vector<16xf32>
      %swap3A_1430 = arith.constant 1 : i32
      %swap3A_1431 = arith.constant 64 : i32
      %swap3A_1432 = tpu.memref_slice %arg12[%swap3A_1430, %swap3A_1431] : memref<2x128xf32, #tpu.memory_space<vmem>> -> memref<1x64xf32, #tpu.memory_space<vmem>>
      %swap3A_1433 = tpu.memref_squeeze %swap3A_1432 : memref<1x64xf32, #tpu.memory_space<vmem>> -> memref<64xf32, #tpu.memory_space<vmem>>
      %swap3A_1434 = arith.constant 16 : index
      %swap3A_1435 = tpu.vector_load %swap3A_1433[%swap3A_1434] {strides = array<i32>} : memref<64xf32, #tpu.memory_space<vmem>>, vector<16xf32>,
      tpu.vector_store %swap3A_1433[%swap3A_1434], %mul3A_1429 {strides = array<i32>} : memref<64xf32, #tpu.memory_space<vmem>>, vector<16xf32>,
      %add3A_1436 = arith.constant 32 : i32
      %add3A_1437 = vector.broadcast %add3A_1436 : i32 to vector<16xi32>
      %add3A_1438 = arith.addi %add3A_1437, %iota3A : vector<16xi32>
      %broadcast_in_dim3A_1439 = arith.constant 0 : i32
      %broadcast_in_dim3A_1440 = vector.broadcast %broadcast_in_dim3A_1439 : i32 to vector<16xi32>
      %gather3A_1441 = tpu.vector_load_idx %arg11[%add3A_1438, %broadcast_in_dim3A_1440] : memref<128x16xf32, #tpu.memory_space<vmem>>[vector<16xi32>, vector<16xi32>], vector<16xf32>,
      %broadcast_in_dim3A_1442 = arith.constant 1 : i32
      %broadcast_in_dim3A_1443 = vector.broadcast %broadcast_in_dim3A_1442 : i32 to vector<16xi32>
      %gather3A_1444 = tpu.vector_load_idx %arg11[%add3A_1438, %broadcast_in_dim3A_1443] : memref<128x16xf32, #tpu.memory_space<vmem>>[vector<16xi32>, vector<16xi32>], vector<16xf32>,
      %add3A_1445 = arith.addf %gather3A_1441, %gather3A_1444 : vector<16xf32>
      %broadcast_in_dim3A_1446 = arith.constant 2 : i32
      %broadcast_in_dim3A_1447 = vector.broadcast %broadcast_in_dim3A_1446 : i32 to vector<16xi32>
      %gather3A_1448 = tpu.vector_load_idx %arg11[%add3A_1438, %broadcast_in_dim3A_1447] : memref<128x16xf32, #tpu.memory_space<vmem>>[vector<16xi32>, vector<16xi32>], vector<16xf32>,
      %add3A_1449 = arith.addf %add3A_1445, %gather3A_1448 : vector<16xf32>
      %broadcast_in_dim3A_1450 = arith.constant 3 : i32
      %broadcast_in_dim3A_1451 = vector.broadcast %broadcast_in_dim3A_1450 : i32 to vector<16xi32>
      %gather3A_1452 = tpu.vector_load_idx %arg11[%add3A_1438, %broadcast_in_dim3A_1451] : memref<128x16xf32, #tpu.memory_space<vmem>>[vector<16xi32>, vector<16xi32>], vector<16xf32>,
      %add3A_1453 = arith.addf %add3A_1449, %gather3A_1452 : vector<16xf32>
      %broadcast_in_dim3A_1454 = arith.constant 4 : i32
      %broadcast_in_dim3A_1455 = vector.broadcast %broadcast_in_dim3A_1454 : i32 to vector<16xi32>
      %gather3A_1456 = tpu.vector_load_idx %arg11[%add3A_1438, %broadcast_in_dim3A_1455] : memref<128x16xf32, #tpu.memory_space<vmem>>[vector<16xi32>, vector<16xi32>], vector<16xf32>,
      %add3A_1457 = arith.addf %add3A_1453, %gather3A_1456 : vector<16xf32>
      %broadcast_in_dim3A_1458 = arith.constant 5 : i32
      %broadcast_in_dim3A_1459 = vector.broadcast %broadcast_in_dim3A_1458 : i32 to vector<16xi32>
      %gather3A_1460 = tpu.vector_load_idx %arg11[%add3A_1438, %broadcast_in_dim3A_1459] : memref<128x16xf32, #tpu.memory_space<vmem>>[vector<16xi32>, vector<16xi32>], vector<16xf32>,
      %add3A_1461 = arith.addf %add3A_1457, %gather3A_1460 : vector<16xf32>
      %broadcast_in_dim3A_1462 = arith.constant 6 : i32
      %broadcast_in_dim3A_1463 = vector.broadcast %broadcast_in_dim3A_1462 : i32 to vector<16xi32>
      %gather3A_1464 = tpu.vector_load_idx %arg11[%add3A_1438, %broadcast_in_dim3A_1463] : memref<128x16xf32, #tpu.memory_space<vmem>>[vector<16xi32>, vector<16xi32>], vector<16xf32>,
      %add3A_1465 = arith.addf %add3A_1461, %gather3A_1464 : vector<16xf32>
      %broadcast_in_dim3A_1466 = arith.constant 7 : i32
      %broadcast_in_dim3A_1467 = vector.broadcast %broadcast_in_dim3A_1466 : i32 to vector<16xi32>
      %gather3A_1468 = tpu.vector_load_idx %arg11[%add3A_1438, %broadcast_in_dim3A_1467] : memref<128x16xf32, #tpu.memory_space<vmem>>[vector<16xi32>, vector<16xi32>], vector<16xf32>,
      %add3A_1469 = arith.addf %add3A_1465, %gather3A_1468 : vector<16xf32>
      %broadcast_in_dim3A_1470 = arith.constant 8 : i32
      %broadcast_in_dim3A_1471 = vector.broadcast %broadcast_in_dim3A_1470 : i32 to vector<16xi32>
      %gather3A_1472 = tpu.vector_load_idx %arg11[%add3A_1438, %broadcast_in_dim3A_1471] : memref<128x16xf32, #tpu.memory_space<vmem>>[vector<16xi32>, vector<16xi32>], vector<16xf32>,
      %add3A_1473 = arith.addf %add3A_1469, %gather3A_1472 : vector<16xf32>
      %broadcast_in_dim3A_1474 = arith.constant 9 : i32
      %broadcast_in_dim3A_1475 = vector.broadcast %broadcast_in_dim3A_1474 : i32 to vector<16xi32>
      %gather3A_1476 = tpu.vector_load_idx %arg11[%add3A_1438, %broadcast_in_dim3A_1475] : memref<128x16xf32, #tpu.memory_space<vmem>>[vector<16xi32>, vector<16xi32>], vector<16xf32>,
      %add3A_1477 = arith.addf %add3A_1473, %gather3A_1476 : vector<16xf32>
      %broadcast_in_dim3A_1478 = arith.constant 10 : i32
      %broadcast_in_dim3A_1479 = vector.broadcast %broadcast_in_dim3A_1478 : i32 to vector<16xi32>
      %gather3A_1480 = tpu.vector_load_idx %arg11[%add3A_1438, %broadcast_in_dim3A_1479] : memref<128x16xf32, #tpu.memory_space<vmem>>[vector<16xi32>, vector<16xi32>], vector<16xf32>,
      %add3A_1481 = arith.addf %add3A_1477, %gather3A_1480 : vector<16xf32>
      %broadcast_in_dim3A_1482 = arith.constant 11 : i32
      %broadcast_in_dim3A_1483 = vector.broadcast %broadcast_in_dim3A_1482 : i32 to vector<16xi32>
      %gather3A_1484 = tpu.vector_load_idx %arg11[%add3A_1438, %broadcast_in_dim3A_1483] : memref<128x16xf32, #tpu.memory_space<vmem>>[vector<16xi32>, vector<16xi32>], vector<16xf32>,
      %add3A_1485 = arith.addf %add3A_1481, %gather3A_1484 : vector<16xf32>
      %broadcast_in_dim3A_1486 = arith.constant 12 : i32
      %broadcast_in_dim3A_1487 = vector.broadcast %broadcast_in_dim3A_1486 : i32 to vector<16xi32>
      %gather3A_1488 = tpu.vector_load_idx %arg11[%add3A_1438, %broadcast_in_dim3A_1487] : memref<128x16xf32, #tpu.memory_space<vmem>>[vector<16xi32>, vector<16xi32>], vector<16xf32>,
      %add3A_1489 = arith.addf %add3A_1485, %gather3A_1488 : vector<16xf32>
      %broadcast_in_dim3A_1490 = arith.constant 13 : i32
      %broadcast_in_dim3A_1491 = vector.broadcast %broadcast_in_dim3A_1490 : i32 to vector<16xi32>
      %gather3A_1492 = tpu.vector_load_idx %arg11[%add3A_1438, %broadcast_in_dim3A_1491] : memref<128x16xf32, #tpu.memory_space<vmem>>[vector<16xi32>, vector<16xi32>], vector<16xf32>,
      %add3A_1493 = arith.addf %add3A_1489, %gather3A_1492 : vector<16xf32>
      %broadcast_in_dim3A_1494 = arith.constant 14 : i32
      %broadcast_in_dim3A_1495 = vector.broadcast %broadcast_in_dim3A_1494 : i32 to vector<16xi32>
      %gather3A_1496 = tpu.vector_load_idx %arg11[%add3A_1438, %broadcast_in_dim3A_1495] : memref<128x16xf32, #tpu.memory_space<vmem>>[vector<16xi32>, vector<16xi32>], vector<16xf32>,
      %add3A_1497 = arith.addf %add3A_1493, %gather3A_1496 : vector<16xf32>
      %broadcast_in_dim3A_1498 = arith.constant 15 : i32
      %broadcast_in_dim3A_1499 = vector.broadcast %broadcast_in_dim3A_1498 : i32 to vector<16xi32>
      %gather3A_1500 = tpu.vector_load_idx %arg11[%add3A_1438, %broadcast_in_dim3A_1499] : memref<128x16xf32, #tpu.memory_space<vmem>>[vector<16xi32>, vector<16xi32>], vector<16xf32>,
      %add3A_1501 = arith.addf %add3A_1497, %gather3A_1500 : vector<16xf32>
      %mul3A_1502 = arith.constant 7.812500e-03 : f32
      %mul3A_1503 = vector.broadcast %mul3A_1502 : f32 to vector<16xf32>
      %mul3A_1504 = arith.mulf %add3A_1501, %mul3A_1503 : vector<16xf32>
      %swap3A_1505 = arith.constant 1 : i32
      %swap3A_1506 = arith.constant 64 : i32
      %swap3A_1507 = tpu.memref_slice %arg12[%swap3A_1505, %swap3A_1506] : memref<2x128xf32, #tpu.memory_space<vmem>> -> memref<1x64xf32, #tpu.memory_space<vmem>>
      %swap3A_1508 = tpu.memref_squeeze %swap3A_1507 : memref<1x64xf32, #tpu.memory_space<vmem>> -> memref<64xf32, #tpu.memory_space<vmem>>
      %swap3A_1509 = arith.constant 32 : index
      %swap3A_1510 = tpu.vector_load %swap3A_1508[%swap3A_1509] {strides = array<i32>} : memref<64xf32, #tpu.memory_space<vmem>>, vector<16xf32>,
      tpu.vector_store %swap3A_1508[%swap3A_1509], %mul3A_1504 {strides = array<i32>} : memref<64xf32, #tpu.memory_space<vmem>>, vector<16xf32>,
      %add3A_1511 = arith.constant 48 : i32
      %add3A_1512 = vector.broadcast %add3A_1511 : i32 to vector<16xi32>
      %add3A_1513 = arith.addi %add3A_1512, %iota3A : vector<16xi32>
      %broadcast_in_dim3A_1514 = arith.constant 0 : i32
      %broadcast_in_dim3A_1515 = vector.broadcast %broadcast_in_dim3A_1514 : i32 to vector<16xi32>
      %gather3A_1516 = tpu.vector_load_idx %arg11[%add3A_1513, %broadcast_in_dim3A_1515] : memref<128x16xf32, #tpu.memory_space<vmem>>[vector<16xi32>, vector<16xi32>], vector<16xf32>,
      %broadcast_in_dim3A_1517 = arith.constant 1 : i32
      %broadcast_in_dim3A_1518 = vector.broadcast %broadcast_in_dim3A_1517 : i32 to vector<16xi32>
      %gather3A_1519 = tpu.vector_load_idx %arg11[%add3A_1513, %broadcast_in_dim3A_1518] : memref<128x16xf32, #tpu.memory_space<vmem>>[vector<16xi32>, vector<16xi32>], vector<16xf32>,
      %add3A_1520 = arith.addf %gather3A_1516, %gather3A_1519 : vector<16xf32>
      %broadcast_in_dim3A_1521 = arith.constant 2 : i32
      %broadcast_in_dim3A_1522 = vector.broadcast %broadcast_in_dim3A_1521 : i32 to vector<16xi32>
      %gather3A_1523 = tpu.vector_load_idx %arg11[%add3A_1513, %broadcast_in_dim3A_1522] : memref<128x16xf32, #tpu.memory_space<vmem>>[vector<16xi32>, vector<16xi32>], vector<16xf32>,
      %add3A_1524 = arith.addf %add3A_1520, %gather3A_1523 : vector<16xf32>
      %broadcast_in_dim3A_1525 = arith.constant 3 : i32
      %broadcast_in_dim3A_1526 = vector.broadcast %broadcast_in_dim3A_1525 : i32 to vector<16xi32>
      %gather3A_1527 = tpu.vector_load_idx %arg11[%add3A_1513, %broadcast_in_dim3A_1526] : memref<128x16xf32, #tpu.memory_space<vmem>>[vector<16xi32>, vector<16xi32>], vector<16xf32>,
      %add3A_1528 = arith.addf %add3A_1524, %gather3A_1527 : vector<16xf32>
      %broadcast_in_dim3A_1529 = arith.constant 4 : i32
      %broadcast_in_dim3A_1530 = vector.broadcast %broadcast_in_dim3A_1529 : i32 to vector<16xi32>
      %gather3A_1531 = tpu.vector_load_idx %arg11[%add3A_1513, %broadcast_in_dim3A_1530] : memref<128x16xf32, #tpu.memory_space<vmem>>[vector<16xi32>, vector<16xi32>], vector<16xf32>,
      %add3A_1532 = arith.addf %add3A_1528, %gather3A_1531 : vector<16xf32>
      %broadcast_in_dim3A_1533 = arith.constant 5 : i32
      %broadcast_in_dim3A_1534 = vector.broadcast %broadcast_in_dim3A_1533 : i32 to vector<16xi32>
      %gather3A_1535 = tpu.vector_load_idx %arg11[%add3A_1513, %broadcast_in_dim3A_1534] : memref<128x16xf32, #tpu.memory_space<vmem>>[vector<16xi32>, vector<16xi32>], vector<16xf32>,
      %add3A_1536 = arith.addf %add3A_1532, %gather3A_1535 : vector<16xf32>
      %broadcast_in_dim3A_1537 = arith.constant 6 : i32
      %broadcast_in_dim3A_1538 = vector.broadcast %broadcast_in_dim3A_1537 : i32 to vector<16xi32>
      %gather3A_1539 = tpu.vector_load_idx %arg11[%add3A_1513, %broadcast_in_dim3A_1538] : memref<128x16xf32, #tpu.memory_space<vmem>>[vector<16xi32>, vector<16xi32>], vector<16xf32>,
      %add3A_1540 = arith.addf %add3A_1536, %gather3A_1539 : vector<16xf32>
      %broadcast_in_dim3A_1541 = arith.constant 7 : i32
      %broadcast_in_dim3A_1542 = vector.broadcast %broadcast_in_dim3A_1541 : i32 to vector<16xi32>
      %gather3A_1543 = tpu.vector_load_idx %arg11[%add3A_1513, %broadcast_in_dim3A_1542] : memref<128x16xf32, #tpu.memory_space<vmem>>[vector<16xi32>, vector<16xi32>], vector<16xf32>,
      %add3A_1544 = arith.addf %add3A_1540, %gather3A_1543 : vector<16xf32>
      %broadcast_in_dim3A_1545 = arith.constant 8 : i32
      %broadcast_in_dim3A_1546 = vector.broadcast %broadcast_in_dim3A_1545 : i32 to vector<16xi32>
      %gather3A_1547 = tpu.vector_load_idx %arg11[%add3A_1513, %broadcast_in_dim3A_1546] : memref<128x16xf32, #tpu.memory_space<vmem>>[vector<16xi32>, vector<16xi32>], vector<16xf32>,
      %add3A_1548 = arith.addf %add3A_1544, %gather3A_1547 : vector<16xf32>
      %broadcast_in_dim3A_1549 = arith.constant 9 : i32
      %broadcast_in_dim3A_1550 = vector.broadcast %broadcast_in_dim3A_1549 : i32 to vector<16xi32>
      %gather3A_1551 = tpu.vector_load_idx %arg11[%add3A_1513, %broadcast_in_dim3A_1550] : memref<128x16xf32, #tpu.memory_space<vmem>>[vector<16xi32>, vector<16xi32>], vector<16xf32>,
      %add3A_1552 = arith.addf %add3A_1548, %gather3A_1551 : vector<16xf32>
      %broadcast_in_dim3A_1553 = arith.constant 10 : i32
      %broadcast_in_dim3A_1554 = vector.broadcast %broadcast_in_dim3A_1553 : i32 to vector<16xi32>
      %gather3A_1555 = tpu.vector_load_idx %arg11[%add3A_1513, %broadcast_in_dim3A_1554] : memref<128x16xf32, #tpu.memory_space<vmem>>[vector<16xi32>, vector<16xi32>], vector<16xf32>,
      %add3A_1556 = arith.addf %add3A_1552, %gather3A_1555 : vector<16xf32>
      %broadcast_in_dim3A_1557 = arith.constant 11 : i32
      %broadcast_in_dim3A_1558 = vector.broadcast %broadcast_in_dim3A_1557 : i32 to vector<16xi32>
      %gather3A_1559 = tpu.vector_load_idx %arg11[%add3A_1513, %broadcast_in_dim3A_1558] : memref<128x16xf32, #tpu.memory_space<vmem>>[vector<16xi32>, vector<16xi32>], vector<16xf32>,
      %add3A_1560 = arith.addf %add3A_1556, %gather3A_1559 : vector<16xf32>
      %broadcast_in_dim3A_1561 = arith.constant 12 : i32
      %broadcast_in_dim3A_1562 = vector.broadcast %broadcast_in_dim3A_1561 : i32 to vector<16xi32>
      %gather3A_1563 = tpu.vector_load_idx %arg11[%add3A_1513, %broadcast_in_dim3A_1562] : memref<128x16xf32, #tpu.memory_space<vmem>>[vector<16xi32>, vector<16xi32>], vector<16xf32>,
      %add3A_1564 = arith.addf %add3A_1560, %gather3A_1563 : vector<16xf32>
      %broadcast_in_dim3A_1565 = arith.constant 13 : i32
      %broadcast_in_dim3A_1566 = vector.broadcast %broadcast_in_dim3A_1565 : i32 to vector<16xi32>
      %gather3A_1567 = tpu.vector_load_idx %arg11[%add3A_1513, %broadcast_in_dim3A_1566] : memref<128x16xf32, #tpu.memory_space<vmem>>[vector<16xi32>, vector<16xi32>], vector<16xf32>,
      %add3A_1568 = arith.addf %add3A_1564, %gather3A_1567 : vector<16xf32>
      %broadcast_in_dim3A_1569 = arith.constant 14 : i32
      %broadcast_in_dim3A_1570 = vector.broadcast %broadcast_in_dim3A_1569 : i32 to vector<16xi32>
      %gather3A_1571 = tpu.vector_load_idx %arg11[%add3A_1513, %broadcast_in_dim3A_1570] : memref<128x16xf32, #tpu.memory_space<vmem>>[vector<16xi32>, vector<16xi32>], vector<16xf32>,
      %add3A_1572 = arith.addf %add3A_1568, %gather3A_1571 : vector<16xf32>
      %broadcast_in_dim3A_1573 = arith.constant 15 : i32
      %broadcast_in_dim3A_1574 = vector.broadcast %broadcast_in_dim3A_1573 : i32 to vector<16xi32>
      %gather3A_1575 = tpu.vector_load_idx %arg11[%add3A_1513, %broadcast_in_dim3A_1574] : memref<128x16xf32, #tpu.memory_space<vmem>>[vector<16xi32>, vector<16xi32>], vector<16xf32>,
      %add3A_1576 = arith.addf %add3A_1572, %gather3A_1575 : vector<16xf32>
      %mul3A_1577 = arith.constant 7.812500e-03 : f32
      %mul3A_1578 = vector.broadcast %mul3A_1577 : f32 to vector<16xf32>
      %mul3A_1579 = arith.mulf %add3A_1576, %mul3A_1578 : vector<16xf32>
      %swap3A_1580 = arith.constant 1 : i32
      %swap3A_1581 = arith.constant 64 : i32
      %swap3A_1582 = tpu.memref_slice %arg12[%swap3A_1580, %swap3A_1581] : memref<2x128xf32, #tpu.memory_space<vmem>> -> memref<1x64xf32, #tpu.memory_space<vmem>>
      %swap3A_1583 = tpu.memref_squeeze %swap3A_1582 : memref<1x64xf32, #tpu.memory_space<vmem>> -> memref<64xf32, #tpu.memory_space<vmem>>
      %swap3A_1584 = arith.constant 48 : index
      %swap3A_1585 = tpu.vector_load %swap3A_1583[%swap3A_1584] {strides = array<i32>} : memref<64xf32, #tpu.memory_space<vmem>>, vector<16xf32>,
      tpu.vector_store %swap3A_1583[%swap3A_1584], %mul3A_1579 {strides = array<i32>} : memref<64xf32, #tpu.memory_space<vmem>>, vector<16xf32>,
      %mul3A_1586 = arith.constant 128 : i32
      %mul3A_1587 = arith.muli %add3A_908, %mul3A_1586 : i32
      %add3A_1588 = arith.addi %mul3A_2, %mul3A_1587 : i32
      %dma_start3A_1589 = arith.constant 1 : i32
      %dma_start3A_1590 = arith.constant 0 : i32
      %dma_start3A_1591 = tpu.memref_slice %arg12[%dma_start3A_1589, %dma_start3A_1590] : memref<2x128xf32, #tpu.memory_space<vmem>> -> memref<1x128xf32, #tpu.memory_space<vmem>>
      %dma_start3A_1592 = tpu.memref_squeeze %dma_start3A_1591 : memref<1x128xf32, #tpu.memory_space<vmem>> -> memref<128xf32, #tpu.memory_space<vmem>>
      %dma_start3A_1593 = tpu.memref_slice %arg5[%add3A_1588] : memref<320000xf32, #tpu.memory_space<hbm>> -> memref<128xf32, #tpu.memory_space<hbm>>
      %dma_start3A_1594 = tpu.memref_slice %arg5[%add3A_1588] : memref<320000xf32, #tpu.memory_space<hbm>> -> memref<128xf32, #tpu.memory_space<hbm>>
      %dma_start3A_1595 = arith.constant 0 : i32
      %dma_start3A_1596 = tpu.memref_slice %arg12[%dma_start3A_1589, %dma_start3A_1595] : memref<2x128xf32, #tpu.memory_space<vmem>> -> memref<1x128xf32, #tpu.memory_space<vmem>>
      %dma_start3A_1597 = tpu.memref_squeeze %dma_start3A_1596 : memref<1x128xf32, #tpu.memory_space<vmem>> -> memref<128xf32, #tpu.memory_space<vmem>>
      tpu.enqueue_dma source(%dma_start3A_1597 : memref<128xf32, #tpu.memory_space<vmem>>) target(%dma_start3A_1594 : memref<128xf32, #tpu.memory_space<hbm>>) target_semaphore(%arg25 : memref<!tpu.dma_semaphore, #tpu.memory_space<semaphore_mem>>)
    }
    %scan3A_114 = arith.constant 39 : i32
    %dma_wait3A_115 = arith.constant 0 : i32
    %dma_wait3A_116 = arith.constant 0 : i32
    %dma_wait3A_117 = tpu.memref_slice %arg12[%dma_wait3A_115, %dma_wait3A_116] : memref<2x128xf32, #tpu.memory_space<vmem>> -> memref<1x128xf32, #tpu.memory_space<vmem>>
    %dma_wait3A_118 = tpu.memref_squeeze %dma_wait3A_117 : memref<1x128xf32, #tpu.memory_space<vmem>> -> memref<128xf32, #tpu.memory_space<vmem>>
    %dma_wait3A_119 = tpu.memref_slice %arg5[%mul3A_2] : memref<320000xf32, #tpu.memory_space<hbm>> -> memref<128xf32, #tpu.memory_space<hbm>>
    %dma_wait3A_120 = tpu.memref_slice %arg5[%mul3A_2] : memref<320000xf32, #tpu.memory_space<hbm>> -> memref<128xf32, #tpu.memory_space<hbm>>
    %dma_wait3A_121 = arith.constant 0 : i32
    %dma_wait3A_122 = tpu.memref_slice %arg12[%dma_wait3A_115, %dma_wait3A_121] : memref<2x128xf32, #tpu.memory_space<vmem>> -> memref<1x128xf32, #tpu.memory_space<vmem>>
    %dma_wait3A_123 = tpu.memref_squeeze %dma_wait3A_122 : memref<1x128xf32, #tpu.memory_space<vmem>> -> memref<128xf32, #tpu.memory_space<vmem>>
    tpu.wait_dma2 semaphore(%arg24 : memref<!tpu.dma_semaphore, #tpu.memory_space<semaphore_mem>>) src(%dma_wait3A_123 : memref<128xf32, #tpu.memory_space<vmem>>) dst(%dma_wait3A_120 : memref<128xf32, #tpu.memory_space<hbm>>)
    %dma_wait3A_124 = arith.constant 1 : i32
    %dma_wait3A_125 = arith.constant 0 : i32
    %dma_wait3A_126 = tpu.memref_slice %arg12[%dma_wait3A_124, %dma_wait3A_125] : memref<2x128xf32, #tpu.memory_space<vmem>> -> memref<1x128xf32, #tpu.memory_space<vmem>>
    %dma_wait3A_127 = tpu.memref_squeeze %dma_wait3A_126 : memref<1x128xf32, #tpu.memory_space<vmem>> -> memref<128xf32, #tpu.memory_space<vmem>>
    %dma_wait3A_128 = tpu.memref_slice %arg5[%mul3A_2] : memref<320000xf32, #tpu.memory_space<hbm>> -> memref<128xf32, #tpu.memory_space<hbm>>
    %dma_wait3A_129 = tpu.memref_slice %arg5[%mul3A_2] : memref<320000xf32, #tpu.memory_space<hbm>> -> memref<128xf32, #tpu.memory_space<hbm>>
    %dma_wait3A_130 = arith.constant 0 : i32
    %dma_wait3A_131 = tpu.memref_slice %arg12[%dma_wait3A_124, %dma_wait3A_130] : memref<2x128xf32, #tpu.memory_space<vmem>> -> memref<1x128xf32, #tpu.memory_space<vmem>>
    %dma_wait3A_132 = tpu.memref_squeeze %dma_wait3A_131 : memref<1x128xf32, #tpu.memory_space<vmem>> -> memref<128xf32, #tpu.memory_space<vmem>>
    tpu.wait_dma2 semaphore(%arg25 : memref<!tpu.dma_semaphore, #tpu.memory_space<semaphore_mem>>) src(%dma_wait3A_132 : memref<128xf32, #tpu.memory_space<vmem>>) dst(%dma_wait3A_129 : memref<128xf32, #tpu.memory_space<hbm>>)
    %add3A_133 = arith.constant 9984 : i32
    %add3A_134 = arith.addi %mul3A_2, %add3A_133 : i32
    "tpu.region"() ({
      %run_scoped3A = tpu.sem_alloc : memref<!tpu.dma_semaphore, #tpu.memory_space<semaphore_mem>>
      %dma_start3A_217 = tpu.memref_slice %arg3[%add3A_134] : memref<320000xi32, #tpu.memory_space<hbm>> -> memref<16xi32, #tpu.memory_space<hbm>>
      %dma_start3A_218 = tpu.memref_slice %arg3[%add3A_134] : memref<320000xi32, #tpu.memory_space<hbm>> -> memref<16xi32, #tpu.memory_space<hbm>>
      tpu.enqueue_dma source(%dma_start3A_218 : memref<16xi32, #tpu.memory_space<hbm>>) target(%arg13 : memref<16xi32, #tpu.memory_space<vmem>>) target_semaphore(%run_scoped3A : memref<!tpu.dma_semaphore, #tpu.memory_space<semaphore_mem>>)
      %dma_wait3A_219 = tpu.memref_slice %arg3[%add3A_134] : memref<320000xi32, #tpu.memory_space<hbm>> -> memref<16xi32, #tpu.memory_space<hbm>>
      %dma_wait3A_220 = tpu.memref_slice %arg3[%add3A_134] : memref<320000xi32, #tpu.memory_space<hbm>> -> memref<16xi32, #tpu.memory_space<hbm>>
      tpu.wait_dma2 semaphore(%run_scoped3A : memref<!tpu.dma_semaphore, #tpu.memory_space<semaphore_mem>>) src(%dma_wait3A_220 : memref<16xi32, #tpu.memory_space<hbm>>) dst(%arg13 : memref<16xi32, #tpu.memory_space<vmem>>)
      tpu.yield
    }) : () -> ()
    "tpu.region"() ({
      %run_scoped3A = tpu.sem_alloc : memref<!tpu.dma_semaphore, #tpu.memory_space<semaphore_mem>>
      %dma_start3A_217 = tpu.memref_slice %arg4[%add3A_134] : memref<320000xi32, #tpu.memory_space<hbm>> -> memref<16xi32, #tpu.memory_space<hbm>>
      %dma_start3A_218 = tpu.memref_slice %arg4[%add3A_134] : memref<320000xi32, #tpu.memory_space<hbm>> -> memref<16xi32, #tpu.memory_space<hbm>>
      tpu.enqueue_dma source(%dma_start3A_218 : memref<16xi32, #tpu.memory_space<hbm>>) target(%arg14 : memref<16xi32, #tpu.memory_space<vmem>>) target_semaphore(%run_scoped3A : memref<!tpu.dma_semaphore, #tpu.memory_space<semaphore_mem>>)
      %dma_wait3A_219 = tpu.memref_slice %arg4[%add3A_134] : memref<320000xi32, #tpu.memory_space<hbm>> -> memref<16xi32, #tpu.memory_space<hbm>>
      %dma_wait3A_220 = tpu.memref_slice %arg4[%add3A_134] : memref<320000xi32, #tpu.memory_space<hbm>> -> memref<16xi32, #tpu.memory_space<hbm>>
      tpu.wait_dma2 semaphore(%run_scoped3A : memref<!tpu.dma_semaphore, #tpu.memory_space<semaphore_mem>>) src(%dma_wait3A_220 : memref<16xi32, #tpu.memory_space<hbm>>) dst(%arg14 : memref<16xi32, #tpu.memory_space<vmem>>)
      tpu.yield
    }) : () -> ()
    %dma_start3A_135 = arith.constant 0 : i32
    %dma_start3A_136 = arith.constant 0 : i32
    %dma_start3A_137 = tpu.memref_slice %arg6[%dma_start3A_135, %dma_start3A_136] : memref<10000x64xi32, #tpu.memory_space<vmem_shared>> -> memref<10000x64xi32, #tpu.memory_space<vmem_shared>>
    tpu.enqueue_indirect_dma source(%dma_start3A_137 : memref<10000x64xi32, #tpu.memory_space<vmem_shared>>) target(%arg15 : memref<16x64xi32, #tpu.memory_space<vmem>>) offsets(%arg13 : memref<16xi32, #tpu.memory_space<vmem>>) semaphore(%arg20 : memref<!tpu.dma_semaphore, #tpu.memory_space<semaphore_mem>>)
    %dma_start3A_138 = arith.constant 0 : i32
    %dma_start3A_139 = arith.constant 0 : i32
    %dma_start3A_140 = tpu.memref_slice %arg6[%dma_start3A_138, %dma_start3A_139] : memref<10000x64xi32, #tpu.memory_space<vmem_shared>> -> memref<10000x64xi32, #tpu.memory_space<vmem_shared>>
    tpu.enqueue_indirect_dma source(%dma_start3A_140 : memref<10000x64xi32, #tpu.memory_space<vmem_shared>>) target(%arg16 : memref<16x64xi32, #tpu.memory_space<vmem>>) offsets(%arg14 : memref<16xi32, #tpu.memory_space<vmem>>) semaphore(%arg21 : memref<!tpu.dma_semaphore, #tpu.memory_space<semaphore_mem>>)
    %dma_wait3A_141 = arith.constant 0 : i32
    %dma_wait3A_142 = arith.constant 0 : i32
    %dma_wait3A_143 = tpu.memref_slice %arg6[%dma_wait3A_141, %dma_wait3A_142] : memref<10000x64xi32, #tpu.memory_space<vmem_shared>> -> memref<10000x64xi32, #tpu.memory_space<vmem_shared>>
    tpu.wait_indirect_dma semaphore(%arg20 : memref<!tpu.dma_semaphore, #tpu.memory_space<semaphore_mem>>) src(%dma_wait3A_143 : memref<10000x64xi32, #tpu.memory_space<vmem_shared>>) dst(%arg15 : memref<16x64xi32, #tpu.memory_space<vmem>>)
    %dma_wait3A_144 = arith.constant 0 : i32
    %dma_wait3A_145 = arith.constant 0 : i32
    %dma_wait3A_146 = tpu.memref_slice %arg6[%dma_wait3A_144, %dma_wait3A_145] : memref<10000x64xi32, #tpu.memory_space<vmem_shared>> -> memref<10000x64xi32, #tpu.memory_space<vmem_shared>>
    tpu.wait_indirect_dma semaphore(%arg21 : memref<!tpu.dma_semaphore, #tpu.memory_space<semaphore_mem>>) src(%dma_wait3A_146 : memref<10000x64xi32, #tpu.memory_space<vmem_shared>>) dst(%arg16 : memref<16x64xi32, #tpu.memory_space<vmem>>)
    %parallel_loop3A = arith.constant 0 : i32
    %parallel_loop3A_147 = arith.constant 16 : i32
    %parallel_loop3A_148 = arith.constant 1 : i32
    scf.for %parallel_loop3A_217 = %parallel_loop3A to %parallel_loop3A_147 step %parallel_loop3A_148  : i32 {
      %parallel_loop3A_218 = arith.index_cast %parallel_loop3A_217 : i32 to index
      %parallel_loop3A_219 = arith.constant 0 : index
      %parallel_loop3A_220 = tpu.vector_load %arg15[%parallel_loop3A_218, %parallel_loop3A_219] {strides = array<i32>} : memref<16x64xi32, #tpu.memory_space<vmem>>, vector<16xi32>,
      %parallel_loop3A_221 = vector.bitcast %parallel_loop3A_220 : vector<16xi32> to vector<32xbf16>
      %parallel_loop3A_222 = arith.index_cast %parallel_loop3A_217 : i32 to index
      %parallel_loop3A_223 = arith.constant 0 : index
      %parallel_loop3A_224 = tpu.vector_load %arg16[%parallel_loop3A_222, %parallel_loop3A_223] {strides = array<i32>} : memref<16x64xi32, #tpu.memory_space<vmem>>, vector<16xi32>,
      %parallel_loop3A_225 = vector.bitcast %parallel_loop3A_224 : vector<16xi32> to vector<32xbf16>
      %parallel_loop3A_226 = arith.mulf %parallel_loop3A_221, %parallel_loop3A_225 : vector<32xbf16>
      %parallel_loop3A_227 = tpu.unpack_subelements %parallel_loop3A_226, 0 {pack_format = #tpu.pack_format<interleaved>} : vector<32xbf16> -> vector<16xf32>
      %parallel_loop3A_228 = tpu.unpack_subelements %parallel_loop3A_226, 1 {pack_format = #tpu.pack_format<interleaved>} : vector<32xbf16> -> vector<16xf32>
      %parallel_loop3A_229 = arith.addf %parallel_loop3A_227, %parallel_loop3A_228 : vector<16xf32>
      %parallel_loop3A_230 = arith.index_cast %parallel_loop3A_217 : i32 to index
      %parallel_loop3A_231 = arith.constant 16 : index
      %parallel_loop3A_232 = tpu.vector_load %arg15[%parallel_loop3A_230, %parallel_loop3A_231] {strides = array<i32>} : memref<16x64xi32, #tpu.memory_space<vmem>>, vector<16xi32>,
      %parallel_loop3A_233 = vector.bitcast %parallel_loop3A_232 : vector<16xi32> to vector<32xbf16>
      %parallel_loop3A_234 = arith.index_cast %parallel_loop3A_217 : i32 to index
      %parallel_loop3A_235 = arith.constant 16 : index
      %parallel_loop3A_236 = tpu.vector_load %arg16[%parallel_loop3A_234, %parallel_loop3A_235] {strides = array<i32>} : memref<16x64xi32, #tpu.memory_space<vmem>>, vector<16xi32>,
      %parallel_loop3A_237 = vector.bitcast %parallel_loop3A_236 : vector<16xi32> to vector<32xbf16>
      %parallel_loop3A_238 = arith.mulf %parallel_loop3A_233, %parallel_loop3A_237 : vector<32xbf16>
      %parallel_loop3A_239 = tpu.unpack_subelements %parallel_loop3A_238, 0 {pack_format = #tpu.pack_format<interleaved>} : vector<32xbf16> -> vector<16xf32>
      %parallel_loop3A_240 = tpu.unpack_subelements %parallel_loop3A_238, 1 {pack_format = #tpu.pack_format<interleaved>} : vector<32xbf16> -> vector<16xf32>
      %parallel_loop3A_241 = arith.addf %parallel_loop3A_229, %parallel_loop3A_239 : vector<16xf32>
      %parallel_loop3A_242 = arith.addf %parallel_loop3A_241, %parallel_loop3A_240 : vector<16xf32>
      %parallel_loop3A_243 = arith.index_cast %parallel_loop3A_217 : i32 to index
      %parallel_loop3A_244 = arith.constant 32 : index
      %parallel_loop3A_245 = tpu.vector_load %arg15[%parallel_loop3A_243, %parallel_loop3A_244] {strides = array<i32>} : memref<16x64xi32, #tpu.memory_space<vmem>>, vector<16xi32>,
      %parallel_loop3A_246 = vector.bitcast %parallel_loop3A_245 : vector<16xi32> to vector<32xbf16>
      %parallel_loop3A_247 = arith.index_cast %parallel_loop3A_217 : i32 to index
      %parallel_loop3A_248 = arith.constant 32 : index
      %parallel_loop3A_249 = tpu.vector_load %arg16[%parallel_loop3A_247, %parallel_loop3A_248] {strides = array<i32>} : memref<16x64xi32, #tpu.memory_space<vmem>>, vector<16xi32>,
      %parallel_loop3A_250 = vector.bitcast %parallel_loop3A_249 : vector<16xi32> to vector<32xbf16>
      %parallel_loop3A_251 = arith.mulf %parallel_loop3A_246, %parallel_loop3A_250 : vector<32xbf16>
      %parallel_loop3A_252 = tpu.unpack_subelements %parallel_loop3A_251, 0 {pack_format = #tpu.pack_format<interleaved>} : vector<32xbf16> -> vector<16xf32>
      %parallel_loop3A_253 = tpu.unpack_subelements %parallel_loop3A_251, 1 {pack_format = #tpu.pack_format<interleaved>} : vector<32xbf16> -> vector<16xf32>
      %parallel_loop3A_254 = arith.addf %parallel_loop3A_242, %parallel_loop3A_252 : vector<16xf32>
      %parallel_loop3A_255 = arith.addf %parallel_loop3A_254, %parallel_loop3A_253 : vector<16xf32>
      %parallel_loop3A_256 = arith.index_cast %parallel_loop3A_217 : i32 to index
      %parallel_loop3A_257 = arith.constant 48 : index
      %parallel_loop3A_258 = tpu.vector_load %arg15[%parallel_loop3A_256, %parallel_loop3A_257] {strides = array<i32>} : memref<16x64xi32, #tpu.memory_space<vmem>>, vector<16xi32>,
      %parallel_loop3A_259 = vector.bitcast %parallel_loop3A_258 : vector<16xi32> to vector<32xbf16>
      %parallel_loop3A_260 = arith.index_cast %parallel_loop3A_217 : i32 to index
      %parallel_loop3A_261 = arith.constant 48 : index
      %parallel_loop3A_262 = tpu.vector_load %arg16[%parallel_loop3A_260, %parallel_loop3A_261] {strides = array<i32>} : memref<16x64xi32, #tpu.memory_space<vmem>>, vector<16xi32>,
      %parallel_loop3A_263 = vector.bitcast %parallel_loop3A_262 : vector<16xi32> to vector<32xbf16>
      %parallel_loop3A_264 = arith.mulf %parallel_loop3A_259, %parallel_loop3A_263 : vector<32xbf16>
      %parallel_loop3A_265 = tpu.unpack_subelements %parallel_loop3A_264, 0 {pack_format = #tpu.pack_format<interleaved>} : vector<32xbf16> -> vector<16xf32>
      %parallel_loop3A_266 = tpu.unpack_subelements %parallel_loop3A_264, 1 {pack_format = #tpu.pack_format<interleaved>} : vector<32xbf16> -> vector<16xf32>
      %parallel_loop3A_267 = arith.addf %parallel_loop3A_255, %parallel_loop3A_265 : vector<16xf32>
      %parallel_loop3A_268 = arith.addf %parallel_loop3A_267, %parallel_loop3A_266 : vector<16xf32>
      %parallel_loop3A_269 = arith.index_cast %parallel_loop3A_217 : i32 to index
      %parallel_loop3A_270 = arith.constant 0 : index
      %parallel_loop3A_271 = tpu.vector_load %arg11[%parallel_loop3A_269, %parallel_loop3A_270] {strides = array<i32>} : memref<128x16xf32, #tpu.memory_space<vmem>>, vector<16xf32>,
      tpu.vector_store %arg11[%parallel_loop3A_269, %parallel_loop3A_270], %parallel_loop3A_268 {strides = array<i32>} : memref<128x16xf32, #tpu.memory_space<vmem>>, vector<16xf32>,
    } {sc.loop_unroll_factor = 8 : i64, sc.parallel_access}
    %add3A_149 = arith.constant 0 : i32
    %add3A_150 = vector.broadcast %add3A_149 : i32 to vector<16xi32>
    %add3A_151 = arith.addi %add3A_150, %iota3A : vector<16xi32>
    %broadcast_in_dim3A = arith.constant 0 : i32
    %broadcast_in_dim3A_152 = vector.broadcast %broadcast_in_dim3A : i32 to vector<16xi32>
    %gather3A = tpu.vector_load_idx %arg11[%add3A_151, %broadcast_in_dim3A_152] : memref<128x16xf32, #tpu.memory_space<vmem>>[vector<16xi32>, vector<16xi32>], vector<16xf32>,
    %broadcast_in_dim3A_153 = arith.constant 1 : i32
    %broadcast_in_dim3A_154 = vector.broadcast %broadcast_in_dim3A_153 : i32 to vector<16xi32>
    %gather3A_155 = tpu.vector_load_idx %arg11[%add3A_151, %broadcast_in_dim3A_154] : memref<128x16xf32, #tpu.memory_space<vmem>>[vector<16xi32>, vector<16xi32>], vector<16xf32>,
    %add3A_156 = arith.addf %gather3A, %gather3A_155 : vector<16xf32>
    %broadcast_in_dim3A_157 = arith.constant 2 : i32
    %broadcast_in_dim3A_158 = vector.broadcast %broadcast_in_dim3A_157 : i32 to vector<16xi32>
    %gather3A_159 = tpu.vector_load_idx %arg11[%add3A_151, %broadcast_in_dim3A_158] : memref<128x16xf32, #tpu.memory_space<vmem>>[vector<16xi32>, vector<16xi32>], vector<16xf32>,
    %add3A_160 = arith.addf %add3A_156, %gather3A_159 : vector<16xf32>
    %broadcast_in_dim3A_161 = arith.constant 3 : i32
    %broadcast_in_dim3A_162 = vector.broadcast %broadcast_in_dim3A_161 : i32 to vector<16xi32>
    %gather3A_163 = tpu.vector_load_idx %arg11[%add3A_151, %broadcast_in_dim3A_162] : memref<128x16xf32, #tpu.memory_space<vmem>>[vector<16xi32>, vector<16xi32>], vector<16xf32>,
    %add3A_164 = arith.addf %add3A_160, %gather3A_163 : vector<16xf32>
    %broadcast_in_dim3A_165 = arith.constant 4 : i32
    %broadcast_in_dim3A_166 = vector.broadcast %broadcast_in_dim3A_165 : i32 to vector<16xi32>
    %gather3A_167 = tpu.vector_load_idx %arg11[%add3A_151, %broadcast_in_dim3A_166] : memref<128x16xf32, #tpu.memory_space<vmem>>[vector<16xi32>, vector<16xi32>], vector<16xf32>,
    %add3A_168 = arith.addf %add3A_164, %gather3A_167 : vector<16xf32>
    %broadcast_in_dim3A_169 = arith.constant 5 : i32
    %broadcast_in_dim3A_170 = vector.broadcast %broadcast_in_dim3A_169 : i32 to vector<16xi32>
    %gather3A_171 = tpu.vector_load_idx %arg11[%add3A_151, %broadcast_in_dim3A_170] : memref<128x16xf32, #tpu.memory_space<vmem>>[vector<16xi32>, vector<16xi32>], vector<16xf32>,
    %add3A_172 = arith.addf %add3A_168, %gather3A_171 : vector<16xf32>
    %broadcast_in_dim3A_173 = arith.constant 6 : i32
    %broadcast_in_dim3A_174 = vector.broadcast %broadcast_in_dim3A_173 : i32 to vector<16xi32>
    %gather3A_175 = tpu.vector_load_idx %arg11[%add3A_151, %broadcast_in_dim3A_174] : memref<128x16xf32, #tpu.memory_space<vmem>>[vector<16xi32>, vector<16xi32>], vector<16xf32>,
    %add3A_176 = arith.addf %add3A_172, %gather3A_175 : vector<16xf32>
    %broadcast_in_dim3A_177 = arith.constant 7 : i32
    %broadcast_in_dim3A_178 = vector.broadcast %broadcast_in_dim3A_177 : i32 to vector<16xi32>
    %gather3A_179 = tpu.vector_load_idx %arg11[%add3A_151, %broadcast_in_dim3A_178] : memref<128x16xf32, #tpu.memory_space<vmem>>[vector<16xi32>, vector<16xi32>], vector<16xf32>,
    %add3A_180 = arith.addf %add3A_176, %gather3A_179 : vector<16xf32>
    %broadcast_in_dim3A_181 = arith.constant 8 : i32
    %broadcast_in_dim3A_182 = vector.broadcast %broadcast_in_dim3A_181 : i32 to vector<16xi32>
    %gather3A_183 = tpu.vector_load_idx %arg11[%add3A_151, %broadcast_in_dim3A_182] : memref<128x16xf32, #tpu.memory_space<vmem>>[vector<16xi32>, vector<16xi32>], vector<16xf32>,
    %add3A_184 = arith.addf %add3A_180, %gather3A_183 : vector<16xf32>
    %broadcast_in_dim3A_185 = arith.constant 9 : i32
    %broadcast_in_dim3A_186 = vector.broadcast %broadcast_in_dim3A_185 : i32 to vector<16xi32>
    %gather3A_187 = tpu.vector_load_idx %arg11[%add3A_151, %broadcast_in_dim3A_186] : memref<128x16xf32, #tpu.memory_space<vmem>>[vector<16xi32>, vector<16xi32>], vector<16xf32>,
    %add3A_188 = arith.addf %add3A_184, %gather3A_187 : vector<16xf32>
    %broadcast_in_dim3A_189 = arith.constant 10 : i32
    %broadcast_in_dim3A_190 = vector.broadcast %broadcast_in_dim3A_189 : i32 to vector<16xi32>
    %gather3A_191 = tpu.vector_load_idx %arg11[%add3A_151, %broadcast_in_dim3A_190] : memref<128x16xf32, #tpu.memory_space<vmem>>[vector<16xi32>, vector<16xi32>], vector<16xf32>,
    %add3A_192 = arith.addf %add3A_188, %gather3A_191 : vector<16xf32>
    %broadcast_in_dim3A_193 = arith.constant 11 : i32
    %broadcast_in_dim3A_194 = vector.broadcast %broadcast_in_dim3A_193 : i32 to vector<16xi32>
    %gather3A_195 = tpu.vector_load_idx %arg11[%add3A_151, %broadcast_in_dim3A_194] : memref<128x16xf32, #tpu.memory_space<vmem>>[vector<16xi32>, vector<16xi32>], vector<16xf32>,
    %add3A_196 = arith.addf %add3A_192, %gather3A_195 : vector<16xf32>
    %broadcast_in_dim3A_197 = arith.constant 12 : i32
    %broadcast_in_dim3A_198 = vector.broadcast %broadcast_in_dim3A_197 : i32 to vector<16xi32>
    %gather3A_199 = tpu.vector_load_idx %arg11[%add3A_151, %broadcast_in_dim3A_198] : memref<128x16xf32, #tpu.memory_space<vmem>>[vector<16xi32>, vector<16xi32>], vector<16xf32>,
    %add3A_200 = arith.addf %add3A_196, %gather3A_199 : vector<16xf32>
    %broadcast_in_dim3A_201 = arith.constant 13 : i32
    %broadcast_in_dim3A_202 = vector.broadcast %broadcast_in_dim3A_201 : i32 to vector<16xi32>
    %gather3A_203 = tpu.vector_load_idx %arg11[%add3A_151, %broadcast_in_dim3A_202] : memref<128x16xf32, #tpu.memory_space<vmem>>[vector<16xi32>, vector<16xi32>], vector<16xf32>,
    %add3A_204 = arith.addf %add3A_200, %gather3A_203 : vector<16xf32>
    %broadcast_in_dim3A_205 = arith.constant 14 : i32
    %broadcast_in_dim3A_206 = vector.broadcast %broadcast_in_dim3A_205 : i32 to vector<16xi32>
    %gather3A_207 = tpu.vector_load_idx %arg11[%add3A_151, %broadcast_in_dim3A_206] : memref<128x16xf32, #tpu.memory_space<vmem>>[vector<16xi32>, vector<16xi32>], vector<16xf32>,
    %add3A_208 = arith.addf %add3A_204, %gather3A_207 : vector<16xf32>
    %broadcast_in_dim3A_209 = arith.constant 15 : i32
    %broadcast_in_dim3A_210 = vector.broadcast %broadcast_in_dim3A_209 : i32 to vector<16xi32>
    %gather3A_211 = tpu.vector_load_idx %arg11[%add3A_151, %broadcast_in_dim3A_210] : memref<128x16xf32, #tpu.memory_space<vmem>>[vector<16xi32>, vector<16xi32>], vector<16xf32>,
    %add3A_212 = arith.addf %add3A_208, %gather3A_211 : vector<16xf32>
    %mul3A_213 = arith.constant 7.812500e-03 : f32
    %mul3A_214 = vector.broadcast %mul3A_213 : f32 to vector<16xf32>
    %mul3A_215 = arith.mulf %add3A_212, %mul3A_214 : vector<16xf32>
    %swap3A = arith.constant 0 : index
    %swap3A_216 = tpu.vector_load %arg17[%swap3A] {strides = array<i32>} : memref<16xf32, #tpu.memory_space<vmem>>, vector<16xf32>,
    tpu.vector_store %arg17[%swap3A], %mul3A_215 {strides = array<i32>} : memref<16xf32, #tpu.memory_space<vmem>>, vector<16xf32>,
    "tpu.region"() ({
      %run_scoped3A = tpu.sem_alloc : memref<!tpu.dma_semaphore, #tpu.memory_space<semaphore_mem>>
      %dma_start3A_217 = tpu.memref_slice %arg5[%add3A_134] : memref<320000xf32, #tpu.memory_space<hbm>> -> memref<16xf32, #tpu.memory_space<hbm>>
      %dma_start3A_218 = tpu.memref_slice %arg5[%add3A_134] : memref<320000xf32, #tpu.memory_space<hbm>> -> memref<16xf32, #tpu.memory_space<hbm>>
      tpu.enqueue_dma source(%arg17 : memref<16xf32, #tpu.memory_space<vmem>>) target(%dma_start3A_218 : memref<16xf32, #tpu.memory_space<hbm>>) target_semaphore(%run_scoped3A : memref<!tpu.dma_semaphore, #tpu.memory_space<semaphore_mem>>)
      %dma_wait3A_219 = tpu.memref_slice %arg5[%add3A_134] : memref<320000xf32, #tpu.memory_space<hbm>> -> memref<16xf32, #tpu.memory_space<hbm>>
      %dma_wait3A_220 = tpu.memref_slice %arg5[%add3A_134] : memref<320000xf32, #tpu.memory_space<hbm>> -> memref<16xf32, #tpu.memory_space<hbm>>
      tpu.wait_dma2 semaphore(%run_scoped3A : memref<!tpu.dma_semaphore, #tpu.memory_space<semaphore_mem>>) src(%arg17 : memref<16xf32, #tpu.memory_space<vmem>>) dst(%dma_wait3A_220 : memref<16xf32, #tpu.memory_space<hbm>>)
      tpu.yield
    }) : () -> ()
    return
  }
}

</mosaic_0001>

<sc_bundles>
// kernel: kernel.3.cloned.1.call-start
scs
__scs_entry_jumppad:
0x0: {  	(pc) =	sbr.rel $0x88, $3  }
0x1: {  	(tag) =	ssettag $0x0;
	lr =	simm.s32 $0x1  }
0x2: {  	[smem:$0x3F9F] =	sst lr;
	_ =	strace $0xD0000000  }
0x3: {  	_ = 	snop  }
0x4: {  	_ = 	snop  }
0x5: {  	_ = 	snop  }
0x6: {  	_ = 	snop  }
0x7: {  	_ = 	snop  }
__scs_overlays_trampoline_lowered:
0x8: {  	[smem:$0x3FAE] =	sst s0  }
0x9: {  	[smem:$0x3FAF] =	sst s1  }
0xa: {  	[smem:$0x3FB0] =	sst s2  }
0xb: {  	[smem:$0x3FB1] =	sst s3  }
0xc: {  	[smem:$0x3FB2] =	sst s4  }
0xd: {  	[smem:$0x3FB3] =	sst s5  }
0xe: {  	[smem:$0x3FB4] =	sst s6  }
0xf: {  	[smem:$0x3FB5] =	sst s7  }
0x10: {  	[smem:$0x3FB6] =	sst s8  }
0x11: {  	[smem:$0x3FB7] =	sst s9;
	s0 =	simm.s32 @!p0 $0x0  }
0x12: {  	s1 =	sld [smem:$0x3F9D];
	s0 =	simm.s32 @p0 $0x1  }
0x13: {  	[smem:$0x3FB8] =	sst s0;
	s0 =	simm.s32 @!p1 $0x0  }
0x14: {  	s2 =	sld [smem:$0x3F9C];
	s0 =	simm.s32 @p1 $0x1  }
0x15: {  	[smem:$0x3FB9] =	sst s0;
	s0 =	simm.s32 @!p2 $0x0  }
0x16: {  	s3 =	sld [smem:$0x3FDB];
	s0 =	simm.s32 @p2 $0x1  }
0x17: {  	s4 =	simm.s32 $0x1BF5;
	[smem:$0x3FBB] =	sst s0  }
0x18: {  	s0 =	sld [smem:$0x3F9E];
	_ =	swait.ge [sflag:s4], $0x0  }
0x19: {  	s7 =	sld [smem:$0x3F9F]  }
0x1a: {  	s8 =	sadd.s32 $0xFFFFE003, lr  }
0x1b: {  	s9 =	sadd.s32 $0xFFFFFEF7, lr;
	s5 =	simm.s32 $0xFFFFFFFF;
	p2 =	slt.u32 s8, $0xFFFFF086  }
0x1c: {  	p1 =	slt.u32 s9, $0xF7A;
	s5 =	simm.s32 @!p2 $0x0  }
0x1d: {  	s5 =	simm.s32 @p1 $0x1;
	p0 =	seq.s32 s7, s2  }
0x1e: {  	s7 =	smul.u32 @!p0 $0xF7A, s2;
	p2 =	seq.s32 @!p0 s5, $0x0  }
0x1f: {  	s9 =	smul.u32 $0xF7A, s1;
	s8 =	simm.s32 @!p0 $0x1BF5;
	p2 =	por !p2, p0  }
0x20: {  	[sflag:s8] =	ssyncset.s32 @!p0 $0xFFFFF086;
	s6 =	sadd.s32 @!p0 s3, s7;
	s7 =	simm.s32 @!p0 $0x108  }
0x21: {  	s3 =	sadd.s32 s3, s9;
	s6 =	sadd.s32 @!p0 $0x88, s6;
	s7 =	simm.s32 @p2 $0x1082  }
0x22: {  	[simem:s7], [sflag:s8] =	dma.local @!p0 [hbm:s6], $0xF7A  }
0x23: {  	s9 =	sor.u32 $0xD0000000, s2;
	s6 =	simm.s32 $0x108;
	_ =	swait.ge @!p0 [sflag:s8], $0x0  }
0x24: {  	s3 =	sadd.s32 $0x88, s3;
	s6 =	simm.s32 @!p1 $0x1082;
	[sflag:s4] =	ssyncset.s32 $0xFFFFF086  }
0x25: {  	[simem:s6], [sflag:s4] =	dma.local [hbm:s3], $0xF7A  }
0x26: {  	[smem:$0x3F9F] =	sst s1;
	(tag) =	ssettag s2;
	_ =	strace s9  }
0x27: {  	s1 =	sld [smem:$0x3FAF]  }
0x28: {  	s2 =	sld [smem:$0x3FB0]  }
0x29: {  	s4 =	sld [smem:$0x3FB2]  }
0x2a: {  	p0 =	seq.s32 s5, $0x0;
	s5 =	sld [smem:$0x3FB3]  }
0x2b: {  	s6 =	sld [smem:$0x3FB4]  }
0x2c: {  	s7 =	sld [smem:$0x3FB5]  }
0x2d: {  	s3 =	simm.s32 $0x108;
	s8 =	sld [smem:$0x3FB6]  }
0x2e: {  	s3 =	simm.s32 @!p0 $0x1082;
	s9 =	sld [smem:$0x3FB7]  }
0x2f: {  	lr =	sadd.s32 s0, s3;
	s0 =	sld [smem:$0x3FAE]  }
0x30: {  	s3 =	sld [smem:$0x3FB1]  }
0x31: {  	[smem:$0x3FBA] =	sst s10  }
0x32: {  	s10 =	sld [smem:$0x3FB8];
	_ =	sdelay $0x3  }
0x33: {  	p0 =	seq.s32 s10, $0x1;
	s10 =	sld [smem:$0x3FBA];
	_ =	sdelay $0x3  }
0x34: {  	[smem:$0x3FBA] =	sst s10  }
0x35: {  	s10 =	sld [smem:$0x3FB9];
	_ =	sdelay $0x3  }
0x36: {  	p1 =	seq.s32 s10, $0x1;
	s10 =	sld [smem:$0x3FBA];
	_ =	sdelay $0x3  }
0x37: {  	[smem:$0x3FBA] =	sst s10  }
0x38: {  	s10 =	sld [smem:$0x3FBB]  }
0x39: {  	_ = 	snop;
	(pc) =	sbr.ind lr, $3  }
0x3a: {  	_ = 	snop  }
0x3b: {  	_ = 	snop  }
0x3c: {  	p2 =	seq.s32 s10, $0x1;
	s10 =	sld [smem:$0x3FBA]  }
0x3d: {  	_ =	shalt  }
0x3e: {  	_ =	shalt  }
0x3f: {  	_ =	shalt  }
0x40: {  	_ =	shalt  }
0x41: {  	_ =	shalt  }
0x42: {  	_ =	shalt  }
0x43: {  	_ =	shalt  }
0x44: {  	_ =	shalt  }
0x45: {  	_ =	shalt  }
0x46: {  	_ =	shalt  }
0x47: {  	_ =	shalt  }
0x48: {  	_ =	shalt  }
0x49: {  	_ =	shalt  }
0x4a: {  	_ =	shalt  }
0x4b: {  	_ =	shalt  }
0x4c: {  	_ =	shalt  }
0x4d: {  	_ =	shalt  }
0x4e: {  	_ =	shalt  }
0x4f: {  	_ =	shalt  }
0x50: {  	_ =	shalt  }
0x51: {  	_ =	shalt  }
0x52: {  	_ =	shalt  }
0x53: {  	_ =	shalt  }
0x54: {  	_ =	shalt  }
0x55: {  	_ =	shalt  }
0x56: {  	_ =	shalt  }
0x57: {  	_ =	shalt  }
0x58: {  	_ =	shalt  }
0x59: {  	_ =	shalt  }
0x5a: {  	_ =	shalt  }
0x5b: {  	_ =	shalt  }
0x5c: {  	_ =	shalt  }
0x5d: {  	_ =	shalt  }
0x5e: {  	_ =	shalt  }
0x5f: {  	_ =	shalt  }
0x60: {  	_ =	shalt  }
0x61: {  	_ =	shalt  }
0x62: {  	_ =	shalt  }
0x63: {  	_ =	shalt  }
0x64: {  	_ =	shalt  }
0x65: {  	_ =	shalt  }
0x66: {  	_ =	shalt  }
0x67: {  	_ =	shalt  }
0x68: {  	_ =	shalt  }
0x69: {  	_ =	shalt  }
0x6a: {  	_ =	shalt  }
0x6b: {  	_ =	shalt  }
0x6c: {  	_ =	shalt  }
0x6d: {  	_ =	shalt  }
0x6e: {  	_ =	shalt  }
0x6f: {  	_ =	shalt  }
0x70: {  	_ =	shalt  }
0x71: {  	_ =	shalt  }
0x72: {  	_ =	shalt  }
0x73: {  	_ =	shalt  }
0x74: {  	_ =	shalt  }
0x75: {  	_ =	shalt  }
0x76: {  	_ =	shalt  }
0x77: {  	_ =	shalt  }
0x78: {  	_ =	shalt  }
0x79: {  	_ =	shalt  }
0x7a: {  	_ =	shalt  }
0x7b: {  	_ =	shalt  }
0x7c: {  	_ =	shalt  }
0x7d: {  	_ =	shalt  }
0x7e: {  	_ =	shalt  }
0x7f: {  	_ =	shalt  }
0x80: {  	_ =	shalt  }
0x81: {  	_ =	shalt  }
0x82: {  	_ =	shalt  }
0x83: {  	_ =	shalt  }
0x84: {  	_ =	shalt  }
0x85: {  	_ =	shalt  }
0x86: {  	_ =	shalt  }
0x87: {  	_ =	shalt  }
.Lfunc_end0:
.L_simem_size_0:
called_computation_lowered:
.L_overlay_start_0:
0x88: {  	s2 =	sld [smem:$0x3FD9]  }
0x89: {  	s3 =	sld [smem:$0x3FFE];
	_ =	sdelay $0x1  }
0x8a: {  	s1 =	srdreg.scid  }
0x8b: {  	s0 =	sand.u32 $0x1, s1  }
0x8c: {  	s17 =	sshll.u32 s0, $0xA;
	s2 =	sadd.s32 s3, s2  }
0x8d: {  	s2 =	sadd.s32 s2, s17  }
0x8e: {  	[smem:$0x3FC6] =	sst s2  }
0x8f: {  	_ = 	snop  }
0x90: {  	s2 =	sld [smem:$0x3FD0];
	(tm) =	ssettm $0x1  }
0x91: {  	s18 =	sld [smem:$0x3FFB];
	_ =	sdelay $0x3  }
0x92: {  	_ =	strace s18  }
0x93: {  	s3 =	sld [smem:$0x3FFC];
	_ =	sdelay $0x3  }
0x94: {  	_ =	strace s3  }
0x95: {  	s3 =	sld [smem:$0x3FFD];
	_ =	sdelay $0x3  }
0x96: {  	_ =	strace s3  }
0x97: {  	_ =	strace $0x8FFFFFFF  }
0x98: {  	s19 =	sld [smem:$0x3FDB];
	_ =	sdelay $0x1  }
0x99: {  	s4 =	simm.s32 $_scs_section_size  }
0x9a: {  	s5 =	simm.s32 $_size__tile_overlayer_lowered;
	s6 =	simm.s32 $_tile_overlayer_lowered  }
0x9b: {  	s22 =	simm.s32 $0x1BFF;
	s21 =	sshll.u32 s6, $0x1;
	s3 =	sadd.s32 s4, s19  }
0x9c: {  	s7 =	simm.s32 $0x0;
	s20 =	sshll.u32 s5, $0x1;
	s5 =	sadd.s32 s21, s3  }
0x9d: {  	[timem:s7], [sflag:s22] =	dma.local [hbm:s5], s20  }
0x9e: {  	_ =	swait.ge [sflag:s22], s20  }
0x9f: {  	s4 =	ssub.s32 $0x0, s20;
	[sflag:s22] =	ssyncset.done $0x0  }
0xa0: {  	[sflag:s22] =	ssyncadd.s32 s4;
	_ =	sdelay $0x1  }
0xa1: {  	s23 =	simm.s32 $0x1B8B  }
0xa2: {  	_ =	swait.ge [sflag:s23], $0x1  }
0xa3: {  	[sflag:s23] =	ssyncset.done $0x0  }
0xa4: {  	s25 =	simm.s32 $0x1B8E;
	s24 =	sld [smem:$0x3FFE];
	[sflag:s23] =	ssyncadd.s32 $0xFFFFFFFF  }
0xa5: {  	s26 =	simm.s32 $execute0_lowered;
	[smem:$0x3FD2] =	sst s25  }
0xa6: {  	s5 =	sshll.u32 s26, $0x1;
	_ =	strace $0x80000046;
	[dreg:$0x1] =	wrdreg $0xFFFFFFFF  }
0xa7: {  	s28 =	simm.s32 $_size_execute0_lowered;
	s3 =	sadd.s32 s3, s5;
	[dreg:$0x0] =	wrdreg $0x0  }
0xa8: {  	s5 =	sshll.u32 s28, $0x1;
	[dreg:$0x2] =	wrdreg s3  }
0xa9: {  	[dreg:$0x3] =	wrdreg s5  }
0xaa: {  	[dreg:$0x4] =	wrdreg $0xC0  }
0xab: {  	_ =	task [dreg:s7], $0x5FFFF  }
0xac: {  	[dreg:$0x1] =	wrdreg $0xFFFFFFFF  }
0xad: {  	[dreg:$0x0] =	wrdreg $0x60  }
0xae: {  	[dreg:$0x2] =	wrdreg s24  }
0xaf: {  	[dreg:$0x3] =	wrdreg s2  }
0xb0: {  	[dreg:$0x4] =	wrdreg $0x0  }
0xb1: {  	[dreg:$0x5] =	wrdreg $0x9  }
0xb2: {  	_ =	task.clear_ibuf [dreg:s7], $0x6FFFF;
	_ =	strace $0x90000046  }
0xb3: {  	s29 =	simm.s32 $0x9;
	_ =	strace $0x80000048  }
0xb4: {  	_ =	swait.ge [sflag:s29], $0x1  }
0xb5: {  	[sflag:s29] =	ssyncadd.s32 $0xFFFFFFFF  }
0xb6: {  	_ =	strace $0x90000048  }
0xb7: {  	_ =	sfence  }
0xb8: {  	s30 =	sld [smem:$0x0];
	_ =	sdelay $0x2  }
0xb9: {  	s31 =	sshll.u32 s1, $0xD;
	s1 =	sshrl.u32 s1, $0x2  }
0xba: {  	s3 =	sand.u32 $0x4000, s31;
	s1 =	sadd.s32 s1, s30  }
0xbb: {  	s0 =	sor.u32 s3, s0;
	s1 =	sshll.u32 s1, $0x11  }
0xbc: {  	s0 =	sor.u32 s1, s0  }
0xbd: {  	s0 =	sadd.s32 $0x8F2B, s0  }
0xbe: {  	[sflag:s0] =	ssyncadd.remote.s32 $0x1  }
0xbf: {  	_ =	sfence.sel $0xFFFF  }
0xc0: {  	[dreg:$0x0] =	wrdreg $0xFFFFFFFF;
	(pc) =	sbr.abs _section_cstart, $3  }
0xc1: {  	[dreg:$0x1] =	wrdreg $0xFFFFFFFF  }
0xc2: {  	_ =	task.clear_ibuf [dreg:s7], $0x2FFFF;
	_ =	strace $0x9FFFFFFF  }
0xc3: {  	(tm) =	ssettm $0x7FFFFFFF  }
tec
execute0_lowered:
.L_overlay_start_1:
0x0: {  	(tag) =	ssettag $0x1  }
0x1: {  	v0 =	vlaneseq.u32  }
0x2: {  	s11 =	rddreg [dreg:$0x0];
	v0 =	vmul.u32 $0x10, v0  }
0x3: {  	s3 =	rddreg [dreg:$0x1];
	s5 =	simm.s32 $0x0  }
0x4: {  	[smem:$0x7FF] =	sst s5;
	v1 =	vor.u32 $0x1, v0  }
0x5: {  	s4 =	rddreg [dreg:$0x2];
	_ =	strace $0x80000047;
	[tilespmem:$0x1FEA0] =	vst v1;
	v1 =	vor.u32 $0x2, v0  }
0x6: {  	[tilespmem:$0x1FEB0] =	vst v1;
	v1 =	vor.u32 $0x3, v0  }
0x7: {  	s0 =	srdreg.scid;
	s10 =	stileid.u32;
	s28 =	simm.s32 $0x4;
	[tilespmem:$0x1FEC0] =	vst v1;
	v1 =	vor.u32 $0x4, v0  }
0x8: {  	s29 =	simm.s32 $0x8;
	s30 =	simm.s32 $0x6;
	s31 =	simm.s32 $0x126C0;
	[tilespmem:$0x1FED0] =	vst v1;
	v1 =	vor.u32 $0x5, v0  }
0x9: {  	s14 =	simm.s32 $0x0;
	s0 =	sand.u32 $0x1, s0;
	s1 =	sshll.u32 s10, $0x1;
	[tilespmem:$0x1FEE0] =	vst v1;
	v1 =	vor.u32 $0x6, v0  }
0xa: {  	s7 =	sadd.s32 $0x1D800, s11;
	s10 =	smul.u32 $0x9C40, s10;
	s1 =	sor.u32 s0, s1;
	[tilespmem:$0x1FEF0] =	vst v1;
	v1 =	vor.u32 $0x7, v0  }
0xb: {  	s8 =	sadd.s32 $0x13A00, s11;
	s0 =	ssub.s32 $0x2, s0;
	s6 =	smul.u32 $0x2710, s1;
	[tilespmem:$0x1FF00] =	vst v1;
	v1 =	vor.u32 $0x8, v0  }
0xc: {  	s18 =	sshrl.u32 s0, $0x1;
	s22 =	sadd.s32 s10, s4;
	s10 =	sshrl.u32 s10, $0x3;
	[tilespmem:$0x1FF10] =	vst v1;
	v1 =	vor.u32 $0x9, v0  }
0xd: {  	s0 =	ssub.s32 s0, s18;
	s10 =	sadd.s32 s11, s10;
	s26 =	sshrl.u32 s22, $0x3;
	[tilespmem:$0x1FF20] =	vst v1;
	v1 =	vor.u32 $0xA, v0  }
0xe: {  	s18 =	simm.s32 $0xCE40;
	s11 =	simm.s32 $0x5;
	s9 =	sadd.s32 $0x80, s6;
	[tilespmem:$0x1FF30] =	vst v1;
	v1 =	vor.u32 $0xB, v0  }
0xf: {  	s19 =	sshrl.u32 s6, $0x3;
	[dreg:$0x8] =	wrdreg s10;
	s15 =	sadd.s32 $0x100, s6;
	[tilespmem:$0x1FF40] =	vst v1;
	v1 =	vor.u32 $0xC, v0  }
0x10: {  	s23 =	sadd.s32 $0x180, s6;
	s0 =	smax.u32 s0, $0x1;
	[dreg:$0xe] =	wrdreg s26;
	[tilespmem:$0x1FF50] =	vst v1;
	v1 =	vor.u32 $0x100, v0  }
0x11: {  	s10 =	simm.s32 $0x9DC0;
	s26 =	simm.s32 $0x12640;
	[dreg:$0x9] =	wrdreg s23;
	[tilespmem:$0x1FF60] =	vst v1;
	v1 =	vor.u32 $0x101, v0  }
0x12: {  	s2 =	sshrl.u32 s9, $0x3;
	s12 =	sadd.s32 s7, s19;
	[dreg:$0xd] =	wrdreg s0;
	[tilespmem:$0x1FF70] =	vst v1;
	v1 =	vor.u32 $0x102, v0  }
0x13: {  	s20 =	sadd.s32 s8, s19;
	s1 =	sadd.s32 $0x4E0, s19;
	[dreg:$0x4] =	wrdreg s12;
	[tilespmem:$0x1FF80] =	vst v1;
	v1 =	vor.u32 $0x103, v0  }
0x14: {  	s23 =	simm.s32 $0x1;
	[dreg:$0x5] =	wrdreg s20;
	s21 =	sadd.s32 s7, s2;
	[tilespmem:$0x1FF90] =	vst v1;
	v1 =	vor.u32 $0x104, v0  }
0x15: {  	s0 =	simm.s32 $0x9CC0;
	s2 =	sadd.s32 s8, s2;
	[dreg:$0x6] =	wrdreg s21;
	[tilespmem:$0x1FFA0] =	vst v1;
	v1 =	vor.u32 $0x105, v0  }
0x16: {  	s19 =	simm.s32 $0x9E00;
	s24 =	sadd.s32 s7, s1;
	[dreg:$0x7] =	wrdreg s2;
	[tilespmem:$0x1FFB0] =	vst v1;
	v1 =	vor.u32 $0x106, v0  }
0x17: {  	v13 =	vor.u32 $0xD, v0;
	v14 =	vor.u32 $0xE, v0;
	s25 =	sadd.s32 s8, s1;
	s1 =	sadd.s32 s3, s1;
	[dreg:$0xa] =	wrdreg s24;
	[tilespmem:$0x1FFC0] =	vst v1;
	v1 =	vor.u32 $0x107, v0  }
0x18: {  	v15 =	vor.u32 $0xF, v0;
	v26 =	vor.u32 $0x10A, v0;
	s12 =	simm.s32 $0x2;
	s20 =	simm.s32 $0x10E40;
	[dreg:$0xb] =	wrdreg s25;
	[tilespmem:$0x1FFD0] =	vst v1;
	v1 =	vor.u32 $0x108, v0  }
0x19: {  	v27 =	vor.u32 $0x10B, v0;
	v28 =	vor.u32 $0x10C, v0;
	[dreg:$0xc] =	wrdreg s1;
	s24 =	simm.s32 $0x40;
	s21 =	simm.s32 $0x9;
	[tilespmem:$0x1FFE0] =	vst v1;
	v1 =	vor.u32 $0x109, v0  }
0x1a: {  	v29 =	vor.u32 $0x10D, v0;
	v30 =	vor.u32 $0x10E, v0;
	v31 =	vor.u32 $0x10F, v0;
	s25 =	simm.s32 $0x3;
	s1 =	simm.s32 $0x11E40;
	s2 =	simm.s32 $0x7;
	[tilespmem:$0x1FFF0] =	vst v1  }
.LBB2_1:
0x1b: {  	[dreg:$0xf] =	wrdreg s14  }
0x1c: {  	s13 =	rddreg [dreg:$0x4];
	s22 =	simm.s32 $0x9C40  }
0x1d: {  	[tilespmem:s22], [sflag:$0x1] =	stream.linear.gather [hbm4b:s13+s5], $0x80, $0x38;
	[tilespmem:$0x12F70] =	vst v63  }
0x1e: {  	s17 =	rddreg [dreg:$0x5];
	s16 =	simm.s32 $0x9D40  }
0x1f: {  	[tilespmem:s16], [sflag:$0x1] =	stream.linear.gather [hbm4b:s17+s5], $0x80, $0x38;
	[tilespmem:$0x12F70] =	vst v63  }
0x20: {  	_ =	swait.ge [sflag:s23], $0x80  }
0x21: {  	[sflag:s23] =	ssyncset.done $0x0  }
0x22: {  	[sflag:s23] =	ssyncadd.s32 $0xFFFFFF80  }
0x23: {  	_ =	swait.ge [sflag:s23], $0x80  }
0x24: {  	[sflag:s23] =	ssyncset.done $0x0  }
0x25: {  	[sflag:s23] =	ssyncadd.s32 $0xFFFFFF80  }
0x26: {  	s17 =	simm.s32 $0x9E40;
	s13 =	rddreg [dreg:$0x0]  }
0x27: {  	[tilespmem:s17], [sflag:$0x3] =	stream.indirect.gather [hbm4b:s13+s24], $0x40, s22, s24, $0xb8;
	[tilespmem:$0x12F70] =	vst v63  }
0x28: {  	s22 =	simm.s32 $0xDE40  }
0x29: {  	[tilespmem:s22], [sflag:$0x3] =	stream.indirect.gather [hbm4b:s13+s24], $0x40, s16, s24, $0xb8;
	[tilespmem:$0x12F70] =	vst v63  }
0x2a: {  	s17 =	simm.s32 $0x9C80;
	s22 =	simm.s32 $0xAE40  }
0x2b: {  	[tilespmem:s22], [sflag:$0x5] =	stream.indirect.gather [hbm4b:s13+s24], $0x40, s17, s24, $0xb8;
	[tilespmem:$0x12F70] =	vst v63  }
0x2c: {  	s14 =	rddreg [dreg:$0x7];
	s16 =	simm.s32 $0x9D80;
	s17 =	simm.s32 $0xEE40  }
0x2d: {  	[tilespmem:s17], [sflag:$0x5] =	stream.indirect.gather [hbm4b:s13+s24], $0x40, s16, s24, $0xb8;
	[tilespmem:$0x12F70] =	vst v63  }
0x2e: {  	s22 =	rddreg [dreg:$0x6];
	s16 =	stileid.u32  }
0x2f: {  	s17 =	rddreg [dreg:$0x8];
	s13 =	sshll.u32 s16, $0x6  }
0x30: {  	[tilespmem:s0], [sflag:$0x2] =	stream.linear.gather [hbm4b:s22+s5], $0x80, $0x38;
	[tilespmem:$0x12F70] =	vst v63  }
0x31: {  	s13 =	sor.u32 $0x1C09, s13;
	s22 =	rddreg [dreg:$0xe]  }
0x32: {  	[tilespmem:s10], [sflag:$0x2] =	stream.linear.gather [hbm4b:s14+s5], $0x80, $0x38;
	[tilespmem:$0x12F70] =	vst v63  }
0x33: {  	[spmem:s22], [sflag:s13] =	dma.local [hbm:s17], $0x1388  }
0x34: {  	_ =	swait.ge [sflag:s21], $0x1388  }
0x35: {  	[sflag:s21] =	ssyncset.done $0x0  }
0x36: {  	[sflag:s21] =	ssyncadd.s32 $0xFFFFEC78  }
0x37: {  	s21 =	simm.s32 $0x0;
	[bflag:$0x0] =	sbarrier.arrive $0xFFFF  }
.LBB2_2:
0x38: {  	_ =	swait.ge [sflag:s12], $0x80  }
0x39: {  	[sflag:s12] =	ssyncset.done $0x0  }
0x3a: {  	[sflag:s12] =	ssyncadd.s32 $0xFFFFFF80  }
0x3b: {  	_ =	swait.ge [sflag:s12], $0x80  }
0x3c: {  	[sflag:s12] =	ssyncset.done $0x0  }
0x3d: {  	s13 =	simm.s32 $0xBE40;
	[sflag:s12] =	ssyncadd.s32 $0xFFFFFF80  }
0x3e: {  	[tilespmem:s13], [sflag:$0x4] =	stream.indirect.gather [spmem:s4], $0x40, s0, s24, $0xb8;
	[tilespmem:$0x12F70] =	vst v63  }
0x3f: {  	s17 =	simm.s32 $0xFE40  }
0x40: {  	[tilespmem:s17], [sflag:$0x4] =	stream.indirect.gather [spmem:s4], $0x40, s10, s24, $0xb8;
	[tilespmem:$0x12F70] =	vst v63  }
0x41: {  	s22 =	simm.s32 $0x9D00  }
0x42: {  	[tilespmem:s18], [sflag:$0x6] =	stream.indirect.gather [spmem:s4], $0x40, s22, s24, $0xb8;
	[tilespmem:$0x12F70] =	vst v63  }
0x43: {  	_ = 	snop  }
0x44: {  	[tilespmem:s20], [sflag:$0x6] =	stream.indirect.gather [spmem:s4], $0x40, s19, s24, $0xb8;
	[tilespmem:$0x12F70] =	vst v63  }
0x45: {  	p1 =	seq.s32 s21, $0x26;
	_ =	swait.ge [sflag:s25], $0x1000  }
0x46: {  	s16 =	simm.s32 @!p1 $0x0;
	[sflag:s25] =	ssyncset.done $0x0  }
0x47: {  	p0 =	seq.s32 @!p1 s21, $0x0;
	s22 =	sshll.u32 s21, $0x8;
	[sflag:s25] =	ssyncadd.s32 $0xFFFFF000  }
0x48: {  	p0 =	por p1, !p0;
	s13 =	sadd.s32 @!p1 s22, s15;
	_ =	swait.ge [sflag:s25], $0x1000  }
.Ltmp0:
0x49: {  	s13 =	sshrl.u32 @!p1 s13, $0x3;
	[sflag:s25] =	ssyncset.done $0x0;
	(pc) =	sbr.rel @!p0 .LBB2_3-.Ltmp0, $4  }
0x4a: {  	s17 =	simm.s32 @!p1 $0x9C40;
	s14 =	sadd.s32 @!p1 s7, s13;
	[sflag:s25] =	ssyncadd.s32 $0xFFFFF000  }
0x4b: {  	[tilespmem:s17], [sflag:$0x1] =	stream.linear.gather @!p1 [hbm4b:s14+s16], $0x80, $0x38;
	[tilespmem:$0x12F70] =	vst v63  }
0x4c: {  	s13 =	sadd.s32 @!p1 s8, s13;
	s14 =	simm.s32 @!p1 $0x9D40  }
0x4d: {  	[tilespmem:s14], [sflag:$0x1] =	stream.linear.gather @!p1 [hbm4b:s13+s16], $0x80, $0x38;
	[tilespmem:$0x12F70] =	vst v63  }
.Ltmp1:
0x4e: {  	(pc) =	sbr.rel .LBB2_5-.Ltmp1, $4  }
0x4f: {  	_ = 	snop  }
0x50: {  	_ =	swait.ge [sflag:s2], $0x80  }
0x51: {  	[sflag:s2] =	ssyncset.done $0x0  }
0x52: {  	p0 =	por $0x0, $0x0;
	[sflag:s2] =	ssyncadd.s32 $0xFFFFFF80  }
.LBB2_3:
0x53: {  	p0 =	por @!p1 $0x1, $0x1  }
.LBB2_5:
0x54: {  	s14 =	simm.s32 $0x9F40  }
0x55: {  	s16 =	simm.s32 $0xDF40;
	v1 =	vld [tilespmem:s14+$0xC0]  }
0x56: {  	v2 =	vld [tilespmem:s16+$0xC0]  }
0x57: {  	v3 =	vld [tilespmem:s14+$0xD0]  }
0x58: {  	v4 =	vld [tilespmem:s16+$0xD0]  }
0x59: {  	v5 =	vld [tilespmem:s16+$0xFFFFFF00]  }
0x5a: {  	v6 =	vld [tilespmem:s14+$0xFFFFFF40]  }
0x5b: {  	v7 =	vld [tilespmem:s14+$0xE0]  }
0x5c: {  	v8 =	vld [tilespmem:s16+$0xE0]  }
0x5d: {  	v16 =	vld [tilespmem:s16+$0xFFFFFF40]  }
0x5e: {  	v17 =	vld [tilespmem:s14+$0xFFFFFF80]  }
0x5f: {  	v18 =	vld [tilespmem:s14+$0xF0]  }
0x60: {  	v19 =	vld [tilespmem:s16+$0xF0]  }
0x61: {  	v20 =	vld [tilespmem:s16+$0xFFFFFF80]  }
0x62: {  	v21 =	vld [tilespmem:s14+$0xFFFFFFC0]  }
0x63: {  	v32 =	vld [tilespmem:s14+$0x0]  }
0x64: {  	v60 =	vld [tilespmem:s14+$0x40]  }
0x65: {  	v35 =	vld [tilespmem:s16+$0x40]  }
0x66: {  	v42 =	vld [tilespmem:s14+$0x50];
	v1 =	vmul.bf16 v2, v1  }
0x67: {  	v44 =	vld [tilespmem:s16+$0x50]  }
0x68: {  	v61 =	vld [tilespmem:s14+$0x80];
	v3 =	vmul.bf16 v4, v3;
	v33 =	vunpack.i.u.bf16.f32 v1;
	v1 =	vunpack.i.l.bf16.f32 v1  }
0x69: {  	v36 =	vld [tilespmem:s14+$0xFFFFFF10];
	v1 =	vadd.f32 v1, v33  }
0x6a: {  	v2 =	vld [tilespmem:s16+$0xFFFFFFC0];
	v7 =	vmul.bf16 v8, v7;
	v34 =	vunpack.i.l.bf16.f32 v3  }
0x6b: {  	v8 =	vld [tilespmem:s16+$0x80];
	v6 =	vmul.bf16 v16, v6;
	v18 =	vmul.bf16 v19, v18;
	v1 =	vadd.f32 v34, v1  }
0x6c: {  	v39 =	vld [tilespmem:s14+$0xFFFFFFD0];
	v17 =	vmul.bf16 v20, v17;
	v52 =	vmul.bf16 v44, v42;
	v3 =	vunpack.i.u.bf16.f32 v3  }
0x6d: {  	v63 =	vld [tilespmem:s14+$0x10];
	v16 =	vunpack.i.l.bf16.f32 v7;
	v37 =	vunpack.i.u.bf16.f32 v6;
	v1 =	vadd.f32 v1, v3  }
0x6e: {  	v7 =	vunpack.i.u.bf16.f32 v7;
	v6 =	vunpack.i.l.bf16.f32 v6;
	v20 =	vunpack.i.l.bf16.f32 v18;
	v3 =	vld [tilespmem:s14+$0xFFFFFF00]  }
0x6f: {  	v4 =	vld [tilespmem:s16+$0x0];
	v62 =	vunpack.i.u.bf16.f32 v17;
	v17 =	vunpack.i.l.bf16.f32 v17;
	v1 =	vadd.f32 v16, v1  }
0x70: {  	v47 =	vld [tilespmem:s16+$0x90];
	v18 =	vunpack.i.u.bf16.f32 v18;
	v2 =	vmul.bf16 v2, v21;
	v8 =	vmul.bf16 v8, v61  }
0x71: {  	v19 =	vld [tilespmem:s14+$0xFFFFFF50];
	v6 =	vadd.f32 v6, v37;
	v33 =	vmul.bf16 v35, v60;
	v1 =	vadd.f32 v1, v7  }
0x72: {  	v38 =	vunpack.i.u.bf16.f32 v2;
	v2 =	vunpack.i.l.bf16.f32 v2;
	v45 =	vunpack.i.u.bf16.f32 v8;
	v16 =	vld [tilespmem:s16+$0xFFFFFF10]  }
0x73: {  	v8 =	vunpack.i.l.bf16.f32 v8;
	v7 =	vld [tilespmem:s16+$0xFFFFFF50];
	v3 =	vmul.bf16 v5, v3;
	v1 =	vadd.f32 v20, v1  }
0x74: {  	v21 =	vld [tilespmem:s14+$0xFFFFFF90];
	v4 =	vmul.bf16 v4, v32;
	v2 =	vadd.f32 v2, v38;
	v8 =	vadd.f32 v8, v45  }
0x75: {  	v20 =	vld [tilespmem:s16+$0xFFFFFF90];
	v43 =	vunpack.i.u.bf16.f32 v3;
	v3 =	vunpack.i.l.bf16.f32 v3;
	v32 =	vadd.f32 v1, v18  }
0x76: {  	v5 =	vld [tilespmem:s16+$0x10];
	v1 =	vadd.f32 v17, v62;
	v18 =	vunpack.i.u.bf16.f32 v4;
	v4 =	vunpack.i.l.bf16.f32 v4  }
0x77: {  	v16 =	vmul.bf16 v16, v36;
	v17 =	vld [tilespmem:s16+$0xFFFFFFD0];
	v3 =	vadd.f32 v3, v43;
	v4 =	vadd.f32 v4, v18  }
0x78: {  	v49 =	vld [tilespmem:s16+$0xFFFFFF20];
	v18 =	vunpack.i.u.bf16.f32 v33;
	v33 =	vunpack.i.l.bf16.f32 v33;
	v7 =	vmul.bf16 v7, v19  }
0x79: {  	v19 =	vld [tilespmem:s14+$0x90];
	v46 =	vunpack.i.l.bf16.f32 v16;
	v16 =	vunpack.i.u.bf16.f32 v16;
	v18 =	vadd.f32 v33, v18  }
0x7a: {  	v51 =	vld [tilespmem:s16+$0xFFFFFF60];
	v3 =	vadd.f32 v46, v3;
	v48 =	vunpack.i.l.bf16.f32 v7;
	v20 =	vmul.bf16 v20, v21  }
0x7b: {  	v53 =	vld [tilespmem:s16+$0xFFFFFFA0];
	v5 =	vmul.bf16 v5, v63;
	v7 =	vunpack.i.u.bf16.f32 v7;
	v6 =	vadd.f32 v48, v6  }
0x7c: {  	v21 =	vld [tilespmem:s14+$0xFFFFFF20];
	v3 =	vadd.f32 v3, v16;
	v17 =	vmul.bf16 v17, v39;
	v50 =	vunpack.i.l.bf16.f32 v20  }
0x7d: {  	v16 =	vld [tilespmem:s14+$0xFFFFFF60];
	v20 =	vunpack.i.u.bf16.f32 v20;
	v6 =	vadd.f32 v6, v7;
	v1 =	vadd.f32 v50, v1  }
0x7e: {  	v54 =	vld [tilespmem:s16+$0xFFFFFFE0];
	v19 =	vmul.bf16 v47, v19;
	v7 =	vunpack.i.l.bf16.f32 v17;
	v17 =	vunpack.i.u.bf16.f32 v17  }
0x7f: {  	v55 =	vld [tilespmem:s16+$0x20];
	v2 =	vadd.f32 v7, v2;
	v1 =	vadd.f32 v1, v20;
	v20 =	vunpack.i.l.bf16.f32 v5  }
0x80: {  	v7 =	vld [tilespmem:s14+$0xFFFFFFA0];
	v5 =	vunpack.i.u.bf16.f32 v5;
	v4 =	vadd.f32 v20, v4;
	v20 =	vunpack.i.l.bf16.f32 v52  }
0x81: {  	v2 =	vadd.f32 v2, v17;
	v17 =	vld [tilespmem:s14+$0xFFFFFFE0];
	v18 =	vadd.f32 v20, v18;
	v20 =	vmul.bf16 v49, v21  }
0x82: {  	v56 =	vld [tilespmem:s14+$0x60];
	v16 =	vmul.bf16 v51, v16;
	v4 =	vadd.f32 v4, v5;
	v5 =	vunpack.i.l.bf16.f32 v19  }
0x83: {  	v33 =	vunpack.i.u.bf16.f32 v52;
	v21 =	vld [tilespmem:s14+$0x20];
	v5 =	vadd.f32 v5, v8;
	v8 =	vunpack.i.l.bf16.f32 v20  }
0x84: {  	v19 =	vunpack.i.u.bf16.f32 v19;
	v57 =	vunpack.i.u.bf16.f32 v16;
	v3 =	vadd.f32 v8, v3;
	v8 =	vld [tilespmem:s16+$0x60]  }
0x85: {  	v58 =	vld [tilespmem:s16+$0xA0];
	v16 =	vunpack.i.l.bf16.f32 v16;
	v18 =	vadd.f32 v18, v33;
	v7 =	vmul.bf16 v53, v7  }
0x86: {  	v59 =	vld [tilespmem:s16+$0xFFFFFF30];
	v20 =	vunpack.i.u.bf16.f32 v20;
	v5 =	vadd.f32 v5, v19;
	v17 =	vmul.bf16 v54, v17  }
0x87: {  	v19 =	vld [tilespmem:s14+$0xA0];
	v20 =	vadd.f32 v3, v20;
	v3 =	vadd.f32 v16, v6;
	v6 =	vunpack.i.l.bf16.f32 v7  }
0x88: {  	v16 =	vld [tilespmem:s14+$0xFFFFFF30];
	v21 =	vmul.bf16 v55, v21;
	v1 =	vadd.f32 v6, v1;
	v6 =	vunpack.i.l.bf16.f32 v17  }
0x89: {  	v7 =	vunpack.i.u.bf16.f32 v7;
	v2 =	vadd.f32 v6, v2;
	v6 =	vld [tilespmem:s14+$0xFFFFFF70];
	v8 =	vmul.bf16 v8, v56  }
0x8a: {  	v34 =	vadd.f32 v3, v57;
	v3 =	vunpack.i.u.bf16.f32 v17;
	v60 =	vadd.f32 v1, v7;
	v7 =	vld [tilespmem:s16+$0xFFFFFF70]  }
0x8b: {  	v61 =	vld [tilespmem:s14+$0xFFFFFFB0];
	v17 =	vunpack.i.l.bf16.f32 v21;
	v1 =	vadd.f32 v2, v3;
	v2 =	vunpack.i.l.bf16.f32 v8  }
0x8c: {  	v3 =	vadd.f32 v17, v4;
	v17 =	vmul.bf16 v58, v19;
	v2 =	vadd.f32 v2, v18;
	v18 =	vld [tilespmem:s16+$0xFFFFFFB0]  }
0x8d: {  	v4 =	vunpack.i.u.bf16.f32 v21;
	v8 =	vunpack.i.u.bf16.f32 v8;
	v16 =	vmul.bf16 v59, v16;
	v21 =	vld [tilespmem:s14+$0xFFFFFFF0]  }
0x8e: {  	v3 =	vadd.f32 v3, v4;
	v4 =	vunpack.i.l.bf16.f32 v17;
	v2 =	vadd.f32 v2, v8;
	v8 =	vld [tilespmem:s16+$0xFFFFFFF0]  }
0x8f: {  	v33 =	vld [tilespmem:s16+$0x30];
	v19 =	vunpack.i.l.bf16.f32 v16;
	v5 =	vadd.f32 v4, v5;
	v6 =	vmul.bf16 v7, v6  }
0x90: {  	v62 =	vunpack.i.u.bf16.f32 v16;
	v4 =	vld [tilespmem:s14+$0x30];
	v7 =	vunpack.i.u.bf16.f32 v17;
	v19 =	vadd.f32 v19, v20  }
0x91: {  	v17 =	vld [tilespmem:s14+$0x70];
	v16 =	vadd.f32 v5, v7;
	v5 =	vunpack.i.l.bf16.f32 v6;
	v7 =	vmul.bf16 v18, v61  }
0x92: {  	s13 =	simm.s32 $0x11E80;
	v20 =	vadd.f32 v19, v62;
	v34 =	vadd.f32 v5, v34;
	v18 =	vld [tilespmem:s16+$0x70]  }
0x93: {  	[tilespmem:s13+$0x30] =	vst v32;
	v6 =	vunpack.i.u.bf16.f32 v6;
	v5 =	vld [tilespmem:s14+$0xB0];
	v63 =	vunpack.i.l.bf16.f32 v7;
	v8 =	vmul.bf16 v8, v21  }
0x94: {  	s17 =	simm.s32 $0xA140;
	s14 =	simm.s32 $0x0;
	[tilespmem:s13+$0xFFFFFFC0] =	vst v20;
	v19 =	vunpack.i.u.bf16.f32 v7;
	v7 =	vadd.f32 v34, v6;
	v6 =	vld [tilespmem:s16+$0xB0];
	v20 =	vadd.f32 v63, v60  }
.LBB2_6:
0x95: {  	v21 =	vld [tilespmem:s17+$0xC0];
	v32 =	vunpack.i.u.bf16.f32 v8;
	v8 =	vunpack.i.l.bf16.f32 v8;
	v4 =	vmul.bf16 v33, v4;
	s16 =	sadd.s32 $0x200, s16  }
0x96: {  	s14 =	sadd.s32 $0x8, s14;
	v33 =	vld [tilespmem:s16+$0xC0];
	[tilespmem:s13+$0xFFFFFFD0] =	vst v7;
	v7 =	vadd.f32 v20, v19;
	v1 =	vadd.f32 v8, v1  }
0x97: {  	p2 =	slt.u32 s14, $0x38;
	v8 =	vld [tilespmem:s17+$0xD0];
	v19 =	vunpack.i.u.bf16.f32 v4;
	v4 =	vunpack.i.l.bf16.f32 v4;
	v17 =	vmul.bf16 v18, v17  }
0x98: {  	v18 =	vld [tilespmem:s16+$0xD0];
	[tilespmem:s13+$0xFFFFFFE0] =	vst v7;
	v1 =	vadd.f32 v1, v32;
	v3 =	vadd.f32 v4, v3  }
0x99: {  	v4 =	vld [tilespmem:s16+$0xFFFFFF00];
	v7 =	vunpack.i.u.bf16.f32 v17;
	v17 =	vunpack.i.l.bf16.f32 v17;
	v5 =	vmul.bf16 v6, v5  }
0x9a: {  	v6 =	vld [tilespmem:s17+$0xFFFFFF40];
	[tilespmem:s13+$0xFFFFFFF0] =	vst v1;
	v1 =	vadd.f32 v3, v19;
	v2 =	vadd.f32 v17, v2  }
0x9b: {  	v3 =	vmul.bf16 v33, v21;
	v17 =	vld [tilespmem:s17+$0xE0];
	v19 =	vunpack.i.u.bf16.f32 v5;
	v5 =	vunpack.i.l.bf16.f32 v5  }
0x9c: {  	v20 =	vld [tilespmem:s16+$0xE0];
	[tilespmem:s13+$0x0] =	vst v1;
	v1 =	vadd.f32 v2, v7;
	v2 =	vadd.f32 v5, v16  }
0x9d: {  	v5 =	vld [tilespmem:s16+$0xFFFFFF40];
	v7 =	vunpack.i.u.bf16.f32 v3;
	v3 =	vunpack.i.l.bf16.f32 v3;
	v8 =	vmul.bf16 v18, v8  }
0x9e: {  	v16 =	vld [tilespmem:s17+$0xFFFFFF80];
	v3 =	vadd.f32 v3, v7;
	[tilespmem:s13+$0x10] =	vst v1;
	v1 =	vadd.f32 v2, v19  }
0x9f: {  	v2 =	vunpack.i.l.bf16.f32 v8;
	v7 =	vld [tilespmem:s17+$0xF0]  }
0xa0: {  	v2 =	vadd.f32 v2, v3;
	v3 =	vld [tilespmem:s16+$0xF0];
	[tilespmem:s13+$0x20] =	vst v1  }
0xa1: {  	v8 =	vunpack.i.u.bf16.f32 v8;
	v1 =	vld [tilespmem:s16+$0xFFFFFF80];
	v17 =	vmul.bf16 v20, v17  }
0xa2: {  	v5 =	vmul.bf16 v5, v6;
	v6 =	vld [tilespmem:s17+$0xFFFFFFC0];
	v2 =	vadd.f32 v2, v8  }
0xa3: {  	v8 =	vld [tilespmem:s16+$0xFFFFFFC0];
	v18 =	vunpack.i.l.bf16.f32 v17  }
0xa4: {  	v19 =	vunpack.i.u.bf16.f32 v5;
	v5 =	vunpack.i.l.bf16.f32 v5;
	v20 =	vld [tilespmem:s17+$0x0];
	v2 =	vadd.f32 v18, v2  }
0xa5: {  	v17 =	vunpack.i.u.bf16.f32 v17;
	v5 =	vadd.f32 v5, v19;
	v18 =	vld [tilespmem:s16+$0x0];
	v3 =	vmul.bf16 v3, v7  }
0xa6: {  	v1 =	vmul.bf16 v1, v16;
	v7 =	vld [tilespmem:s17+$0x40];
	v2 =	vadd.f32 v2, v17  }
0xa7: {  	v16 =	vld [tilespmem:s16+$0x40];
	v17 =	vunpack.i.l.bf16.f32 v3  }
0xa8: {  	v19 =	vunpack.i.u.bf16.f32 v1;
	v6 =	vmul.bf16 v8, v6;
	v8 =	vld [tilespmem:s17+$0x80];
	v2 =	vadd.f32 v17, v2  }
0xa9: {  	v3 =	vunpack.i.u.bf16.f32 v3;
	v1 =	vunpack.i.l.bf16.f32 v1;
	v17 =	vld [tilespmem:s16+$0x80]  }
0xaa: {  	v21 =	vld [tilespmem:s17+$0xFFFFFF00];
	v32 =	vunpack.i.u.bf16.f32 v6;
	v18 =	vmul.bf16 v18, v20;
	v2 =	vadd.f32 v2, v3  }
0xab: {  	s13 =	sadd.s32 $0x80, s13;
	v1 =	vadd.f32 v1, v19;
	v6 =	vunpack.i.l.bf16.f32 v6;
	v3 =	vld [tilespmem:s17+$0xFFFFFF10]  }
0xac: {  	v19 =	vld [tilespmem:s16+$0xFFFFFF10];
	v20 =	vunpack.i.u.bf16.f32 v18;
	v18 =	vunpack.i.l.bf16.f32 v18;
	v7 =	vmul.bf16 v16, v7;
	[tilespmem:s13+$0x30] =	vst v2  }
0xad: {  	v6 =	vadd.f32 v6, v32;
	v2 =	vld [tilespmem:s17+$0xFFFFFF50];
	v16 =	vadd.f32 v18, v20  }
0xae: {  	v18 =	vld [tilespmem:s16+$0xFFFFFF50];
	v20 =	vunpack.i.u.bf16.f32 v7;
	v7 =	vunpack.i.l.bf16.f32 v7;
	v8 =	vmul.bf16 v17, v8  }
0xaf: {  	v4 =	vmul.bf16 v4, v21;
	v17 =	vld [tilespmem:s17+$0xFFFFFF90];
	v7 =	vadd.f32 v7, v20  }
0xb0: {  	v20 =	vld [tilespmem:s16+$0xFFFFFF90];
	v21 =	vunpack.i.u.bf16.f32 v8;
	v8 =	vunpack.i.l.bf16.f32 v8  }
0xb1: {  	v32 =	vunpack.i.u.bf16.f32 v4;
	v4 =	vunpack.i.l.bf16.f32 v4;
	v3 =	vmul.bf16 v19, v3;
	v19 =	vld [tilespmem:s17+$0xFFFFFFD0]  }
0xb2: {  	v8 =	vadd.f32 v8, v21;
	v4 =	vadd.f32 v4, v32;
	v32 =	vld [tilespmem:s16+$0xFFFFFFD0]  }
0xb3: {  	v21 =	vunpack.i.u.bf16.f32 v3;
	v3 =	vunpack.i.l.bf16.f32 v3;
	v2 =	vmul.bf16 v18, v2;
	v18 =	vld [tilespmem:s17+$0x10]  }
0xb4: {  	v3 =	vadd.f32 v3, v4;
	v4 =	vld [tilespmem:s16+$0x10]  }
0xb5: {  	v33 =	vunpack.i.u.bf16.f32 v2;
	v2 =	vunpack.i.l.bf16.f32 v2;
	v17 =	vmul.bf16 v20, v17;
	v20 =	vld [tilespmem:s17+$0x50]  }
0xb6: {  	v3 =	vadd.f32 v3, v21;
	v2 =	vadd.f32 v2, v5;
	v5 =	vld [tilespmem:s16+$0x50]  }
0xb7: {  	v21 =	vunpack.i.u.bf16.f32 v17;
	v17 =	vunpack.i.l.bf16.f32 v17;
	v19 =	vmul.bf16 v32, v19;
	v32 =	vld [tilespmem:s17+$0x90]  }
0xb8: {  	v2 =	vadd.f32 v2, v33;
	v1 =	vadd.f32 v17, v1;
	v17 =	vld [tilespmem:s16+$0x90]  }
0xb9: {  	v33 =	vld [tilespmem:s17+$0xFFFFFF20];
	v34 =	vunpack.i.u.bf16.f32 v19;
	v19 =	vunpack.i.l.bf16.f32 v19;
	v4 =	vmul.bf16 v4, v18  }
0xba: {  	v18 =	vld [tilespmem:s16+$0xFFFFFF20];
	v1 =	vadd.f32 v1, v21;
	v6 =	vadd.f32 v19, v6  }
0xbb: {  	v19 =	vld [tilespmem:s17+$0xFFFFFF60];
	v21 =	vunpack.i.u.bf16.f32 v4;
	v4 =	vunpack.i.l.bf16.f32 v4;
	v5 =	vmul.bf16 v5, v20  }
0xbc: {  	v20 =	vld [tilespmem:s16+$0xFFFFFF60];
	v6 =	vadd.f32 v6, v34;
	v4 =	vadd.f32 v4, v16  }
0xbd: {  	v16 =	vld [tilespmem:s17+$0xFFFFFFA0];
	v34 =	vunpack.i.u.bf16.f32 v5;
	v5 =	vunpack.i.l.bf16.f32 v5;
	v17 =	vmul.bf16 v17, v32  }
0xbe: {  	v32 =	vld [tilespmem:s16+$0xFFFFFFA0];
	v4 =	vadd.f32 v4, v21;
	v5 =	vadd.f32 v5, v7  }
0xbf: {  	v7 =	vmul.bf16 v18, v33;
	v18 =	vld [tilespmem:s17+$0xFFFFFFE0];
	v21 =	vunpack.i.u.bf16.f32 v17;
	v17 =	vunpack.i.l.bf16.f32 v17  }
0xc0: {  	v33 =	vld [tilespmem:s16+$0xFFFFFFE0];
	v5 =	vadd.f32 v5, v34;
	v8 =	vadd.f32 v17, v8  }
0xc1: {  	v17 =	vunpack.i.u.bf16.f32 v7;
	v7 =	vunpack.i.l.bf16.f32 v7;
	v19 =	vmul.bf16 v20, v19;
	v20 =	vld [tilespmem:s17+$0x20]  }
0xc2: {  	v3 =	vadd.f32 v7, v3;
	v7 =	vld [tilespmem:s16+$0x20];
	v8 =	vadd.f32 v8, v21  }
0xc3: {  	v21 =	vunpack.i.u.bf16.f32 v19;
	v19 =	vunpack.i.l.bf16.f32 v19;
	v16 =	vmul.bf16 v32, v16;
	v32 =	vld [tilespmem:s17+$0x60]  }
0xc4: {  	v17 =	vadd.f32 v3, v17;
	v2 =	vadd.f32 v19, v2;
	v3 =	vld [tilespmem:s16+$0x60]  }
0xc5: {  	v19 =	vunpack.i.u.bf16.f32 v16;
	v16 =	vunpack.i.l.bf16.f32 v16;
	v18 =	vmul.bf16 v33, v18;
	v33 =	vld [tilespmem:s17+$0xA0]  }
0xc6: {  	v21 =	vadd.f32 v2, v21;
	v1 =	vadd.f32 v16, v1;
	v2 =	vld [tilespmem:s16+$0xA0]  }
0xc7: {  	v16 =	vld [tilespmem:s17+$0xFFFFFF30];
	v34 =	vunpack.i.u.bf16.f32 v18;
	v18 =	vunpack.i.l.bf16.f32 v18;
	v7 =	vmul.bf16 v7, v20  }
0xc8: {  	v20 =	vld [tilespmem:s16+$0xFFFFFF30];
	v35 =	vadd.f32 v1, v19;
	v1 =	vadd.f32 v18, v6  }
0xc9: {  	v6 =	vld [tilespmem:s17+$0xFFFFFF70];
	v18 =	vunpack.i.u.bf16.f32 v7;
	v7 =	vunpack.i.l.bf16.f32 v7;
	v3 =	vmul.bf16 v3, v32  }
0xca: {  	v19 =	vld [tilespmem:s16+$0xFFFFFF70];
	v1 =	vadd.f32 v1, v34;
	v4 =	vadd.f32 v7, v4  }
0xcb: {  	v7 =	vld [tilespmem:s17+$0xFFFFFFB0];
	v32 =	vunpack.i.u.bf16.f32 v3;
	v34 =	vunpack.i.l.bf16.f32 v3;
	v2 =	vmul.bf16 v2, v33  }
0xcc: {  	v36 =	vld [tilespmem:s16+$0xFFFFFFB0];
	v3 =	vadd.f32 v4, v18;
	v4 =	vadd.f32 v34, v5  }
0xcd: {  	v5 =	vmul.bf16 v20, v16;
	v20 =	vld [tilespmem:s17+$0xFFFFFFF0];
	v16 =	vunpack.i.u.bf16.f32 v2;
	v18 =	vunpack.i.l.bf16.f32 v2  }
0xce: {  	v34 =	vld [tilespmem:s16+$0xFFFFFFF0];
	v2 =	vadd.f32 v4, v32;
	v8 =	vadd.f32 v18, v8  }
0xcf: {  	v18 =	vunpack.i.u.bf16.f32 v5;
	v5 =	vunpack.i.l.bf16.f32 v5;
	v6 =	vmul.bf16 v19, v6;
	v4 =	vld [tilespmem:s17+$0x30]  }
.Ltmp2:
0xd0: {  	v5 =	vadd.f32 v5, v17;
	v33 =	vld [tilespmem:s16+$0x30];
	v16 =	vadd.f32 v8, v16;
	(pc) =	sbr.rel @p2 .LBB2_6-.Ltmp2, $4  }
0xd1: {  	v32 =	vunpack.i.u.bf16.f32 v6;
	v6 =	vunpack.i.l.bf16.f32 v6;
	v7 =	vmul.bf16 v36, v7;
	v17 =	vld [tilespmem:s17+$0x70]  }
0xd2: {  	v36 =	vadd.f32 v5, v18;
	v6 =	vadd.f32 v6, v21;
	v18 =	vld [tilespmem:s16+$0x70]  }
0xd3: {  	v19 =	vunpack.i.u.bf16.f32 v7;
	v21 =	vunpack.i.l.bf16.f32 v7;
	v8 =	vmul.bf16 v34, v20;
	v5 =	vld [tilespmem:s17+$0xB0]  }
0xd4: {  	s17 =	sadd.s32 $0x200, s17;
	[tilespmem:s13+$0xFFFFFFC0] =	vst v36;
	v7 =	vadd.f32 v6, v32;
	v20 =	vadd.f32 v21, v35;
	v6 =	vld [tilespmem:s16+$0xB0]  }
0xd5: {  	_ =	sdelay $0x1  }
0xd6: {  	v21 =	vunpack.i.u.bf16.f32 v8;
	v4 =	vmul.bf16 v33, v4  }
0xd7: {  	v8 =	vunpack.i.l.bf16.f32 v8;
	v19 =	vadd.f32 v20, v19;
	v17 =	vmul.bf16 v18, v17  }
0xd8: {  	v1 =	vadd.f32 v8, v1;
	v8 =	vunpack.i.l.bf16.f32 v4;
	v5 =	vmul.bf16 v6, v5  }
0xd9: {  	v4 =	vunpack.i.u.bf16.f32 v4;
	v3 =	vadd.f32 v8, v3;
	v6 =	vunpack.i.l.bf16.f32 v17  }
0xda: {  	[tilespmem:s13+$0xFFFFFFD0] =	vst v7;
	v1 =	vadd.f32 v1, v21;
	v2 =	vadd.f32 v6, v2;
	v6 =	vunpack.i.l.bf16.f32 v5  }
0xdb: {  	[tilespmem:s13+$0xFFFFFFE0] =	vst v19;
	v7 =	vunpack.i.u.bf16.f32 v17;
	v3 =	vadd.f32 v3, v4;
	v4 =	vadd.f32 v6, v16  }
0xdc: {  	[tilespmem:s13+$0xFFFFFFF0] =	vst v1;
	v1 =	vunpack.i.u.bf16.f32 v5;
	v2 =	vadd.f32 v2, v7  }
0xdd: {  	[tilespmem:s13+$0x0] =	vst v3;
	v1 =	vadd.f32 v4, v1  }
0xde: {  	[tilespmem:s13+$0x10] =	vst v2  }
0xdf: {  	[tilespmem:s13+$0x20] =	vst v1  }
0xe0: {  	v2 =	vld [tilespmem:$0x1FEA0];
	_ =	sdelay $0x1  }
0xe1: {  	v3 =	vld [tilespmem:$0x1FEB0];
	_ =	sdelay $0x1  }
0xe2: {  	v4 =	vld [tilespmem:$0x1FEC0];
	_ =	sdelay $0x2  }
0xe3: {  	v1 =	vld.idx.msk [tilespmem:v0+s1+$0x0], $0xffff  }
0xe4: {  	v2 =	vld.idx.msk [tilespmem:v2+s1+$0x0], $0xffff;
	_ =	sdelay $0x1  }
0xe5: {  	v3 =	vld.idx.msk [tilespmem:v3+s1+$0x0], $0xffff;
	_ =	sdelay $0x1  }
0xe6: {  	v4 =	vld.idx.msk [tilespmem:v4+s1+$0x0], $0xffff  }
0xe7: {  	v1 =	vadd.f32 v2, v1;
	v2 =	vld [tilespmem:$0x1FED0];
	_ =	sdelay $0x1  }
0xe8: {  	v1 =	vadd.f32 v3, v1;
	v3 =	vld [tilespmem:$0x1FEE0];
	_ =	sdelay $0x1  }
0xe9: {  	v1 =	vadd.f32 v4, v1;
	v4 =	vld [tilespmem:$0x1FEF0];
	_ =	sdelay $0x3  }
0xea: {  	v2 =	vld.idx.msk [tilespmem:v2+s1+$0x0], $0xffff;
	_ =	sdelay $0x1  }
0xeb: {  	v3 =	vld.idx.msk [tilespmem:v3+s1+$0x0], $0xffff;
	_ =	sdelay $0x1  }
0xec: {  	v4 =	vld.idx.msk [tilespmem:v4+s1+$0x0], $0xffff  }
0xed: {  	v1 =	vadd.f32 v2, v1;
	v2 =	vld [tilespmem:$0x1FF00];
	_ =	sdelay $0x1  }
0xee: {  	v1 =	vadd.f32 v3, v1;
	v3 =	vld [tilespmem:$0x1FF10];
	_ =	sdelay $0x1  }
0xef: {  	v1 =	vadd.f32 v4, v1;
	v4 =	vld [tilespmem:$0x1FF20];
	_ =	sdelay $0x3  }
0xf0: {  	v2 =	vld.idx.msk [tilespmem:v2+s1+$0x0], $0xffff;
	_ =	sdelay $0x1  }
0xf1: {  	v3 =	vld.idx.msk [tilespmem:v3+s1+$0x0], $0xffff;
	_ =	sdelay $0x1  }
0xf2: {  	v4 =	vld.idx.msk [tilespmem:v4+s1+$0x0], $0xffff  }
0xf3: {  	v1 =	vadd.f32 v2, v1;
	v2 =	vld [tilespmem:$0x1FF30];
	_ =	sdelay $0x1  }
0xf4: {  	v1 =	vadd.f32 v3, v1;
	v3 =	vld [tilespmem:$0x1FF40];
	_ =	sdelay $0x1  }
0xf5: {  	v1 =	vadd.f32 v4, v1;
	v4 =	vld [tilespmem:$0x1FF50];
	_ =	sdelay $0x3  }
0xf6: {  	v2 =	vld.idx.msk [tilespmem:v2+s1+$0x0], $0xffff;
	_ =	sdelay $0x1  }
0xf7: {  	v3 =	vld.idx.msk [tilespmem:v3+s1+$0x0], $0xffff;
	_ =	sdelay $0x1  }
0xf8: {  	v4 =	vld.idx.msk [tilespmem:v4+s1+$0x0], $0xffff  }
0xf9: {  	v1 =	vadd.f32 v2, v1  }
0xfa: {  	v2 =	vld.idx.msk [tilespmem:v13+s1+$0x0], $0xffff  }
0xfb: {  	v1 =	vadd.f32 v3, v1  }
0xfc: {  	v3 =	vld.idx.msk [tilespmem:v14+s1+$0x0], $0xffff  }
0xfd: {  	v1 =	vadd.f32 v4, v1  }
0xfe: {  	v4 =	vld.idx.msk [tilespmem:v15+s1+$0x0], $0xffff  }
0xff: {  	v1 =	vadd.f32 v2, v1;
	_ =	sdelay $0x1  }
0x100: {  	v1 =	vadd.f32 v3, v1;
	_ =	sdelay $0x1  }
0x101: {  	v1 =	vadd.f32 v4, v1;
	_ =	sdelay $0x1  }
0x102: {  	v1 =	vmul.f32 $7.812500000e-03, v1  }
0x103: {  	v2 =	vld [tilespmem:$0x1FF70]  }
0x104: {  	[tilespmem:$0x12640] =	vst v1;
	v1 =	vld [tilespmem:$0x1FF60];
	_ =	sdelay $0x1  }
0x105: {  	v3 =	vld [tilespmem:$0x1FF80];
	_ =	sdelay $0x1  }
0x106: {  	v4 =	vld [tilespmem:$0x1FF90];
	_ =	sdelay $0x2  }
0x107: {  	v2 =	vld.idx.msk [tilespmem:v2+s1+$0x0], $0xffff  }
0x108: {  	v1 =	vld.idx.msk [tilespmem:v1+s1+$0x0], $0xffff;
	_ =	sdelay $0x1  }
0x109: {  	v3 =	vld.idx.msk [tilespmem:v3+s1+$0x0], $0xffff;
	_ =	sdelay $0x1  }
0x10a: {  	v4 =	vld.idx.msk [tilespmem:v4+s1+$0x0], $0xffff  }
0x10b: {  	v1 =	vadd.f32 v2, v1;
	v2 =	vld [tilespmem:$0x1FFA0];
	_ =	sdelay $0x1  }
0x10c: {  	v1 =	vadd.f32 v3, v1;
	v3 =	vld [tilespmem:$0x1FFB0];
	_ =	sdelay $0x1  }
0x10d: {  	v1 =	vadd.f32 v4, v1;
	v4 =	vld [tilespmem:$0x1FFC0];
	_ =	sdelay $0x3  }
0x10e: {  	v2 =	vld.idx.msk [tilespmem:v2+s1+$0x0], $0xffff;
	_ =	sdelay $0x1  }
0x10f: {  	v3 =	vld.idx.msk [tilespmem:v3+s1+$0x0], $0xffff;
	_ =	sdelay $0x1  }
0x110: {  	v4 =	vld.idx.msk [tilespmem:v4+s1+$0x0], $0xffff  }
0x111: {  	v1 =	vadd.f32 v2, v1;
	v2 =	vld [tilespmem:$0x1FFD0];
	_ =	sdelay $0x1  }
0x112: {  	v1 =	vadd.f32 v3, v1;
	v3 =	vld [tilespmem:$0x1FFE0];
	_ =	sdelay $0x1  }
0x113: {  	v1 =	vadd.f32 v4, v1;
	v4 =	vld [tilespmem:$0x1FFF0];
	_ =	sdelay $0x3  }
0x114: {  	v2 =	vld.idx.msk [tilespmem:v2+s1+$0x0], $0xffff;
	_ =	sdelay $0x1  }
0x115: {  	v3 =	vld.idx.msk [tilespmem:v3+s1+$0x0], $0xffff;
	_ =	sdelay $0x1  }
0x116: {  	v4 =	vld.idx.msk [tilespmem:v4+s1+$0x0], $0xffff  }
0x117: {  	v1 =	vadd.f32 v2, v1  }
0x118: {  	v2 =	vld.idx.msk [tilespmem:v26+s1+$0x0], $0xffff  }
0x119: {  	v1 =	vadd.f32 v3, v1  }
0x11a: {  	v3 =	vld.idx.msk [tilespmem:v27+s1+$0x0], $0xffff  }
0x11b: {  	v1 =	vadd.f32 v4, v1  }
0x11c: {  	v4 =	vld.idx.msk [tilespmem:v28+s1+$0x0], $0xffff  }
0x11d: {  	v1 =	vadd.f32 v2, v1  }
0x11e: {  	v2 =	vld.idx.msk [tilespmem:v29+s1+$0x0], $0xffff  }
0x11f: {  	v1 =	vadd.f32 v3, v1  }
0x120: {  	v3 =	vld.idx.msk [tilespmem:v30+s1+$0x0], $0xffff  }
0x121: {  	v1 =	vadd.f32 v4, v1  }
0x122: {  	v4 =	vld.idx.msk [tilespmem:v31+s1+$0x0], $0xffff  }
0x123: {  	v1 =	vadd.f32 v2, v1;
	_ =	sdelay $0x1  }
0x124: {  	v1 =	vadd.f32 v3, v1;
	_ =	sdelay $0x1  }
0x125: {  	v32 =	vor.u32 $0x200, v0;
	v1 =	vadd.f32 v4, v1  }
0x126: {  	v33 =	vor.u32 $0x201, v0  }
0x127: {  	v1 =	vmul.f32 $7.812500000e-03, v1  }
0x128: {  	v34 =	vor.u32 $0x202, v0  }
0x129: {  	[tilespmem:$0x12650] =	vst v1  }
0x12a: {  	v35 =	vor.u32 $0x203, v0;
	v1 =	vld.idx.msk [tilespmem:v32+s1+$0x0], $0xffff  }
0x12b: {  	v2 =	vld.idx.msk [tilespmem:v33+s1+$0x0], $0xffff  }
0x12c: {  	v36 =	vor.u32 $0x204, v0  }
0x12d: {  	v3 =	vld.idx.msk [tilespmem:v34+s1+$0x0], $0xffff  }
0x12e: {  	v37 =	vor.u32 $0x205, v0  }
0x12f: {  	v4 =	vld.idx.msk [tilespmem:v35+s1+$0x0], $0xffff  }
0x130: {  	v38 =	vor.u32 $0x206, v0;
	v1 =	vadd.f32 v2, v1  }
0x131: {  	v2 =	vld.idx.msk [tilespmem:v36+s1+$0x0], $0xffff  }
0x132: {  	v39 =	vor.u32 $0x207, v0;
	v1 =	vadd.f32 v3, v1  }
0x133: {  	v3 =	vld.idx.msk [tilespmem:v37+s1+$0x0], $0xffff  }
0x134: {  	v40 =	vor.u32 $0x208, v0;
	v1 =	vadd.f32 v4, v1  }
0x135: {  	v4 =	vld.idx.msk [tilespmem:v38+s1+$0x0], $0xffff  }
0x136: {  	v41 =	vor.u32 $0x209, v0;
	v1 =	vadd.f32 v2, v1  }
0x137: {  	v2 =	vld.idx.msk [tilespmem:v39+s1+$0x0], $0xffff  }
0x138: {  	v42 =	vor.u32 $0x20A, v0;
	v1 =	vadd.f32 v3, v1  }
0x139: {  	v3 =	vld.idx.msk [tilespmem:v40+s1+$0x0], $0xffff  }
0x13a: {  	v43 =	vor.u32 $0x20B, v0;
	v1 =	vadd.f32 v4, v1  }
0x13b: {  	v4 =	vld.idx.msk [tilespmem:v41+s1+$0x0], $0xffff  }
0x13c: {  	v44 =	vor.u32 $0x20C, v0;
	v1 =	vadd.f32 v2, v1  }
0x13d: {  	v2 =	vld.idx.msk [tilespmem:v42+s1+$0x0], $0xffff  }
0x13e: {  	v45 =	vor.u32 $0x20D, v0;
	v1 =	vadd.f32 v3, v1  }
0x13f: {  	v3 =	vld.idx.msk [tilespmem:v43+s1+$0x0], $0xffff  }
0x140: {  	v46 =	vor.u32 $0x20E, v0;
	v1 =	vadd.f32 v4, v1  }
0x141: {  	v4 =	vld.idx.msk [tilespmem:v44+s1+$0x0], $0xffff  }
0x142: {  	v47 =	vor.u32 $0x20F, v0;
	v1 =	vadd.f32 v2, v1  }
0x143: {  	v2 =	vld.idx.msk [tilespmem:v45+s1+$0x0], $0xffff  }
0x144: {  	v1 =	vadd.f32 v3, v1  }
0x145: {  	v3 =	vld.idx.msk [tilespmem:v46+s1+$0x0], $0xffff  }
0x146: {  	v1 =	vadd.f32 v4, v1  }
0x147: {  	v4 =	vld.idx.msk [tilespmem:v47+s1+$0x0], $0xffff  }
0x148: {  	v1 =	vadd.f32 v2, v1;
	_ =	sdelay $0x1  }
0x149: {  	v1 =	vadd.f32 v3, v1;
	_ =	sdelay $0x1  }
0x14a: {  	v48 =	vor.u32 $0x300, v0;
	v1 =	vadd.f32 v4, v1  }
0x14b: {  	v49 =	vor.u32 $0x301, v0  }
0x14c: {  	v1 =	vmul.f32 $7.812500000e-03, v1  }
0x14d: {  	v50 =	vor.u32 $0x302, v0  }
0x14e: {  	[tilespmem:$0x12660] =	vst v1  }
0x14f: {  	v51 =	vor.u32 $0x303, v0;
	v1 =	vld.idx.msk [tilespmem:v48+s1+$0x0], $0xffff  }
0x150: {  	v2 =	vld.idx.msk [tilespmem:v49+s1+$0x0], $0xffff  }
0x151: {  	v52 =	vor.u32 $0x304, v0  }
0x152: {  	v3 =	vld.idx.msk [tilespmem:v50+s1+$0x0], $0xffff  }
0x153: {  	v53 =	vor.u32 $0x305, v0  }
0x154: {  	v4 =	vld.idx.msk [tilespmem:v51+s1+$0x0], $0xffff  }
0x155: {  	v54 =	vor.u32 $0x306, v0;
	v1 =	vadd.f32 v2, v1  }
0x156: {  	v2 =	vld.idx.msk [tilespmem:v52+s1+$0x0], $0xffff  }
0x157: {  	v55 =	vor.u32 $0x307, v0;
	v1 =	vadd.f32 v3, v1  }
0x158: {  	v3 =	vld.idx.msk [tilespmem:v53+s1+$0x0], $0xffff  }
0x159: {  	v56 =	vor.u32 $0x308, v0;
	v1 =	vadd.f32 v4, v1  }
0x15a: {  	v4 =	vld.idx.msk [tilespmem:v54+s1+$0x0], $0xffff  }
0x15b: {  	v57 =	vor.u32 $0x309, v0;
	v1 =	vadd.f32 v2, v1  }
0x15c: {  	v2 =	vld.idx.msk [tilespmem:v55+s1+$0x0], $0xffff  }
0x15d: {  	v58 =	vor.u32 $0x30A, v0;
	v1 =	vadd.f32 v3, v1  }
0x15e: {  	v3 =	vld.idx.msk [tilespmem:v56+s1+$0x0], $0xffff  }
0x15f: {  	v59 =	vor.u32 $0x30B, v0;
	v1 =	vadd.f32 v4, v1  }
0x160: {  	v4 =	vld.idx.msk [tilespmem:v57+s1+$0x0], $0xffff  }
0x161: {  	v60 =	vor.u32 $0x30C, v0;
	v1 =	vadd.f32 v2, v1  }
0x162: {  	v2 =	vld.idx.msk [tilespmem:v58+s1+$0x0], $0xffff  }
0x163: {  	v61 =	vor.u32 $0x30D, v0;
	v1 =	vadd.f32 v3, v1  }
0x164: {  	v3 =	vld.idx.msk [tilespmem:v59+s1+$0x0], $0xffff  }
0x165: {  	v62 =	vor.u32 $0x30E, v0;
	v1 =	vadd.f32 v4, v1  }
0x166: {  	v4 =	vld.idx.msk [tilespmem:v60+s1+$0x0], $0xffff  }
0x167: {  	v63 =	vor.u32 $0x30F, v0;
	v1 =	vadd.f32 v2, v1  }
0x168: {  	v2 =	vld.idx.msk [tilespmem:v61+s1+$0x0], $0xffff  }
0x169: {  	v1 =	vadd.f32 v3, v1  }
0x16a: {  	v3 =	vld.idx.msk [tilespmem:v62+s1+$0x0], $0xffff  }
0x16b: {  	v1 =	vadd.f32 v4, v1  }
0x16c: {  	v4 =	vld.idx.msk [tilespmem:v63+s1+$0x0], $0xffff  }
0x16d: {  	v1 =	vadd.f32 v2, v1;
	_ =	sdelay $0x1  }
0x16e: {  	v1 =	vadd.f32 v3, v1;
	_ =	sdelay $0x1  }
0x16f: {  	v1 =	vadd.f32 v4, v1;
	_ =	sdelay $0x1  }
0x170: {  	v1 =	vmul.f32 $7.812500000e-03, v1;
	_ =	sdelay $0x1  }
0x171: {  	[tilespmem:$0x12670] =	vst v1  }
0x172: {  	_ =	swait.ge [sflag:s11], $0x1000  }
0x173: {  	[sflag:s11] =	ssyncset.done $0x0  }
0x174: {  	[sflag:s11] =	ssyncadd.s32 $0xFFFFF000  }
0x175: {  	_ =	swait.ge [sflag:s11], $0x1000  }
0x176: {  	[sflag:s11] =	ssyncset.done $0x0  }
0x177: {  	s14 =	simm.s32 $0xB030;
	[sflag:s11] =	ssyncadd.s32 $0xFFFFF000  }
0x178: {  	s16 =	simm.s32 $0xF030;
	v1 =	vld [tilespmem:s14+$0xFFFFFFD0]  }
0x179: {  	v2 =	vld [tilespmem:s16+$0xFFFFFFD0]  }
0x17a: {  	v3 =	vld [tilespmem:s14+$0xFFFFFFE0]  }
0x17b: {  	v4 =	vld [tilespmem:s16+$0xFFFFFFE0]  }
0x17c: {  	v5 =	vld [tilespmem:s16+$0xFFFFFE10]  }
0x17d: {  	v6 =	vld [tilespmem:s14+$0xFFFFFE50]  }
0x17e: {  	v7 =	vld [tilespmem:s14+$0xFFFFFFF0]  }
0x17f: {  	v8 =	vld [tilespmem:s16+$0xFFFFFFF0]  }
0x180: {  	v16 =	vld [tilespmem:s16+$0xFFFFFE50]  }
0x181: {  	v17 =	vld [tilespmem:s14+$0xFFFFFE90]  }
0x182: {  	v18 =	vld [tilespmem:s14+$0x0]  }
0x183: {  	v19 =	vld [tilespmem:s16+$0x0]  }
0x184: {  	v20 =	vld [tilespmem:s16+$0xFFFFFE90]  }
0x185: {  	v21 =	vld [tilespmem:s14+$0xFFFFFED0]  }
0x186: {  	v9 =	vld [tilespmem:s14+$0xFFFFFF10]  }
0x187: {  	v23 =	vld [tilespmem:s16+$0xFFFFFF50]  }
0x188: {  	v11 =	vld [tilespmem:s14+$0xFFFFFE20]  }
0x189: {  	v25 =	vld [tilespmem:s16+$0xFFFFFFA0]  }
0x18a: {  	v1 =	vmul.bf16 v2, v1;
	v2 =	vld [tilespmem:s16+$0xFFFFFED0]  }
0x18b: {  	v3 =	vmul.bf16 v4, v3;
	v4 =	vld [tilespmem:s16+$0xFFFFFF10]  }
0x18c: {  	v7 =	vmul.bf16 v8, v7;
	v8 =	vld [tilespmem:s16+$0xFFFFFF90];
	v22 =	vunpack.i.u.bf16.f32 v1;
	v1 =	vunpack.i.l.bf16.f32 v1  }
0x18d: {  	v6 =	vmul.bf16 v16, v6;
	v18 =	vmul.bf16 v19, v18;
	v19 =	vld [tilespmem:s14+$0xFFFFFE60];
	v1 =	vadd.f32 v1, v22  }
0x18e: {  	v17 =	vmul.bf16 v20, v17;
	v10 =	vunpack.i.l.bf16.f32 v3;
	v3 =	vunpack.i.u.bf16.f32 v3;
	v22 =	vld [tilespmem:s14+$0xFFFFFF50]  }
0x18f: {  	v16 =	vunpack.i.l.bf16.f32 v7;
	v24 =	vunpack.i.u.bf16.f32 v6;
	v1 =	vadd.f32 v10, v1;
	v10 =	vld [tilespmem:s14+$0xFFFFFF90]  }
0x190: {  	v7 =	vunpack.i.u.bf16.f32 v7;
	v6 =	vunpack.i.l.bf16.f32 v6;
	v2 =	vmul.bf16 v2, v21;
	v21 =	vld [tilespmem:s14+$0xFFFFFEA0]  }
0x191: {  	v20 =	vunpack.i.l.bf16.f32 v18;
	v6 =	vadd.f32 v6, v24;
	v1 =	vadd.f32 v1, v3;
	v3 =	vld [tilespmem:s14+$0xFFFFFE10]  }
0x192: {  	v24 =	vunpack.i.u.bf16.f32 v17;
	v17 =	vunpack.i.l.bf16.f32 v17;
	v4 =	vmul.bf16 v4, v9;
	v9 =	vld [tilespmem:s14+$0xFFFFFEE0]  }
0x193: {  	v18 =	vunpack.i.u.bf16.f32 v18;
	v17 =	vadd.f32 v17, v24;
	v1 =	vadd.f32 v16, v1;
	v16 =	vld [tilespmem:s16+$0xFFFFFE20]  }
0x194: {  	v12 =	vunpack.i.u.bf16.f32 v2;
	v2 =	vunpack.i.l.bf16.f32 v2;
	v22 =	vmul.bf16 v23, v22;
	v23 =	vld [tilespmem:s14+$0xFFFFFF20]  }
0x195: {  	v24 =	vunpack.i.u.bf16.f32 v4;
	v8 =	vmul.bf16 v8, v10;
	v10 =	vld [tilespmem:s14+$0xFFFFFF60];
	v1 =	vadd.f32 v1, v7  }
0x196: {  	v4 =	vunpack.i.l.bf16.f32 v4;
	v2 =	vadd.f32 v2, v12;
	v7 =	vld [tilespmem:s16+$0xFFFFFE60];
	v3 =	vmul.bf16 v5, v3  }
0x197: {  	v4 =	vadd.f32 v4, v24;
	v12 =	vunpack.i.u.bf16.f32 v22;
	v1 =	vadd.f32 v20, v1;
	v20 =	vld [tilespmem:s16+$0xFFFFFEA0]  }
0x198: {  	v5 =	vld [tilespmem:s16+$0xFFFFFF20];
	v24 =	vunpack.i.u.bf16.f32 v3;
	v3 =	vunpack.i.l.bf16.f32 v3;
	v11 =	vmul.bf16 v16, v11  }
0x199: {  	v22 =	vunpack.i.l.bf16.f32 v22;
	v1 =	vadd.f32 v1, v18;
	v18 =	vld [tilespmem:s16+$0xFFFFFEE0];
	v3 =	vadd.f32 v3, v24  }
0x19a: {  	v12 =	vadd.f32 v22, v12;
	v16 =	vld [tilespmem:s16+$0xFFFFFF60];
	v24 =	vunpack.i.l.bf16.f32 v11  }
0x19b: {  	v22 =	vunpack.i.u.bf16.f32 v8;
	v7 =	vmul.bf16 v7, v19;
	v19 =	vld [tilespmem:s14+$0xFFFFFFA0];
	v3 =	vadd.f32 v24, v3  }
0x19c: {  	v8 =	vunpack.i.l.bf16.f32 v8;
	v11 =	vunpack.i.u.bf16.f32 v11;
	v20 =	vmul.bf16 v20, v21;
	v21 =	vld [tilespmem:s14+$0xFFFFFE30]  }
0x19d: {  	v8 =	vadd.f32 v8, v22;
	v24 =	vunpack.i.l.bf16.f32 v7;
	v3 =	vadd.f32 v3, v11;
	v11 =	vld [tilespmem:s14+$0xFFFFFE70]  }
0x19e: {  	v5 =	vmul.bf16 v5, v23;
	v6 =	vadd.f32 v24, v6;
	v24 =	vld [tilespmem:s16+$0xFFFFFE70];
	v9 =	vmul.bf16 v18, v9  }
0x19f: {  	v7 =	vunpack.i.u.bf16.f32 v7;
	v10 =	vmul.bf16 v16, v10;
	v18 =	vld [tilespmem:s16+$0xFFFFFE30];
	v22 =	vunpack.i.l.bf16.f32 v20  }
0x1a0: {  	v16 =	vld [tilespmem:s16+$0xFFFFFEB0];
	v6 =	vadd.f32 v6, v7;
	v17 =	vadd.f32 v22, v17;
	v7 =	vunpack.i.l.bf16.f32 v9  }
0x1a1: {  	v20 =	vunpack.i.u.bf16.f32 v20;
	v19 =	vmul.bf16 v25, v19;
	v22 =	vld [tilespmem:s16+$0xFFFFFEF0];
	v2 =	vadd.f32 v7, v2  }
0x1a2: {  	v9 =	vunpack.i.u.bf16.f32 v9;
	v7 =	vld [tilespmem:s14+$0xFFFFFEB0];
	v17 =	vadd.f32 v17, v20;
	v20 =	vunpack.i.l.bf16.f32 v5  }
0x1a3: {  	v4 =	vadd.f32 v20, v4;
	v20 =	vunpack.i.l.bf16.f32 v10;
	v2 =	vadd.f32 v2, v9;
	v9 =	vld [tilespmem:s14+$0xFFFFFEF0]  }
0x1a4: {  	v5 =	vunpack.i.u.bf16.f32 v5;
	v12 =	vadd.f32 v20, v12;
	v18 =	vmul.bf16 v18, v21;
	v20 =	vld [tilespmem:s14+$0xFFFFFF30]  }
0x1a5: {  	v10 =	vunpack.i.u.bf16.f32 v10;
	v21 =	vld [tilespmem:s16+$0xFFFFFF30];
	v4 =	vadd.f32 v4, v5;
	v5 =	vunpack.i.l.bf16.f32 v19  }
0x1a6: {  	v10 =	vadd.f32 v12, v10;
	v5 =	vadd.f32 v5, v8;
	v8 =	vunpack.i.l.bf16.f32 v18;
	v12 =	vld [tilespmem:s14+$0xFFFFFF70]  }
0x1a7: {  	v11 =	vmul.bf16 v24, v11;
	v19 =	vunpack.i.u.bf16.f32 v19;
	v3 =	vadd.f32 v8, v3;
	v8 =	vld [tilespmem:s16+$0xFFFFFF70]  }
0x1a8: {  	v18 =	vunpack.i.u.bf16.f32 v18;
	v7 =	vmul.bf16 v16, v7;
	v16 =	vld [tilespmem:s14+$0xFFFFFFB0];
	v5 =	vadd.f32 v5, v19  }
0x1a9: {  	v19 =	vunpack.i.u.bf16.f32 v11;
	v11 =	vunpack.i.l.bf16.f32 v11;
	v9 =	vmul.bf16 v22, v9;
	v22 =	vld [tilespmem:s16+$0xFFFFFFB0]  }
0x1aa: {  	v18 =	vadd.f32 v3, v18;
	v3 =	vadd.f32 v11, v6;
	v6 =	vunpack.i.l.bf16.f32 v7;
	v11 =	vld [tilespmem:s14+$0xFFFFFE40]  }
0x1ab: {  	v20 =	vmul.bf16 v21, v20;
	v21 =	vld [tilespmem:s16+$0xFFFFFE40];
	v6 =	vadd.f32 v6, v17;
	v17 =	vunpack.i.l.bf16.f32 v9  }
0x1ac: {  	v7 =	vunpack.i.u.bf16.f32 v7;
	v2 =	vadd.f32 v17, v2;
	v17 =	vld [tilespmem:s14+$0xFFFFFE80];
	v8 =	vmul.bf16 v8, v12  }
0x1ad: {  	v12 =	vadd.f32 v3, v19;
	v3 =	vunpack.i.u.bf16.f32 v9;
	v9 =	vadd.f32 v6, v7;
	v6 =	vld [tilespmem:s16+$0xFFFFFE80]  }
0x1ae: {  	v7 =	vunpack.i.l.bf16.f32 v20;
	v19 =	vld [tilespmem:s14+$0xFFFFFEC0];
	v2 =	vadd.f32 v2, v3;
	v3 =	vunpack.i.l.bf16.f32 v8  }
0x1af: {  	v4 =	vadd.f32 v7, v4;
	v7 =	vmul.bf16 v22, v16;
	v3 =	vadd.f32 v3, v10;
	v10 =	vld [tilespmem:s16+$0xFFFFFEC0]  }
0x1b0: {  	v16 =	vunpack.i.u.bf16.f32 v20;
	v8 =	vunpack.i.u.bf16.f32 v8;
	v11 =	vmul.bf16 v21, v11;
	v20 =	vld [tilespmem:s14+$0xFFFFFF00]  }
0x1b1: {  	v16 =	vadd.f32 v4, v16;
	v4 =	vunpack.i.l.bf16.f32 v7;
	v3 =	vadd.f32 v3, v8;
	v8 =	vld [tilespmem:s16+$0xFFFFFF00]  }
0x1b2: {  	v4 =	vadd.f32 v4, v5;
	v5 =	vunpack.i.l.bf16.f32 v11;
	v21 =	vmul.bf16 v6, v17;
	v17 =	vld [tilespmem:s14+$0xFFFFFF40]  }
0x1b3: {  	v6 =	vunpack.i.u.bf16.f32 v7;
	v7 =	vunpack.i.u.bf16.f32 v11;
	v11 =	vadd.f32 v5, v18;
	v18 =	vld [tilespmem:s16+$0xFFFFFF40]  }
0x1b4: {  	v5 =	vld [tilespmem:s14+$0xFFFFFF80];
	v4 =	vadd.f32 v4, v6;
	v6 =	vunpack.i.l.bf16.f32 v21;
	v10 =	vmul.bf16 v10, v19  }
0x1b5: {  	s13 =	simm.s32 $0x11E80;
	v7 =	vadd.f32 v11, v7;
	v11 =	vadd.f32 v6, v12;
	v6 =	vld [tilespmem:s16+$0xFFFFFF80]  }
0x1b6: {  	[tilespmem:s13+$0x30] =	vst v1;
	v1 =	vld [tilespmem:s14+$0xFFFFFFC0];
	v12 =	vunpack.i.u.bf16.f32 v21;
	v19 =	vunpack.i.l.bf16.f32 v10;
	v8 =	vmul.bf16 v8, v20  }
0x1b7: {  	s17 =	simm.s32 $0xB230;
	s14 =	simm.s32 $0x0;
	[tilespmem:s13+$0xFFFFFFC0] =	vst v7;
	v7 =	vadd.f32 v11, v12;
	v20 =	vunpack.i.u.bf16.f32 v10;
	v21 =	vadd.f32 v19, v9;
	v19 =	vld [tilespmem:s16+$0xFFFFFFC0]  }
.LBB2_8:
0x1b8: {  	v9 =	vld [tilespmem:s17+$0xFFFFFFD0];
	v10 =	vunpack.i.u.bf16.f32 v8;
	v8 =	vunpack.i.l.bf16.f32 v8;
	v11 =	vmul.bf16 v18, v17;
	s16 =	sadd.s32 $0x200, s16  }
0x1b9: {  	s14 =	sadd.s32 $0x8, s14;
	v12 =	vld [tilespmem:s16+$0xFFFFFFD0];
	[tilespmem:s13+$0xFFFFFFD0] =	vst v7;
	v7 =	vadd.f32 v21, v20;
	v2 =	vadd.f32 v8, v2  }
0x1ba: {  	p2 =	slt.u32 s14, $0x38;
	v8 =	vld [tilespmem:s17+$0xFFFFFFE0];
	v17 =	vunpack.i.u.bf16.f32 v11;
	v11 =	vunpack.i.l.bf16.f32 v11;
	v5 =	vmul.bf16 v6, v5  }
0x1bb: {  	v6 =	vld [tilespmem:s16+$0xFFFFFFE0];
	[tilespmem:s13+$0xFFFFFFE0] =	vst v7;
	v2 =	vadd.f32 v2, v10;
	v7 =	vadd.f32 v11, v16  }
0x1bc: {  	v10 =	vld [tilespmem:s16+$0xFFFFFE10];
	v11 =	vunpack.i.u.bf16.f32 v5;
	v5 =	vunpack.i.l.bf16.f32 v5;
	v1 =	vmul.bf16 v19, v1  }
0x1bd: {  	v16 =	vld [tilespmem:s17+$0xFFFFFE50];
	[tilespmem:s13+$0xFFFFFFF0] =	vst v2;
	v2 =	vadd.f32 v7, v17;
	v3 =	vadd.f32 v5, v3  }
0x1be: {  	v5 =	vmul.bf16 v12, v9;
	v7 =	vld [tilespmem:s17+$0xFFFFFFF0];
	v9 =	vunpack.i.u.bf16.f32 v1;
	v1 =	vunpack.i.l.bf16.f32 v1  }
0x1bf: {  	v12 =	vld [tilespmem:s16+$0xFFFFFFF0];
	[tilespmem:s13+$0x0] =	vst v2;
	v2 =	vadd.f32 v3, v11;
	v1 =	vadd.f32 v1, v4  }
0x1c0: {  	v3 =	vld [tilespmem:s16+$0xFFFFFE50];
	v4 =	vunpack.i.u.bf16.f32 v5;
	v5 =	vunpack.i.l.bf16.f32 v5;
	v6 =	vmul.bf16 v6, v8  }
0x1c1: {  	v8 =	vld [tilespmem:s17+$0xFFFFFE90];
	v4 =	vadd.f32 v5, v4;
	[tilespmem:s13+$0x10] =	vst v2;
	v1 =	vadd.f32 v1, v9  }
0x1c2: {  	v2 =	vunpack.i.l.bf16.f32 v6;
	v5 =	vld [tilespmem:s17+$0x0]  }
0x1c3: {  	v2 =	vadd.f32 v2, v4;
	v4 =	vld [tilespmem:s16+$0x0];
	[tilespmem:s13+$0x20] =	vst v1  }
0x1c4: {  	v6 =	vunpack.i.u.bf16.f32 v6;
	v1 =	vld [tilespmem:s16+$0xFFFFFE90];
	v7 =	vmul.bf16 v12, v7  }
0x1c5: {  	v3 =	vmul.bf16 v3, v16;
	v9 =	vld [tilespmem:s17+$0xFFFFFED0];
	v2 =	vadd.f32 v2, v6  }
0x1c6: {  	v6 =	vld [tilespmem:s16+$0xFFFFFED0];
	v11 =	vunpack.i.l.bf16.f32 v7  }
0x1c7: {  	v12 =	vunpack.i.u.bf16.f32 v3;
	v3 =	vunpack.i.l.bf16.f32 v3;
	v16 =	vld [tilespmem:s17+$0xFFFFFF10];
	v2 =	vadd.f32 v11, v2  }
0x1c8: {  	v7 =	vunpack.i.u.bf16.f32 v7;
	v3 =	vadd.f32 v3, v12;
	v11 =	vld [tilespmem:s16+$0xFFFFFF10];
	v4 =	vmul.bf16 v4, v5  }
0x1c9: {  	v1 =	vmul.bf16 v1, v8;
	v5 =	vld [tilespmem:s17+$0xFFFFFF50];
	v2 =	vadd.f32 v2, v7  }
0x1ca: {  	v7 =	vld [tilespmem:s16+$0xFFFFFF50];
	v8 =	vunpack.i.l.bf16.f32 v4  }
0x1cb: {  	v12 =	vunpack.i.u.bf16.f32 v1;
	v6 =	vmul.bf16 v6, v9;
	v9 =	vld [tilespmem:s17+$0xFFFFFF90];
	v2 =	vadd.f32 v8, v2  }
0x1cc: {  	v4 =	vunpack.i.u.bf16.f32 v4;
	v1 =	vunpack.i.l.bf16.f32 v1;
	v8 =	vld [tilespmem:s16+$0xFFFFFF90]  }
0x1cd: {  	v17 =	vld [tilespmem:s17+$0xFFFFFE10];
	v18 =	vunpack.i.u.bf16.f32 v6;
	v11 =	vmul.bf16 v11, v16;
	v2 =	vadd.f32 v2, v4  }
0x1ce: {  	s13 =	sadd.s32 $0x80, s13;
	v1 =	vadd.f32 v1, v12;
	v6 =	vunpack.i.l.bf16.f32 v6;
	v4 =	vld [tilespmem:s17+$0xFFFFFE20]  }
0x1cf: {  	v12 =	vld [tilespmem:s16+$0xFFFFFE20];
	v16 =	vunpack.i.u.bf16.f32 v11;
	v11 =	vunpack.i.l.bf16.f32 v11;
	v5 =	vmul.bf16 v7, v5;
	[tilespmem:s13+$0x30] =	vst v2  }
0x1d0: {  	v6 =	vadd.f32 v6, v18;
	v2 =	vld [tilespmem:s17+$0xFFFFFE60];
	v7 =	vadd.f32 v11, v16  }
0x1d1: {  	v11 =	vld [tilespmem:s16+$0xFFFFFE60];
	v16 =	vunpack.i.u.bf16.f32 v5;
	v5 =	vunpack.i.l.bf16.f32 v5;
	v8 =	vmul.bf16 v8, v9  }
0x1d2: {  	v9 =	vmul.bf16 v10, v17;
	v10 =	vld [tilespmem:s17+$0xFFFFFEA0];
	v5 =	vadd.f32 v5, v16  }
0x1d3: {  	v16 =	vld [tilespmem:s16+$0xFFFFFEA0];
	v17 =	vunpack.i.u.bf16.f32 v8;
	v8 =	vunpack.i.l.bf16.f32 v8  }
0x1d4: {  	v18 =	vunpack.i.u.bf16.f32 v9;
	v9 =	vunpack.i.l.bf16.f32 v9;
	v4 =	vmul.bf16 v12, v4;
	v12 =	vld [tilespmem:s17+$0xFFFFFEE0]  }
0x1d5: {  	v8 =	vadd.f32 v8, v17;
	v9 =	vadd.f32 v9, v18;
	v18 =	vld [tilespmem:s16+$0xFFFFFEE0]  }
0x1d6: {  	v17 =	vunpack.i.u.bf16.f32 v4;
	v4 =	vunpack.i.l.bf16.f32 v4;
	v2 =	vmul.bf16 v11, v2;
	v11 =	vld [tilespmem:s17+$0xFFFFFF20]  }
0x1d7: {  	v4 =	vadd.f32 v4, v9;
	v9 =	vld [tilespmem:s16+$0xFFFFFF20]  }
0x1d8: {  	v19 =	vunpack.i.u.bf16.f32 v2;
	v2 =	vunpack.i.l.bf16.f32 v2;
	v10 =	vmul.bf16 v16, v10;
	v16 =	vld [tilespmem:s17+$0xFFFFFF60]  }
0x1d9: {  	v4 =	vadd.f32 v4, v17;
	v2 =	vadd.f32 v2, v3;
	v3 =	vld [tilespmem:s16+$0xFFFFFF60]  }
0x1da: {  	v17 =	vunpack.i.u.bf16.f32 v10;
	v10 =	vunpack.i.l.bf16.f32 v10;
	v12 =	vmul.bf16 v18, v12;
	v18 =	vld [tilespmem:s17+$0xFFFFFFA0]  }
0x1db: {  	v2 =	vadd.f32 v2, v19;
	v1 =	vadd.f32 v10, v1;
	v10 =	vld [tilespmem:s16+$0xFFFFFFA0]  }
0x1dc: {  	v19 =	vld [tilespmem:s17+$0xFFFFFE30];
	v20 =	vunpack.i.u.bf16.f32 v12;
	v12 =	vunpack.i.l.bf16.f32 v12;
	v9 =	vmul.bf16 v9, v11  }
0x1dd: {  	v11 =	vld [tilespmem:s16+$0xFFFFFE30];
	v1 =	vadd.f32 v1, v17;
	v6 =	vadd.f32 v12, v6  }
0x1de: {  	v12 =	vld [tilespmem:s17+$0xFFFFFE70];
	v17 =	vunpack.i.u.bf16.f32 v9;
	v9 =	vunpack.i.l.bf16.f32 v9;
	v3 =	vmul.bf16 v3, v16  }
0x1df: {  	v16 =	vld [tilespmem:s16+$0xFFFFFE70];
	v6 =	vadd.f32 v6, v20;
	v7 =	vadd.f32 v9, v7  }
0x1e0: {  	v9 =	vld [tilespmem:s17+$0xFFFFFEB0];
	v20 =	vunpack.i.u.bf16.f32 v3;
	v3 =	vunpack.i.l.bf16.f32 v3;
	v10 =	vmul.bf16 v10, v18  }
0x1e1: {  	v18 =	vld [tilespmem:s16+$0xFFFFFEB0];
	v7 =	vadd.f32 v7, v17;
	v3 =	vadd.f32 v3, v5  }
0x1e2: {  	v5 =	vmul.bf16 v11, v19;
	v11 =	vld [tilespmem:s17+$0xFFFFFEF0];
	v17 =	vunpack.i.u.bf16.f32 v10;
	v10 =	vunpack.i.l.bf16.f32 v10  }
0x1e3: {  	v19 =	vld [tilespmem:s16+$0xFFFFFEF0];
	v3 =	vadd.f32 v3, v20;
	v8 =	vadd.f32 v10, v8  }
0x1e4: {  	v10 =	vunpack.i.u.bf16.f32 v5;
	v5 =	vunpack.i.l.bf16.f32 v5;
	v12 =	vmul.bf16 v16, v12;
	v16 =	vld [tilespmem:s17+$0xFFFFFF30]  }
0x1e5: {  	v4 =	vadd.f32 v5, v4;
	v5 =	vld [tilespmem:s16+$0xFFFFFF30];
	v8 =	vadd.f32 v8, v17  }
0x1e6: {  	v17 =	vunpack.i.u.bf16.f32 v12;
	v12 =	vunpack.i.l.bf16.f32 v12;
	v9 =	vmul.bf16 v18, v9;
	v18 =	vld [tilespmem:s17+$0xFFFFFF70]  }
0x1e7: {  	v4 =	vadd.f32 v4, v10;
	v2 =	vadd.f32 v12, v2;
	v10 =	vld [tilespmem:s16+$0xFFFFFF70]  }
0x1e8: {  	v12 =	vunpack.i.u.bf16.f32 v9;
	v9 =	vunpack.i.l.bf16.f32 v9;
	v11 =	vmul.bf16 v19, v11;
	v19 =	vld [tilespmem:s17+$0xFFFFFFB0]  }
0x1e9: {  	v20 =	vadd.f32 v2, v17;
	v1 =	vadd.f32 v9, v1;
	v9 =	vld [tilespmem:s16+$0xFFFFFFB0]  }
0x1ea: {  	v17 =	vld [tilespmem:s17+$0xFFFFFE40];
	v2 =	vunpack.i.u.bf16.f32 v11;
	v11 =	vunpack.i.l.bf16.f32 v11;
	v5 =	vmul.bf16 v5, v16  }
0x1eb: {  	v21 =	vld [tilespmem:s16+$0xFFFFFE40];
	v12 =	vadd.f32 v1, v12;
	v1 =	vadd.f32 v11, v6  }
0x1ec: {  	v6 =	vld [tilespmem:s17+$0xFFFFFE80];
	v11 =	vunpack.i.u.bf16.f32 v5;
	v5 =	vunpack.i.l.bf16.f32 v5;
	v10 =	vmul.bf16 v10, v18  }
0x1ed: {  	v18 =	vld [tilespmem:s16+$0xFFFFFE80];
	v2 =	vadd.f32 v1, v2;
	v1 =	vadd.f32 v5, v7  }
0x1ee: {  	v5 =	vld [tilespmem:s17+$0xFFFFFEC0];
	v7 =	vunpack.i.u.bf16.f32 v10;
	v10 =	vunpack.i.l.bf16.f32 v10;
	v9 =	vmul.bf16 v9, v19  }
0x1ef: {  	v19 =	vld [tilespmem:s16+$0xFFFFFEC0];
	v16 =	vadd.f32 v1, v11;
	v1 =	vadd.f32 v10, v3  }
0x1f0: {  	v10 =	vmul.bf16 v21, v17;
	v11 =	vld [tilespmem:s17+$0xFFFFFF00];
	v21 =	vunpack.i.u.bf16.f32 v9;
	v9 =	vunpack.i.l.bf16.f32 v9  }
0x1f1: {  	v22 =	vld [tilespmem:s16+$0xFFFFFF00];
	v3 =	vadd.f32 v1, v7;
	v1 =	vadd.f32 v9, v8  }
0x1f2: {  	v7 =	vunpack.i.u.bf16.f32 v10;
	v8 =	vunpack.i.l.bf16.f32 v10;
	v6 =	vmul.bf16 v18, v6;
	v17 =	vld [tilespmem:s17+$0xFFFFFF40]  }
.Ltmp3:
0x1f3: {  	v8 =	vadd.f32 v8, v4;
	v18 =	vld [tilespmem:s16+$0xFFFFFF40];
	v4 =	vadd.f32 v1, v21;
	(pc) =	sbr.rel @p2 .LBB2_8-.Ltmp3, $4  }
0x1f4: {  	v9 =	vunpack.i.u.bf16.f32 v6;
	v1 =	vunpack.i.l.bf16.f32 v6;
	v10 =	vmul.bf16 v19, v5;
	v5 =	vld [tilespmem:s17+$0xFFFFFF80]  }
0x1f5: {  	v7 =	vadd.f32 v8, v7;
	v19 =	vadd.f32 v1, v20;
	v6 =	vld [tilespmem:s16+$0xFFFFFF80]  }
0x1f6: {  	v20 =	vunpack.i.u.bf16.f32 v10;
	v10 =	vunpack.i.l.bf16.f32 v10;
	v8 =	vmul.bf16 v22, v11;
	v1 =	vld [tilespmem:s17+$0xFFFFFFC0]  }
0x1f7: {  	s17 =	sadd.s32 $0x200, s17;
	[tilespmem:s13+$0xFFFFFFC0] =	vst v7;
	v7 =	vadd.f32 v19, v9;
	v21 =	vadd.f32 v10, v12;
	v19 =	vld [tilespmem:s16+$0xFFFFFFC0]  }
0x1f8: {  	_ =	sdelay $0x1  }
0x1f9: {  	v9 =	vmul.bf16 v18, v17;
	v10 =	vunpack.i.l.bf16.f32 v8  }
0x1fa: {  	v18 =	vunpack.i.u.bf16.f32 v8;
	v11 =	vadd.f32 v21, v20;
	v5 =	vmul.bf16 v6, v5  }
0x1fb: {  	v2 =	vadd.f32 v10, v2;
	v1 =	vmul.bf16 v19, v1;
	v19 =	vunpack.i.l.bf16.f32 v9  }
0x1fc: {  	v22 =	vunpack.i.u.bf16.f32 v9;
	v21 =	vunpack.i.l.bf16.f32 v5;
	v20 =	vadd.f32 v19, v16  }
0x1fd: {  	[tilespmem:s13+$0xFFFFFFD0] =	vst v7;
	v2 =	vadd.f32 v2, v18;
	v3 =	vadd.f32 v21, v3;
	v23 =	vunpack.i.l.bf16.f32 v1  }
0x1fe: {  	[tilespmem:s13+$0xFFFFFFE0] =	vst v11;
	v5 =	vunpack.i.u.bf16.f32 v5;
	v6 =	vadd.f32 v20, v22;
	v4 =	vadd.f32 v23, v4  }
0x1ff: {  	[tilespmem:s13+$0xFFFFFFF0] =	vst v2;
	v1 =	vunpack.i.u.bf16.f32 v1;
	v2 =	vadd.f32 v3, v5  }
0x200: {  	[tilespmem:s13+$0x0] =	vst v6;
	v1 =	vadd.f32 v4, v1  }
0x201: {  	[tilespmem:s13+$0x10] =	vst v2  }
0x202: {  	[tilespmem:s13+$0x20] =	vst v1  }
0x203: {  	v2 =	vld [tilespmem:$0x1FEA0];
	_ =	sdelay $0x1  }
0x204: {  	v3 =	vld [tilespmem:$0x1FEB0];
	_ =	sdelay $0x4  }
0x205: {  	v1 =	vld.idx.msk [tilespmem:v0+s1+$0x0], $0xffff  }
0x206: {  	v2 =	vld.idx.msk [tilespmem:v2+s1+$0x0], $0xffff;
	_ =	sdelay $0x1  }
0x207: {  	v3 =	vld.idx.msk [tilespmem:v3+s1+$0x0], $0xffff  }
0x208: {  	v8 =	vld [tilespmem:$0x1FEC0];
	_ =	sdelay $0x1  }
0x209: {  	v1 =	vadd.f32 v2, v1;
	v2 =	vld [tilespmem:$0x1FED0];
	_ =	sdelay $0x1  }
0x20a: {  	v1 =	vadd.f32 v3, v1;
	v3 =	vld [tilespmem:$0x1FEE0];
	_ =	sdelay $0x3  }
0x20b: {  	v4 =	vld.idx.msk [tilespmem:v8+s1+$0x0], $0xffff;
	_ =	sdelay $0x1  }
0x20c: {  	v2 =	vld.idx.msk [tilespmem:v2+s1+$0x0], $0xffff;
	_ =	sdelay $0x1  }
0x20d: {  	v3 =	vld.idx.msk [tilespmem:v3+s1+$0x0], $0xffff  }
0x20e: {  	v9 =	vld [tilespmem:$0x1FEF0];
	v1 =	vadd.f32 v4, v1;
	_ =	sdelay $0x1  }
0x20f: {  	v1 =	vadd.f32 v2, v1;
	v2 =	vld [tilespmem:$0x1FF00];
	_ =	sdelay $0x1  }
0x210: {  	v1 =	vadd.f32 v3, v1;
	v3 =	vld [tilespmem:$0x1FF10];
	_ =	sdelay $0x3  }
0x211: {  	v4 =	vld.idx.msk [tilespmem:v9+s1+$0x0], $0xffff;
	_ =	sdelay $0x1  }
0x212: {  	v2 =	vld.idx.msk [tilespmem:v2+s1+$0x0], $0xffff;
	_ =	sdelay $0x1  }
0x213: {  	v3 =	vld.idx.msk [tilespmem:v3+s1+$0x0], $0xffff  }
0x214: {  	v10 =	vld [tilespmem:$0x1FF20];
	v1 =	vadd.f32 v4, v1;
	_ =	sdelay $0x1  }
0x215: {  	v1 =	vadd.f32 v2, v1;
	v2 =	vld [tilespmem:$0x1FF30];
	_ =	sdelay $0x1  }
0x216: {  	v1 =	vadd.f32 v3, v1;
	v3 =	vld [tilespmem:$0x1FF40];
	_ =	sdelay $0x1  }
0x217: {  	v11 =	vld [tilespmem:$0x1FF50];
	_ =	sdelay $0x1  }
0x218: {  	v4 =	vld.idx.msk [tilespmem:v10+s1+$0x0], $0xffff;
	_ =	sdelay $0x1  }
0x219: {  	v2 =	vld.idx.msk [tilespmem:v2+s1+$0x0], $0xffff;
	_ =	sdelay $0x1  }
0x21a: {  	v3 =	vld.idx.msk [tilespmem:v3+s1+$0x0], $0xffff  }
0x21b: {  	v1 =	vadd.f32 v4, v1  }
0x21c: {  	v4 =	vld.idx.msk [tilespmem:v11+s1+$0x0], $0xffff  }
0x21d: {  	v1 =	vadd.f32 v2, v1  }
0x21e: {  	v2 =	vld.idx.msk [tilespmem:v13+s1+$0x0], $0xffff  }
0x21f: {  	v1 =	vadd.f32 v3, v1  }
0x220: {  	v3 =	vld.idx.msk [tilespmem:v14+s1+$0x0], $0xffff  }
0x221: {  	v1 =	vadd.f32 v4, v1  }
0x222: {  	v18 =	vld.idx.msk [tilespmem:v15+s1+$0x0], $0xffff  }
0x223: {  	v1 =	vadd.f32 v2, v1;
	_ =	sdelay $0x1  }
0x224: {  	v1 =	vadd.f32 v3, v1;
	_ =	sdelay $0x1  }
0x225: {  	v1 =	vadd.f32 v18, v1;
	_ =	sdelay $0x1  }
0x226: {  	v1 =	vmul.f32 $7.812500000e-03, v1  }
0x227: {  	v2 =	vld [tilespmem:$0x1FF70]  }
0x228: {  	[tilespmem:$0x12680] =	vst v1;
	v1 =	vld [tilespmem:$0x1FF60];
	_ =	sdelay $0x1  }
0x229: {  	v3 =	vld [tilespmem:$0x1FF80];
	_ =	sdelay $0x4  }
0x22a: {  	v2 =	vld.idx.msk [tilespmem:v2+s1+$0x0], $0xffff  }
0x22b: {  	v1 =	vld.idx.msk [tilespmem:v1+s1+$0x0], $0xffff;
	_ =	sdelay $0x1  }
0x22c: {  	v3 =	vld.idx.msk [tilespmem:v3+s1+$0x0], $0xffff  }
0x22d: {  	v19 =	vld [tilespmem:$0x1FF90];
	_ =	sdelay $0x1  }
0x22e: {  	v1 =	vadd.f32 v2, v1;
	v2 =	vld [tilespmem:$0x1FFA0];
	_ =	sdelay $0x1  }
0x22f: {  	v1 =	vadd.f32 v3, v1;
	v3 =	vld [tilespmem:$0x1FFB0];
	_ =	sdelay $0x3  }
0x230: {  	v4 =	vld.idx.msk [tilespmem:v19+s1+$0x0], $0xffff;
	_ =	sdelay $0x1  }
0x231: {  	v2 =	vld.idx.msk [tilespmem:v2+s1+$0x0], $0xffff;
	_ =	sdelay $0x1  }
0x232: {  	v3 =	vld.idx.msk [tilespmem:v3+s1+$0x0], $0xffff  }
0x233: {  	v20 =	vld [tilespmem:$0x1FFC0];
	v1 =	vadd.f32 v4, v1;
	_ =	sdelay $0x1  }
0x234: {  	v1 =	vadd.f32 v2, v1;
	v2 =	vld [tilespmem:$0x1FFD0];
	_ =	sdelay $0x1  }
0x235: {  	v1 =	vadd.f32 v3, v1;
	v3 =	vld [tilespmem:$0x1FFE0];
	_ =	sdelay $0x1  }
0x236: {  	v21 =	vld [tilespmem:$0x1FFF0];
	_ =	sdelay $0x1  }
0x237: {  	v4 =	vld.idx.msk [tilespmem:v20+s1+$0x0], $0xffff;
	_ =	sdelay $0x1  }
0x238: {  	v2 =	vld.idx.msk [tilespmem:v2+s1+$0x0], $0xffff;
	_ =	sdelay $0x1  }
0x239: {  	v3 =	vld.idx.msk [tilespmem:v3+s1+$0x0], $0xffff  }
0x23a: {  	v1 =	vadd.f32 v4, v1  }
0x23b: {  	v4 =	vld.idx.msk [tilespmem:v21+s1+$0x0], $0xffff  }
0x23c: {  	v1 =	vadd.f32 v2, v1  }
0x23d: {  	v2 =	vld.idx.msk [tilespmem:v26+s1+$0x0], $0xffff  }
0x23e: {  	v1 =	vadd.f32 v3, v1  }
0x23f: {  	v3 =	vld.idx.msk [tilespmem:v27+s1+$0x0], $0xffff  }
0x240: {  	v1 =	vadd.f32 v4, v1  }
0x241: {  	v22 =	vld.idx.msk [tilespmem:v28+s1+$0x0], $0xffff  }
0x242: {  	v1 =	vadd.f32 v2, v1  }
0x243: {  	v2 =	vld.idx.msk [tilespmem:v29+s1+$0x0], $0xffff  }
0x244: {  	v1 =	vadd.f32 v3, v1  }
0x245: {  	v3 =	vld.idx.msk [tilespmem:v30+s1+$0x0], $0xffff  }
0x246: {  	v1 =	vadd.f32 v22, v1  }
0x247: {  	v23 =	vld.idx.msk [tilespmem:v31+s1+$0x0], $0xffff  }
0x248: {  	v1 =	vadd.f32 v2, v1;
	_ =	sdelay $0x1  }
0x249: {  	v1 =	vadd.f32 v3, v1;
	_ =	sdelay $0x1  }
0x24a: {  	v1 =	vadd.f32 v23, v1;
	_ =	sdelay $0x1  }
0x24b: {  	v1 =	vmul.f32 $7.812500000e-03, v1;
	_ =	sdelay $0x1  }
0x24c: {  	[tilespmem:$0x12690] =	vst v1  }
0x24d: {  	v1 =	vld.idx.msk [tilespmem:v32+s1+$0x0], $0xffff  }
0x24e: {  	v2 =	vld.idx.msk [tilespmem:v33+s1+$0x0], $0xffff;
	_ =	sdelay $0x1  }
0x24f: {  	v3 =	vld.idx.msk [tilespmem:v34+s1+$0x0], $0xffff;
	_ =	sdelay $0x1  }
0x250: {  	v8 =	vld.idx.msk [tilespmem:v35+s1+$0x0], $0xffff  }
0x251: {  	v1 =	vadd.f32 v2, v1  }
0x252: {  	v2 =	vld.idx.msk [tilespmem:v36+s1+$0x0], $0xffff  }
0x253: {  	v1 =	vadd.f32 v3, v1  }
0x254: {  	v3 =	vld.idx.msk [tilespmem:v37+s1+$0x0], $0xffff  }
0x255: {  	v1 =	vadd.f32 v8, v1  }
0x256: {  	v9 =	vld.idx.msk [tilespmem:v38+s1+$0x0], $0xffff  }
0x257: {  	v1 =	vadd.f32 v2, v1  }
0x258: {  	v2 =	vld.idx.msk [tilespmem:v39+s1+$0x0], $0xffff  }
0x259: {  	v1 =	vadd.f32 v3, v1  }
0x25a: {  	v3 =	vld.idx.msk [tilespmem:v40+s1+$0x0], $0xffff  }
0x25b: {  	v1 =	vadd.f32 v9, v1  }
0x25c: {  	v10 =	vld.idx.msk [tilespmem:v41+s1+$0x0], $0xffff  }
0x25d: {  	v1 =	vadd.f32 v2, v1  }
0x25e: {  	v2 =	vld.idx.msk [tilespmem:v42+s1+$0x0], $0xffff  }
0x25f: {  	v1 =	vadd.f32 v3, v1  }
0x260: {  	v3 =	vld.idx.msk [tilespmem:v43+s1+$0x0], $0xffff  }
0x261: {  	v1 =	vadd.f32 v10, v1  }
0x262: {  	v11 =	vld.idx.msk [tilespmem:v44+s1+$0x0], $0xffff  }
0x263: {  	v1 =	vadd.f32 v2, v1  }
0x264: {  	v2 =	vld.idx.msk [tilespmem:v45+s1+$0x0], $0xffff  }
0x265: {  	v1 =	vadd.f32 v3, v1  }
0x266: {  	v3 =	vld.idx.msk [tilespmem:v46+s1+$0x0], $0xffff  }
0x267: {  	v1 =	vadd.f32 v11, v1  }
0x268: {  	v18 =	vld.idx.msk [tilespmem:v47+s1+$0x0], $0xffff  }
0x269: {  	v1 =	vadd.f32 v2, v1;
	_ =	sdelay $0x1  }
0x26a: {  	v1 =	vadd.f32 v3, v1;
	_ =	sdelay $0x1  }
0x26b: {  	v1 =	vadd.f32 v18, v1;
	_ =	sdelay $0x1  }
0x26c: {  	v1 =	vmul.f32 $7.812500000e-03, v1;
	_ =	sdelay $0x1  }
0x26d: {  	[tilespmem:$0x126A0] =	vst v1  }
0x26e: {  	v1 =	vld.idx.msk [tilespmem:v48+s1+$0x0], $0xffff  }
0x26f: {  	v2 =	vld.idx.msk [tilespmem:v49+s1+$0x0], $0xffff;
	_ =	sdelay $0x1  }
0x270: {  	v3 =	vld.idx.msk [tilespmem:v50+s1+$0x0], $0xffff;
	_ =	sdelay $0x1  }
0x271: {  	v19 =	vld.idx.msk [tilespmem:v51+s1+$0x0], $0xffff  }
0x272: {  	v1 =	vadd.f32 v2, v1  }
0x273: {  	v2 =	vld.idx.msk [tilespmem:v52+s1+$0x0], $0xffff  }
0x274: {  	v1 =	vadd.f32 v3, v1  }
0x275: {  	v3 =	vld.idx.msk [tilespmem:v53+s1+$0x0], $0xffff  }
0x276: {  	v1 =	vadd.f32 v19, v1  }
0x277: {  	v20 =	vld.idx.msk [tilespmem:v54+s1+$0x0], $0xffff  }
0x278: {  	v1 =	vadd.f32 v2, v1  }
0x279: {  	v2 =	vld.idx.msk [tilespmem:v55+s1+$0x0], $0xffff  }
0x27a: {  	v1 =	vadd.f32 v3, v1  }
0x27b: {  	v3 =	vld.idx.msk [tilespmem:v56+s1+$0x0], $0xffff  }
0x27c: {  	v1 =	vadd.f32 v20, v1  }
0x27d: {  	v21 =	vld.idx.msk [tilespmem:v57+s1+$0x0], $0xffff  }
0x27e: {  	v1 =	vadd.f32 v2, v1  }
0x27f: {  	v2 =	vld.idx.msk [tilespmem:v58+s1+$0x0], $0xffff  }
0x280: {  	v1 =	vadd.f32 v3, v1  }
0x281: {  	v3 =	vld.idx.msk [tilespmem:v59+s1+$0x0], $0xffff  }
0x282: {  	v1 =	vadd.f32 v21, v1  }
0x283: {  	v22 =	vld.idx.msk [tilespmem:v60+s1+$0x0], $0xffff  }
0x284: {  	v1 =	vadd.f32 v2, v1  }
0x285: {  	v2 =	vld.idx.msk [tilespmem:v61+s1+$0x0], $0xffff  }
0x286: {  	v1 =	vadd.f32 v3, v1  }
0x287: {  	v3 =	vld.idx.msk [tilespmem:v62+s1+$0x0], $0xffff  }
0x288: {  	v1 =	vadd.f32 v22, v1  }
0x289: {  	v23 =	vld.idx.msk [tilespmem:v63+s1+$0x0], $0xffff  }
0x28a: {  	v1 =	vadd.f32 v2, v1;
	_ =	sdelay $0x1  }
0x28b: {  	v1 =	vadd.f32 v3, v1;
	_ =	sdelay $0x1  }
0x28c: {  	v1 =	vadd.f32 v23, v1  }
.Ltmp4:
0x28d: {  	_ = 	snop;
	(pc) =	sbr.rel @!p1 .LBB2_10-.Ltmp4, $4  }
0x28e: {  	s17 =	sadd.s32 s6, s22;
	v1 =	vmul.f32 $7.812500000e-03, v1  }
0x28f: {  	s13 =	sshrl.u32 s17, $0x3  }
0x290: {  	s13 =	sadd.s32 s3, s13;
	[tilespmem:$0x126B0] =	vst v1  }
0x291: {  	[hbm4b:s13+s5] =	stream.linear.scatter [tilespmem:s26], [sflag:$0x7], $0x80, $0x38;
	[tilespmem:$0x12F70] =	vst v63  }
0x292: {  	_ =	swait.ge [sflag:s28], $0x1000  }
.Ltmp5:
0x293: {  	[sflag:s28] =	ssyncset.done $0x0;
	(pc) =	sbr.rel .LBB2_12-.Ltmp5, $4  }
0x294: {  	[sflag:s28] =	ssyncadd.s32 $0xFFFFF000  }
0x295: {  	_ =	swait.ge [sflag:s28], $0x1000  }
0x296: {  	[sflag:s28] =	ssyncset.done $0x0  }
0x297: {  	[sflag:s28] =	ssyncadd.s32 $0xFFFFF000  }
.LBB2_10:
0x298: {  	_ =	swait.ge [sflag:s23], $0x80  }
0x299: {  	[sflag:s23] =	ssyncset.done $0x0  }
0x29a: {  	[sflag:s23] =	ssyncadd.s32 $0xFFFFFF80  }
0x29b: {  	_ =	swait.ge [sflag:s23], $0x80  }
0x29c: {  	[sflag:s23] =	ssyncset.done $0x0  }
0x29d: {  	s13 =	simm.s32 $0x9C40;
	s14 =	simm.s32 $0x9E40;
	[sflag:s23] =	ssyncadd.s32 $0xFFFFFF80  }
0x29e: {  	[tilespmem:s14], [sflag:$0x3] =	stream.indirect.gather [spmem:s4], $0x40, s13, s24, $0xb8;
	[tilespmem:$0x12F70] =	vst v63  }
0x29f: {  	s16 =	simm.s32 $0x9D40;
	s17 =	simm.s32 $0xDE40  }
0x2a0: {  	[tilespmem:s17], [sflag:$0x3] =	stream.indirect.gather [spmem:s4], $0x40, s16, s24, $0xb8;
	[tilespmem:$0x12F70] =	vst v63  }
0x2a1: {  	s16 =	simm.s32 $0x9C80;
	s17 =	simm.s32 $0xAE40  }
0x2a2: {  	[tilespmem:s17], [sflag:$0x5] =	stream.indirect.gather [spmem:s4], $0x40, s16, s24, $0xb8;
	[tilespmem:$0x12F70] =	vst v63  }
0x2a3: {  	s16 =	simm.s32 $0x9D80;
	s17 =	simm.s32 $0xEE40  }
0x2a4: {  	[tilespmem:s17], [sflag:$0x5] =	stream.indirect.gather [spmem:s4], $0x40, s16, s24, $0xb8;
	[tilespmem:$0x12F70] =	vst v63  }
0x2a5: {  	_ =	swait.ge [sflag:s28], $0x1000  }
0x2a6: {  	[sflag:s28] =	ssyncset.done $0x0  }
0x2a7: {  	[sflag:s28] =	ssyncadd.s32 $0xFFFFF000  }
0x2a8: {  	_ =	swait.ge [sflag:s28], $0x1000  }
0x2a9: {  	s16 =	rddreg [dreg:$0x9]  }
0x2aa: {  	s13 =	sadd.s32 s22, s16  }
.Ltmp6:
0x2ab: {  	[sflag:s28] =	ssyncset.done $0x0;
	s13 =	sshrl.u32 s13, $0x3;
	(pc) =	sbr.rel @p0 .LBB2_13-.Ltmp6, $4  }
0x2ac: {  	[sflag:s28] =	ssyncadd.s32 $0xFFFFF000;
	s17 =	sadd.s32 s7, s13  }
0x2ad: {  	[tilespmem:s0], [sflag:$0x2] =	stream.linear.gather [hbm4b:s17+s5], $0x80, $0x38;
	[tilespmem:$0x12F70] =	vst v63  }
0x2ae: {  	s13 =	sadd.s32 s8, s13  }
0x2af: {  	[tilespmem:s10], [sflag:$0x2] =	stream.linear.gather [hbm4b:s13+s5], $0x80, $0x38;
	[tilespmem:$0x12F70] =	vst v63  }
.LBB2_12:
0x2b0: {  	_ =	swait.ge [sflag:s29], $0x80  }
0x2b1: {  	[sflag:s29] =	ssyncset.done $0x0  }
0x2b2: {  	[sflag:s29] =	ssyncadd.s32 $0xFFFFFF80  }
.LBB2_13:
0x2b3: {  	s14 =	simm.s32 $0xC030  }
0x2b4: {  	s16 =	simm.s32 $0x10030;
	v1 =	vld [tilespmem:s14+$0xFFFFFFD0]  }
0x2b5: {  	v2 =	vld [tilespmem:s16+$0xFFFFFFD0]  }
0x2b6: {  	v3 =	vld [tilespmem:s14+$0xFFFFFFE0]  }
0x2b7: {  	v4 =	vld [tilespmem:s16+$0xFFFFFFE0]  }
0x2b8: {  	v5 =	vld [tilespmem:s16+$0xFFFFFE10]  }
0x2b9: {  	v6 =	vld [tilespmem:s14+$0xFFFFFE50]  }
0x2ba: {  	v7 =	vld [tilespmem:s14+$0xFFFFFFF0]  }
0x2bb: {  	v8 =	vld [tilespmem:s16+$0xFFFFFFF0]  }
0x2bc: {  	v9 =	vld [tilespmem:s16+$0xFFFFFE50]  }
0x2bd: {  	v10 =	vld [tilespmem:s14+$0xFFFFFE90]  }
0x2be: {  	v11 =	vld [tilespmem:s14+$0x0]  }
0x2bf: {  	v12 =	vld [tilespmem:s16+$0x0]  }
0x2c0: {  	v16 =	vld [tilespmem:s16+$0xFFFFFE90]  }
0x2c1: {  	v17 =	vld [tilespmem:s14+$0xFFFFFED0]  }
0x2c2: {  	v18 =	vld [tilespmem:s14+$0xFFFFFF10]  }
0x2c3: {  	v21 =	vld [tilespmem:s16+$0xFFFFFF50]  }
0x2c4: {  	v22 =	vld [tilespmem:s14+$0xFFFFFE20]  }
0x2c5: {  	v25 =	vld [tilespmem:s16+$0xFFFFFFA0]  }
0x2c6: {  	v1 =	vmul.bf16 v2, v1;
	v2 =	vld [tilespmem:s16+$0xFFFFFED0]  }
0x2c7: {  	v3 =	vmul.bf16 v4, v3;
	v4 =	vld [tilespmem:s16+$0xFFFFFF10]  }
0x2c8: {  	v7 =	vmul.bf16 v8, v7;
	v8 =	vld [tilespmem:s16+$0xFFFFFF90];
	v19 =	vunpack.i.u.bf16.f32 v1;
	v1 =	vunpack.i.l.bf16.f32 v1  }
0x2c9: {  	v11 =	vmul.bf16 v12, v11;
	v12 =	vld [tilespmem:s14+$0xFFFFFE60];
	v1 =	vadd.f32 v1, v19  }
0x2ca: {  	v6 =	vmul.bf16 v9, v6;
	v10 =	vmul.bf16 v16, v10;
	v20 =	vunpack.i.l.bf16.f32 v3;
	v19 =	vld [tilespmem:s14+$0xFFFFFF50]  }
0x2cb: {  	v3 =	vunpack.i.u.bf16.f32 v3;
	v9 =	vunpack.i.l.bf16.f32 v7;
	v1 =	vadd.f32 v20, v1;
	v20 =	vld [tilespmem:s14+$0xFFFFFF90]  }
0x2cc: {  	v23 =	vunpack.i.u.bf16.f32 v6;
	v7 =	vunpack.i.u.bf16.f32 v7;
	v2 =	vmul.bf16 v2, v17;
	v17 =	vld [tilespmem:s14+$0xFFFFFEA0]  }
0x2cd: {  	v6 =	vunpack.i.l.bf16.f32 v6;
	v16 =	vunpack.i.l.bf16.f32 v11;
	v1 =	vadd.f32 v1, v3;
	v3 =	vld [tilespmem:s14+$0xFFFFFE10]  }
0x2ce: {  	v6 =	vadd.f32 v6, v23;
	v23 =	vunpack.i.u.bf16.f32 v10;
	v4 =	vmul.bf16 v4, v18;
	v18 =	vld [tilespmem:s14+$0xFFFFFEE0]  }
0x2cf: {  	v10 =	vunpack.i.l.bf16.f32 v10;
	v19 =	vmul.bf16 v21, v19;
	v21 =	vld [tilespmem:s14+$0xFFFFFF20];
	v1 =	vadd.f32 v9, v1  }
0x2d0: {  	v10 =	vadd.f32 v10, v23;
	v24 =	vunpack.i.u.bf16.f32 v2;
	v2 =	vunpack.i.l.bf16.f32 v2;
	v9 =	vld [tilespmem:s16+$0xFFFFFE20]  }
0x2d1: {  	v23 =	vunpack.i.u.bf16.f32 v4;
	v8 =	vmul.bf16 v8, v20;
	v20 =	vld [tilespmem:s14+$0xFFFFFF60];
	v1 =	vadd.f32 v1, v7  }
0x2d2: {  	v4 =	vunpack.i.l.bf16.f32 v4;
	v2 =	vadd.f32 v2, v24;
	v7 =	vld [tilespmem:s16+$0xFFFFFE60];
	v3 =	vmul.bf16 v5, v3  }
0x2d3: {  	v11 =	vunpack.i.u.bf16.f32 v11;
	v4 =	vadd.f32 v4, v23;
	v5 =	vld [tilespmem:s16+$0xFFFFFF20];
	v1 =	vadd.f32 v16, v1  }
0x2d4: {  	v23 =	vunpack.i.u.bf16.f32 v19;
	v19 =	vunpack.i.l.bf16.f32 v19;
	v16 =	vld [tilespmem:s16+$0xFFFFFEA0];
	v24 =	vunpack.i.u.bf16.f32 v3  }
0x2d5: {  	v3 =	vunpack.i.l.bf16.f32 v3;
	v9 =	vmul.bf16 v9, v22;
	v1 =	vadd.f32 v1, v11;
	v11 =	vld [tilespmem:s16+$0xFFFFFEE0]  }
0x2d6: {  	v19 =	vadd.f32 v19, v23;
	v23 =	vunpack.i.u.bf16.f32 v8;
	v22 =	vld [tilespmem:s16+$0xFFFFFF60];
	v3 =	vadd.f32 v3, v24  }
0x2d7: {  	v8 =	vunpack.i.l.bf16.f32 v8;
	v7 =	vmul.bf16 v7, v12;
	v12 =	vld [tilespmem:s14+$0xFFFFFFA0];
	v24 =	vunpack.i.l.bf16.f32 v9  }
0x2d8: {  	v8 =	vadd.f32 v8, v23;
	v3 =	vadd.f32 v24, v3;
	v5 =	vmul.bf16 v5, v21;
	v21 =	vld [tilespmem:s16+$0xFFFFFEB0]  }
0x2d9: {  	v9 =	vunpack.i.u.bf16.f32 v9;
	v24 =	vunpack.i.l.bf16.f32 v7;
	v16 =	vmul.bf16 v16, v17;
	v17 =	vld [tilespmem:s14+$0xFFFFFE30]  }
0x2da: {  	v6 =	vadd.f32 v24, v6;
	v3 =	vadd.f32 v3, v9;
	v9 =	vld [tilespmem:s14+$0xFFFFFE70];
	v11 =	vmul.bf16 v11, v18  }
0x2db: {  	v7 =	vunpack.i.u.bf16.f32 v7;
	v20 =	vmul.bf16 v22, v20;
	v18 =	vld [tilespmem:s16+$0xFFFFFE30];
	v23 =	vunpack.i.l.bf16.f32 v16  }
0x2dc: {  	v24 =	vld [tilespmem:s16+$0xFFFFFE70];
	v6 =	vadd.f32 v6, v7;
	v10 =	vadd.f32 v23, v10;
	v7 =	vunpack.i.l.bf16.f32 v11  }
0x2dd: {  	v22 =	vld [tilespmem:s16+$0xFFFFFEF0];
	v16 =	vunpack.i.u.bf16.f32 v16;
	v12 =	vmul.bf16 v25, v12;
	v2 =	vadd.f32 v7, v2  }
0x2de: {  	v11 =	vunpack.i.u.bf16.f32 v11;
	v7 =	vld [tilespmem:s14+$0xFFFFFEB0];
	v10 =	vadd.f32 v10, v16;
	v16 =	vunpack.i.l.bf16.f32 v5  }
0x2df: {  	v4 =	vadd.f32 v16, v4;
	v16 =	vunpack.i.l.bf16.f32 v20;
	v2 =	vadd.f32 v2, v11;
	v11 =	vld [tilespmem:s14+$0xFFFFFEF0]  }
0x2e0: {  	v5 =	vunpack.i.u.bf16.f32 v5;
	v16 =	vadd.f32 v16, v19;
	v17 =	vmul.bf16 v18, v17;
	v18 =	vld [tilespmem:s14+$0xFFFFFF30]  }
0x2e1: {  	v19 =	vunpack.i.u.bf16.f32 v20;
	v20 =	vld [tilespmem:s16+$0xFFFFFF30];
	v4 =	vadd.f32 v4, v5;
	v5 =	vunpack.i.l.bf16.f32 v12  }
0x2e2: {  	v16 =	vadd.f32 v16, v19;
	v5 =	vadd.f32 v5, v8;
	v8 =	vunpack.i.l.bf16.f32 v17;
	v19 =	vld [tilespmem:s14+$0xFFFFFF70]  }
0x2e3: {  	v9 =	vmul.bf16 v24, v9;
	v12 =	vunpack.i.u.bf16.f32 v12;
	v3 =	vadd.f32 v8, v3;
	v8 =	vld [tilespmem:s16+$0xFFFFFF70]  }
0x2e4: {  	v17 =	vunpack.i.u.bf16.f32 v17;
	v7 =	vmul.bf16 v21, v7;
	v5 =	vadd.f32 v5, v12;
	v12 =	vld [tilespmem:s14+$0xFFFFFFB0]  }
0x2e5: {  	v21 =	vunpack.i.u.bf16.f32 v9;
	v9 =	vunpack.i.l.bf16.f32 v9;
	v11 =	vmul.bf16 v22, v11;
	v22 =	vld [tilespmem:s16+$0xFFFFFFB0]  }
0x2e6: {  	v23 =	vadd.f32 v3, v17;
	v3 =	vadd.f32 v9, v6;
	v6 =	vunpack.i.l.bf16.f32 v7;
	v9 =	vld [tilespmem:s14+$0xFFFFFE40]  }
0x2e7: {  	v17 =	vmul.bf16 v20, v18;
	v18 =	vld [tilespmem:s16+$0xFFFFFE40];
	v6 =	vadd.f32 v6, v10;
	v10 =	vunpack.i.l.bf16.f32 v11  }
0x2e8: {  	v7 =	vunpack.i.u.bf16.f32 v7;
	v2 =	vadd.f32 v10, v2;
	v10 =	vld [tilespmem:s14+$0xFFFFFE80];
	v8 =	vmul.bf16 v8, v19  }
0x2e9: {  	v19 =	vadd.f32 v3, v21;
	v3 =	vunpack.i.u.bf16.f32 v11;
	v11 =	vadd.f32 v6, v7;
	v6 =	vld [tilespmem:s16+$0xFFFFFE80]  }
0x2ea: {  	v20 =	vld [tilespmem:s14+$0xFFFFFEC0];
	v7 =	vunpack.i.l.bf16.f32 v17;
	v2 =	vadd.f32 v2, v3;
	v3 =	vunpack.i.l.bf16.f32 v8  }
0x2eb: {  	v4 =	vadd.f32 v7, v4;
	v7 =	vmul.bf16 v22, v12;
	v12 =	vld [tilespmem:s16+$0xFFFFFEC0];
	v3 =	vadd.f32 v3, v16  }
0x2ec: {  	v21 =	vld [tilespmem:s14+$0xFFFFFF00];
	v8 =	vunpack.i.u.bf16.f32 v8;
	v9 =	vmul.bf16 v18, v9;
	v16 =	vunpack.i.u.bf16.f32 v17  }
0x2ed: {  	v16 =	vadd.f32 v4, v16;
	v4 =	vunpack.i.l.bf16.f32 v7;
	v3 =	vadd.f32 v3, v8;
	v8 =	vld [tilespmem:s16+$0xFFFFFF00]  }
0x2ee: {  	v18 =	vld [tilespmem:s16+$0xFFFFFF40];
	v4 =	vadd.f32 v4, v5;
	v5 =	vunpack.i.l.bf16.f32 v9;
	v10 =	vmul.bf16 v6, v10  }
0x2ef: {  	v17 =	vld [tilespmem:s14+$0xFFFFFF40];
	v6 =	vunpack.i.u.bf16.f32 v7;
	v7 =	vunpack.i.u.bf16.f32 v9;
	v9 =	vadd.f32 v5, v23  }
0x2f0: {  	v5 =	vld [tilespmem:s14+$0xFFFFFF80];
	v4 =	vadd.f32 v4, v6;
	v6 =	vunpack.i.l.bf16.f32 v10;
	v12 =	vmul.bf16 v12, v20  }
0x2f1: {  	s13 =	simm.s32 $0x11E80;
	v10 =	vunpack.i.u.bf16.f32 v10;
	v9 =	vadd.f32 v9, v7;
	v19 =	vadd.f32 v6, v19;
	v6 =	vld [tilespmem:s16+$0xFFFFFF80]  }
0x2f2: {  	[tilespmem:s13+$0x30] =	vst v1;
	v1 =	vld [tilespmem:s14+$0xFFFFFFC0];
	v7 =	vunpack.i.u.bf16.f32 v12;
	v12 =	vunpack.i.l.bf16.f32 v12;
	v8 =	vmul.bf16 v8, v21  }
0x2f3: {  	s17 =	simm.s32 $0xC230;
	s14 =	simm.s32 $0x0;
	[tilespmem:s13+$0xFFFFFFC0] =	vst v9;
	v20 =	vadd.f32 v19, v10;
	v21 =	vadd.f32 v12, v11;
	v19 =	vld [tilespmem:s16+$0xFFFFFFC0]  }
.LBB2_14:
0x2f4: {  	v9 =	vld [tilespmem:s17+$0xFFFFFFD0];
	v10 =	vunpack.i.u.bf16.f32 v8;
	v8 =	vunpack.i.l.bf16.f32 v8;
	v11 =	vmul.bf16 v18, v17;
	s16 =	sadd.s32 $0x200, s16  }
0x2f5: {  	s14 =	sadd.s32 $0x8, s14;
	v12 =	vld [tilespmem:s16+$0xFFFFFFD0];
	[tilespmem:s13+$0xFFFFFFD0] =	vst v20;
	v7 =	vadd.f32 v21, v7;
	v2 =	vadd.f32 v8, v2  }
0x2f6: {  	p0 =	slt.u32 s14, $0x38;
	v8 =	vld [tilespmem:s17+$0xFFFFFFE0];
	v17 =	vunpack.i.u.bf16.f32 v11;
	v11 =	vunpack.i.l.bf16.f32 v11;
	v5 =	vmul.bf16 v6, v5  }
0x2f7: {  	v6 =	vld [tilespmem:s16+$0xFFFFFFE0];
	[tilespmem:s13+$0xFFFFFFE0] =	vst v7;
	v2 =	vadd.f32 v2, v10;
	v7 =	vadd.f32 v11, v16  }
0x2f8: {  	v10 =	vld [tilespmem:s16+$0xFFFFFE10];
	v11 =	vunpack.i.u.bf16.f32 v5;
	v5 =	vunpack.i.l.bf16.f32 v5;
	v1 =	vmul.bf16 v19, v1  }
0x2f9: {  	v16 =	vld [tilespmem:s17+$0xFFFFFE50];
	[tilespmem:s13+$0xFFFFFFF0] =	vst v2;
	v2 =	vadd.f32 v7, v17;
	v3 =	vadd.f32 v5, v3  }
0x2fa: {  	v5 =	vmul.bf16 v12, v9;
	v7 =	vld [tilespmem:s17+$0xFFFFFFF0];
	v9 =	vunpack.i.u.bf16.f32 v1;
	v1 =	vunpack.i.l.bf16.f32 v1  }
0x2fb: {  	v12 =	vld [tilespmem:s16+$0xFFFFFFF0];
	[tilespmem:s13+$0x0] =	vst v2;
	v2 =	vadd.f32 v3, v11;
	v1 =	vadd.f32 v1, v4  }
0x2fc: {  	v3 =	vld [tilespmem:s16+$0xFFFFFE50];
	v4 =	vunpack.i.u.bf16.f32 v5;
	v5 =	vunpack.i.l.bf16.f32 v5;
	v6 =	vmul.bf16 v6, v8  }
0x2fd: {  	v8 =	vld [tilespmem:s17+$0xFFFFFE90];
	v4 =	vadd.f32 v5, v4;
	[tilespmem:s13+$0x10] =	vst v2;
	v1 =	vadd.f32 v1, v9  }
0x2fe: {  	v2 =	vunpack.i.l.bf16.f32 v6;
	v5 =	vld [tilespmem:s17+$0x0]  }
0x2ff: {  	v2 =	vadd.f32 v2, v4;
	v4 =	vld [tilespmem:s16+$0x0];
	[tilespmem:s13+$0x20] =	vst v1  }
0x300: {  	v6 =	vunpack.i.u.bf16.f32 v6;
	v1 =	vld [tilespmem:s16+$0xFFFFFE90];
	v7 =	vmul.bf16 v12, v7  }
0x301: {  	v3 =	vmul.bf16 v3, v16;
	v9 =	vld [tilespmem:s17+$0xFFFFFED0];
	v2 =	vadd.f32 v2, v6  }
0x302: {  	v6 =	vld [tilespmem:s16+$0xFFFFFED0];
	v11 =	vunpack.i.l.bf16.f32 v7  }
0x303: {  	v12 =	vunpack.i.u.bf16.f32 v3;
	v3 =	vunpack.i.l.bf16.f32 v3;
	v16 =	vld [tilespmem:s17+$0xFFFFFF10];
	v2 =	vadd.f32 v11, v2  }
0x304: {  	v7 =	vunpack.i.u.bf16.f32 v7;
	v3 =	vadd.f32 v3, v12;
	v11 =	vld [tilespmem:s16+$0xFFFFFF10];
	v4 =	vmul.bf16 v4, v5  }
0x305: {  	v1 =	vmul.bf16 v1, v8;
	v5 =	vld [tilespmem:s17+$0xFFFFFF50];
	v2 =	vadd.f32 v2, v7  }
0x306: {  	v7 =	vld [tilespmem:s16+$0xFFFFFF50];
	v8 =	vunpack.i.l.bf16.f32 v4  }
0x307: {  	v12 =	vunpack.i.u.bf16.f32 v1;
	v6 =	vmul.bf16 v6, v9;
	v9 =	vld [tilespmem:s17+$0xFFFFFF90];
	v2 =	vadd.f32 v8, v2  }
0x308: {  	v4 =	vunpack.i.u.bf16.f32 v4;
	v1 =	vunpack.i.l.bf16.f32 v1;
	v8 =	vld [tilespmem:s16+$0xFFFFFF90]  }
0x309: {  	v17 =	vld [tilespmem:s17+$0xFFFFFE10];
	v18 =	vunpack.i.u.bf16.f32 v6;
	v11 =	vmul.bf16 v11, v16;
	v2 =	vadd.f32 v2, v4  }
0x30a: {  	s13 =	sadd.s32 $0x80, s13;
	v1 =	vadd.f32 v1, v12;
	v6 =	vunpack.i.l.bf16.f32 v6;
	v4 =	vld [tilespmem:s17+$0xFFFFFE20]  }
0x30b: {  	v12 =	vld [tilespmem:s16+$0xFFFFFE20];
	v16 =	vunpack.i.u.bf16.f32 v11;
	v11 =	vunpack.i.l.bf16.f32 v11;
	v5 =	vmul.bf16 v7, v5;
	[tilespmem:s13+$0x30] =	vst v2  }
0x30c: {  	v6 =	vadd.f32 v6, v18;
	v2 =	vld [tilespmem:s17+$0xFFFFFE60];
	v7 =	vadd.f32 v11, v16  }
0x30d: {  	v11 =	vld [tilespmem:s16+$0xFFFFFE60];
	v16 =	vunpack.i.u.bf16.f32 v5;
	v5 =	vunpack.i.l.bf16.f32 v5;
	v8 =	vmul.bf16 v8, v9  }
0x30e: {  	v9 =	vmul.bf16 v10, v17;
	v10 =	vld [tilespmem:s17+$0xFFFFFEA0];
	v5 =	vadd.f32 v5, v16  }
0x30f: {  	v16 =	vld [tilespmem:s16+$0xFFFFFEA0];
	v17 =	vunpack.i.u.bf16.f32 v8;
	v8 =	vunpack.i.l.bf16.f32 v8  }
0x310: {  	v18 =	vunpack.i.u.bf16.f32 v9;
	v9 =	vunpack.i.l.bf16.f32 v9;
	v4 =	vmul.bf16 v12, v4;
	v12 =	vld [tilespmem:s17+$0xFFFFFEE0]  }
0x311: {  	v8 =	vadd.f32 v8, v17;
	v9 =	vadd.f32 v9, v18;
	v18 =	vld [tilespmem:s16+$0xFFFFFEE0]  }
0x312: {  	v17 =	vunpack.i.u.bf16.f32 v4;
	v4 =	vunpack.i.l.bf16.f32 v4;
	v2 =	vmul.bf16 v11, v2;
	v11 =	vld [tilespmem:s17+$0xFFFFFF20]  }
0x313: {  	v4 =	vadd.f32 v4, v9;
	v9 =	vld [tilespmem:s16+$0xFFFFFF20]  }
0x314: {  	v19 =	vunpack.i.u.bf16.f32 v2;
	v2 =	vunpack.i.l.bf16.f32 v2;
	v10 =	vmul.bf16 v16, v10;
	v16 =	vld [tilespmem:s17+$0xFFFFFF60]  }
0x315: {  	v4 =	vadd.f32 v4, v17;
	v2 =	vadd.f32 v2, v3;
	v3 =	vld [tilespmem:s16+$0xFFFFFF60]  }
0x316: {  	v17 =	vunpack.i.u.bf16.f32 v10;
	v10 =	vunpack.i.l.bf16.f32 v10;
	v12 =	vmul.bf16 v18, v12;
	v18 =	vld [tilespmem:s17+$0xFFFFFFA0]  }
0x317: {  	v2 =	vadd.f32 v2, v19;
	v1 =	vadd.f32 v10, v1;
	v10 =	vld [tilespmem:s16+$0xFFFFFFA0]  }
0x318: {  	v19 =	vld [tilespmem:s17+$0xFFFFFE30];
	v20 =	vunpack.i.u.bf16.f32 v12;
	v12 =	vunpack.i.l.bf16.f32 v12;
	v9 =	vmul.bf16 v9, v11  }
0x319: {  	v11 =	vld [tilespmem:s16+$0xFFFFFE30];
	v1 =	vadd.f32 v1, v17;
	v6 =	vadd.f32 v12, v6  }
0x31a: {  	v12 =	vld [tilespmem:s17+$0xFFFFFE70];
	v17 =	vunpack.i.u.bf16.f32 v9;
	v9 =	vunpack.i.l.bf16.f32 v9;
	v3 =	vmul.bf16 v3, v16  }
0x31b: {  	v16 =	vld [tilespmem:s16+$0xFFFFFE70];
	v6 =	vadd.f32 v6, v20;
	v7 =	vadd.f32 v9, v7  }
0x31c: {  	v9 =	vld [tilespmem:s17+$0xFFFFFEB0];
	v20 =	vunpack.i.u.bf16.f32 v3;
	v3 =	vunpack.i.l.bf16.f32 v3;
	v10 =	vmul.bf16 v10, v18  }
0x31d: {  	v18 =	vld [tilespmem:s16+$0xFFFFFEB0];
	v7 =	vadd.f32 v7, v17;
	v3 =	vadd.f32 v3, v5  }
0x31e: {  	v5 =	vmul.bf16 v11, v19;
	v11 =	vld [tilespmem:s17+$0xFFFFFEF0];
	v17 =	vunpack.i.u.bf16.f32 v10;
	v10 =	vunpack.i.l.bf16.f32 v10  }
0x31f: {  	v19 =	vld [tilespmem:s16+$0xFFFFFEF0];
	v3 =	vadd.f32 v3, v20;
	v8 =	vadd.f32 v10, v8  }
0x320: {  	v10 =	vunpack.i.u.bf16.f32 v5;
	v5 =	vunpack.i.l.bf16.f32 v5;
	v12 =	vmul.bf16 v16, v12;
	v16 =	vld [tilespmem:s17+$0xFFFFFF30]  }
0x321: {  	v4 =	vadd.f32 v5, v4;
	v5 =	vld [tilespmem:s16+$0xFFFFFF30];
	v8 =	vadd.f32 v8, v17  }
0x322: {  	v17 =	vunpack.i.u.bf16.f32 v12;
	v12 =	vunpack.i.l.bf16.f32 v12;
	v9 =	vmul.bf16 v18, v9;
	v18 =	vld [tilespmem:s17+$0xFFFFFF70]  }
0x323: {  	v4 =	vadd.f32 v4, v10;
	v2 =	vadd.f32 v12, v2;
	v10 =	vld [tilespmem:s16+$0xFFFFFF70]  }
0x324: {  	v12 =	vunpack.i.u.bf16.f32 v9;
	v9 =	vunpack.i.l.bf16.f32 v9;
	v11 =	vmul.bf16 v19, v11;
	v19 =	vld [tilespmem:s17+$0xFFFFFFB0]  }
0x325: {  	v20 =	vadd.f32 v2, v17;
	v1 =	vadd.f32 v9, v1;
	v9 =	vld [tilespmem:s16+$0xFFFFFFB0]  }
0x326: {  	v17 =	vld [tilespmem:s17+$0xFFFFFE40];
	v2 =	vunpack.i.u.bf16.f32 v11;
	v11 =	vunpack.i.l.bf16.f32 v11;
	v5 =	vmul.bf16 v5, v16  }
0x327: {  	v21 =	vld [tilespmem:s16+$0xFFFFFE40];
	v12 =	vadd.f32 v1, v12;
	v1 =	vadd.f32 v11, v6  }
0x328: {  	v6 =	vld [tilespmem:s17+$0xFFFFFE80];
	v11 =	vunpack.i.u.bf16.f32 v5;
	v5 =	vunpack.i.l.bf16.f32 v5;
	v10 =	vmul.bf16 v10, v18  }
0x329: {  	v18 =	vld [tilespmem:s16+$0xFFFFFE80];
	v2 =	vadd.f32 v1, v2;
	v1 =	vadd.f32 v5, v7  }
0x32a: {  	v5 =	vld [tilespmem:s17+$0xFFFFFEC0];
	v7 =	vunpack.i.u.bf16.f32 v10;
	v10 =	vunpack.i.l.bf16.f32 v10;
	v9 =	vmul.bf16 v9, v19  }
0x32b: {  	v19 =	vld [tilespmem:s16+$0xFFFFFEC0];
	v16 =	vadd.f32 v1, v11;
	v1 =	vadd.f32 v10, v3  }
0x32c: {  	v10 =	vmul.bf16 v21, v17;
	v11 =	vld [tilespmem:s17+$0xFFFFFF00];
	v21 =	vunpack.i.u.bf16.f32 v9;
	v9 =	vunpack.i.l.bf16.f32 v9  }
0x32d: {  	v22 =	vld [tilespmem:s16+$0xFFFFFF00];
	v3 =	vadd.f32 v1, v7;
	v1 =	vadd.f32 v9, v8  }
0x32e: {  	v7 =	vunpack.i.u.bf16.f32 v10;
	v8 =	vunpack.i.l.bf16.f32 v10;
	v6 =	vmul.bf16 v18, v6;
	v17 =	vld [tilespmem:s17+$0xFFFFFF40]  }
.Ltmp7:
0x32f: {  	v8 =	vadd.f32 v8, v4;
	v18 =	vld [tilespmem:s16+$0xFFFFFF40];
	v4 =	vadd.f32 v1, v21;
	(pc) =	sbr.rel @p0 .LBB2_14-.Ltmp7, $4  }
0x330: {  	v9 =	vunpack.i.u.bf16.f32 v6;
	v1 =	vunpack.i.l.bf16.f32 v6;
	v10 =	vmul.bf16 v19, v5;
	v5 =	vld [tilespmem:s17+$0xFFFFFF80]  }
0x331: {  	v19 =	vadd.f32 v8, v7;
	v20 =	vadd.f32 v1, v20;
	v6 =	vld [tilespmem:s16+$0xFFFFFF80]  }
0x332: {  	v7 =	vunpack.i.u.bf16.f32 v10;
	v10 =	vunpack.i.l.bf16.f32 v10;
	v8 =	vmul.bf16 v22, v11;
	v1 =	vld [tilespmem:s17+$0xFFFFFFC0]  }
0x333: {  	s17 =	sadd.s32 $0x200, s17;
	[tilespmem:s13+$0xFFFFFFC0] =	vst v19;
	v20 =	vadd.f32 v20, v9;
	v21 =	vadd.f32 v10, v12;
	v19 =	vld [tilespmem:s16+$0xFFFFFFC0]  }
0x334: {  	_ =	sdelay $0x1  }
0x335: {  	v9 =	vunpack.i.u.bf16.f32 v8;
	v10 =	vmul.bf16 v18, v17  }
0x336: {  	v8 =	vunpack.i.l.bf16.f32 v8;
	v7 =	vadd.f32 v21, v7;
	v5 =	vmul.bf16 v6, v5  }
0x337: {  	v2 =	vadd.f32 v8, v2;
	v6 =	vunpack.i.l.bf16.f32 v10;
	v1 =	vmul.bf16 v19, v1  }
0x338: {  	v8 =	vunpack.i.u.bf16.f32 v10;
	v6 =	vadd.f32 v6, v16;
	v10 =	vunpack.i.l.bf16.f32 v5  }
0x339: {  	[tilespmem:s13+$0xFFFFFFD0] =	vst v20;
	v2 =	vadd.f32 v2, v9;
	v3 =	vadd.f32 v10, v3;
	v9 =	vunpack.i.l.bf16.f32 v1  }
0x33a: {  	[tilespmem:s13+$0xFFFFFFE0] =	vst v7;
	v5 =	vunpack.i.u.bf16.f32 v5;
	v6 =	vadd.f32 v6, v8;
	v4 =	vadd.f32 v9, v4  }
0x33b: {  	[tilespmem:s13+$0xFFFFFFF0] =	vst v2;
	v1 =	vunpack.i.u.bf16.f32 v1;
	v2 =	vadd.f32 v3, v5  }
0x33c: {  	[tilespmem:s13+$0x0] =	vst v6;
	v1 =	vadd.f32 v4, v1  }
0x33d: {  	[tilespmem:s13+$0x10] =	vst v2  }
0x33e: {  	[tilespmem:s13+$0x20] =	vst v1  }
0x33f: {  	v2 =	vld [tilespmem:$0x1FEA0];
	_ =	sdelay $0x1  }
0x340: {  	v3 =	vld [tilespmem:$0x1FEB0];
	_ =	sdelay $0x1  }
0x341: {  	v4 =	vld [tilespmem:$0x1FEC0];
	_ =	sdelay $0x2  }
0x342: {  	v1 =	vld.idx.msk [tilespmem:v0+s1+$0x0], $0xffff  }
0x343: {  	v2 =	vld.idx.msk [tilespmem:v2+s1+$0x0], $0xffff;
	_ =	sdelay $0x1  }
0x344: {  	v3 =	vld.idx.msk [tilespmem:v3+s1+$0x0], $0xffff;
	_ =	sdelay $0x1  }
0x345: {  	v4 =	vld.idx.msk [tilespmem:v4+s1+$0x0], $0xffff  }
0x346: {  	v1 =	vadd.f32 v2, v1;
	v2 =	vld [tilespmem:$0x1FED0];
	_ =	sdelay $0x1  }
0x347: {  	v1 =	vadd.f32 v3, v1;
	v3 =	vld [tilespmem:$0x1FEE0];
	_ =	sdelay $0x1  }
0x348: {  	v1 =	vadd.f32 v4, v1;
	v4 =	vld [tilespmem:$0x1FEF0];
	_ =	sdelay $0x3  }
0x349: {  	v2 =	vld.idx.msk [tilespmem:v2+s1+$0x0], $0xffff;
	_ =	sdelay $0x1  }
0x34a: {  	v3 =	vld.idx.msk [tilespmem:v3+s1+$0x0], $0xffff;
	_ =	sdelay $0x1  }
0x34b: {  	v4 =	vld.idx.msk [tilespmem:v4+s1+$0x0], $0xffff  }
0x34c: {  	v1 =	vadd.f32 v2, v1;
	v2 =	vld [tilespmem:$0x1FF00];
	_ =	sdelay $0x1  }
0x34d: {  	v1 =	vadd.f32 v3, v1;
	v3 =	vld [tilespmem:$0x1FF10];
	_ =	sdelay $0x1  }
0x34e: {  	v1 =	vadd.f32 v4, v1;
	v4 =	vld [tilespmem:$0x1FF20];
	_ =	sdelay $0x3  }
0x34f: {  	v2 =	vld.idx.msk [tilespmem:v2+s1+$0x0], $0xffff;
	_ =	sdelay $0x1  }
0x350: {  	v3 =	vld.idx.msk [tilespmem:v3+s1+$0x0], $0xffff;
	_ =	sdelay $0x1  }
0x351: {  	v4 =	vld.idx.msk [tilespmem:v4+s1+$0x0], $0xffff  }
0x352: {  	v1 =	vadd.f32 v2, v1;
	v2 =	vld [tilespmem:$0x1FF30];
	_ =	sdelay $0x1  }
0x353: {  	v1 =	vadd.f32 v3, v1;
	v3 =	vld [tilespmem:$0x1FF40];
	_ =	sdelay $0x1  }
0x354: {  	v1 =	vadd.f32 v4, v1;
	v4 =	vld [tilespmem:$0x1FF50];
	_ =	sdelay $0x3  }
0x355: {  	v2 =	vld.idx.msk [tilespmem:v2+s1+$0x0], $0xffff;
	_ =	sdelay $0x1  }
0x356: {  	v3 =	vld.idx.msk [tilespmem:v3+s1+$0x0], $0xffff;
	_ =	sdelay $0x1  }
0x357: {  	v4 =	vld.idx.msk [tilespmem:v4+s1+$0x0], $0xffff  }
0x358: {  	v1 =	vadd.f32 v2, v1  }
0x359: {  	v2 =	vld.idx.msk [tilespmem:v13+s1+$0x0], $0xffff  }
0x35a: {  	v1 =	vadd.f32 v3, v1  }
0x35b: {  	v3 =	vld.idx.msk [tilespmem:v14+s1+$0x0], $0xffff  }
0x35c: {  	v1 =	vadd.f32 v4, v1  }
0x35d: {  	v4 =	vld.idx.msk [tilespmem:v15+s1+$0x0], $0xffff  }
0x35e: {  	v1 =	vadd.f32 v2, v1;
	_ =	sdelay $0x1  }
0x35f: {  	v1 =	vadd.f32 v3, v1;
	_ =	sdelay $0x1  }
0x360: {  	v1 =	vadd.f32 v4, v1;
	_ =	sdelay $0x1  }
0x361: {  	v1 =	vmul.f32 $7.812500000e-03, v1  }
0x362: {  	v2 =	vld [tilespmem:$0x1FF70]  }
0x363: {  	[tilespmem:$0x126C0] =	vst v1;
	v1 =	vld [tilespmem:$0x1FF60];
	_ =	sdelay $0x1  }
0x364: {  	v3 =	vld [tilespmem:$0x1FF80];
	_ =	sdelay $0x1  }
0x365: {  	v4 =	vld [tilespmem:$0x1FF90];
	_ =	sdelay $0x2  }
0x366: {  	v2 =	vld.idx.msk [tilespmem:v2+s1+$0x0], $0xffff  }
0x367: {  	v1 =	vld.idx.msk [tilespmem:v1+s1+$0x0], $0xffff;
	_ =	sdelay $0x1  }
0x368: {  	v3 =	vld.idx.msk [tilespmem:v3+s1+$0x0], $0xffff;
	_ =	sdelay $0x1  }
0x369: {  	v4 =	vld.idx.msk [tilespmem:v4+s1+$0x0], $0xffff  }
0x36a: {  	v1 =	vadd.f32 v2, v1;
	v2 =	vld [tilespmem:$0x1FFA0];
	_ =	sdelay $0x1  }
0x36b: {  	v1 =	vadd.f32 v3, v1;
	v3 =	vld [tilespmem:$0x1FFB0];
	_ =	sdelay $0x1  }
0x36c: {  	v1 =	vadd.f32 v4, v1;
	v4 =	vld [tilespmem:$0x1FFC0];
	_ =	sdelay $0x3  }
0x36d: {  	v2 =	vld.idx.msk [tilespmem:v2+s1+$0x0], $0xffff;
	_ =	sdelay $0x1  }
0x36e: {  	v3 =	vld.idx.msk [tilespmem:v3+s1+$0x0], $0xffff;
	_ =	sdelay $0x1  }
0x36f: {  	v4 =	vld.idx.msk [tilespmem:v4+s1+$0x0], $0xffff  }
0x370: {  	v1 =	vadd.f32 v2, v1;
	v2 =	vld [tilespmem:$0x1FFD0];
	_ =	sdelay $0x1  }
0x371: {  	v1 =	vadd.f32 v3, v1;
	v3 =	vld [tilespmem:$0x1FFE0];
	_ =	sdelay $0x1  }
0x372: {  	v1 =	vadd.f32 v4, v1;
	v4 =	vld [tilespmem:$0x1FFF0];
	_ =	sdelay $0x3  }
0x373: {  	v2 =	vld.idx.msk [tilespmem:v2+s1+$0x0], $0xffff;
	_ =	sdelay $0x1  }
0x374: {  	v3 =	vld.idx.msk [tilespmem:v3+s1+$0x0], $0xffff;
	_ =	sdelay $0x1  }
0x375: {  	v4 =	vld.idx.msk [tilespmem:v4+s1+$0x0], $0xffff  }
0x376: {  	v1 =	vadd.f32 v2, v1  }
0x377: {  	v2 =	vld.idx.msk [tilespmem:v26+s1+$0x0], $0xffff  }
0x378: {  	v1 =	vadd.f32 v3, v1  }
0x379: {  	v3 =	vld.idx.msk [tilespmem:v27+s1+$0x0], $0xffff  }
0x37a: {  	v1 =	vadd.f32 v4, v1  }
0x37b: {  	v4 =	vld.idx.msk [tilespmem:v28+s1+$0x0], $0xffff  }
0x37c: {  	v1 =	vadd.f32 v2, v1  }
0x37d: {  	v2 =	vld.idx.msk [tilespmem:v29+s1+$0x0], $0xffff  }
0x37e: {  	v1 =	vadd.f32 v3, v1  }
0x37f: {  	v3 =	vld.idx.msk [tilespmem:v30+s1+$0x0], $0xffff  }
0x380: {  	v1 =	vadd.f32 v4, v1  }
0x381: {  	v4 =	vld.idx.msk [tilespmem:v31+s1+$0x0], $0xffff  }
0x382: {  	v1 =	vadd.f32 v2, v1;
	_ =	sdelay $0x1  }
0x383: {  	v1 =	vadd.f32 v3, v1;
	_ =	sdelay $0x1  }
0x384: {  	v1 =	vadd.f32 v4, v1;
	_ =	sdelay $0x1  }
0x385: {  	v1 =	vmul.f32 $7.812500000e-03, v1;
	_ =	sdelay $0x1  }
0x386: {  	[tilespmem:$0x126D0] =	vst v1  }
0x387: {  	v1 =	vld.idx.msk [tilespmem:v32+s1+$0x0], $0xffff  }
0x388: {  	v2 =	vld.idx.msk [tilespmem:v33+s1+$0x0], $0xffff;
	_ =	sdelay $0x1  }
0x389: {  	v3 =	vld.idx.msk [tilespmem:v34+s1+$0x0], $0xffff;
	_ =	sdelay $0x1  }
0x38a: {  	v4 =	vld.idx.msk [tilespmem:v35+s1+$0x0], $0xffff  }
0x38b: {  	v1 =	vadd.f32 v2, v1  }
0x38c: {  	v2 =	vld.idx.msk [tilespmem:v36+s1+$0x0], $0xffff  }
0x38d: {  	v1 =	vadd.f32 v3, v1  }
0x38e: {  	v3 =	vld.idx.msk [tilespmem:v37+s1+$0x0], $0xffff  }
0x38f: {  	v1 =	vadd.f32 v4, v1  }
0x390: {  	v4 =	vld.idx.msk [tilespmem:v38+s1+$0x0], $0xffff  }
0x391: {  	v1 =	vadd.f32 v2, v1  }
0x392: {  	v2 =	vld.idx.msk [tilespmem:v39+s1+$0x0], $0xffff  }
0x393: {  	v1 =	vadd.f32 v3, v1  }
0x394: {  	v3 =	vld.idx.msk [tilespmem:v40+s1+$0x0], $0xffff  }
0x395: {  	v1 =	vadd.f32 v4, v1  }
0x396: {  	v4 =	vld.idx.msk [tilespmem:v41+s1+$0x0], $0xffff  }
0x397: {  	v1 =	vadd.f32 v2, v1  }
0x398: {  	v2 =	vld.idx.msk [tilespmem:v42+s1+$0x0], $0xffff  }
0x399: {  	v1 =	vadd.f32 v3, v1  }
0x39a: {  	v3 =	vld.idx.msk [tilespmem:v43+s1+$0x0], $0xffff  }
0x39b: {  	v1 =	vadd.f32 v4, v1  }
0x39c: {  	v4 =	vld.idx.msk [tilespmem:v44+s1+$0x0], $0xffff  }
0x39d: {  	v1 =	vadd.f32 v2, v1  }
0x39e: {  	v2 =	vld.idx.msk [tilespmem:v45+s1+$0x0], $0xffff  }
0x39f: {  	v1 =	vadd.f32 v3, v1  }
0x3a0: {  	v3 =	vld.idx.msk [tilespmem:v46+s1+$0x0], $0xffff  }
0x3a1: {  	v1 =	vadd.f32 v4, v1  }
0x3a2: {  	v4 =	vld.idx.msk [tilespmem:v47+s1+$0x0], $0xffff  }
0x3a3: {  	v1 =	vadd.f32 v2, v1;
	_ =	sdelay $0x1  }
0x3a4: {  	v1 =	vadd.f32 v3, v1;
	_ =	sdelay $0x1  }
0x3a5: {  	v1 =	vadd.f32 v4, v1;
	_ =	sdelay $0x1  }
0x3a6: {  	v1 =	vmul.f32 $7.812500000e-03, v1;
	_ =	sdelay $0x1  }
0x3a7: {  	[tilespmem:$0x126E0] =	vst v1  }
0x3a8: {  	v1 =	vld.idx.msk [tilespmem:v48+s1+$0x0], $0xffff  }
0x3a9: {  	v2 =	vld.idx.msk [tilespmem:v49+s1+$0x0], $0xffff;
	_ =	sdelay $0x1  }
0x3aa: {  	v3 =	vld.idx.msk [tilespmem:v50+s1+$0x0], $0xffff;
	_ =	sdelay $0x1  }
0x3ab: {  	v4 =	vld.idx.msk [tilespmem:v51+s1+$0x0], $0xffff  }
0x3ac: {  	v1 =	vadd.f32 v2, v1  }
0x3ad: {  	v2 =	vld.idx.msk [tilespmem:v52+s1+$0x0], $0xffff  }
0x3ae: {  	v1 =	vadd.f32 v3, v1  }
0x3af: {  	v3 =	vld.idx.msk [tilespmem:v53+s1+$0x0], $0xffff  }
0x3b0: {  	v1 =	vadd.f32 v4, v1  }
0x3b1: {  	v4 =	vld.idx.msk [tilespmem:v54+s1+$0x0], $0xffff  }
0x3b2: {  	v1 =	vadd.f32 v2, v1  }
0x3b3: {  	v2 =	vld.idx.msk [tilespmem:v55+s1+$0x0], $0xffff  }
0x3b4: {  	v1 =	vadd.f32 v3, v1  }
0x3b5: {  	v3 =	vld.idx.msk [tilespmem:v56+s1+$0x0], $0xffff  }
0x3b6: {  	v1 =	vadd.f32 v4, v1  }
0x3b7: {  	v4 =	vld.idx.msk [tilespmem:v57+s1+$0x0], $0xffff  }
0x3b8: {  	v1 =	vadd.f32 v2, v1  }
0x3b9: {  	v2 =	vld.idx.msk [tilespmem:v58+s1+$0x0], $0xffff  }
0x3ba: {  	v1 =	vadd.f32 v3, v1  }
0x3bb: {  	v3 =	vld.idx.msk [tilespmem:v59+s1+$0x0], $0xffff  }
0x3bc: {  	v1 =	vadd.f32 v4, v1  }
0x3bd: {  	v4 =	vld.idx.msk [tilespmem:v60+s1+$0x0], $0xffff  }
0x3be: {  	v1 =	vadd.f32 v2, v1  }
0x3bf: {  	v2 =	vld.idx.msk [tilespmem:v61+s1+$0x0], $0xffff  }
0x3c0: {  	v1 =	vadd.f32 v3, v1  }
0x3c1: {  	v3 =	vld.idx.msk [tilespmem:v62+s1+$0x0], $0xffff  }
0x3c2: {  	v1 =	vadd.f32 v4, v1  }
0x3c3: {  	v4 =	vld.idx.msk [tilespmem:v63+s1+$0x0], $0xffff  }
0x3c4: {  	v1 =	vadd.f32 v2, v1;
	_ =	sdelay $0x1  }
0x3c5: {  	v1 =	vadd.f32 v3, v1;
	_ =	sdelay $0x1  }
0x3c6: {  	v1 =	vadd.f32 v4, v1;
	_ =	sdelay $0x1  }
0x3c7: {  	v1 =	vmul.f32 $7.812500000e-03, v1;
	_ =	sdelay $0x1  }
0x3c8: {  	[tilespmem:$0x126F0] =	vst v1  }
0x3c9: {  	_ =	swait.ge [sflag:s30], $0x1000  }
0x3ca: {  	[sflag:s30] =	ssyncset.done $0x0  }
0x3cb: {  	[sflag:s30] =	ssyncadd.s32 $0xFFFFF000  }
0x3cc: {  	_ =	swait.ge [sflag:s30], $0x1000  }
0x3cd: {  	[sflag:s30] =	ssyncset.done $0x0  }
0x3ce: {  	s14 =	simm.s32 $0xD030;
	[sflag:s30] =	ssyncadd.s32 $0xFFFFF000  }
0x3cf: {  	s16 =	simm.s32 $0x11030;
	v1 =	vld [tilespmem:s14+$0xFFFFFFD0]  }
0x3d0: {  	v2 =	vld [tilespmem:s16+$0xFFFFFFD0]  }
0x3d1: {  	v3 =	vld [tilespmem:s14+$0xFFFFFFE0]  }
0x3d2: {  	v4 =	vld [tilespmem:s16+$0xFFFFFFE0]  }
0x3d3: {  	v5 =	vld [tilespmem:s16+$0xFFFFFE10]  }
0x3d4: {  	v6 =	vld [tilespmem:s14+$0xFFFFFE50]  }
0x3d5: {  	v7 =	vld [tilespmem:s14+$0xFFFFFFF0]  }
0x3d6: {  	v8 =	vld [tilespmem:s16+$0xFFFFFFF0]  }
0x3d7: {  	v9 =	vld [tilespmem:s16+$0xFFFFFE50]  }
0x3d8: {  	v10 =	vld [tilespmem:s14+$0xFFFFFE90]  }
0x3d9: {  	v11 =	vld [tilespmem:s14+$0x0]  }
0x3da: {  	v12 =	vld [tilespmem:s16+$0x0]  }
0x3db: {  	v16 =	vld [tilespmem:s16+$0xFFFFFE90]  }
0x3dc: {  	v17 =	vld [tilespmem:s14+$0xFFFFFED0]  }
0x3dd: {  	v18 =	vld [tilespmem:s14+$0xFFFFFF10]  }
0x3de: {  	v21 =	vld [tilespmem:s16+$0xFFFFFF50]  }
0x3df: {  	v22 =	vld [tilespmem:s14+$0xFFFFFE20]  }
0x3e0: {  	v25 =	vld [tilespmem:s16+$0xFFFFFFA0]  }
0x3e1: {  	v1 =	vmul.bf16 v2, v1;
	v2 =	vld [tilespmem:s16+$0xFFFFFED0]  }
0x3e2: {  	v3 =	vmul.bf16 v4, v3;
	v4 =	vld [tilespmem:s16+$0xFFFFFF10]  }
0x3e3: {  	v7 =	vmul.bf16 v8, v7;
	v8 =	vld [tilespmem:s16+$0xFFFFFF90];
	v19 =	vunpack.i.u.bf16.f32 v1;
	v1 =	vunpack.i.l.bf16.f32 v1  }
0x3e4: {  	v11 =	vmul.bf16 v12, v11;
	v12 =	vld [tilespmem:s14+$0xFFFFFE60];
	v1 =	vadd.f32 v1, v19  }
0x3e5: {  	v6 =	vmul.bf16 v9, v6;
	v10 =	vmul.bf16 v16, v10;
	v20 =	vunpack.i.l.bf16.f32 v3;
	v19 =	vld [tilespmem:s14+$0xFFFFFF50]  }
0x3e6: {  	v3 =	vunpack.i.u.bf16.f32 v3;
	v9 =	vunpack.i.l.bf16.f32 v7;
	v1 =	vadd.f32 v20, v1;
	v20 =	vld [tilespmem:s14+$0xFFFFFF90]  }
0x3e7: {  	v23 =	vunpack.i.u.bf16.f32 v6;
	v7 =	vunpack.i.u.bf16.f32 v7;
	v2 =	vmul.bf16 v2, v17;
	v17 =	vld [tilespmem:s14+$0xFFFFFEA0]  }
0x3e8: {  	v6 =	vunpack.i.l.bf16.f32 v6;
	v16 =	vunpack.i.l.bf16.f32 v11;
	v1 =	vadd.f32 v1, v3;
	v3 =	vld [tilespmem:s14+$0xFFFFFE10]  }
0x3e9: {  	v6 =	vadd.f32 v6, v23;
	v23 =	vunpack.i.u.bf16.f32 v10;
	v4 =	vmul.bf16 v4, v18;
	v18 =	vld [tilespmem:s14+$0xFFFFFEE0]  }
0x3ea: {  	v10 =	vunpack.i.l.bf16.f32 v10;
	v19 =	vmul.bf16 v21, v19;
	v21 =	vld [tilespmem:s14+$0xFFFFFF20];
	v1 =	vadd.f32 v9, v1  }
0x3eb: {  	v10 =	vadd.f32 v10, v23;
	v24 =	vunpack.i.u.bf16.f32 v2;
	v2 =	vunpack.i.l.bf16.f32 v2;
	v9 =	vld [tilespmem:s16+$0xFFFFFE20]  }
0x3ec: {  	v23 =	vunpack.i.u.bf16.f32 v4;
	v8 =	vmul.bf16 v8, v20;
	v20 =	vld [tilespmem:s14+$0xFFFFFF60];
	v1 =	vadd.f32 v1, v7  }
0x3ed: {  	v4 =	vunpack.i.l.bf16.f32 v4;
	v2 =	vadd.f32 v2, v24;
	v7 =	vld [tilespmem:s16+$0xFFFFFE60];
	v3 =	vmul.bf16 v5, v3  }
0x3ee: {  	v11 =	vunpack.i.u.bf16.f32 v11;
	v4 =	vadd.f32 v4, v23;
	v5 =	vld [tilespmem:s16+$0xFFFFFF20];
	v1 =	vadd.f32 v16, v1  }
0x3ef: {  	v23 =	vunpack.i.u.bf16.f32 v19;
	v19 =	vunpack.i.l.bf16.f32 v19;
	v16 =	vld [tilespmem:s16+$0xFFFFFEA0];
	v24 =	vunpack.i.u.bf16.f32 v3  }
0x3f0: {  	v3 =	vunpack.i.l.bf16.f32 v3;
	v9 =	vmul.bf16 v9, v22;
	v1 =	vadd.f32 v1, v11;
	v11 =	vld [tilespmem:s16+$0xFFFFFEE0]  }
0x3f1: {  	v19 =	vadd.f32 v19, v23;
	v23 =	vunpack.i.u.bf16.f32 v8;
	v22 =	vld [tilespmem:s16+$0xFFFFFF60];
	v3 =	vadd.f32 v3, v24  }
0x3f2: {  	v8 =	vunpack.i.l.bf16.f32 v8;
	v7 =	vmul.bf16 v7, v12;
	v12 =	vld [tilespmem:s14+$0xFFFFFFA0];
	v24 =	vunpack.i.l.bf16.f32 v9  }
0x3f3: {  	v8 =	vadd.f32 v8, v23;
	v3 =	vadd.f32 v24, v3;
	v5 =	vmul.bf16 v5, v21;
	v21 =	vld [tilespmem:s16+$0xFFFFFEB0]  }
0x3f4: {  	v9 =	vunpack.i.u.bf16.f32 v9;
	v24 =	vunpack.i.l.bf16.f32 v7;
	v16 =	vmul.bf16 v16, v17;
	v17 =	vld [tilespmem:s14+$0xFFFFFE30]  }
0x3f5: {  	v6 =	vadd.f32 v24, v6;
	v3 =	vadd.f32 v3, v9;
	v9 =	vld [tilespmem:s14+$0xFFFFFE70];
	v11 =	vmul.bf16 v11, v18  }
0x3f6: {  	v7 =	vunpack.i.u.bf16.f32 v7;
	v20 =	vmul.bf16 v22, v20;
	v18 =	vld [tilespmem:s16+$0xFFFFFE30];
	v23 =	vunpack.i.l.bf16.f32 v16  }
0x3f7: {  	v24 =	vld [tilespmem:s16+$0xFFFFFE70];
	v6 =	vadd.f32 v6, v7;
	v10 =	vadd.f32 v23, v10;
	v7 =	vunpack.i.l.bf16.f32 v11  }
0x3f8: {  	v22 =	vld [tilespmem:s16+$0xFFFFFEF0];
	v16 =	vunpack.i.u.bf16.f32 v16;
	v12 =	vmul.bf16 v25, v12;
	v2 =	vadd.f32 v7, v2  }
0x3f9: {  	v11 =	vunpack.i.u.bf16.f32 v11;
	v7 =	vld [tilespmem:s14+$0xFFFFFEB0];
	v10 =	vadd.f32 v10, v16;
	v16 =	vunpack.i.l.bf16.f32 v5  }
0x3fa: {  	v4 =	vadd.f32 v16, v4;
	v16 =	vunpack.i.l.bf16.f32 v20;
	v2 =	vadd.f32 v2, v11;
	v11 =	vld [tilespmem:s14+$0xFFFFFEF0]  }
0x3fb: {  	v5 =	vunpack.i.u.bf16.f32 v5;
	v16 =	vadd.f32 v16, v19;
	v17 =	vmul.bf16 v18, v17;
	v18 =	vld [tilespmem:s14+$0xFFFFFF30]  }
0x3fc: {  	v19 =	vunpack.i.u.bf16.f32 v20;
	v20 =	vld [tilespmem:s16+$0xFFFFFF30];
	v4 =	vadd.f32 v4, v5;
	v5 =	vunpack.i.l.bf16.f32 v12  }
0x3fd: {  	v16 =	vadd.f32 v16, v19;
	v5 =	vadd.f32 v5, v8;
	v8 =	vunpack.i.l.bf16.f32 v17;
	v19 =	vld [tilespmem:s14+$0xFFFFFF70]  }
0x3fe: {  	v9 =	vmul.bf16 v24, v9;
	v12 =	vunpack.i.u.bf16.f32 v12;
	v3 =	vadd.f32 v8, v3;
	v8 =	vld [tilespmem:s16+$0xFFFFFF70]  }
0x3ff: {  	v17 =	vunpack.i.u.bf16.f32 v17;
	v7 =	vmul.bf16 v21, v7;
	v5 =	vadd.f32 v5, v12;
	v12 =	vld [tilespmem:s14+$0xFFFFFFB0]  }
0x400: {  	v21 =	vunpack.i.u.bf16.f32 v9;
	v9 =	vunpack.i.l.bf16.f32 v9;
	v11 =	vmul.bf16 v22, v11;
	v22 =	vld [tilespmem:s16+$0xFFFFFFB0]  }
0x401: {  	v17 =	vadd.f32 v3, v17;
	v3 =	vadd.f32 v9, v6;
	v6 =	vunpack.i.l.bf16.f32 v7;
	v9 =	vld [tilespmem:s14+$0xFFFFFE40]  }
0x402: {  	v18 =	vmul.bf16 v20, v18;
	v20 =	vld [tilespmem:s16+$0xFFFFFE40];
	v6 =	vadd.f32 v6, v10;
	v10 =	vunpack.i.l.bf16.f32 v11  }
0x403: {  	v7 =	vunpack.i.u.bf16.f32 v7;
	v2 =	vadd.f32 v10, v2;
	v10 =	vld [tilespmem:s14+$0xFFFFFE80];
	v8 =	vmul.bf16 v8, v19  }
0x404: {  	v19 =	vadd.f32 v3, v21;
	v3 =	vunpack.i.u.bf16.f32 v11;
	v11 =	vadd.f32 v6, v7;
	v6 =	vld [tilespmem:s16+$0xFFFFFE80]  }
0x405: {  	v7 =	vunpack.i.l.bf16.f32 v18;
	v21 =	vld [tilespmem:s14+$0xFFFFFEC0];
	v2 =	vadd.f32 v2, v3;
	v3 =	vunpack.i.l.bf16.f32 v8  }
0x406: {  	v4 =	vadd.f32 v7, v4;
	v7 =	vmul.bf16 v22, v12;
	v12 =	vld [tilespmem:s16+$0xFFFFFEC0];
	v3 =	vadd.f32 v3, v16  }
0x407: {  	v8 =	vunpack.i.u.bf16.f32 v8;
	v9 =	vmul.bf16 v20, v9;
	v20 =	vld [tilespmem:s14+$0xFFFFFF00];
	v16 =	vunpack.i.u.bf16.f32 v18  }
0x408: {  	v16 =	vadd.f32 v4, v16;
	v4 =	vunpack.i.l.bf16.f32 v7;
	v3 =	vadd.f32 v3, v8;
	v8 =	vld [tilespmem:s16+$0xFFFFFF00]  }
0x409: {  	v18 =	vunpack.i.l.bf16.f32 v9;
	v4 =	vadd.f32 v4, v5;
	v10 =	vmul.bf16 v6, v10;
	v5 =	vld [tilespmem:s14+$0xFFFFFF40]  }
0x40a: {  	v6 =	vunpack.i.u.bf16.f32 v7;
	v7 =	vunpack.i.u.bf16.f32 v9;
	v9 =	vadd.f32 v18, v17;
	v18 =	vld [tilespmem:s16+$0xFFFFFF40]  }
0x40b: {  	v17 =	vld [tilespmem:s14+$0xFFFFFF80];
	v4 =	vadd.f32 v4, v6;
	v6 =	vunpack.i.l.bf16.f32 v10;
	v12 =	vmul.bf16 v12, v21  }
0x40c: {  	s13 =	simm.s32 $0x11E80;
	v7 =	vadd.f32 v9, v7;
	v9 =	vadd.f32 v6, v19;
	v6 =	vld [tilespmem:s16+$0xFFFFFF80]  }
0x40d: {  	[tilespmem:s13+$0x30] =	vst v1;
	v1 =	vld [tilespmem:s14+$0xFFFFFFC0];
	v10 =	vunpack.i.u.bf16.f32 v10;
	v19 =	vunpack.i.l.bf16.f32 v12;
	v8 =	vmul.bf16 v8, v20  }
0x40e: {  	s17 =	simm.s32 $0xD230;
	s14 =	simm.s32 $0x0;
	[tilespmem:s13+$0xFFFFFFC0] =	vst v7;
	v7 =	vadd.f32 v9, v10;
	v20 =	vunpack.i.u.bf16.f32 v12;
	v21 =	vadd.f32 v19, v11;
	v19 =	vld [tilespmem:s16+$0xFFFFFFC0]  }
.LBB2_16:
0x40f: {  	v9 =	vld [tilespmem:s17+$0xFFFFFFD0];
	v10 =	vunpack.i.u.bf16.f32 v8;
	v8 =	vunpack.i.l.bf16.f32 v8;
	v5 =	vmul.bf16 v18, v5;
	s16 =	sadd.s32 $0x200, s16  }
0x410: {  	s14 =	sadd.s32 $0x8, s14;
	v11 =	vld [tilespmem:s16+$0xFFFFFFD0];
	[tilespmem:s13+$0xFFFFFFD0] =	vst v7;
	v7 =	vadd.f32 v21, v20;
	v2 =	vadd.f32 v8, v2  }
0x411: {  	p0 =	slt.u32 s14, $0x38;
	v8 =	vld [tilespmem:s17+$0xFFFFFFE0];
	v12 =	vunpack.i.u.bf16.f32 v5;
	v5 =	vunpack.i.l.bf16.f32 v5;
	v6 =	vmul.bf16 v6, v17  }
0x412: {  	v17 =	vld [tilespmem:s16+$0xFFFFFFE0];
	[tilespmem:s13+$0xFFFFFFE0] =	vst v7;
	v2 =	vadd.f32 v2, v10;
	v5 =	vadd.f32 v5, v16  }
0x413: {  	v7 =	vld [tilespmem:s16+$0xFFFFFE10];
	v10 =	vunpack.i.u.bf16.f32 v6;
	v6 =	vunpack.i.l.bf16.f32 v6;
	v1 =	vmul.bf16 v19, v1  }
0x414: {  	v16 =	vld [tilespmem:s17+$0xFFFFFE50];
	[tilespmem:s13+$0xFFFFFFF0] =	vst v2;
	v2 =	vadd.f32 v5, v12;
	v3 =	vadd.f32 v6, v3  }
0x415: {  	v5 =	vmul.bf16 v11, v9;
	v6 =	vld [tilespmem:s17+$0xFFFFFFF0];
	v9 =	vunpack.i.u.bf16.f32 v1;
	v1 =	vunpack.i.l.bf16.f32 v1  }
0x416: {  	v11 =	vld [tilespmem:s16+$0xFFFFFFF0];
	[tilespmem:s13+$0x0] =	vst v2;
	v2 =	vadd.f32 v3, v10;
	v1 =	vadd.f32 v1, v4  }
0x417: {  	v3 =	vld [tilespmem:s16+$0xFFFFFE50];
	v4 =	vunpack.i.u.bf16.f32 v5;
	v5 =	vunpack.i.l.bf16.f32 v5;
	v8 =	vmul.bf16 v17, v8  }
0x418: {  	v10 =	vld [tilespmem:s17+$0xFFFFFE90];
	v4 =	vadd.f32 v5, v4;
	[tilespmem:s13+$0x10] =	vst v2;
	v1 =	vadd.f32 v1, v9  }
0x419: {  	v2 =	vunpack.i.l.bf16.f32 v8;
	v5 =	vld [tilespmem:s17+$0x0]  }
0x41a: {  	v2 =	vadd.f32 v2, v4;
	v4 =	vld [tilespmem:s16+$0x0];
	[tilespmem:s13+$0x20] =	vst v1  }
0x41b: {  	v8 =	vunpack.i.u.bf16.f32 v8;
	v1 =	vld [tilespmem:s16+$0xFFFFFE90];
	v6 =	vmul.bf16 v11, v6  }
0x41c: {  	v3 =	vmul.bf16 v3, v16;
	v9 =	vld [tilespmem:s17+$0xFFFFFED0];
	v2 =	vadd.f32 v2, v8  }
0x41d: {  	v8 =	vld [tilespmem:s16+$0xFFFFFED0];
	v11 =	vunpack.i.l.bf16.f32 v6  }
0x41e: {  	v12 =	vunpack.i.u.bf16.f32 v3;
	v3 =	vunpack.i.l.bf16.f32 v3;
	v16 =	vld [tilespmem:s17+$0xFFFFFF10];
	v2 =	vadd.f32 v11, v2  }
0x41f: {  	v6 =	vunpack.i.u.bf16.f32 v6;
	v3 =	vadd.f32 v3, v12;
	v11 =	vld [tilespmem:s16+$0xFFFFFF10];
	v4 =	vmul.bf16 v4, v5  }
0x420: {  	v1 =	vmul.bf16 v1, v10;
	v5 =	vld [tilespmem:s17+$0xFFFFFF50];
	v2 =	vadd.f32 v2, v6  }
0x421: {  	v6 =	vld [tilespmem:s16+$0xFFFFFF50];
	v10 =	vunpack.i.l.bf16.f32 v4  }
0x422: {  	v12 =	vunpack.i.u.bf16.f32 v1;
	v8 =	vmul.bf16 v8, v9;
	v9 =	vld [tilespmem:s17+$0xFFFFFF90];
	v2 =	vadd.f32 v10, v2  }
0x423: {  	v4 =	vunpack.i.u.bf16.f32 v4;
	v1 =	vunpack.i.l.bf16.f32 v1;
	v10 =	vld [tilespmem:s16+$0xFFFFFF90]  }
0x424: {  	v17 =	vld [tilespmem:s17+$0xFFFFFE10];
	v18 =	vunpack.i.u.bf16.f32 v8;
	v11 =	vmul.bf16 v11, v16;
	v2 =	vadd.f32 v2, v4  }
0x425: {  	s13 =	sadd.s32 $0x80, s13;
	v1 =	vadd.f32 v1, v12;
	v8 =	vunpack.i.l.bf16.f32 v8;
	v4 =	vld [tilespmem:s17+$0xFFFFFE20]  }
0x426: {  	v12 =	vld [tilespmem:s16+$0xFFFFFE20];
	v16 =	vunpack.i.u.bf16.f32 v11;
	v11 =	vunpack.i.l.bf16.f32 v11;
	v5 =	vmul.bf16 v6, v5;
	[tilespmem:s13+$0x30] =	vst v2  }
0x427: {  	v6 =	vadd.f32 v8, v18;
	v2 =	vld [tilespmem:s17+$0xFFFFFE60];
	v8 =	vadd.f32 v11, v16  }
0x428: {  	v11 =	vld [tilespmem:s16+$0xFFFFFE60];
	v16 =	vunpack.i.u.bf16.f32 v5;
	v5 =	vunpack.i.l.bf16.f32 v5;
	v9 =	vmul.bf16 v10, v9  }
0x429: {  	v7 =	vmul.bf16 v7, v17;
	v10 =	vld [tilespmem:s17+$0xFFFFFEA0];
	v5 =	vadd.f32 v5, v16  }
0x42a: {  	v16 =	vld [tilespmem:s16+$0xFFFFFEA0];
	v17 =	vunpack.i.u.bf16.f32 v9;
	v9 =	vunpack.i.l.bf16.f32 v9  }
0x42b: {  	v18 =	vunpack.i.u.bf16.f32 v7;
	v7 =	vunpack.i.l.bf16.f32 v7;
	v4 =	vmul.bf16 v12, v4;
	v12 =	vld [tilespmem:s17+$0xFFFFFEE0]  }
0x42c: {  	v9 =	vadd.f32 v9, v17;
	v7 =	vadd.f32 v7, v18;
	v18 =	vld [tilespmem:s16+$0xFFFFFEE0]  }
0x42d: {  	v17 =	vunpack.i.u.bf16.f32 v4;
	v4 =	vunpack.i.l.bf16.f32 v4;
	v2 =	vmul.bf16 v11, v2;
	v11 =	vld [tilespmem:s17+$0xFFFFFF20]  }
0x42e: {  	v4 =	vadd.f32 v4, v7;
	v7 =	vld [tilespmem:s16+$0xFFFFFF20]  }
0x42f: {  	v19 =	vunpack.i.u.bf16.f32 v2;
	v2 =	vunpack.i.l.bf16.f32 v2;
	v10 =	vmul.bf16 v16, v10;
	v16 =	vld [tilespmem:s17+$0xFFFFFF60]  }
0x430: {  	v4 =	vadd.f32 v4, v17;
	v2 =	vadd.f32 v2, v3;
	v3 =	vld [tilespmem:s16+$0xFFFFFF60]  }
0x431: {  	v17 =	vunpack.i.u.bf16.f32 v10;
	v10 =	vunpack.i.l.bf16.f32 v10;
	v12 =	vmul.bf16 v18, v12;
	v18 =	vld [tilespmem:s17+$0xFFFFFFA0]  }
0x432: {  	v2 =	vadd.f32 v2, v19;
	v1 =	vadd.f32 v10, v1;
	v10 =	vld [tilespmem:s16+$0xFFFFFFA0]  }
0x433: {  	v19 =	vld [tilespmem:s17+$0xFFFFFE30];
	v20 =	vunpack.i.u.bf16.f32 v12;
	v12 =	vunpack.i.l.bf16.f32 v12;
	v7 =	vmul.bf16 v7, v11  }
0x434: {  	v11 =	vld [tilespmem:s16+$0xFFFFFE30];
	v1 =	vadd.f32 v1, v17;
	v6 =	vadd.f32 v12, v6  }
0x435: {  	v12 =	vld [tilespmem:s17+$0xFFFFFE70];
	v17 =	vunpack.i.u.bf16.f32 v7;
	v7 =	vunpack.i.l.bf16.f32 v7;
	v3 =	vmul.bf16 v3, v16  }
0x436: {  	v16 =	vld [tilespmem:s16+$0xFFFFFE70];
	v6 =	vadd.f32 v6, v20;
	v7 =	vadd.f32 v7, v8  }
0x437: {  	v8 =	vld [tilespmem:s17+$0xFFFFFEB0];
	v20 =	vunpack.i.u.bf16.f32 v3;
	v3 =	vunpack.i.l.bf16.f32 v3;
	v10 =	vmul.bf16 v10, v18  }
0x438: {  	v18 =	vld [tilespmem:s16+$0xFFFFFEB0];
	v7 =	vadd.f32 v7, v17;
	v3 =	vadd.f32 v3, v5  }
0x439: {  	v5 =	vmul.bf16 v11, v19;
	v11 =	vld [tilespmem:s17+$0xFFFFFEF0];
	v17 =	vunpack.i.u.bf16.f32 v10;
	v10 =	vunpack.i.l.bf16.f32 v10  }
0x43a: {  	v19 =	vld [tilespmem:s16+$0xFFFFFEF0];
	v3 =	vadd.f32 v3, v20;
	v9 =	vadd.f32 v10, v9  }
0x43b: {  	v10 =	vunpack.i.u.bf16.f32 v5;
	v5 =	vunpack.i.l.bf16.f32 v5;
	v12 =	vmul.bf16 v16, v12;
	v16 =	vld [tilespmem:s17+$0xFFFFFF30]  }
0x43c: {  	v4 =	vadd.f32 v5, v4;
	v5 =	vld [tilespmem:s16+$0xFFFFFF30];
	v9 =	vadd.f32 v9, v17  }
0x43d: {  	v17 =	vunpack.i.u.bf16.f32 v12;
	v12 =	vunpack.i.l.bf16.f32 v12;
	v8 =	vmul.bf16 v18, v8;
	v18 =	vld [tilespmem:s17+$0xFFFFFF70]  }
0x43e: {  	v4 =	vadd.f32 v4, v10;
	v2 =	vadd.f32 v12, v2;
	v10 =	vld [tilespmem:s16+$0xFFFFFF70]  }
0x43f: {  	v12 =	vunpack.i.u.bf16.f32 v8;
	v8 =	vunpack.i.l.bf16.f32 v8;
	v11 =	vmul.bf16 v19, v11;
	v19 =	vld [tilespmem:s17+$0xFFFFFFB0]  }
0x440: {  	v20 =	vadd.f32 v2, v17;
	v1 =	vadd.f32 v8, v1;
	v8 =	vld [tilespmem:s16+$0xFFFFFFB0]  }
0x441: {  	v17 =	vld [tilespmem:s17+$0xFFFFFE40];
	v2 =	vunpack.i.u.bf16.f32 v11;
	v11 =	vunpack.i.l.bf16.f32 v11;
	v5 =	vmul.bf16 v5, v16  }
0x442: {  	v21 =	vld [tilespmem:s16+$0xFFFFFE40];
	v12 =	vadd.f32 v1, v12;
	v1 =	vadd.f32 v11, v6  }
0x443: {  	v6 =	vld [tilespmem:s17+$0xFFFFFE80];
	v11 =	vunpack.i.u.bf16.f32 v5;
	v5 =	vunpack.i.l.bf16.f32 v5;
	v10 =	vmul.bf16 v10, v18  }
0x444: {  	v18 =	vld [tilespmem:s16+$0xFFFFFE80];
	v2 =	vadd.f32 v1, v2;
	v1 =	vadd.f32 v5, v7  }
0x445: {  	v7 =	vld [tilespmem:s17+$0xFFFFFEC0];
	v5 =	vunpack.i.u.bf16.f32 v10;
	v10 =	vunpack.i.l.bf16.f32 v10;
	v8 =	vmul.bf16 v8, v19  }
0x446: {  	v19 =	vld [tilespmem:s16+$0xFFFFFEC0];
	v16 =	vadd.f32 v1, v11;
	v1 =	vadd.f32 v10, v3  }
0x447: {  	v10 =	vmul.bf16 v21, v17;
	v11 =	vld [tilespmem:s17+$0xFFFFFF00];
	v17 =	vunpack.i.u.bf16.f32 v8;
	v8 =	vunpack.i.l.bf16.f32 v8  }
0x448: {  	v21 =	vld [tilespmem:s16+$0xFFFFFF00];
	v3 =	vadd.f32 v1, v5;
	v1 =	vadd.f32 v8, v9  }
0x449: {  	v8 =	vunpack.i.u.bf16.f32 v10;
	v9 =	vunpack.i.l.bf16.f32 v10;
	v6 =	vmul.bf16 v18, v6;
	v5 =	vld [tilespmem:s17+$0xFFFFFF40]  }
.Ltmp8:
0x44a: {  	v9 =	vadd.f32 v9, v4;
	v18 =	vld [tilespmem:s16+$0xFFFFFF40];
	v4 =	vadd.f32 v1, v17;
	(pc) =	sbr.rel @p0 .LBB2_16-.Ltmp8, $4  }
0x44b: {  	v10 =	vunpack.i.u.bf16.f32 v6;
	v1 =	vunpack.i.l.bf16.f32 v6;
	v7 =	vmul.bf16 v19, v7;
	v17 =	vld [tilespmem:s17+$0xFFFFFF80]  }
0x44c: {  	v9 =	vadd.f32 v9, v8;
	v19 =	vadd.f32 v1, v20;
	v6 =	vld [tilespmem:s16+$0xFFFFFF80]  }
0x44d: {  	v20 =	vunpack.i.u.bf16.f32 v7;
	v22 =	vunpack.i.l.bf16.f32 v7;
	v8 =	vmul.bf16 v21, v11;
	v1 =	vld [tilespmem:s17+$0xFFFFFFC0]  }
0x44e: {  	s17 =	sadd.s32 $0x200, s17;
	[tilespmem:s13+$0xFFFFFFC0] =	vst v9;
	v7 =	vadd.f32 v19, v10;
	v21 =	vadd.f32 v22, v12;
	v19 =	vld [tilespmem:s16+$0xFFFFFFC0]  }
0x44f: {  	_ =	sdelay $0x1  }
0x450: {  	v5 =	vmul.bf16 v18, v5;
	v9 =	vunpack.i.l.bf16.f32 v8  }
0x451: {  	v18 =	vunpack.i.u.bf16.f32 v8;
	v10 =	vadd.f32 v21, v20;
	v6 =	vmul.bf16 v6, v17  }
0x452: {  	v2 =	vadd.f32 v9, v2;
	v20 =	vunpack.i.l.bf16.f32 v5;
	v1 =	vmul.bf16 v19, v1  }
0x453: {  	v5 =	vunpack.i.u.bf16.f32 v5;
	v21 =	vadd.f32 v20, v16;
	v22 =	vunpack.i.l.bf16.f32 v6  }
0x454: {  	[tilespmem:s13+$0xFFFFFFD0] =	vst v7;
	v2 =	vadd.f32 v2, v18;
	v3 =	vadd.f32 v22, v3;
	v23 =	vunpack.i.l.bf16.f32 v1  }
0x455: {  	[tilespmem:s13+$0xFFFFFFE0] =	vst v10;
	v6 =	vunpack.i.u.bf16.f32 v6;
	v5 =	vadd.f32 v21, v5;
	v4 =	vadd.f32 v23, v4  }
0x456: {  	[tilespmem:s13+$0xFFFFFFF0] =	vst v2;
	v1 =	vunpack.i.u.bf16.f32 v1;
	v2 =	vadd.f32 v3, v6  }
0x457: {  	[tilespmem:s13+$0x0] =	vst v5;
	v1 =	vadd.f32 v4, v1  }
0x458: {  	[tilespmem:s13+$0x10] =	vst v2  }
0x459: {  	[tilespmem:s13+$0x20] =	vst v1  }
0x45a: {  	v2 =	vld [tilespmem:$0x1FEA0];
	_ =	sdelay $0x1  }
0x45b: {  	v3 =	vld [tilespmem:$0x1FEB0];
	_ =	sdelay $0x4  }
0x45c: {  	v1 =	vld.idx.msk [tilespmem:v0+s1+$0x0], $0xffff  }
0x45d: {  	v2 =	vld.idx.msk [tilespmem:v2+s1+$0x0], $0xffff;
	_ =	sdelay $0x1  }
0x45e: {  	v3 =	vld.idx.msk [tilespmem:v3+s1+$0x0], $0xffff  }
0x45f: {  	v8 =	vld [tilespmem:$0x1FEC0];
	_ =	sdelay $0x1  }
0x460: {  	v1 =	vadd.f32 v2, v1;
	v2 =	vld [tilespmem:$0x1FED0];
	_ =	sdelay $0x1  }
0x461: {  	v1 =	vadd.f32 v3, v1;
	v3 =	vld [tilespmem:$0x1FEE0];
	_ =	sdelay $0x3  }
0x462: {  	v4 =	vld.idx.msk [tilespmem:v8+s1+$0x0], $0xffff;
	_ =	sdelay $0x1  }
0x463: {  	v2 =	vld.idx.msk [tilespmem:v2+s1+$0x0], $0xffff;
	_ =	sdelay $0x1  }
0x464: {  	v3 =	vld.idx.msk [tilespmem:v3+s1+$0x0], $0xffff  }
0x465: {  	v9 =	vld [tilespmem:$0x1FEF0];
	v1 =	vadd.f32 v4, v1;
	_ =	sdelay $0x1  }
0x466: {  	v1 =	vadd.f32 v2, v1;
	v2 =	vld [tilespmem:$0x1FF00];
	_ =	sdelay $0x1  }
0x467: {  	v1 =	vadd.f32 v3, v1;
	v3 =	vld [tilespmem:$0x1FF10];
	_ =	sdelay $0x3  }
0x468: {  	v4 =	vld.idx.msk [tilespmem:v9+s1+$0x0], $0xffff;
	_ =	sdelay $0x1  }
0x469: {  	v2 =	vld.idx.msk [tilespmem:v2+s1+$0x0], $0xffff;
	_ =	sdelay $0x1  }
0x46a: {  	v3 =	vld.idx.msk [tilespmem:v3+s1+$0x0], $0xffff  }
0x46b: {  	v10 =	vld [tilespmem:$0x1FF20];
	v1 =	vadd.f32 v4, v1;
	_ =	sdelay $0x1  }
0x46c: {  	v1 =	vadd.f32 v2, v1;
	v2 =	vld [tilespmem:$0x1FF30];
	_ =	sdelay $0x1  }
0x46d: {  	v1 =	vadd.f32 v3, v1;
	v3 =	vld [tilespmem:$0x1FF40];
	_ =	sdelay $0x1  }
0x46e: {  	v11 =	vld [tilespmem:$0x1FF50];
	_ =	sdelay $0x1  }
0x46f: {  	v4 =	vld.idx.msk [tilespmem:v10+s1+$0x0], $0xffff;
	_ =	sdelay $0x1  }
0x470: {  	v2 =	vld.idx.msk [tilespmem:v2+s1+$0x0], $0xffff;
	_ =	sdelay $0x1  }
0x471: {  	v3 =	vld.idx.msk [tilespmem:v3+s1+$0x0], $0xffff  }
0x472: {  	v1 =	vadd.f32 v4, v1  }
0x473: {  	v4 =	vld.idx.msk [tilespmem:v11+s1+$0x0], $0xffff  }
0x474: {  	v1 =	vadd.f32 v2, v1  }
0x475: {  	v2 =	vld.idx.msk [tilespmem:v13+s1+$0x0], $0xffff  }
0x476: {  	v1 =	vadd.f32 v3, v1  }
0x477: {  	v3 =	vld.idx.msk [tilespmem:v14+s1+$0x0], $0xffff  }
0x478: {  	v1 =	vadd.f32 v4, v1  }
0x479: {  	v18 =	vld.idx.msk [tilespmem:v15+s1+$0x0], $0xffff  }
0x47a: {  	v1 =	vadd.f32 v2, v1;
	_ =	sdelay $0x1  }
0x47b: {  	v1 =	vadd.f32 v3, v1;
	_ =	sdelay $0x1  }
0x47c: {  	v1 =	vadd.f32 v18, v1;
	_ =	sdelay $0x1  }
0x47d: {  	v1 =	vmul.f32 $7.812500000e-03, v1  }
0x47e: {  	v2 =	vld [tilespmem:$0x1FF70]  }
0x47f: {  	[tilespmem:$0x12700] =	vst v1;
	v1 =	vld [tilespmem:$0x1FF60];
	_ =	sdelay $0x1  }
0x480: {  	v3 =	vld [tilespmem:$0x1FF80];
	_ =	sdelay $0x4  }
0x481: {  	v2 =	vld.idx.msk [tilespmem:v2+s1+$0x0], $0xffff  }
0x482: {  	v1 =	vld.idx.msk [tilespmem:v1+s1+$0x0], $0xffff;
	_ =	sdelay $0x1  }
0x483: {  	v3 =	vld.idx.msk [tilespmem:v3+s1+$0x0], $0xffff  }
0x484: {  	v19 =	vld [tilespmem:$0x1FF90];
	_ =	sdelay $0x1  }
0x485: {  	v1 =	vadd.f32 v2, v1;
	v2 =	vld [tilespmem:$0x1FFA0];
	_ =	sdelay $0x1  }
0x486: {  	v1 =	vadd.f32 v3, v1;
	v3 =	vld [tilespmem:$0x1FFB0];
	_ =	sdelay $0x3  }
0x487: {  	v4 =	vld.idx.msk [tilespmem:v19+s1+$0x0], $0xffff;
	_ =	sdelay $0x1  }
0x488: {  	v2 =	vld.idx.msk [tilespmem:v2+s1+$0x0], $0xffff;
	_ =	sdelay $0x1  }
0x489: {  	v3 =	vld.idx.msk [tilespmem:v3+s1+$0x0], $0xffff  }
0x48a: {  	v20 =	vld [tilespmem:$0x1FFC0];
	v1 =	vadd.f32 v4, v1;
	_ =	sdelay $0x1  }
0x48b: {  	v1 =	vadd.f32 v2, v1;
	v2 =	vld [tilespmem:$0x1FFD0];
	_ =	sdelay $0x1  }
0x48c: {  	v1 =	vadd.f32 v3, v1;
	v3 =	vld [tilespmem:$0x1FFE0];
	_ =	sdelay $0x1  }
0x48d: {  	v21 =	vld [tilespmem:$0x1FFF0];
	_ =	sdelay $0x1  }
0x48e: {  	v4 =	vld.idx.msk [tilespmem:v20+s1+$0x0], $0xffff;
	_ =	sdelay $0x1  }
0x48f: {  	v2 =	vld.idx.msk [tilespmem:v2+s1+$0x0], $0xffff;
	_ =	sdelay $0x1  }
0x490: {  	v3 =	vld.idx.msk [tilespmem:v3+s1+$0x0], $0xffff  }
0x491: {  	v1 =	vadd.f32 v4, v1  }
0x492: {  	v4 =	vld.idx.msk [tilespmem:v21+s1+$0x0], $0xffff  }
0x493: {  	v1 =	vadd.f32 v2, v1  }
0x494: {  	v2 =	vld.idx.msk [tilespmem:v26+s1+$0x0], $0xffff  }
0x495: {  	v1 =	vadd.f32 v3, v1  }
0x496: {  	v3 =	vld.idx.msk [tilespmem:v27+s1+$0x0], $0xffff  }
0x497: {  	v1 =	vadd.f32 v4, v1  }
0x498: {  	v22 =	vld.idx.msk [tilespmem:v28+s1+$0x0], $0xffff  }
0x499: {  	v1 =	vadd.f32 v2, v1  }
0x49a: {  	v2 =	vld.idx.msk [tilespmem:v29+s1+$0x0], $0xffff  }
0x49b: {  	v1 =	vadd.f32 v3, v1  }
0x49c: {  	v3 =	vld.idx.msk [tilespmem:v30+s1+$0x0], $0xffff  }
0x49d: {  	v1 =	vadd.f32 v22, v1  }
0x49e: {  	v23 =	vld.idx.msk [tilespmem:v31+s1+$0x0], $0xffff  }
0x49f: {  	v1 =	vadd.f32 v2, v1;
	_ =	sdelay $0x1  }
0x4a0: {  	v1 =	vadd.f32 v3, v1;
	_ =	sdelay $0x1  }
0x4a1: {  	v1 =	vadd.f32 v23, v1;
	_ =	sdelay $0x1  }
0x4a2: {  	v1 =	vmul.f32 $7.812500000e-03, v1;
	_ =	sdelay $0x1  }
0x4a3: {  	[tilespmem:$0x12710] =	vst v1  }
0x4a4: {  	v1 =	vld.idx.msk [tilespmem:v32+s1+$0x0], $0xffff  }
0x4a5: {  	v2 =	vld.idx.msk [tilespmem:v33+s1+$0x0], $0xffff;
	_ =	sdelay $0x1  }
0x4a6: {  	v3 =	vld.idx.msk [tilespmem:v34+s1+$0x0], $0xffff;
	_ =	sdelay $0x1  }
0x4a7: {  	v35 =	vld.idx.msk [tilespmem:v35+s1+$0x0], $0xffff  }
0x4a8: {  	v1 =	vadd.f32 v2, v1  }
0x4a9: {  	v2 =	vld.idx.msk [tilespmem:v36+s1+$0x0], $0xffff  }
0x4aa: {  	v1 =	vadd.f32 v3, v1  }
0x4ab: {  	v3 =	vld.idx.msk [tilespmem:v37+s1+$0x0], $0xffff  }
0x4ac: {  	v1 =	vadd.f32 v35, v1  }
0x4ad: {  	v38 =	vld.idx.msk [tilespmem:v38+s1+$0x0], $0xffff  }
0x4ae: {  	v1 =	vadd.f32 v2, v1  }
0x4af: {  	v2 =	vld.idx.msk [tilespmem:v39+s1+$0x0], $0xffff  }
0x4b0: {  	v1 =	vadd.f32 v3, v1  }
0x4b1: {  	v3 =	vld.idx.msk [tilespmem:v40+s1+$0x0], $0xffff  }
0x4b2: {  	v1 =	vadd.f32 v38, v1  }
0x4b3: {  	v41 =	vld.idx.msk [tilespmem:v41+s1+$0x0], $0xffff  }
0x4b4: {  	v1 =	vadd.f32 v2, v1  }
0x4b5: {  	v2 =	vld.idx.msk [tilespmem:v42+s1+$0x0], $0xffff  }
0x4b6: {  	v1 =	vadd.f32 v3, v1  }
0x4b7: {  	v3 =	vld.idx.msk [tilespmem:v43+s1+$0x0], $0xffff  }
0x4b8: {  	v1 =	vadd.f32 v41, v1  }
0x4b9: {  	v44 =	vld.idx.msk [tilespmem:v44+s1+$0x0], $0xffff  }
0x4ba: {  	v1 =	vadd.f32 v2, v1  }
0x4bb: {  	v2 =	vld.idx.msk [tilespmem:v45+s1+$0x0], $0xffff  }
0x4bc: {  	v1 =	vadd.f32 v3, v1  }
0x4bd: {  	v3 =	vld.idx.msk [tilespmem:v46+s1+$0x0], $0xffff  }
0x4be: {  	v1 =	vadd.f32 v44, v1  }
0x4bf: {  	v47 =	vld.idx.msk [tilespmem:v47+s1+$0x0], $0xffff  }
0x4c0: {  	v1 =	vadd.f32 v2, v1;
	_ =	sdelay $0x1  }
0x4c1: {  	v1 =	vadd.f32 v3, v1;
	_ =	sdelay $0x1  }
0x4c2: {  	v1 =	vadd.f32 v47, v1;
	_ =	sdelay $0x1  }
0x4c3: {  	v1 =	vmul.f32 $7.812500000e-03, v1;
	_ =	sdelay $0x1  }
0x4c4: {  	[tilespmem:$0x12720] =	vst v1  }
0x4c5: {  	v1 =	vld.idx.msk [tilespmem:v48+s1+$0x0], $0xffff  }
0x4c6: {  	v2 =	vld.idx.msk [tilespmem:v49+s1+$0x0], $0xffff;
	_ =	sdelay $0x1  }
0x4c7: {  	v3 =	vld.idx.msk [tilespmem:v50+s1+$0x0], $0xffff;
	_ =	sdelay $0x1  }
0x4c8: {  	v51 =	vld.idx.msk [tilespmem:v51+s1+$0x0], $0xffff  }
0x4c9: {  	v1 =	vadd.f32 v2, v1  }
0x4ca: {  	v2 =	vld.idx.msk [tilespmem:v52+s1+$0x0], $0xffff  }
0x4cb: {  	v1 =	vadd.f32 v3, v1  }
0x4cc: {  	v3 =	vld.idx.msk [tilespmem:v53+s1+$0x0], $0xffff  }
0x4cd: {  	v1 =	vadd.f32 v51, v1  }
0x4ce: {  	v54 =	vld.idx.msk [tilespmem:v54+s1+$0x0], $0xffff  }
0x4cf: {  	v1 =	vadd.f32 v2, v1  }
0x4d0: {  	v2 =	vld.idx.msk [tilespmem:v55+s1+$0x0], $0xffff  }
0x4d1: {  	v1 =	vadd.f32 v3, v1  }
0x4d2: {  	v3 =	vld.idx.msk [tilespmem:v56+s1+$0x0], $0xffff  }
0x4d3: {  	v1 =	vadd.f32 v54, v1  }
0x4d4: {  	v57 =	vld.idx.msk [tilespmem:v57+s1+$0x0], $0xffff  }
0x4d5: {  	v1 =	vadd.f32 v2, v1  }
0x4d6: {  	v2 =	vld.idx.msk [tilespmem:v58+s1+$0x0], $0xffff  }
0x4d7: {  	v1 =	vadd.f32 v3, v1  }
0x4d8: {  	v3 =	vld.idx.msk [tilespmem:v59+s1+$0x0], $0xffff  }
0x4d9: {  	v1 =	vadd.f32 v57, v1  }
0x4da: {  	v60 =	vld.idx.msk [tilespmem:v60+s1+$0x0], $0xffff  }
0x4db: {  	v1 =	vadd.f32 v2, v1  }
0x4dc: {  	v2 =	vld.idx.msk [tilespmem:v61+s1+$0x0], $0xffff  }
0x4dd: {  	v1 =	vadd.f32 v3, v1  }
0x4de: {  	v3 =	vld.idx.msk [tilespmem:v62+s1+$0x0], $0xffff  }
0x4df: {  	v1 =	vadd.f32 v60, v1  }
0x4e0: {  	v63 =	vld.idx.msk [tilespmem:v63+s1+$0x0], $0xffff  }
0x4e1: {  	v1 =	vadd.f32 v2, v1;
	_ =	sdelay $0x1  }
0x4e2: {  	v1 =	vadd.f32 v3, v1  }
0x4e3: {  	s21 =	sadd.s32 $0x1, s21  }
0x4e4: {  	p0 =	sne.s32 s21, $0x27;
	v1 =	vadd.f32 v63, v1  }
.Ltmp9:
0x4e5: {  	_ = 	snop;
	(pc) =	sbr.rel @p0 .LBB2_2-.Ltmp9, $4  }
0x4e6: {  	s22 =	sadd.s32 s22, s9;
	v1 =	vmul.f32 $7.812500000e-03, v1  }
0x4e7: {  	s13 =	sshrl.u32 s22, $0x3  }
0x4e8: {  	s13 =	sadd.s32 s3, s13;
	[tilespmem:$0x12730] =	vst v1  }
0x4e9: {  	[hbm4b:s13+s5] =	stream.linear.scatter [tilespmem:s31], [sflag:$0x8], $0x80, $0x38;
	[tilespmem:$0x12F70] =	vst v63  }
0x4ea: {  	_ =	swait.ge [sflag:s2], $0x80  }
0x4eb: {  	[sflag:s2] =	ssyncset.done $0x0  }
0x4ec: {  	[sflag:s2] =	ssyncadd.s32 $0xFFFFFF80  }
0x4ed: {  	_ =	swait.ge [sflag:s29], $0x80  }
0x4ee: {  	s13 =	simm.s32 $0x0;
	s16 =	simm.s32 $0x12740;
	[sflag:s29] =	ssyncset.done $0x0  }
0x4ef: {  	s21 =	simm.s32 $0x9;
	s14 =	rddreg [dreg:$0xa];
	[sflag:s29] =	ssyncadd.s32 $0xFFFFFF80  }
0x4f0: {  	[tilespmem:s16], [sflag:$0x9] =	stream.linear.gather [hbm4b:s14+s13], $0x10, $0x38;
	[tilespmem:$0x12F70] =	vst v63  }
0x4f1: {  	_ =	swait.ge [sflag:s21], $0x10  }
0x4f2: {  	[sflag:s21] =	ssyncset.done $0x0  }
0x4f3: {  	s17 =	simm.s32 $0x12750;
	s22 =	rddreg [dreg:$0xb];
	[sflag:s21] =	ssyncadd.s32 $0xFFFFFFF0  }
0x4f4: {  	[tilespmem:s17], [sflag:$0x9] =	stream.linear.gather [hbm4b:s22+s13], $0x10, $0x38;
	[tilespmem:$0x12F70] =	vst v63  }
0x4f5: {  	_ =	swait.ge [sflag:s21], $0x10  }
0x4f6: {  	[sflag:s21] =	ssyncset.done $0x0  }
0x4f7: {  	s14 =	simm.s32 $0x10;
	s22 =	simm.s32 $0x12760;
	[sflag:s21] =	ssyncadd.s32 $0xFFFFFFF0  }
0x4f8: {  	[tilespmem:s22], [sflag:$0x3] =	stream.indirect.gather [spmem:s4], $0x40, s16, s14, $0xb8;
	[tilespmem:$0x12F70] =	vst v63  }
0x4f9: {  	s22 =	simm.s32 $0x12B60  }
0x4fa: {  	[tilespmem:s22], [sflag:$0x4] =	stream.indirect.gather [spmem:s4], $0x40, s17, s14, $0xb8;
	[tilespmem:$0x12F70] =	vst v63  }
0x4fb: {  	_ =	swait.ge [sflag:s25], $0x400  }
0x4fc: {  	[sflag:s25] =	ssyncset.done $0x0  }
0x4fd: {  	[sflag:s25] =	ssyncadd.s32 $0xFFFFFC00  }
0x4fe: {  	_ =	swait.ge [sflag:s28], $0x400  }
0x4ff: {  	[sflag:s28] =	ssyncset.done $0x0  }
0x500: {  	p0 =	por $0x1, $0x1;
	[sflag:s28] =	ssyncadd.s32 $0xFFFFFC00  }
.LBB2_19:
0x501: {  	v1 =	vld [tilespmem:s13+$0x12760]  }
0x502: {  	v2 =	vld [tilespmem:s13+$0x12B60]  }
0x503: {  	v3 =	vld [tilespmem:s13+$0x12770]  }
0x504: {  	v4 =	vld [tilespmem:s13+$0x12B70]  }
0x505: {  	v5 =	vld [tilespmem:s13+$0x12780]  }
0x506: {  	v6 =	vld [tilespmem:s13+$0x12B80]  }
0x507: {  	v7 =	vld [tilespmem:s13+$0x12790]  }
0x508: {  	v8 =	vld [tilespmem:s13+$0x12B90]  }
0x509: {  	v9 =	vld [tilespmem:s13+$0x127A0]  }
0x50a: {  	v10 =	vld [tilespmem:s13+$0x12BA0]  }
0x50b: {  	v11 =	vld [tilespmem:s13+$0x127B0]  }
0x50c: {  	v12 =	vld [tilespmem:s13+$0x12BB0]  }
0x50d: {  	v16 =	vld [tilespmem:s13+$0x127C0]  }
0x50e: {  	v17 =	vld [tilespmem:s13+$0x12BC0]  }
0x50f: {  	v18 =	vld [tilespmem:s13+$0x127D0]  }
0x510: {  	v19 =	vld [tilespmem:s13+$0x12BD0]  }
0x511: {  	v62 =	vld [tilespmem:s13+$0x127F0]  }
0x512: {  	v63 =	vld [tilespmem:s13+$0x12BF0]  }
0x513: {  	v23 =	vld [tilespmem:s13+$0x12800]  }
0x514: {  	v32 =	vld [tilespmem:s13+$0x12C00]  }
0x515: {  	v33 =	vld [tilespmem:s13+$0x12810]  }
0x516: {  	v34 =	vld [tilespmem:s13+$0x12C10]  }
0x517: {  	v36 =	vld [tilespmem:s13+$0x12830]  }
0x518: {  	v38 =	vld [tilespmem:s13+$0x12C30]  }
0x519: {  	v40 =	vld [tilespmem:s13+$0x12840];
	v1 =	vmul.bf16 v2, v1  }
0x51a: {  	v41 =	vld [tilespmem:s13+$0x12C40];
	v3 =	vmul.bf16 v4, v3;
	v5 =	vmul.bf16 v6, v5  }
0x51b: {  	v9 =	vmul.bf16 v10, v9;
	v11 =	vmul.bf16 v12, v11  }
0x51c: {  	v37 =	vmul.bf16 v8, v7;
	v4 =	vmul.bf16 v63, v62  }
0x51d: {  	v16 =	vmul.bf16 v17, v16;
	v6 =	vmul.bf16 v32, v23  }
0x51e: {  	v20 =	vld [tilespmem:s13+$0x12BE0];
	v18 =	vmul.bf16 v19, v18;
	v48 =	vmul.bf16 v34, v33  }
0x51f: {  	v2 =	vld [tilespmem:s13+$0x127E0];
	v7 =	vmul.bf16 v38, v36;
	v8 =	vmul.bf16 v41, v40;
	v21 =	vunpack.i.u.bf16.f32 v1  }
0x520: {  	v1 =	vunpack.i.l.bf16.f32 v1;
	v22 =	vunpack.i.l.bf16.f32 v3;
	v3 =	vunpack.i.u.bf16.f32 v3  }
0x521: {  	v35 =	vld [tilespmem:s13+$0x12C20];
	v24 =	vunpack.i.u.bf16.f32 v9;
	v9 =	vunpack.i.l.bf16.f32 v9;
	v1 =	vadd.f32 v1, v21  }
0x522: {  	v43 =	vld [tilespmem:s13+$0x12C50];
	v17 =	vunpack.i.l.bf16.f32 v37;
	v42 =	vunpack.i.l.bf16.f32 v4;
	v4 =	vunpack.i.u.bf16.f32 v4  }
0x523: {  	v44 =	vld [tilespmem:s13+$0x12C60];
	v45 =	vunpack.i.u.bf16.f32 v16;
	v47 =	vunpack.i.u.bf16.f32 v18;
	v1 =	vadd.f32 v22, v1  }
0x524: {  	v12 =	vld [tilespmem:s13+$0x12820];
	v18 =	vunpack.i.l.bf16.f32 v18;
	v52 =	vunpack.i.l.bf16.f32 v48;
	v2 =	vmul.bf16 v20, v2  }
0x525: {  	v46 =	vld [tilespmem:s13+$0x12870];
	v54 =	vunpack.i.l.bf16.f32 v7;
	v7 =	vunpack.i.u.bf16.f32 v7;
	v1 =	vadd.f32 v1, v3  }
0x526: {  	v49 =	vld [tilespmem:s13+$0x12C80];
	v59 =	vunpack.i.l.bf16.f32 v8;
	v3 =	vunpack.i.l.bf16.f32 v5;
	v39 =	vunpack.i.u.bf16.f32 v2  }
0x527: {  	v55 =	vld [tilespmem:s13+$0x12CA0];
	v2 =	vunpack.i.l.bf16.f32 v2;
	v1 =	vadd.f32 v3, v1;
	v3 =	vadd.f32 v9, v24  }
0x528: {  	v57 =	vld [tilespmem:s13+$0x128B0];
	v8 =	vunpack.i.u.bf16.f32 v8;
	v2 =	vadd.f32 v2, v39;
	v24 =	vunpack.i.l.bf16.f32 v11  }
0x529: {  	v58 =	vld [tilespmem:s13+$0x12CB0];
	v5 =	vunpack.i.u.bf16.f32 v5;
	v9 =	vmul.bf16 v35, v12;
	v3 =	vadd.f32 v24, v3  }
0x52a: {  	v11 =	vunpack.i.u.bf16.f32 v11;
	v12 =	vld [tilespmem:s13+$0x12880];
	v2 =	vadd.f32 v42, v2;
	v1 =	vadd.f32 v1, v5  }
0x52b: {  	v24 =	vld [tilespmem:s13+$0x12850];
	v50 =	vunpack.i.u.bf16.f32 v9;
	v9 =	vunpack.i.l.bf16.f32 v9;
	v3 =	vadd.f32 v3, v11  }
0x52c: {  	v61 =	vld [tilespmem:s13+$0x128C0];
	v2 =	vadd.f32 v2, v4;
	v1 =	vadd.f32 v17, v1;
	v17 =	vunpack.i.l.bf16.f32 v16  }
0x52d: {  	v9 =	vadd.f32 v9, v50;
	v16 =	vunpack.i.l.bf16.f32 v6;
	v3 =	vadd.f32 v17, v3;
	v17 =	vld [tilespmem:s13+$0x12860]  }
0x52e: {  	v5 =	vunpack.i.u.bf16.f32 v37;
	v6 =	vunpack.i.u.bf16.f32 v6;
	v2 =	vadd.f32 v16, v2;
	v16 =	vld [tilespmem:s13+$0x12C70]  }
0x52f: {  	v62 =	vld [tilespmem:s13+$0x12CC0];
	v10 =	vmul.bf16 v49, v12;
	v1 =	vadd.f32 v1, v5;
	v5 =	vadd.f32 v54, v9  }
0x530: {  	v40 =	vld [tilespmem:s13+$0x12D20];
	v2 =	vadd.f32 v2, v6;
	v6 =	vunpack.i.u.bf16.f32 v48;
	v11 =	vmul.bf16 v43, v24  }
0x531: {  	v39 =	vld [tilespmem:s13+$0x12920];
	v3 =	vadd.f32 v3, v45;
	v5 =	vadd.f32 v5, v7;
	v7 =	vmul.bf16 v58, v57  }
0x532: {  	v2 =	vadd.f32 v52, v2;
	v35 =	vunpack.i.l.bf16.f32 v11;
	v4 =	vmul.bf16 v44, v17;
	v17 =	vld [tilespmem:s13+$0x128A0]  }
0x533: {  	v51 =	vld [tilespmem:s13+$0x12890];
	v11 =	vunpack.i.u.bf16.f32 v11;
	v3 =	vadd.f32 v18, v3;
	v16 =	vmul.bf16 v16, v46  }
0x534: {  	v53 =	vld [tilespmem:s13+$0x12C90];
	v5 =	vadd.f32 v59, v5;
	v56 =	vunpack.i.u.bf16.f32 v4;
	v4 =	vunpack.i.l.bf16.f32 v4  }
0x535: {  	v63 =	vld [tilespmem:s13+$0x12CD0];
	v38 =	vunpack.i.l.bf16.f32 v7;
	v7 =	vunpack.i.u.bf16.f32 v7;
	v4 =	vadd.f32 v4, v56  }
0x536: {  	v12 =	vld [tilespmem:s13+$0x128D0];
	v46 =	vmul.bf16 v40, v39;
	v2 =	vadd.f32 v2, v6;
	v60 =	vunpack.i.l.bf16.f32 v16  }
0x537: {  	v32 =	vld [tilespmem:s13+$0x12CE0];
	v6 =	vmul.bf16 v62, v61;
	v4 =	vadd.f32 v60, v4;
	v9 =	vmul.bf16 v55, v17  }
0x538: {  	v34 =	vld [tilespmem:s13+$0x128F0];
	v3 =	vadd.f32 v3, v47;
	v16 =	vunpack.i.u.bf16.f32 v16;
	v5 =	vadd.f32 v5, v8  }
0x539: {  	v17 =	vld [tilespmem:s13+$0x128E0];
	v4 =	vadd.f32 v4, v16;
	v33 =	vunpack.i.u.bf16.f32 v9;
	v9 =	vunpack.i.l.bf16.f32 v9  }
0x53a: {  	v36 =	vld [tilespmem:s13+$0x12CF0];
	v19 =	vunpack.i.l.bf16.f32 v46;
	v16 =	vunpack.i.l.bf16.f32 v10;
	v9 =	vadd.f32 v9, v33  }
0x53b: {  	v41 =	vld [tilespmem:s13+$0x12930];
	v8 =	vmul.bf16 v63, v12;
	v4 =	vadd.f32 v16, v4;
	v16 =	vmul.bf16 v53, v51  }
0x53c: {  	v43 =	vld [tilespmem:s13+$0x12D30];
	v44 =	vunpack.i.l.bf16.f32 v6;
	v6 =	vunpack.i.u.bf16.f32 v6;
	v9 =	vadd.f32 v38, v9  }
0x53d: {  	v45 =	vld [tilespmem:s13+$0x12D00];
	v5 =	vadd.f32 v35, v5;
	v10 =	vunpack.i.u.bf16.f32 v10;
	v37 =	vunpack.i.l.bf16.f32 v16  }
0x53e: {  	v42 =	vunpack.i.u.bf16.f32 v16;
	v16 =	vmul.bf16 v32, v17;
	v17 =	vld [tilespmem:s13+$0x12900];
	v7 =	vadd.f32 v9, v7  }
0x53f: {  	v49 =	vld [tilespmem:s13+$0x12D40];
	v5 =	vadd.f32 v5, v11;
	v4 =	vadd.f32 v4, v10;
	v10 =	vmul.bf16 v36, v34  }
0x540: {  	v47 =	vld [tilespmem:s13+$0x12940];
	v18 =	vunpack.i.u.bf16.f32 v16;
	v16 =	vunpack.i.l.bf16.f32 v16;
	v7 =	vadd.f32 v44, v7  }
0x541: {  	v50 =	vld [tilespmem:s13+$0x12910];
	v51 =	vunpack.i.u.bf16.f32 v46;
	v9 =	vmul.bf16 v43, v41;
	v48 =	vadd.f32 v16, v18  }
0x542: {  	v52 =	vld [tilespmem:s13+$0x12950];
	v19 =	vadd.f32 v19, v51;
	v16 =	vunpack.i.l.bf16.f32 v10;
	v6 =	vadd.f32 v7, v6  }
0x543: {  	s16 =	sor.u32 $0x40, s13;
	v7 =	vadd.f32 v16, v48;
	v16 =	vld [tilespmem:s13+$0x12D10];
	v11 =	vmul.bf16 v45, v17;
	v17 =	vunpack.i.l.bf16.f32 v9  }
0x544: {  	s22 =	sor.u32 $0x80, s13;
	s17 =	sshra.s32 s16, $0x2;
	v58 =	vunpack.i.l.bf16.f32 v8;
	v10 =	vunpack.i.u.bf16.f32 v10;
	v53 =	vadd.f32 v17, v19;
	v17 =	vld [tilespmem:s13+$0x12D50]  }
0x545: {  	[tilespmem:s17+$0x11E40] =	vst v3;
	s17 =	sshra.s32 s22, $0x2;
	v18 =	vmul.bf16 v49, v47;
	v9 =	vunpack.i.u.bf16.f32 v9;
	v7 =	vadd.f32 v7, v10  }
0x546: {  	[tilespmem:s17+$0x11E40] =	vst v2;
	v2 =	vunpack.i.u.bf16.f32 v8;
	v54 =	vunpack.i.l.bf16.f32 v11;
	v9 =	vadd.f32 v53, v9  }
0x547: {  	v4 =	vadd.f32 v37, v4;
	v56 =	vunpack.i.l.bf16.f32 v18;
	v7 =	vadd.f32 v54, v7  }
0x548: {  	s14 =	sshra.s32 s13, $0x2;
	v55 =	vunpack.i.u.bf16.f32 v11;
	v57 =	vmul.bf16 v16, v50;
	v9 =	vadd.f32 v56, v9  }
0x549: {  	[tilespmem:s14+$0x11E40] =	vst v1;
	v12 =	vunpack.i.u.bf16.f32 v18;
	v7 =	vadd.f32 v7, v55;
	v1 =	vmul.bf16 v17, v52  }
0x54a: {  	s22 =	sor.u32 $0xC0, s13;
	v3 =	vadd.f32 v58, v6;
	v59 =	vadd.f32 v9, v12;
	v60 =	vunpack.i.l.bf16.f32 v57  }
0x54b: {  	p1 =	por p0, p0;
	s17 =	sshra.s32 s22, $0x2;
	s22 =	sor.u32 $0x100, s13;
	v4 =	vadd.f32 v4, v42;
	v7 =	vadd.f32 v60, v7;
	v61 =	vunpack.i.l.bf16.f32 v1  }
.Ltmp10:
0x54c: {  	[tilespmem:s17+$0x11E40] =	vst v5;
	s17 =	sshra.s32 s22, $0x2;
	s22 =	sor.u32 $0x140, s13;
	v2 =	vadd.f32 v3, v2;
	v62 =	vunpack.i.u.bf16.f32 v57;
	v3 =	vadd.f32 v61, v59;
	(pc) =	sbr.rel @p1 .LBB2_19-.Ltmp10, $4  }
0x54d: {  	[tilespmem:s17+$0x11E40] =	vst v4;
	s17 =	sshra.s32 s22, $0x2;
	s22 =	sor.u32 $0x180, s13;
	v1 =	vunpack.i.u.bf16.f32 v1;
	v63 =	vadd.f32 v7, v62  }
0x54e: {  	[tilespmem:s17+$0x11E40] =	vst v2;
	s17 =	sshra.s32 s22, $0x2;
	s22 =	sor.u32 $0x1C0, s13;
	v1 =	vadd.f32 v3, v1  }
0x54f: {  	s13 =	sshra.s32 s22, $0x2;
	[tilespmem:s17+$0x11E40] =	vst v63  }
0x550: {  	p0 =	por $0x0, $0x0;
	[tilespmem:s13+$0x11E40] =	vst v1;
	s13 =	simm.s32 $0x200  }
0x551: {  	v2 =	vld [tilespmem:$0x1FEA0];
	_ =	sdelay $0x1  }
0x552: {  	v3 =	vld [tilespmem:$0x1FEB0];
	_ =	sdelay $0x4  }
0x553: {  	v1 =	vld.idx.msk [tilespmem:v0+s1+$0x0], $0xffff  }
0x554: {  	v2 =	vld.idx.msk [tilespmem:v2+s1+$0x0], $0xffff;
	_ =	sdelay $0x1  }
0x555: {  	v3 =	vld.idx.msk [tilespmem:v3+s1+$0x0], $0xffff  }
0x556: {  	v4 =	vld [tilespmem:$0x1FEC0];
	_ =	sdelay $0x1  }
0x557: {  	v1 =	vadd.f32 v2, v1;
	v2 =	vld [tilespmem:$0x1FED0];
	_ =	sdelay $0x1  }
0x558: {  	v1 =	vadd.f32 v3, v1;
	v3 =	vld [tilespmem:$0x1FEE0];
	_ =	sdelay $0x3  }
0x559: {  	v4 =	vld.idx.msk [tilespmem:v4+s1+$0x0], $0xffff;
	_ =	sdelay $0x1  }
0x55a: {  	v2 =	vld.idx.msk [tilespmem:v2+s1+$0x0], $0xffff;
	_ =	sdelay $0x1  }
0x55b: {  	v3 =	vld.idx.msk [tilespmem:v3+s1+$0x0], $0xffff  }
0x55c: {  	v60 =	vld [tilespmem:$0x1FEF0];
	v1 =	vadd.f32 v4, v1;
	_ =	sdelay $0x1  }
0x55d: {  	v1 =	vadd.f32 v2, v1;
	v2 =	vld [tilespmem:$0x1FF00];
	_ =	sdelay $0x1  }
0x55e: {  	v1 =	vadd.f32 v3, v1;
	v3 =	vld [tilespmem:$0x1FF10];
	_ =	sdelay $0x3  }
0x55f: {  	v4 =	vld.idx.msk [tilespmem:v60+s1+$0x0], $0xffff;
	_ =	sdelay $0x1  }
0x560: {  	v2 =	vld.idx.msk [tilespmem:v2+s1+$0x0], $0xffff;
	_ =	sdelay $0x1  }
0x561: {  	v3 =	vld.idx.msk [tilespmem:v3+s1+$0x0], $0xffff  }
0x562: {  	v61 =	vld [tilespmem:$0x1FF20];
	v1 =	vadd.f32 v4, v1;
	_ =	sdelay $0x1  }
0x563: {  	v1 =	vadd.f32 v2, v1;
	v2 =	vld [tilespmem:$0x1FF30];
	_ =	sdelay $0x1  }
0x564: {  	v1 =	vadd.f32 v3, v1;
	v3 =	vld [tilespmem:$0x1FF40];
	_ =	sdelay $0x1  }
0x565: {  	v62 =	vld [tilespmem:$0x1FF50];
	_ =	sdelay $0x1  }
0x566: {  	v4 =	vld.idx.msk [tilespmem:v61+s1+$0x0], $0xffff;
	_ =	sdelay $0x1  }
0x567: {  	v2 =	vld.idx.msk [tilespmem:v2+s1+$0x0], $0xffff;
	_ =	sdelay $0x1  }
0x568: {  	v3 =	vld.idx.msk [tilespmem:v3+s1+$0x0], $0xffff  }
0x569: {  	v1 =	vadd.f32 v4, v1  }
0x56a: {  	v4 =	vld.idx.msk [tilespmem:v62+s1+$0x0], $0xffff  }
0x56b: {  	v1 =	vadd.f32 v2, v1  }
0x56c: {  	v2 =	vld.idx.msk [tilespmem:v13+s1+$0x0], $0xffff  }
0x56d: {  	v1 =	vadd.f32 v3, v1  }
0x56e: {  	v3 =	vld.idx.msk [tilespmem:v14+s1+$0x0], $0xffff  }
0x56f: {  	v1 =	vadd.f32 v4, v1  }
0x570: {  	v63 =	vld.idx.msk [tilespmem:v15+s1+$0x0], $0xffff  }
0x571: {  	v1 =	vadd.f32 v2, v1;
	_ =	sdelay $0x1  }
0x572: {  	v1 =	vadd.f32 v3, v1;
	_ =	sdelay $0x1  }
0x573: {  	v1 =	vadd.f32 v63, v1;
	_ =	sdelay $0x1  }
0x574: {  	v1 =	vmul.f32 $7.812500000e-03, v1;
	_ =	sdelay $0x1  }
0x575: {  	s13 =	rddreg [dreg:$0xc];
	s14 =	simm.s32 $0x12F60;
	[tilespmem:$0x12F60] =	vst v1  }
0x576: {  	[hbm4b:s13+s5] =	stream.linear.scatter [tilespmem:s14], [sflag:$0x9], $0x10, $0x38;
	[tilespmem:$0x12F70] =	vst v63  }
0x577: {  	_ =	swait.ge [sflag:s21], $0x10  }
0x578: {  	s17 =	rddreg [dreg:$0xf]  }
0x579: {  	s22 =	rddreg [dreg:$0xd];
	s14 =	sadd.s32 $0x1, s17  }
0x57a: {  	p0 =	sne.s32 s14, s22  }
.Ltmp11:
0x57b: {  	_ = 	snop;
	(pc) =	sbr.rel @p0 .LBB2_1-.Ltmp11, $3  }
0x57c: {  	_ =	sdelay $0x1  }
0x57d: {  	[sflag:s21] =	ssyncset.done $0x0  }
0x57e: {  	[sflag:s21] =	ssyncadd.s32 $0xFFFFFFF0  }
0x57f: {  	_ =	sfence.sel $0x180000  }
0x580: {  	[bflag:$0x0] =	sbarrier.arrive $0xFFFF  }
0x581: {  	_ =	strace $0x90000047  }
0x582: {  	s0 =	stileid.u32;
	[bflag:$0x2] =	sbarrier.arrive $0xFFFF  }
0x583: {  	p0 =	sne.s32 s0, $0x0;
	s0 =	rddreg [dreg:$0x3]  }
0x584: {  	s0 =	sadd.s32 @!p0 $0x100000, s0  }
0x585: {  	[sflag:s0] =	ssyncadd.tile.s32 @!p0 $0x1;
	_ =	shalt  }
.Lfunc_end2:
_tile_overlayer_lowered:
.L_overlay_start_2:
0x586: {  	(tag) =	ssettag $0x2  }
0x587: {  	s0 =	rddreg [dreg:$0x0];
	s2 =	stileid.u32  }
0x588: {  	s1 =	rddreg [dreg:$0x1];
	p0 =	sne.s32 s2, $0x0  }
0x589: {  	s3 =	rddreg [dreg:$0x2];
	[bflag:$0x3] =	sbarrier.arrive $0xFFFF;
	s2 =	simm.s32 @!p0 $0x1C09  }
0x58a: {  	[timem:s3], [sflag:s2] =	dma.local @!p0 [hbm:s0], s1  }
0x58b: {  	s0 =	simm.s32 @!p0 $0x9  }
0x58c: {  	_ =	swait.ge @!p0 [sflag:s0], s1  }
0x58d: {  	s1 =	ssub.s32 @!p0 $0x0, s1;
	[sflag:s0] =	ssyncset.done @!p0 $0x0  }
0x58e: {  	[sflag:s0] =	ssyncadd.s32 @!p0 s1  }
0x58f: {  	[bflag:$0x3] =	sbarrier.arrive $0xFFFF  }
0x590: {  	_ =	shalt  }

</sc_bundles>
